<compile_context>
chip_gen: v7x
topology: tpu7x:2x2x1
jax: 0.10.2.dev20260603
libtpu: 0.0.44.dev20260713+nightly
codegen_flags: <defaults>
</compile_context>

<pallas_src>
import functools

import jax
import jax.numpy as jnp
from jax import lax
from jax.experimental import pallas as pl
from jax.experimental.pallas import tpu as pltpu
from jax.experimental.pallas import tpu_sc as plsc

NOISE = 0.01
L = 16
K = 128
NC = 2
NS = 16
NW = NC * NS


def _sc_segment(N, E, D):
    assert E % K == 0 and D % L == 0
    nchunks = E // K
    NP = ((N + NS * K - 1) // (NS * K)) * (NS * K)
    rows_per_tile = NP // NS
    mesh = plsc.VectorSubcoreMesh(core_axis_name="c", subcore_axis_name="s")

    @functools.partial(
        pl.kernel,
        mesh=mesh,
        out_type=(
            jax.ShapeDtypeStruct((NC, NP, D), jnp.float32),
            jax.ShapeDtypeStruct((NC, NP, L), jnp.float32),
        ),
        scratch_types=[
            pltpu.VMEM((K,), jnp.int32),
            pltpu.VMEM((K,), jnp.int32),
            pltpu.VMEM((K,), jnp.float32),
            pltpu.VMEM((K,), jnp.int32),
            pltpu.VMEM((K, D), jnp.float32),
            pltpu.VMEM((K, L), jnp.float32),
            pltpu.VMEM_SHARED((NP, D), jnp.float32),
            pltpu.VMEM_SHARED((NP, L), jnp.float32),
            pltpu.SemaphoreType.DMA,
        ],
    )
    def k(allocs_hbm, srcs_hbm, dsts_hbm, csi_hbm, out_rows, out_cnt,
          src_v, dst_v, csi_v, idx_v, rows_v, cnt_v, acc_rows, acc_cnt, sem):
        c = lax.axis_index("c")
        s = lax.axis_index("s")
        wid = s * NC + c
        iota = lax.iota(jnp.int32, L)
        onehot0 = jnp.where(iota == 0, 1.0, 0.0).astype(jnp.float32)

        def zero_body(e, carry):
            for blk in range(D // L):
                rows_v[e, pl.ds(blk * L, L)] = jnp.zeros((L,), jnp.float32)
            cnt_v[e, :] = jnp.zeros((L,), jnp.float32)
            return carry
        lax.fori_loop(0, K, zero_body, 0)

        def fill_idx(r0):
            for gg in range(K // L):
                idx_v[pl.ds(gg * L, L)] = r0 + gg * L + iota

        def zinit(j, carry):
            fill_idx(s * rows_per_tile + j * K)
            pltpu.sync_copy(rows_v, acc_rows.at[idx_v])
            pltpu.sync_copy(cnt_v, acc_cnt.at[idx_v])
            return carry
        lax.fori_loop(0, rows_per_tile // K, zinit, 0)
        plsc.subcore_barrier()

        nch = nchunks // NW + jnp.where(wid < nchunks % NW, 1, 0)

        def chunk_body(i, carry):
            base = (wid + i * NW) * K
            pltpu.sync_copy(srcs_hbm.at[pl.ds(base, K)], src_v)
            pltpu.sync_copy(dsts_hbm.at[pl.ds(base, K)], dst_v)
            pltpu.sync_copy(csi_hbm.at[pl.ds(base, K)], csi_v)
            pltpu.async_copy(allocs_hbm.at[src_v], rows_v, sem).wait()

            def group_body(g, gcarry):
                sv = src_v[pl.ds(g * L, L)]
                dv = dst_v[pl.ds(g * L, L)]
                cv = csi_v[pl.ds(g * L, L)]
                m = jnp.where(sv != dv, 1.0, 0.0).astype(jnp.float32)
                w = cv * cv * m
                for lane in range(L):
                    e = g * L + lane
                    wl = w[lane]
                    cnt_v[e, :] = onehot0 * m[lane]
                    for blk in range(D // L):
                        rows_v[e, pl.ds(blk * L, L)] = (
                            rows_v[e, pl.ds(blk * L, L)] * wl)
                return gcarry
            lax.fori_loop(0, K // L, group_body, 0)

            pltpu.sync_copy(rows_v, acc_rows.at[dst_v], add=True)
            pltpu.sync_copy(cnt_v, acc_cnt.at[dst_v], add=True)
            return carry
        lax.fori_loop(0, nch, chunk_body, 0)
        plsc.subcore_barrier()

        def rback(j, carry):
            r0 = s * rows_per_tile + j * K
            fill_idx(r0)
            pltpu.sync_copy(acc_rows.at[idx_v], rows_v)
            pltpu.sync_copy(acc_cnt.at[idx_v], cnt_v)
            pltpu.sync_copy(rows_v, out_rows.at[c, pl.ds(r0, K), :])
            pltpu.sync_copy(cnt_v, out_cnt.at[c, pl.ds(r0, K), :])
            return carry
        lax.fori_loop(0, rows_per_tile // K, rback, 0)

    return k


def _tc_finale(N, D, BN=1000):
    def body(rows_ref, cnt_ref, allocs_ref, scsi_ref, out_ref):
        i = pl.program_id(0)
        interf = rows_ref[0] + rows_ref[1] + NOISE
        cnt = cnt_ref[0, :, 0:1] + cnt_ref[1, :, 0:1]
        s2 = scsi_ref[...] * scsi_ref[...]
        rate = jnp.log2(1.0 + s2 * allocs_ref[...] / interf)
        rate = jnp.where(cnt > 0.0, rate, 0.0)

        @pl.when(i == 0)
        def _():
            out_ref[...] = jnp.zeros((1, 1), jnp.float32)
        out_ref[...] += jnp.sum(rate).reshape(1, 1)

    return pl.pallas_call(
        body,
        grid=(N // BN,),
        in_specs=[
            pl.BlockSpec((NC, BN, D), lambda i: (0, i, 0)),
            pl.BlockSpec((NC, BN, L), lambda i: (0, i, 0)),
            pl.BlockSpec((BN, D), lambda i: (i, 0)),
            pl.BlockSpec((BN, 1), lambda i: (i, 0)),
        ],
        out_specs=pl.BlockSpec((1, 1), lambda i: (0, 0)),
        out_shape=jax.ShapeDtypeStruct((1, 1), jnp.float32),
    )


@jax.jit
def kernel(allocs, node_csi, edge_csi, edge_index):
    N, D = allocs.shape
    E = edge_csi.shape[0]
    rows_p, cnt_p = _sc_segment(N, E, D)(
        allocs, edge_index[0], edge_index[1], edge_csi)
    tot = _tc_finale(N, D)(rows_p, cnt_p, allocs, node_csi)
    return -tot[0, 0] / (N * D)

# --- scband reference (transcript-rebuilt; emitter-appended) ---
"""Pipeline reference for scband-rate-loss-57836029608553 (READ-ONLY COPY).

The authoritative reference and input builder live on the scoring server;
editing this copy changes nothing except your own understanding.
"""

import jax, jax.numpy as jnp
import numpy as np

N = 10000
E = 320000
D = 128
NOISE = 0.01


def setup_inputs(seed: int = 0) -> dict:
    key = jax.random.key(seed)
    k1, k2, k3, k4 = jax.random.split(key, 4)
    allocs = jax.random.uniform(k1, (N, D), dtype=jnp.float32)
    node_csi = jax.random.normal(k2, (N, 1), dtype=jnp.float32)
    edge_csi = jax.random.normal(k3, (E,), dtype=jnp.float32)
    edge_index = jax.random.randint(k4, (2, E), 0, N, dtype=jnp.int32)
    return {
        "allocs": allocs,
        "node_csi": node_csi,
        "edge_csi": edge_csi,
        "edge_index": edge_index,
    }


def reference(allocs, node_csi, edge_csi, edge_index):
    src = edge_index[0]
    dst = edge_index[1]
    # dgl.remove_self_loop: drop edges where src == dst (implemented by masking contributions)
    loop_mask = (src != dst).astype(allocs.dtype)
    # message_func: interference = allocs[src] * square(edge_csi)[:, None]
    edge_w = (jnp.square(edge_csi) * loop_mask)
    msgs = allocs[src] * edge_w[:, None]  # [E, D]
    # reduce_func: sum over mailbox (incoming edges per dst node), then + noise
    interference = jax.ops.segment_sum(msgs, dst, num_segments=N) + NOISE  # [N, D]
    rate = jnp.log2(1.0 + jnp.square(node_csi) * allocs / interference)  # [N, D]
    # DGL only runs reduce on nodes with at least one incoming (non-self-loop) edge;
    # other nodes keep the default zero-initialized 'rate'.
    in_deg = jax.ops.segment_sum(loop_mask, dst, num_segments=N)  # [N]
    rate = jnp.where((in_deg > 0)[:, None], rate, 0.0)
    # no_mean=False default
    return -jnp.mean(rate)

if __name__ == "__main__":
    import jax
    _d = setup_inputs()
    print(jax.jit(kernel)(*tuple(_d.values())))

</pallas_src>

<mosaic_0001>
#map = affine_map<(d0, d1) -> (0, 0)>
#map1 = affine_map<(d0, d1) -> (0)>
#map2 = affine_map<(d0, d1) -> (0, 0, 0)>
module attributes {stable_mosaic.version = 14 : i64} {
  func.func @k(%arg0: i32, %arg1: i32, %arg2: memref<10000x128xf32, #tpu.memory_space<hbm>>, %arg3: memref<320000xi32, #tpu.memory_space<hbm>>, %arg4: memref<320000xi32, #tpu.memory_space<hbm>>, %arg5: memref<320000xf32, #tpu.memory_space<hbm>>, %arg6: memref<2x10240x128xf32, #tpu.memory_space<hbm>>, %arg7: memref<2x10240x16xf32, #tpu.memory_space<hbm>>, %arg8: memref<128xi32, #tpu.memory_space<vmem>>, %arg9: memref<128xi32, #tpu.memory_space<vmem>>, %arg10: memref<128xf32, #tpu.memory_space<vmem>>, %arg11: memref<128xi32, #tpu.memory_space<vmem>>, %arg12: memref<128x128xf32, #tpu.memory_space<vmem>>, %arg13: memref<128x16xf32, #tpu.memory_space<vmem>>, %arg14: memref<10240x128xf32, #tpu.memory_space<vmem_shared>>, %arg15: memref<10240x16xf32, #tpu.memory_space<vmem_shared>>, %arg16: memref<!tpu.dma_semaphore, #tpu.memory_space<semaphore_mem>>) attributes {dimension_semantics = [#tpu.dimension_semantics<core_parallel>, #tpu.dimension_semantics<subcore_parallel>], iteration_bounds = array<i64: 2, 16>, scalar_prefetch = 0 : i64, scratch_operands = 9 : i64, tpu.core_type = #tpu.core_type<sc_vector_subcore>, window_params = [{transform_indices = #map}, {transform_indices = #map1}, {transform_indices = #map1}, {transform_indices = #map1}, {transform_indices = #map2}, {transform_indices = #map2}]} {
    %mul3A = arith.constant 2 : i32
    %mul3A_0 = arith.muli %arg1, %mul3A : i32
    %add3A = arith.addi %mul3A_0, %arg0 : i32
    %iota3A = tpu.iota {dimensions = array<i32: 0>} : vector<16xi32>
    %eq3A = arith.constant 0 : i32
    %eq3A_1 = vector.broadcast %eq3A : i32 to vector<16xi32>
    %eq3A_2 = arith.cmpi eq, %iota3A, %eq3A_1 : vector<16xi32>
    %jit3A = arith.constant 1.000000e+00 : f32
    %jit3A_3 = arith.constant 0.000000e+00 : f32
    %broadcast_in_dim3A = vector.broadcast %jit3A : f32 to vector<16xf32>
    %broadcast_in_dim3A_4 = vector.broadcast %jit3A_3 : f32 to vector<16xf32>
    %select_n3A = arith.select %eq3A_2, %broadcast_in_dim3A, %broadcast_in_dim3A_4 : vector<16xi1>, vector<16xf32>
    %scan3A = arith.constant 0 : i32
    %scan3A_5 = arith.constant 0 : i32
    %scan3A_6 = arith.constant 128 : i32
    %scan3A_7 = arith.addi %scan3A_5, %scan3A_6 : i32
    %scan3A_8 = arith.constant 1 : i32
    scf.for %scan3A_38 = %scan3A_5 to %scan3A_7 step %scan3A_8  : i32 {
      %broadcast_in_dim3A_39 = arith.constant 0.000000e+00 : f32
      %broadcast_in_dim3A_40 = vector.broadcast %broadcast_in_dim3A_39 : f32 to vector<16xf32>
      %swap3A = arith.index_cast %scan3A_38 : i32 to index
      %swap3A_41 = arith.constant 0 : index
      %swap3A_42 = tpu.vector_load %arg12[%swap3A, %swap3A_41] {strides = array<i32>} : memref<128x128xf32, #tpu.memory_space<vmem>>, vector<1x16xf32>,
      %swap3A_43 = vector.shape_cast %swap3A_42 : vector<1x16xf32> to vector<16xf32>
      %swap3A_44 = vector.shape_cast %broadcast_in_dim3A_40 : vector<16xf32> to vector<1x16xf32>
      tpu.vector_store %arg12[%swap3A, %swap3A_41], %swap3A_44 {strides = array<i32>} : memref<128x128xf32, #tpu.memory_space<vmem>>, vector<1x16xf32>,
      %broadcast_in_dim3A_45 = arith.constant 0.000000e+00 : f32
      %broadcast_in_dim3A_46 = vector.broadcast %broadcast_in_dim3A_45 : f32 to vector<16xf32>
      %swap3A_47 = arith.index_cast %scan3A_38 : i32 to index
      %swap3A_48 = arith.constant 16 : index
      %swap3A_49 = tpu.vector_load %arg12[%swap3A_47, %swap3A_48] {strides = array<i32>} : memref<128x128xf32, #tpu.memory_space<vmem>>, vector<1x16xf32>,
      %swap3A_50 = vector.shape_cast %swap3A_49 : vector<1x16xf32> to vector<16xf32>
      %swap3A_51 = vector.shape_cast %broadcast_in_dim3A_46 : vector<16xf32> to vector<1x16xf32>
      tpu.vector_store %arg12[%swap3A_47, %swap3A_48], %swap3A_51 {strides = array<i32>} : memref<128x128xf32, #tpu.memory_space<vmem>>, vector<1x16xf32>,
      %broadcast_in_dim3A_52 = arith.constant 0.000000e+00 : f32
      %broadcast_in_dim3A_53 = vector.broadcast %broadcast_in_dim3A_52 : f32 to vector<16xf32>
      %swap3A_54 = arith.index_cast %scan3A_38 : i32 to index
      %swap3A_55 = arith.constant 32 : index
      %swap3A_56 = tpu.vector_load %arg12[%swap3A_54, %swap3A_55] {strides = array<i32>} : memref<128x128xf32, #tpu.memory_space<vmem>>, vector<1x16xf32>,
      %swap3A_57 = vector.shape_cast %swap3A_56 : vector<1x16xf32> to vector<16xf32>
      %swap3A_58 = vector.shape_cast %broadcast_in_dim3A_53 : vector<16xf32> to vector<1x16xf32>
      tpu.vector_store %arg12[%swap3A_54, %swap3A_55], %swap3A_58 {strides = array<i32>} : memref<128x128xf32, #tpu.memory_space<vmem>>, vector<1x16xf32>,
      %broadcast_in_dim3A_59 = arith.constant 0.000000e+00 : f32
      %broadcast_in_dim3A_60 = vector.broadcast %broadcast_in_dim3A_59 : f32 to vector<16xf32>
      %swap3A_61 = arith.index_cast %scan3A_38 : i32 to index
      %swap3A_62 = arith.constant 48 : index
      %swap3A_63 = tpu.vector_load %arg12[%swap3A_61, %swap3A_62] {strides = array<i32>} : memref<128x128xf32, #tpu.memory_space<vmem>>, vector<1x16xf32>,
      %swap3A_64 = vector.shape_cast %swap3A_63 : vector<1x16xf32> to vector<16xf32>
      %swap3A_65 = vector.shape_cast %broadcast_in_dim3A_60 : vector<16xf32> to vector<1x16xf32>
      tpu.vector_store %arg12[%swap3A_61, %swap3A_62], %swap3A_65 {strides = array<i32>} : memref<128x128xf32, #tpu.memory_space<vmem>>, vector<1x16xf32>,
      %broadcast_in_dim3A_66 = arith.constant 0.000000e+00 : f32
      %broadcast_in_dim3A_67 = vector.broadcast %broadcast_in_dim3A_66 : f32 to vector<16xf32>
      %swap3A_68 = arith.index_cast %scan3A_38 : i32 to index
      %swap3A_69 = arith.constant 64 : index
      %swap3A_70 = tpu.vector_load %arg12[%swap3A_68, %swap3A_69] {strides = array<i32>} : memref<128x128xf32, #tpu.memory_space<vmem>>, vector<1x16xf32>,
      %swap3A_71 = vector.shape_cast %swap3A_70 : vector<1x16xf32> to vector<16xf32>
      %swap3A_72 = vector.shape_cast %broadcast_in_dim3A_67 : vector<16xf32> to vector<1x16xf32>
      tpu.vector_store %arg12[%swap3A_68, %swap3A_69], %swap3A_72 {strides = array<i32>} : memref<128x128xf32, #tpu.memory_space<vmem>>, vector<1x16xf32>,
      %broadcast_in_dim3A_73 = arith.constant 0.000000e+00 : f32
      %broadcast_in_dim3A_74 = vector.broadcast %broadcast_in_dim3A_73 : f32 to vector<16xf32>
      %swap3A_75 = arith.index_cast %scan3A_38 : i32 to index
      %swap3A_76 = arith.constant 80 : index
      %swap3A_77 = tpu.vector_load %arg12[%swap3A_75, %swap3A_76] {strides = array<i32>} : memref<128x128xf32, #tpu.memory_space<vmem>>, vector<1x16xf32>,
      %swap3A_78 = vector.shape_cast %swap3A_77 : vector<1x16xf32> to vector<16xf32>
      %swap3A_79 = vector.shape_cast %broadcast_in_dim3A_74 : vector<16xf32> to vector<1x16xf32>
      tpu.vector_store %arg12[%swap3A_75, %swap3A_76], %swap3A_79 {strides = array<i32>} : memref<128x128xf32, #tpu.memory_space<vmem>>, vector<1x16xf32>,
      %broadcast_in_dim3A_80 = arith.constant 0.000000e+00 : f32
      %broadcast_in_dim3A_81 = vector.broadcast %broadcast_in_dim3A_80 : f32 to vector<16xf32>
      %swap3A_82 = arith.index_cast %scan3A_38 : i32 to index
      %swap3A_83 = arith.constant 96 : index
      %swap3A_84 = tpu.vector_load %arg12[%swap3A_82, %swap3A_83] {strides = array<i32>} : memref<128x128xf32, #tpu.memory_space<vmem>>, vector<1x16xf32>,
      %swap3A_85 = vector.shape_cast %swap3A_84 : vector<1x16xf32> to vector<16xf32>
      %swap3A_86 = vector.shape_cast %broadcast_in_dim3A_81 : vector<16xf32> to vector<1x16xf32>
      tpu.vector_store %arg12[%swap3A_82, %swap3A_83], %swap3A_86 {strides = array<i32>} : memref<128x128xf32, #tpu.memory_space<vmem>>, vector<1x16xf32>,
      %broadcast_in_dim3A_87 = arith.constant 0.000000e+00 : f32
      %broadcast_in_dim3A_88 = vector.broadcast %broadcast_in_dim3A_87 : f32 to vector<16xf32>
      %swap3A_89 = arith.index_cast %scan3A_38 : i32 to index
      %swap3A_90 = arith.constant 112 : index
      %swap3A_91 = tpu.vector_load %arg12[%swap3A_89, %swap3A_90] {strides = array<i32>} : memref<128x128xf32, #tpu.memory_space<vmem>>, vector<1x16xf32>,
      %swap3A_92 = vector.shape_cast %swap3A_91 : vector<1x16xf32> to vector<16xf32>
      %swap3A_93 = vector.shape_cast %broadcast_in_dim3A_88 : vector<16xf32> to vector<1x16xf32>
      tpu.vector_store %arg12[%swap3A_89, %swap3A_90], %swap3A_93 {strides = array<i32>} : memref<128x128xf32, #tpu.memory_space<vmem>>, vector<1x16xf32>,
      %broadcast_in_dim3A_94 = arith.constant 0.000000e+00 : f32
      %broadcast_in_dim3A_95 = vector.broadcast %broadcast_in_dim3A_94 : f32 to vector<16xf32>
      %swap3A_96 = arith.index_cast %scan3A_38 : i32 to index
      %swap3A_97 = arith.constant 0 : index
      %swap3A_98 = tpu.vector_load %arg13[%swap3A_96, %swap3A_97] {strides = array<i32>} : memref<128x16xf32, #tpu.memory_space<vmem>>, vector<1x16xf32>,
      %swap3A_99 = vector.shape_cast %swap3A_98 : vector<1x16xf32> to vector<16xf32>
      %swap3A_100 = vector.shape_cast %broadcast_in_dim3A_95 : vector<16xf32> to vector<1x16xf32>
      tpu.vector_store %arg13[%swap3A_96, %swap3A_97], %swap3A_100 {strides = array<i32>} : memref<128x16xf32, #tpu.memory_space<vmem>>, vector<1x16xf32>,
    }
    %scan3A_9 = arith.constant 128 : i32
    %scan3A_10 = arith.constant 0 : i32
    %scan3A_11 = arith.constant 0 : i32
    %scan3A_12 = arith.constant 5 : i32
    %scan3A_13 = arith.addi %scan3A_11, %scan3A_12 : i32
    %scan3A_14 = arith.constant 1 : i32
    scf.for %scan3A_38 = %scan3A_11 to %scan3A_13 step %scan3A_14  : i32 {
      %mul3A_39 = arith.constant 640 : i32
      %mul3A_40 = arith.muli %arg1, %mul3A_39 : i32
      %mul3A_41 = arith.constant 128 : i32
      %mul3A_42 = arith.muli %scan3A_38, %mul3A_41 : i32
      %add3A_43 = arith.addi %mul3A_40, %mul3A_42 : i32
      %add3A_44 = arith.constant 0 : i32
      %add3A_45 = arith.addi %add3A_43, %add3A_44 : i32
      %add3A_46 = vector.broadcast %add3A_45 : i32 to vector<16xi32>
      %add3A_47 = arith.addi %add3A_46, %iota3A : vector<16xi32>
      %swap3A = arith.constant 0 : index
      %swap3A_48 = tpu.vector_load %arg11[%swap3A] {strides = array<i32>} : memref<128xi32, #tpu.memory_space<vmem>>, vector<16xi32>,
      %swap3A_49 = vector.shape_cast %swap3A_48 : vector<16xi32> to vector<16xi32>
      %swap3A_50 = vector.shape_cast %add3A_47 : vector<16xi32> to vector<16xi32>
      tpu.vector_store %arg11[%swap3A], %swap3A_50 {strides = array<i32>} : memref<128xi32, #tpu.memory_space<vmem>>, vector<16xi32>,
      %add3A_51 = arith.constant 16 : i32
      %add3A_52 = arith.addi %add3A_43, %add3A_51 : i32
      %add3A_53 = vector.broadcast %add3A_52 : i32 to vector<16xi32>
      %add3A_54 = arith.addi %add3A_53, %iota3A : vector<16xi32>
      %swap3A_55 = arith.constant 16 : index
      %swap3A_56 = tpu.vector_load %arg11[%swap3A_55] {strides = array<i32>} : memref<128xi32, #tpu.memory_space<vmem>>, vector<16xi32>,
      %swap3A_57 = vector.shape_cast %swap3A_56 : vector<16xi32> to vector<16xi32>
      %swap3A_58 = vector.shape_cast %add3A_54 : vector<16xi32> to vector<16xi32>
      tpu.vector_store %arg11[%swap3A_55], %swap3A_58 {strides = array<i32>} : memref<128xi32, #tpu.memory_space<vmem>>, vector<16xi32>,
      %add3A_59 = arith.constant 32 : i32
      %add3A_60 = arith.addi %add3A_43, %add3A_59 : i32
      %add3A_61 = vector.broadcast %add3A_60 : i32 to vector<16xi32>
      %add3A_62 = arith.addi %add3A_61, %iota3A : vector<16xi32>
      %swap3A_63 = arith.constant 32 : index
      %swap3A_64 = tpu.vector_load %arg11[%swap3A_63] {strides = array<i32>} : memref<128xi32, #tpu.memory_space<vmem>>, vector<16xi32>,
      %swap3A_65 = vector.shape_cast %swap3A_64 : vector<16xi32> to vector<16xi32>
      %swap3A_66 = vector.shape_cast %add3A_62 : vector<16xi32> to vector<16xi32>
      tpu.vector_store %arg11[%swap3A_63], %swap3A_66 {strides = array<i32>} : memref<128xi32, #tpu.memory_space<vmem>>, vector<16xi32>,
      %add3A_67 = arith.constant 48 : i32
      %add3A_68 = arith.addi %add3A_43, %add3A_67 : i32
      %add3A_69 = vector.broadcast %add3A_68 : i32 to vector<16xi32>
      %add3A_70 = arith.addi %add3A_69, %iota3A : vector<16xi32>
      %swap3A_71 = arith.constant 48 : index
      %swap3A_72 = tpu.vector_load %arg11[%swap3A_71] {strides = array<i32>} : memref<128xi32, #tpu.memory_space<vmem>>, vector<16xi32>,
      %swap3A_73 = vector.shape_cast %swap3A_72 : vector<16xi32> to vector<16xi32>
      %swap3A_74 = vector.shape_cast %add3A_70 : vector<16xi32> to vector<16xi32>
      tpu.vector_store %arg11[%swap3A_71], %swap3A_74 {strides = array<i32>} : memref<128xi32, #tpu.memory_space<vmem>>, vector<16xi32>,
      %add3A_75 = arith.constant 64 : i32
      %add3A_76 = arith.addi %add3A_43, %add3A_75 : i32
      %add3A_77 = vector.broadcast %add3A_76 : i32 to vector<16xi32>
      %add3A_78 = arith.addi %add3A_77, %iota3A : vector<16xi32>
      %swap3A_79 = arith.constant 64 : index
      %swap3A_80 = tpu.vector_load %arg11[%swap3A_79] {strides = array<i32>} : memref<128xi32, #tpu.memory_space<vmem>>, vector<16xi32>,
      %swap3A_81 = vector.shape_cast %swap3A_80 : vector<16xi32> to vector<16xi32>
      %swap3A_82 = vector.shape_cast %add3A_78 : vector<16xi32> to vector<16xi32>
      tpu.vector_store %arg11[%swap3A_79], %swap3A_82 {strides = array<i32>} : memref<128xi32, #tpu.memory_space<vmem>>, vector<16xi32>,
      %add3A_83 = arith.constant 80 : i32
      %add3A_84 = arith.addi %add3A_43, %add3A_83 : i32
      %add3A_85 = vector.broadcast %add3A_84 : i32 to vector<16xi32>
      %add3A_86 = arith.addi %add3A_85, %iota3A : vector<16xi32>
      %swap3A_87 = arith.constant 80 : index
      %swap3A_88 = tpu.vector_load %arg11[%swap3A_87] {strides = array<i32>} : memref<128xi32, #tpu.memory_space<vmem>>, vector<16xi32>,
      %swap3A_89 = vector.shape_cast %swap3A_88 : vector<16xi32> to vector<16xi32>
      %swap3A_90 = vector.shape_cast %add3A_86 : vector<16xi32> to vector<16xi32>
      tpu.vector_store %arg11[%swap3A_87], %swap3A_90 {strides = array<i32>} : memref<128xi32, #tpu.memory_space<vmem>>, vector<16xi32>,
      %add3A_91 = arith.constant 96 : i32
      %add3A_92 = arith.addi %add3A_43, %add3A_91 : i32
      %add3A_93 = vector.broadcast %add3A_92 : i32 to vector<16xi32>
      %add3A_94 = arith.addi %add3A_93, %iota3A : vector<16xi32>
      %swap3A_95 = arith.constant 96 : index
      %swap3A_96 = tpu.vector_load %arg11[%swap3A_95] {strides = array<i32>} : memref<128xi32, #tpu.memory_space<vmem>>, vector<16xi32>,
      %swap3A_97 = vector.shape_cast %swap3A_96 : vector<16xi32> to vector<16xi32>
      %swap3A_98 = vector.shape_cast %add3A_94 : vector<16xi32> to vector<16xi32>
      tpu.vector_store %arg11[%swap3A_95], %swap3A_98 {strides = array<i32>} : memref<128xi32, #tpu.memory_space<vmem>>, vector<16xi32>,
      %add3A_99 = arith.constant 112 : i32
      %add3A_100 = arith.addi %add3A_43, %add3A_99 : i32
      %add3A_101 = vector.broadcast %add3A_100 : i32 to vector<16xi32>
      %add3A_102 = arith.addi %add3A_101, %iota3A : vector<16xi32>
      %swap3A_103 = arith.constant 112 : index
      %swap3A_104 = tpu.vector_load %arg11[%swap3A_103] {strides = array<i32>} : memref<128xi32, #tpu.memory_space<vmem>>, vector<16xi32>,
      %swap3A_105 = vector.shape_cast %swap3A_104 : vector<16xi32> to vector<16xi32>
      %swap3A_106 = vector.shape_cast %add3A_102 : vector<16xi32> to vector<16xi32>
      tpu.vector_store %arg11[%swap3A_103], %swap3A_106 {strides = array<i32>} : memref<128xi32, #tpu.memory_space<vmem>>, vector<16xi32>,
      "tpu.region"() ({
        %run_scoped3A = tpu.sem_alloc : memref<!tpu.dma_semaphore, #tpu.memory_space<semaphore_mem>>
        %dma_start3A = arith.constant 0 : i32
        %dma_start3A_107 = arith.constant 0 : i32
        %dma_start3A_108 = tpu.memref_slice %arg14[%dma_start3A, %dma_start3A_107] : memref<10240x128xf32, #tpu.memory_space<vmem_shared>> -> memref<10240x128xf32, #tpu.memory_space<vmem_shared>>
        tpu.enqueue_indirect_dma source(%arg12 : memref<128x128xf32, #tpu.memory_space<vmem>>) target(%dma_start3A_108 : memref<10240x128xf32, #tpu.memory_space<vmem_shared>>) offsets(%arg11 : memref<128xi32, #tpu.memory_space<vmem>>) semaphore(%run_scoped3A : memref<!tpu.dma_semaphore, #tpu.memory_space<semaphore_mem>>)
        %dma_wait3A = arith.constant 0 : i32
        %dma_wait3A_109 = arith.constant 0 : i32
        %dma_wait3A_110 = tpu.memref_slice %arg14[%dma_wait3A, %dma_wait3A_109] : memref<10240x128xf32, #tpu.memory_space<vmem_shared>> -> memref<10240x128xf32, #tpu.memory_space<vmem_shared>>
        tpu.wait_indirect_dma semaphore(%run_scoped3A : memref<!tpu.dma_semaphore, #tpu.memory_space<semaphore_mem>>) src(%arg12 : memref<128x128xf32, #tpu.memory_space<vmem>>) dst(%dma_wait3A_110 : memref<10240x128xf32, #tpu.memory_space<vmem_shared>>)
        tpu.yield
      }) : () -> ()
      "tpu.region"() ({
        %run_scoped3A = tpu.sem_alloc : memref<!tpu.dma_semaphore, #tpu.memory_space<semaphore_mem>>
        %dma_start3A = arith.constant 0 : i32
        %dma_start3A_107 = arith.constant 0 : i32
        %dma_start3A_108 = tpu.memref_slice %arg15[%dma_start3A, %dma_start3A_107] : memref<10240x16xf32, #tpu.memory_space<vmem_shared>> -> memref<10240x16xf32, #tpu.memory_space<vmem_shared>>
        tpu.enqueue_indirect_dma source(%arg13 : memref<128x16xf32, #tpu.memory_space<vmem>>) target(%dma_start3A_108 : memref<10240x16xf32, #tpu.memory_space<vmem_shared>>) offsets(%arg11 : memref<128xi32, #tpu.memory_space<vmem>>) semaphore(%run_scoped3A : memref<!tpu.dma_semaphore, #tpu.memory_space<semaphore_mem>>)
        %dma_wait3A = arith.constant 0 : i32
        %dma_wait3A_109 = arith.constant 0 : i32
        %dma_wait3A_110 = tpu.memref_slice %arg15[%dma_wait3A, %dma_wait3A_109] : memref<10240x16xf32, #tpu.memory_space<vmem_shared>> -> memref<10240x16xf32, #tpu.memory_space<vmem_shared>>
        tpu.wait_indirect_dma semaphore(%run_scoped3A : memref<!tpu.dma_semaphore, #tpu.memory_space<semaphore_mem>>) src(%arg13 : memref<128x16xf32, #tpu.memory_space<vmem>>) dst(%dma_wait3A_110 : memref<10240x16xf32, #tpu.memory_space<vmem_shared>>)
        tpu.yield
      }) : () -> ()
    }
    %scan3A_15 = arith.constant 5 : i32
    %barrier3A = arith.constant 0 : index
    tpu.barrier barrier_id(%barrier3A)
    %lt3A = arith.constant 4 : i32
    %lt3A_16 = arith.cmpi slt, %add3A, %lt3A : i32
    %jit3A_17 = arith.constant 1 : i32
    %jit3A_18 = arith.constant 0 : i32
    %select_n3A_19 = arith.select %lt3A_16, %jit3A_17, %jit3A_18 : i32
    %add3A_20 = arith.constant 78 : i32
    %add3A_21 = arith.addi %add3A_20, %select_n3A_19 : i32
    %while3A = arith.constant 0 : i32
    %while3A_22 = arith.constant 0 : i32
    %while3A_23 = arith.subi %add3A_21, %while3A_22 : i32
    %while3A_24 = arith.addi %while3A_22, %while3A_23 : i32
    %while3A_25 = arith.constant 1 : i32
    %while3A_26 = arith.divsi %while3A_23, %while3A_25 : i32
    %while3A_27 = arith.muli %while3A_26, %while3A_25 : i32
    %while3A_28 = arith.addi %while3A_22, %while3A_27 : i32
    %while3A_29 = arith.constant 1 : i32
    scf.for %while3A_38 = %while3A_22 to %while3A_28 step %while3A_29  : i32 {
      %mul3A_39 = arith.constant 32 : i32
      %mul3A_40 = arith.muli %while3A_38, %mul3A_39 : i32
      %add3A_41 = arith.addi %add3A, %mul3A_40 : i32
      %mul3A_42 = arith.constant 128 : i32
      %mul3A_43 = arith.muli %add3A_41, %mul3A_42 : i32
      "tpu.region"() ({
        %run_scoped3A = tpu.sem_alloc : memref<!tpu.dma_semaphore, #tpu.memory_space<semaphore_mem>>
        %dma_start3A_54 = tpu.memref_slice %arg3[%mul3A_43] : memref<320000xi32, #tpu.memory_space<hbm>> -> memref<128xi32, #tpu.memory_space<hbm>>
        %dma_start3A_55 = tpu.memref_slice %arg3[%mul3A_43] : memref<320000xi32, #tpu.memory_space<hbm>> -> memref<128xi32, #tpu.memory_space<hbm>>
        tpu.enqueue_dma source(%dma_start3A_55 : memref<128xi32, #tpu.memory_space<hbm>>) target(%arg8 : memref<128xi32, #tpu.memory_space<vmem>>) target_semaphore(%run_scoped3A : memref<!tpu.dma_semaphore, #tpu.memory_space<semaphore_mem>>)
        %dma_wait3A_56 = tpu.memref_slice %arg3[%mul3A_43] : memref<320000xi32, #tpu.memory_space<hbm>> -> memref<128xi32, #tpu.memory_space<hbm>>
        %dma_wait3A_57 = tpu.memref_slice %arg3[%mul3A_43] : memref<320000xi32, #tpu.memory_space<hbm>> -> memref<128xi32, #tpu.memory_space<hbm>>
        tpu.wait_dma2 semaphore(%run_scoped3A : memref<!tpu.dma_semaphore, #tpu.memory_space<semaphore_mem>>) src(%dma_wait3A_57 : memref<128xi32, #tpu.memory_space<hbm>>) dst(%arg8 : memref<128xi32, #tpu.memory_space<vmem>>)
        tpu.yield
      }) : () -> ()
      "tpu.region"() ({
        %run_scoped3A = tpu.sem_alloc : memref<!tpu.dma_semaphore, #tpu.memory_space<semaphore_mem>>
        %dma_start3A_54 = tpu.memref_slice %arg4[%mul3A_43] : memref<320000xi32, #tpu.memory_space<hbm>> -> memref<128xi32, #tpu.memory_space<hbm>>
        %dma_start3A_55 = tpu.memref_slice %arg4[%mul3A_43] : memref<320000xi32, #tpu.memory_space<hbm>> -> memref<128xi32, #tpu.memory_space<hbm>>
        tpu.enqueue_dma source(%dma_start3A_55 : memref<128xi32, #tpu.memory_space<hbm>>) target(%arg9 : memref<128xi32, #tpu.memory_space<vmem>>) target_semaphore(%run_scoped3A : memref<!tpu.dma_semaphore, #tpu.memory_space<semaphore_mem>>)
        %dma_wait3A_56 = tpu.memref_slice %arg4[%mul3A_43] : memref<320000xi32, #tpu.memory_space<hbm>> -> memref<128xi32, #tpu.memory_space<hbm>>
        %dma_wait3A_57 = tpu.memref_slice %arg4[%mul3A_43] : memref<320000xi32, #tpu.memory_space<hbm>> -> memref<128xi32, #tpu.memory_space<hbm>>
        tpu.wait_dma2 semaphore(%run_scoped3A : memref<!tpu.dma_semaphore, #tpu.memory_space<semaphore_mem>>) src(%dma_wait3A_57 : memref<128xi32, #tpu.memory_space<hbm>>) dst(%arg9 : memref<128xi32, #tpu.memory_space<vmem>>)
        tpu.yield
      }) : () -> ()
      "tpu.region"() ({
        %run_scoped3A = tpu.sem_alloc : memref<!tpu.dma_semaphore, #tpu.memory_space<semaphore_mem>>
        %dma_start3A_54 = tpu.memref_slice %arg5[%mul3A_43] : memref<320000xf32, #tpu.memory_space<hbm>> -> memref<128xf32, #tpu.memory_space<hbm>>
        %dma_start3A_55 = tpu.memref_slice %arg5[%mul3A_43] : memref<320000xf32, #tpu.memory_space<hbm>> -> memref<128xf32, #tpu.memory_space<hbm>>
        tpu.enqueue_dma source(%dma_start3A_55 : memref<128xf32, #tpu.memory_space<hbm>>) target(%arg10 : memref<128xf32, #tpu.memory_space<vmem>>) target_semaphore(%run_scoped3A : memref<!tpu.dma_semaphore, #tpu.memory_space<semaphore_mem>>)
        %dma_wait3A_56 = tpu.memref_slice %arg5[%mul3A_43] : memref<320000xf32, #tpu.memory_space<hbm>> -> memref<128xf32, #tpu.memory_space<hbm>>
        %dma_wait3A_57 = tpu.memref_slice %arg5[%mul3A_43] : memref<320000xf32, #tpu.memory_space<hbm>> -> memref<128xf32, #tpu.memory_space<hbm>>
        tpu.wait_dma2 semaphore(%run_scoped3A : memref<!tpu.dma_semaphore, #tpu.memory_space<semaphore_mem>>) src(%dma_wait3A_57 : memref<128xf32, #tpu.memory_space<hbm>>) dst(%arg10 : memref<128xf32, #tpu.memory_space<vmem>>)
        tpu.yield
      }) : () -> ()
      %dma_start3A = arith.constant 0 : i32
      %dma_start3A_44 = arith.constant 0 : i32
      %dma_start3A_45 = tpu.memref_slice %arg2[%dma_start3A, %dma_start3A_44] : memref<10000x128xf32, #tpu.memory_space<hbm>> -> memref<10000x128xf32, #tpu.memory_space<hbm>>
      tpu.enqueue_indirect_dma source(%dma_start3A_45 : memref<10000x128xf32, #tpu.memory_space<hbm>>) target(%arg12 : memref<128x128xf32, #tpu.memory_space<vmem>>) offsets(%arg8 : memref<128xi32, #tpu.memory_space<vmem>>) semaphore(%arg16 : memref<!tpu.dma_semaphore, #tpu.memory_space<semaphore_mem>>)
      %dma_wait3A = arith.constant 0 : i32
      %dma_wait3A_46 = arith.constant 0 : i32
      %dma_wait3A_47 = tpu.memref_slice %arg2[%dma_wait3A, %dma_wait3A_46] : memref<10000x128xf32, #tpu.memory_space<hbm>> -> memref<10000x128xf32, #tpu.memory_space<hbm>>
      tpu.wait_indirect_dma semaphore(%arg16 : memref<!tpu.dma_semaphore, #tpu.memory_space<semaphore_mem>>) src(%dma_wait3A_47 : memref<10000x128xf32, #tpu.memory_space<hbm>>) dst(%arg12 : memref<128x128xf32, #tpu.memory_space<vmem>>)
      %scan3A_48 = arith.constant 0 : i32
      %scan3A_49 = arith.constant 0 : i32
      %scan3A_50 = arith.constant 8 : i32
      %scan3A_51 = arith.addi %scan3A_49, %scan3A_50 : i32
      %scan3A_52 = arith.constant 1 : i32
      scf.for %scan3A_54 = %scan3A_49 to %scan3A_51 step %scan3A_52  : i32 {
        %mul3A_55 = arith.constant 16 : i32
        %mul3A_56 = arith.muli %scan3A_54, %mul3A_55 : i32
        %get3A = arith.index_cast %mul3A_56 : i32 to index
        %get3A_57 = tpu.vector_load %arg8[%get3A] {strides = array<i32>} : memref<128xi32, #tpu.memory_space<vmem>>, vector<16xi32>,
        %get3A_58 = vector.shape_cast %get3A_57 : vector<16xi32> to vector<16xi32>
        %mul3A_59 = arith.constant 16 : i32
        %mul3A_60 = arith.muli %scan3A_54, %mul3A_59 : i32
        %get3A_61 = arith.index_cast %mul3A_60 : i32 to index
        %get3A_62 = tpu.vector_load %arg9[%get3A_61] {strides = array<i32>} : memref<128xi32, #tpu.memory_space<vmem>>, vector<16xi32>,
        %get3A_63 = vector.shape_cast %get3A_62 : vector<16xi32> to vector<16xi32>
        %mul3A_64 = arith.constant 16 : i32
        %mul3A_65 = arith.muli %scan3A_54, %mul3A_64 : i32
        %get3A_66 = arith.index_cast %mul3A_65 : i32 to index
        %get3A_67 = tpu.vector_load %arg10[%get3A_66] {strides = array<i32>} : memref<128xf32, #tpu.memory_space<vmem>>, vector<16xf32>,
        %get3A_68 = vector.shape_cast %get3A_67 : vector<16xf32> to vector<16xf32>
        %ne3A = arith.cmpi ne, %get3A_58, %get3A_63 : vector<16xi32>
        %jit3A_69 = arith.constant 1.000000e+00 : f32
        %jit3A_70 = arith.constant 0.000000e+00 : f32
        %broadcast_in_dim3A_71 = vector.broadcast %jit3A_69 : f32 to vector<16xf32>
        %broadcast_in_dim3A_72 = vector.broadcast %jit3A_70 : f32 to vector<16xf32>
        %select_n3A_73 = arith.select %ne3A, %broadcast_in_dim3A_71, %broadcast_in_dim3A_72 : vector<16xi1>, vector<16xf32>
        %mul3A_74 = arith.mulf %get3A_68, %get3A_68 : vector<16xf32>
        %mul3A_75 = arith.mulf %mul3A_74, %select_n3A_73 : vector<16xf32>
        %mul3A_76 = arith.constant 16 : i32
        %mul3A_77 = arith.muli %scan3A_54, %mul3A_76 : i32
        %add3A_78 = arith.constant 0 : i32
        %add3A_79 = arith.addi %mul3A_77, %add3A_78 : i32
        %slice3A = vector.extract_strided_slice %mul3A_75 {offsets = [0], sizes = [1], strides = [1]} : vector<16xf32> to vector<1xf32>
        %squeeze3A = vector.extract %slice3A[0] : f32 from vector<1xf32>
        %slice3A_80 = vector.extract_strided_slice %select_n3A_73 {offsets = [0], sizes = [1], strides = [1]} : vector<16xf32> to vector<1xf32>
        %squeeze3A_81 = vector.extract %slice3A_80[0] : f32 from vector<1xf32>
        %mul3A_82 = vector.broadcast %squeeze3A_81 : f32 to vector<16xf32>
        %mul3A_83 = arith.mulf %select_n3A, %mul3A_82 : vector<16xf32>
        %swap3A = arith.index_cast %add3A_79 : i32 to index
        %swap3A_84 = arith.constant 0 : index
        %swap3A_85 = tpu.vector_load %arg13[%swap3A, %swap3A_84] {strides = array<i32>} : memref<128x16xf32, #tpu.memory_space<vmem>>, vector<1x16xf32>,
        %swap3A_86 = vector.shape_cast %swap3A_85 : vector<1x16xf32> to vector<16xf32>
        %swap3A_87 = vector.shape_cast %mul3A_83 : vector<16xf32> to vector<1x16xf32>
        tpu.vector_store %arg13[%swap3A, %swap3A_84], %swap3A_87 {strides = array<i32>} : memref<128x16xf32, #tpu.memory_space<vmem>>, vector<1x16xf32>,
        %get3A_88 = arith.index_cast %add3A_79 : i32 to index
        %get3A_89 = arith.constant 0 : index
        %get3A_90 = tpu.vector_load %arg12[%get3A_88, %get3A_89] {strides = array<i32>} : memref<128x128xf32, #tpu.memory_space<vmem>>, vector<1x16xf32>,
        %get3A_91 = vector.shape_cast %get3A_90 : vector<1x16xf32> to vector<16xf32>
        %mul3A_92 = vector.broadcast %squeeze3A : f32 to vector<16xf32>
        %mul3A_93 = arith.mulf %get3A_91, %mul3A_92 : vector<16xf32>
        %swap3A_94 = arith.index_cast %add3A_79 : i32 to index
        %swap3A_95 = arith.constant 0 : index
        %swap3A_96 = tpu.vector_load %arg12[%swap3A_94, %swap3A_95] {strides = array<i32>} : memref<128x128xf32, #tpu.memory_space<vmem>>, vector<1x16xf32>,
        %swap3A_97 = vector.shape_cast %swap3A_96 : vector<1x16xf32> to vector<16xf32>
        %swap3A_98 = vector.shape_cast %mul3A_93 : vector<16xf32> to vector<1x16xf32>
        tpu.vector_store %arg12[%swap3A_94, %swap3A_95], %swap3A_98 {strides = array<i32>} : memref<128x128xf32, #tpu.memory_space<vmem>>, vector<1x16xf32>,
        %get3A_99 = arith.index_cast %add3A_79 : i32 to index
        %get3A_100 = arith.constant 16 : index
        %get3A_101 = tpu.vector_load %arg12[%get3A_99, %get3A_100] {strides = array<i32>} : memref<128x128xf32, #tpu.memory_space<vmem>>, vector<1x16xf32>,
        %get3A_102 = vector.shape_cast %get3A_101 : vector<1x16xf32> to vector<16xf32>
        %mul3A_103 = vector.broadcast %squeeze3A : f32 to vector<16xf32>
        %mul3A_104 = arith.mulf %get3A_102, %mul3A_103 : vector<16xf32>
        %swap3A_105 = arith.index_cast %add3A_79 : i32 to index
        %swap3A_106 = arith.constant 16 : index
        %swap3A_107 = tpu.vector_load %arg12[%swap3A_105, %swap3A_106] {strides = array<i32>} : memref<128x128xf32, #tpu.memory_space<vmem>>, vector<1x16xf32>,
        %swap3A_108 = vector.shape_cast %swap3A_107 : vector<1x16xf32> to vector<16xf32>
        %swap3A_109 = vector.shape_cast %mul3A_104 : vector<16xf32> to vector<1x16xf32>
        tpu.vector_store %arg12[%swap3A_105, %swap3A_106], %swap3A_109 {strides = array<i32>} : memref<128x128xf32, #tpu.memory_space<vmem>>, vector<1x16xf32>,
        %get3A_110 = arith.index_cast %add3A_79 : i32 to index
        %get3A_111 = arith.constant 32 : index
        %get3A_112 = tpu.vector_load %arg12[%get3A_110, %get3A_111] {strides = array<i32>} : memref<128x128xf32, #tpu.memory_space<vmem>>, vector<1x16xf32>,
        %get3A_113 = vector.shape_cast %get3A_112 : vector<1x16xf32> to vector<16xf32>
        %mul3A_114 = vector.broadcast %squeeze3A : f32 to vector<16xf32>
        %mul3A_115 = arith.mulf %get3A_113, %mul3A_114 : vector<16xf32>
        %swap3A_116 = arith.index_cast %add3A_79 : i32 to index
        %swap3A_117 = arith.constant 32 : index
        %swap3A_118 = tpu.vector_load %arg12[%swap3A_116, %swap3A_117] {strides = array<i32>} : memref<128x128xf32, #tpu.memory_space<vmem>>, vector<1x16xf32>,
        %swap3A_119 = vector.shape_cast %swap3A_118 : vector<1x16xf32> to vector<16xf32>
        %swap3A_120 = vector.shape_cast %mul3A_115 : vector<16xf32> to vector<1x16xf32>
        tpu.vector_store %arg12[%swap3A_116, %swap3A_117], %swap3A_120 {strides = array<i32>} : memref<128x128xf32, #tpu.memory_space<vmem>>, vector<1x16xf32>,
        %get3A_121 = arith.index_cast %add3A_79 : i32 to index
        %get3A_122 = arith.constant 48 : index
        %get3A_123 = tpu.vector_load %arg12[%get3A_121, %get3A_122] {strides = array<i32>} : memref<128x128xf32, #tpu.memory_space<vmem>>, vector<1x16xf32>,
        %get3A_124 = vector.shape_cast %get3A_123 : vector<1x16xf32> to vector<16xf32>
        %mul3A_125 = vector.broadcast %squeeze3A : f32 to vector<16xf32>
        %mul3A_126 = arith.mulf %get3A_124, %mul3A_125 : vector<16xf32>
        %swap3A_127 = arith.index_cast %add3A_79 : i32 to index
        %swap3A_128 = arith.constant 48 : index
        %swap3A_129 = tpu.vector_load %arg12[%swap3A_127, %swap3A_128] {strides = array<i32>} : memref<128x128xf32, #tpu.memory_space<vmem>>, vector<1x16xf32>,
        %swap3A_130 = vector.shape_cast %swap3A_129 : vector<1x16xf32> to vector<16xf32>
        %swap3A_131 = vector.shape_cast %mul3A_126 : vector<16xf32> to vector<1x16xf32>
        tpu.vector_store %arg12[%swap3A_127, %swap3A_128], %swap3A_131 {strides = array<i32>} : memref<128x128xf32, #tpu.memory_space<vmem>>, vector<1x16xf32>,
        %get3A_132 = arith.index_cast %add3A_79 : i32 to index
        %get3A_133 = arith.constant 64 : index
        %get3A_134 = tpu.vector_load %arg12[%get3A_132, %get3A_133] {strides = array<i32>} : memref<128x128xf32, #tpu.memory_space<vmem>>, vector<1x16xf32>,
        %get3A_135 = vector.shape_cast %get3A_134 : vector<1x16xf32> to vector<16xf32>
        %mul3A_136 = vector.broadcast %squeeze3A : f32 to vector<16xf32>
        %mul3A_137 = arith.mulf %get3A_135, %mul3A_136 : vector<16xf32>
        %swap3A_138 = arith.index_cast %add3A_79 : i32 to index
        %swap3A_139 = arith.constant 64 : index
        %swap3A_140 = tpu.vector_load %arg12[%swap3A_138, %swap3A_139] {strides = array<i32>} : memref<128x128xf32, #tpu.memory_space<vmem>>, vector<1x16xf32>,
        %swap3A_141 = vector.shape_cast %swap3A_140 : vector<1x16xf32> to vector<16xf32>
        %swap3A_142 = vector.shape_cast %mul3A_137 : vector<16xf32> to vector<1x16xf32>
        tpu.vector_store %arg12[%swap3A_138, %swap3A_139], %swap3A_142 {strides = array<i32>} : memref<128x128xf32, #tpu.memory_space<vmem>>, vector<1x16xf32>,
        %get3A_143 = arith.index_cast %add3A_79 : i32 to index
        %get3A_144 = arith.constant 80 : index
        %get3A_145 = tpu.vector_load %arg12[%get3A_143, %get3A_144] {strides = array<i32>} : memref<128x128xf32, #tpu.memory_space<vmem>>, vector<1x16xf32>,
        %get3A_146 = vector.shape_cast %get3A_145 : vector<1x16xf32> to vector<16xf32>
        %mul3A_147 = vector.broadcast %squeeze3A : f32 to vector<16xf32>
        %mul3A_148 = arith.mulf %get3A_146, %mul3A_147 : vector<16xf32>
        %swap3A_149 = arith.index_cast %add3A_79 : i32 to index
        %swap3A_150 = arith.constant 80 : index
        %swap3A_151 = tpu.vector_load %arg12[%swap3A_149, %swap3A_150] {strides = array<i32>} : memref<128x128xf32, #tpu.memory_space<vmem>>, vector<1x16xf32>,
        %swap3A_152 = vector.shape_cast %swap3A_151 : vector<1x16xf32> to vector<16xf32>
        %swap3A_153 = vector.shape_cast %mul3A_148 : vector<16xf32> to vector<1x16xf32>
        tpu.vector_store %arg12[%swap3A_149, %swap3A_150], %swap3A_153 {strides = array<i32>} : memref<128x128xf32, #tpu.memory_space<vmem>>, vector<1x16xf32>,
        %get3A_154 = arith.index_cast %add3A_79 : i32 to index
        %get3A_155 = arith.constant 96 : index
        %get3A_156 = tpu.vector_load %arg12[%get3A_154, %get3A_155] {strides = array<i32>} : memref<128x128xf32, #tpu.memory_space<vmem>>, vector<1x16xf32>,
        %get3A_157 = vector.shape_cast %get3A_156 : vector<1x16xf32> to vector<16xf32>
        %mul3A_158 = vector.broadcast %squeeze3A : f32 to vector<16xf32>
        %mul3A_159 = arith.mulf %get3A_157, %mul3A_158 : vector<16xf32>
        %swap3A_160 = arith.index_cast %add3A_79 : i32 to index
        %swap3A_161 = arith.constant 96 : index
        %swap3A_162 = tpu.vector_load %arg12[%swap3A_160, %swap3A_161] {strides = array<i32>} : memref<128x128xf32, #tpu.memory_space<vmem>>, vector<1x16xf32>,
        %swap3A_163 = vector.shape_cast %swap3A_162 : vector<1x16xf32> to vector<16xf32>
        %swap3A_164 = vector.shape_cast %mul3A_159 : vector<16xf32> to vector<1x16xf32>
        tpu.vector_store %arg12[%swap3A_160, %swap3A_161], %swap3A_164 {strides = array<i32>} : memref<128x128xf32, #tpu.memory_space<vmem>>, vector<1x16xf32>,
        %get3A_165 = arith.index_cast %add3A_79 : i32 to index
        %get3A_166 = arith.constant 112 : index
        %get3A_167 = tpu.vector_load %arg12[%get3A_165, %get3A_166] {strides = array<i32>} : memref<128x128xf32, #tpu.memory_space<vmem>>, vector<1x16xf32>,
        %get3A_168 = vector.shape_cast %get3A_167 : vector<1x16xf32> to vector<16xf32>
        %mul3A_169 = vector.broadcast %squeeze3A : f32 to vector<16xf32>
        %mul3A_170 = arith.mulf %get3A_168, %mul3A_169 : vector<16xf32>
        %swap3A_171 = arith.index_cast %add3A_79 : i32 to index
        %swap3A_172 = arith.constant 112 : index
        %swap3A_173 = tpu.vector_load %arg12[%swap3A_171, %swap3A_172] {strides = array<i32>} : memref<128x128xf32, #tpu.memory_space<vmem>>, vector<1x16xf32>,
        %swap3A_174 = vector.shape_cast %swap3A_173 : vector<1x16xf32> to vector<16xf32>
        %swap3A_175 = vector.shape_cast %mul3A_170 : vector<16xf32> to vector<1x16xf32>
        tpu.vector_store %arg12[%swap3A_171, %swap3A_172], %swap3A_175 {strides = array<i32>} : memref<128x128xf32, #tpu.memory_space<vmem>>, vector<1x16xf32>,
        %mul3A_176 = arith.constant 16 : i32
        %mul3A_177 = arith.muli %scan3A_54, %mul3A_176 : i32
        %add3A_178 = arith.constant 1 : i32
        %add3A_179 = arith.addi %mul3A_177, %add3A_178 : i32
        %slice3A_180 = vector.extract_strided_slice %mul3A_75 {offsets = [1], sizes = [1], strides = [1]} : vector<16xf32> to vector<1xf32>
        %squeeze3A_181 = vector.extract %slice3A_180[0] : f32 from vector<1xf32>
        %slice3A_182 = vector.extract_strided_slice %select_n3A_73 {offsets = [1], sizes = [1], strides = [1]} : vector<16xf32> to vector<1xf32>
        %squeeze3A_183 = vector.extract %slice3A_182[0] : f32 from vector<1xf32>
        %mul3A_184 = vector.broadcast %squeeze3A_183 : f32 to vector<16xf32>
        %mul3A_185 = arith.mulf %select_n3A, %mul3A_184 : vector<16xf32>
        %swap3A_186 = arith.index_cast %add3A_179 : i32 to index
        %swap3A_187 = arith.constant 0 : index
        %swap3A_188 = tpu.vector_load %arg13[%swap3A_186, %swap3A_187] {strides = array<i32>} : memref<128x16xf32, #tpu.memory_space<vmem>>, vector<1x16xf32>,
        %swap3A_189 = vector.shape_cast %swap3A_188 : vector<1x16xf32> to vector<16xf32>
        %swap3A_190 = vector.shape_cast %mul3A_185 : vector<16xf32> to vector<1x16xf32>
        tpu.vector_store %arg13[%swap3A_186, %swap3A_187], %swap3A_190 {strides = array<i32>} : memref<128x16xf32, #tpu.memory_space<vmem>>, vector<1x16xf32>,
        %get3A_191 = arith.index_cast %add3A_179 : i32 to index
        %get3A_192 = arith.constant 0 : index
        %get3A_193 = tpu.vector_load %arg12[%get3A_191, %get3A_192] {strides = array<i32>} : memref<128x128xf32, #tpu.memory_space<vmem>>, vector<1x16xf32>,
        %get3A_194 = vector.shape_cast %get3A_193 : vector<1x16xf32> to vector<16xf32>
        %mul3A_195 = vector.broadcast %squeeze3A_181 : f32 to vector<16xf32>
        %mul3A_196 = arith.mulf %get3A_194, %mul3A_195 : vector<16xf32>
        %swap3A_197 = arith.index_cast %add3A_179 : i32 to index
        %swap3A_198 = arith.constant 0 : index
        %swap3A_199 = tpu.vector_load %arg12[%swap3A_197, %swap3A_198] {strides = array<i32>} : memref<128x128xf32, #tpu.memory_space<vmem>>, vector<1x16xf32>,
        %swap3A_200 = vector.shape_cast %swap3A_199 : vector<1x16xf32> to vector<16xf32>
        %swap3A_201 = vector.shape_cast %mul3A_196 : vector<16xf32> to vector<1x16xf32>
        tpu.vector_store %arg12[%swap3A_197, %swap3A_198], %swap3A_201 {strides = array<i32>} : memref<128x128xf32, #tpu.memory_space<vmem>>, vector<1x16xf32>,
        %get3A_202 = arith.index_cast %add3A_179 : i32 to index
        %get3A_203 = arith.constant 16 : index
        %get3A_204 = tpu.vector_load %arg12[%get3A_202, %get3A_203] {strides = array<i32>} : memref<128x128xf32, #tpu.memory_space<vmem>>, vector<1x16xf32>,
        %get3A_205 = vector.shape_cast %get3A_204 : vector<1x16xf32> to vector<16xf32>
        %mul3A_206 = vector.broadcast %squeeze3A_181 : f32 to vector<16xf32>
        %mul3A_207 = arith.mulf %get3A_205, %mul3A_206 : vector<16xf32>
        %swap3A_208 = arith.index_cast %add3A_179 : i32 to index
        %swap3A_209 = arith.constant 16 : index
        %swap3A_210 = tpu.vector_load %arg12[%swap3A_208, %swap3A_209] {strides = array<i32>} : memref<128x128xf32, #tpu.memory_space<vmem>>, vector<1x16xf32>,
        %swap3A_211 = vector.shape_cast %swap3A_210 : vector<1x16xf32> to vector<16xf32>
        %swap3A_212 = vector.shape_cast %mul3A_207 : vector<16xf32> to vector<1x16xf32>
        tpu.vector_store %arg12[%swap3A_208, %swap3A_209], %swap3A_212 {strides = array<i32>} : memref<128x128xf32, #tpu.memory_space<vmem>>, vector<1x16xf32>,
        %get3A_213 = arith.index_cast %add3A_179 : i32 to index
        %get3A_214 = arith.constant 32 : index
        %get3A_215 = tpu.vector_load %arg12[%get3A_213, %get3A_214] {strides = array<i32>} : memref<128x128xf32, #tpu.memory_space<vmem>>, vector<1x16xf32>,
        %get3A_216 = vector.shape_cast %get3A_215 : vector<1x16xf32> to vector<16xf32>
        %mul3A_217 = vector.broadcast %squeeze3A_181 : f32 to vector<16xf32>
        %mul3A_218 = arith.mulf %get3A_216, %mul3A_217 : vector<16xf32>
        %swap3A_219 = arith.index_cast %add3A_179 : i32 to index
        %swap3A_220 = arith.constant 32 : index
        %swap3A_221 = tpu.vector_load %arg12[%swap3A_219, %swap3A_220] {strides = array<i32>} : memref<128x128xf32, #tpu.memory_space<vmem>>, vector<1x16xf32>,
        %swap3A_222 = vector.shape_cast %swap3A_221 : vector<1x16xf32> to vector<16xf32>
        %swap3A_223 = vector.shape_cast %mul3A_218 : vector<16xf32> to vector<1x16xf32>
        tpu.vector_store %arg12[%swap3A_219, %swap3A_220], %swap3A_223 {strides = array<i32>} : memref<128x128xf32, #tpu.memory_space<vmem>>, vector<1x16xf32>,
        %get3A_224 = arith.index_cast %add3A_179 : i32 to index
        %get3A_225 = arith.constant 48 : index
        %get3A_226 = tpu.vector_load %arg12[%get3A_224, %get3A_225] {strides = array<i32>} : memref<128x128xf32, #tpu.memory_space<vmem>>, vector<1x16xf32>,
        %get3A_227 = vector.shape_cast %get3A_226 : vector<1x16xf32> to vector<16xf32>
        %mul3A_228 = vector.broadcast %squeeze3A_181 : f32 to vector<16xf32>
        %mul3A_229 = arith.mulf %get3A_227, %mul3A_228 : vector<16xf32>
        %swap3A_230 = arith.index_cast %add3A_179 : i32 to index
        %swap3A_231 = arith.constant 48 : index
        %swap3A_232 = tpu.vector_load %arg12[%swap3A_230, %swap3A_231] {strides = array<i32>} : memref<128x128xf32, #tpu.memory_space<vmem>>, vector<1x16xf32>,
        %swap3A_233 = vector.shape_cast %swap3A_232 : vector<1x16xf32> to vector<16xf32>
        %swap3A_234 = vector.shape_cast %mul3A_229 : vector<16xf32> to vector<1x16xf32>
        tpu.vector_store %arg12[%swap3A_230, %swap3A_231], %swap3A_234 {strides = array<i32>} : memref<128x128xf32, #tpu.memory_space<vmem>>, vector<1x16xf32>,
        %get3A_235 = arith.index_cast %add3A_179 : i32 to index
        %get3A_236 = arith.constant 64 : index
        %get3A_237 = tpu.vector_load %arg12[%get3A_235, %get3A_236] {strides = array<i32>} : memref<128x128xf32, #tpu.memory_space<vmem>>, vector<1x16xf32>,
        %get3A_238 = vector.shape_cast %get3A_237 : vector<1x16xf32> to vector<16xf32>
        %mul3A_239 = vector.broadcast %squeeze3A_181 : f32 to vector<16xf32>
        %mul3A_240 = arith.mulf %get3A_238, %mul3A_239 : vector<16xf32>
        %swap3A_241 = arith.index_cast %add3A_179 : i32 to index
        %swap3A_242 = arith.constant 64 : index
        %swap3A_243 = tpu.vector_load %arg12[%swap3A_241, %swap3A_242] {strides = array<i32>} : memref<128x128xf32, #tpu.memory_space<vmem>>, vector<1x16xf32>,
        %swap3A_244 = vector.shape_cast %swap3A_243 : vector<1x16xf32> to vector<16xf32>
        %swap3A_245 = vector.shape_cast %mul3A_240 : vector<16xf32> to vector<1x16xf32>
        tpu.vector_store %arg12[%swap3A_241, %swap3A_242], %swap3A_245 {strides = array<i32>} : memref<128x128xf32, #tpu.memory_space<vmem>>, vector<1x16xf32>,
        %get3A_246 = arith.index_cast %add3A_179 : i32 to index
        %get3A_247 = arith.constant 80 : index
        %get3A_248 = tpu.vector_load %arg12[%get3A_246, %get3A_247] {strides = array<i32>} : memref<128x128xf32, #tpu.memory_space<vmem>>, vector<1x16xf32>,
        %get3A_249 = vector.shape_cast %get3A_248 : vector<1x16xf32> to vector<16xf32>
        %mul3A_250 = vector.broadcast %squeeze3A_181 : f32 to vector<16xf32>
        %mul3A_251 = arith.mulf %get3A_249, %mul3A_250 : vector<16xf32>
        %swap3A_252 = arith.index_cast %add3A_179 : i32 to index
        %swap3A_253 = arith.constant 80 : index
        %swap3A_254 = tpu.vector_load %arg12[%swap3A_252, %swap3A_253] {strides = array<i32>} : memref<128x128xf32, #tpu.memory_space<vmem>>, vector<1x16xf32>,
        %swap3A_255 = vector.shape_cast %swap3A_254 : vector<1x16xf32> to vector<16xf32>
        %swap3A_256 = vector.shape_cast %mul3A_251 : vector<16xf32> to vector<1x16xf32>
        tpu.vector_store %arg12[%swap3A_252, %swap3A_253], %swap3A_256 {strides = array<i32>} : memref<128x128xf32, #tpu.memory_space<vmem>>, vector<1x16xf32>,
        %get3A_257 = arith.index_cast %add3A_179 : i32 to index
        %get3A_258 = arith.constant 96 : index
        %get3A_259 = tpu.vector_load %arg12[%get3A_257, %get3A_258] {strides = array<i32>} : memref<128x128xf32, #tpu.memory_space<vmem>>, vector<1x16xf32>,
        %get3A_260 = vector.shape_cast %get3A_259 : vector<1x16xf32> to vector<16xf32>
        %mul3A_261 = vector.broadcast %squeeze3A_181 : f32 to vector<16xf32>
        %mul3A_262 = arith.mulf %get3A_260, %mul3A_261 : vector<16xf32>
        %swap3A_263 = arith.index_cast %add3A_179 : i32 to index
        %swap3A_264 = arith.constant 96 : index
        %swap3A_265 = tpu.vector_load %arg12[%swap3A_263, %swap3A_264] {strides = array<i32>} : memref<128x128xf32, #tpu.memory_space<vmem>>, vector<1x16xf32>,
        %swap3A_266 = vector.shape_cast %swap3A_265 : vector<1x16xf32> to vector<16xf32>
        %swap3A_267 = vector.shape_cast %mul3A_262 : vector<16xf32> to vector<1x16xf32>
        tpu.vector_store %arg12[%swap3A_263, %swap3A_264], %swap3A_267 {strides = array<i32>} : memref<128x128xf32, #tpu.memory_space<vmem>>, vector<1x16xf32>,
        %get3A_268 = arith.index_cast %add3A_179 : i32 to index
        %get3A_269 = arith.constant 112 : index
        %get3A_270 = tpu.vector_load %arg12[%get3A_268, %get3A_269] {strides = array<i32>} : memref<128x128xf32, #tpu.memory_space<vmem>>, vector<1x16xf32>,
        %get3A_271 = vector.shape_cast %get3A_270 : vector<1x16xf32> to vector<16xf32>
        %mul3A_272 = vector.broadcast %squeeze3A_181 : f32 to vector<16xf32>
        %mul3A_273 = arith.mulf %get3A_271, %mul3A_272 : vector<16xf32>
        %swap3A_274 = arith.index_cast %add3A_179 : i32 to index
        %swap3A_275 = arith.constant 112 : index
        %swap3A_276 = tpu.vector_load %arg12[%swap3A_274, %swap3A_275] {strides = array<i32>} : memref<128x128xf32, #tpu.memory_space<vmem>>, vector<1x16xf32>,
        %swap3A_277 = vector.shape_cast %swap3A_276 : vector<1x16xf32> to vector<16xf32>
        %swap3A_278 = vector.shape_cast %mul3A_273 : vector<16xf32> to vector<1x16xf32>
        tpu.vector_store %arg12[%swap3A_274, %swap3A_275], %swap3A_278 {strides = array<i32>} : memref<128x128xf32, #tpu.memory_space<vmem>>, vector<1x16xf32>,
        %mul3A_279 = arith.constant 16 : i32
        %mul3A_280 = arith.muli %scan3A_54, %mul3A_279 : i32
        %add3A_281 = arith.constant 2 : i32
        %add3A_282 = arith.addi %mul3A_280, %add3A_281 : i32
        %slice3A_283 = vector.extract_strided_slice %mul3A_75 {offsets = [2], sizes = [1], strides = [1]} : vector<16xf32> to vector<1xf32>
        %squeeze3A_284 = vector.extract %slice3A_283[0] : f32 from vector<1xf32>
        %slice3A_285 = vector.extract_strided_slice %select_n3A_73 {offsets = [2], sizes = [1], strides = [1]} : vector<16xf32> to vector<1xf32>
        %squeeze3A_286 = vector.extract %slice3A_285[0] : f32 from vector<1xf32>
        %mul3A_287 = vector.broadcast %squeeze3A_286 : f32 to vector<16xf32>
        %mul3A_288 = arith.mulf %select_n3A, %mul3A_287 : vector<16xf32>
        %swap3A_289 = arith.index_cast %add3A_282 : i32 to index
        %swap3A_290 = arith.constant 0 : index
        %swap3A_291 = tpu.vector_load %arg13[%swap3A_289, %swap3A_290] {strides = array<i32>} : memref<128x16xf32, #tpu.memory_space<vmem>>, vector<1x16xf32>,
        %swap3A_292 = vector.shape_cast %swap3A_291 : vector<1x16xf32> to vector<16xf32>
        %swap3A_293 = vector.shape_cast %mul3A_288 : vector<16xf32> to vector<1x16xf32>
        tpu.vector_store %arg13[%swap3A_289, %swap3A_290], %swap3A_293 {strides = array<i32>} : memref<128x16xf32, #tpu.memory_space<vmem>>, vector<1x16xf32>,
        %get3A_294 = arith.index_cast %add3A_282 : i32 to index
        %get3A_295 = arith.constant 0 : index
        %get3A_296 = tpu.vector_load %arg12[%get3A_294, %get3A_295] {strides = array<i32>} : memref<128x128xf32, #tpu.memory_space<vmem>>, vector<1x16xf32>,
        %get3A_297 = vector.shape_cast %get3A_296 : vector<1x16xf32> to vector<16xf32>
        %mul3A_298 = vector.broadcast %squeeze3A_284 : f32 to vector<16xf32>
        %mul3A_299 = arith.mulf %get3A_297, %mul3A_298 : vector<16xf32>
        %swap3A_300 = arith.index_cast %add3A_282 : i32 to index
        %swap3A_301 = arith.constant 0 : index
        %swap3A_302 = tpu.vector_load %arg12[%swap3A_300, %swap3A_301] {strides = array<i32>} : memref<128x128xf32, #tpu.memory_space<vmem>>, vector<1x16xf32>,
        %swap3A_303 = vector.shape_cast %swap3A_302 : vector<1x16xf32> to vector<16xf32>
        %swap3A_304 = vector.shape_cast %mul3A_299 : vector<16xf32> to vector<1x16xf32>
        tpu.vector_store %arg12[%swap3A_300, %swap3A_301], %swap3A_304 {strides = array<i32>} : memref<128x128xf32, #tpu.memory_space<vmem>>, vector<1x16xf32>,
        %get3A_305 = arith.index_cast %add3A_282 : i32 to index
        %get3A_306 = arith.constant 16 : index
        %get3A_307 = tpu.vector_load %arg12[%get3A_305, %get3A_306] {strides = array<i32>} : memref<128x128xf32, #tpu.memory_space<vmem>>, vector<1x16xf32>,
        %get3A_308 = vector.shape_cast %get3A_307 : vector<1x16xf32> to vector<16xf32>
        %mul3A_309 = vector.broadcast %squeeze3A_284 : f32 to vector<16xf32>
        %mul3A_310 = arith.mulf %get3A_308, %mul3A_309 : vector<16xf32>
        %swap3A_311 = arith.index_cast %add3A_282 : i32 to index
        %swap3A_312 = arith.constant 16 : index
        %swap3A_313 = tpu.vector_load %arg12[%swap3A_311, %swap3A_312] {strides = array<i32>} : memref<128x128xf32, #tpu.memory_space<vmem>>, vector<1x16xf32>,
        %swap3A_314 = vector.shape_cast %swap3A_313 : vector<1x16xf32> to vector<16xf32>
        %swap3A_315 = vector.shape_cast %mul3A_310 : vector<16xf32> to vector<1x16xf32>
        tpu.vector_store %arg12[%swap3A_311, %swap3A_312], %swap3A_315 {strides = array<i32>} : memref<128x128xf32, #tpu.memory_space<vmem>>, vector<1x16xf32>,
        %get3A_316 = arith.index_cast %add3A_282 : i32 to index
        %get3A_317 = arith.constant 32 : index
        %get3A_318 = tpu.vector_load %arg12[%get3A_316, %get3A_317] {strides = array<i32>} : memref<128x128xf32, #tpu.memory_space<vmem>>, vector<1x16xf32>,
        %get3A_319 = vector.shape_cast %get3A_318 : vector<1x16xf32> to vector<16xf32>
        %mul3A_320 = vector.broadcast %squeeze3A_284 : f32 to vector<16xf32>
        %mul3A_321 = arith.mulf %get3A_319, %mul3A_320 : vector<16xf32>
        %swap3A_322 = arith.index_cast %add3A_282 : i32 to index
        %swap3A_323 = arith.constant 32 : index
        %swap3A_324 = tpu.vector_load %arg12[%swap3A_322, %swap3A_323] {strides = array<i32>} : memref<128x128xf32, #tpu.memory_space<vmem>>, vector<1x16xf32>,
        %swap3A_325 = vector.shape_cast %swap3A_324 : vector<1x16xf32> to vector<16xf32>
        %swap3A_326 = vector.shape_cast %mul3A_321 : vector<16xf32> to vector<1x16xf32>
        tpu.vector_store %arg12[%swap3A_322, %swap3A_323], %swap3A_326 {strides = array<i32>} : memref<128x128xf32, #tpu.memory_space<vmem>>, vector<1x16xf32>,
        %get3A_327 = arith.index_cast %add3A_282 : i32 to index
        %get3A_328 = arith.constant 48 : index
        %get3A_329 = tpu.vector_load %arg12[%get3A_327, %get3A_328] {strides = array<i32>} : memref<128x128xf32, #tpu.memory_space<vmem>>, vector<1x16xf32>,
        %get3A_330 = vector.shape_cast %get3A_329 : vector<1x16xf32> to vector<16xf32>
        %mul3A_331 = vector.broadcast %squeeze3A_284 : f32 to vector<16xf32>
        %mul3A_332 = arith.mulf %get3A_330, %mul3A_331 : vector<16xf32>
        %swap3A_333 = arith.index_cast %add3A_282 : i32 to index
        %swap3A_334 = arith.constant 48 : index
        %swap3A_335 = tpu.vector_load %arg12[%swap3A_333, %swap3A_334] {strides = array<i32>} : memref<128x128xf32, #tpu.memory_space<vmem>>, vector<1x16xf32>,
        %swap3A_336 = vector.shape_cast %swap3A_335 : vector<1x16xf32> to vector<16xf32>
        %swap3A_337 = vector.shape_cast %mul3A_332 : vector<16xf32> to vector<1x16xf32>
        tpu.vector_store %arg12[%swap3A_333, %swap3A_334], %swap3A_337 {strides = array<i32>} : memref<128x128xf32, #tpu.memory_space<vmem>>, vector<1x16xf32>,
        %get3A_338 = arith.index_cast %add3A_282 : i32 to index
        %get3A_339 = arith.constant 64 : index
        %get3A_340 = tpu.vector_load %arg12[%get3A_338, %get3A_339] {strides = array<i32>} : memref<128x128xf32, #tpu.memory_space<vmem>>, vector<1x16xf32>,
        %get3A_341 = vector.shape_cast %get3A_340 : vector<1x16xf32> to vector<16xf32>
        %mul3A_342 = vector.broadcast %squeeze3A_284 : f32 to vector<16xf32>
        %mul3A_343 = arith.mulf %get3A_341, %mul3A_342 : vector<16xf32>
        %swap3A_344 = arith.index_cast %add3A_282 : i32 to index
        %swap3A_345 = arith.constant 64 : index
        %swap3A_346 = tpu.vector_load %arg12[%swap3A_344, %swap3A_345] {strides = array<i32>} : memref<128x128xf32, #tpu.memory_space<vmem>>, vector<1x16xf32>,
        %swap3A_347 = vector.shape_cast %swap3A_346 : vector<1x16xf32> to vector<16xf32>
        %swap3A_348 = vector.shape_cast %mul3A_343 : vector<16xf32> to vector<1x16xf32>
        tpu.vector_store %arg12[%swap3A_344, %swap3A_345], %swap3A_348 {strides = array<i32>} : memref<128x128xf32, #tpu.memory_space<vmem>>, vector<1x16xf32>,
        %get3A_349 = arith.index_cast %add3A_282 : i32 to index
        %get3A_350 = arith.constant 80 : index
        %get3A_351 = tpu.vector_load %arg12[%get3A_349, %get3A_350] {strides = array<i32>} : memref<128x128xf32, #tpu.memory_space<vmem>>, vector<1x16xf32>,
        %get3A_352 = vector.shape_cast %get3A_351 : vector<1x16xf32> to vector<16xf32>
        %mul3A_353 = vector.broadcast %squeeze3A_284 : f32 to vector<16xf32>
        %mul3A_354 = arith.mulf %get3A_352, %mul3A_353 : vector<16xf32>
        %swap3A_355 = arith.index_cast %add3A_282 : i32 to index
        %swap3A_356 = arith.constant 80 : index
        %swap3A_357 = tpu.vector_load %arg12[%swap3A_355, %swap3A_356] {strides = array<i32>} : memref<128x128xf32, #tpu.memory_space<vmem>>, vector<1x16xf32>,
        %swap3A_358 = vector.shape_cast %swap3A_357 : vector<1x16xf32> to vector<16xf32>
        %swap3A_359 = vector.shape_cast %mul3A_354 : vector<16xf32> to vector<1x16xf32>
        tpu.vector_store %arg12[%swap3A_355, %swap3A_356], %swap3A_359 {strides = array<i32>} : memref<128x128xf32, #tpu.memory_space<vmem>>, vector<1x16xf32>,
        %get3A_360 = arith.index_cast %add3A_282 : i32 to index
        %get3A_361 = arith.constant 96 : index
        %get3A_362 = tpu.vector_load %arg12[%get3A_360, %get3A_361] {strides = array<i32>} : memref<128x128xf32, #tpu.memory_space<vmem>>, vector<1x16xf32>,
        %get3A_363 = vector.shape_cast %get3A_362 : vector<1x16xf32> to vector<16xf32>
        %mul3A_364 = vector.broadcast %squeeze3A_284 : f32 to vector<16xf32>
        %mul3A_365 = arith.mulf %get3A_363, %mul3A_364 : vector<16xf32>
        %swap3A_366 = arith.index_cast %add3A_282 : i32 to index
        %swap3A_367 = arith.constant 96 : index
        %swap3A_368 = tpu.vector_load %arg12[%swap3A_366, %swap3A_367] {strides = array<i32>} : memref<128x128xf32, #tpu.memory_space<vmem>>, vector<1x16xf32>,
        %swap3A_369 = vector.shape_cast %swap3A_368 : vector<1x16xf32> to vector<16xf32>
        %swap3A_370 = vector.shape_cast %mul3A_365 : vector<16xf32> to vector<1x16xf32>
        tpu.vector_store %arg12[%swap3A_366, %swap3A_367], %swap3A_370 {strides = array<i32>} : memref<128x128xf32, #tpu.memory_space<vmem>>, vector<1x16xf32>,
        %get3A_371 = arith.index_cast %add3A_282 : i32 to index
        %get3A_372 = arith.constant 112 : index
        %get3A_373 = tpu.vector_load %arg12[%get3A_371, %get3A_372] {strides = array<i32>} : memref<128x128xf32, #tpu.memory_space<vmem>>, vector<1x16xf32>,
        %get3A_374 = vector.shape_cast %get3A_373 : vector<1x16xf32> to vector<16xf32>
        %mul3A_375 = vector.broadcast %squeeze3A_284 : f32 to vector<16xf32>
        %mul3A_376 = arith.mulf %get3A_374, %mul3A_375 : vector<16xf32>
        %swap3A_377 = arith.index_cast %add3A_282 : i32 to index
        %swap3A_378 = arith.constant 112 : index
        %swap3A_379 = tpu.vector_load %arg12[%swap3A_377, %swap3A_378] {strides = array<i32>} : memref<128x128xf32, #tpu.memory_space<vmem>>, vector<1x16xf32>,
        %swap3A_380 = vector.shape_cast %swap3A_379 : vector<1x16xf32> to vector<16xf32>
        %swap3A_381 = vector.shape_cast %mul3A_376 : vector<16xf32> to vector<1x16xf32>
        tpu.vector_store %arg12[%swap3A_377, %swap3A_378], %swap3A_381 {strides = array<i32>} : memref<128x128xf32, #tpu.memory_space<vmem>>, vector<1x16xf32>,
        %mul3A_382 = arith.constant 16 : i32
        %mul3A_383 = arith.muli %scan3A_54, %mul3A_382 : i32
        %add3A_384 = arith.constant 3 : i32
        %add3A_385 = arith.addi %mul3A_383, %add3A_384 : i32
        %slice3A_386 = vector.extract_strided_slice %mul3A_75 {offsets = [3], sizes = [1], strides = [1]} : vector<16xf32> to vector<1xf32>
        %squeeze3A_387 = vector.extract %slice3A_386[0] : f32 from vector<1xf32>
        %slice3A_388 = vector.extract_strided_slice %select_n3A_73 {offsets = [3], sizes = [1], strides = [1]} : vector<16xf32> to vector<1xf32>
        %squeeze3A_389 = vector.extract %slice3A_388[0] : f32 from vector<1xf32>
        %mul3A_390 = vector.broadcast %squeeze3A_389 : f32 to vector<16xf32>
        %mul3A_391 = arith.mulf %select_n3A, %mul3A_390 : vector<16xf32>
        %swap3A_392 = arith.index_cast %add3A_385 : i32 to index
        %swap3A_393 = arith.constant 0 : index
        %swap3A_394 = tpu.vector_load %arg13[%swap3A_392, %swap3A_393] {strides = array<i32>} : memref<128x16xf32, #tpu.memory_space<vmem>>, vector<1x16xf32>,
        %swap3A_395 = vector.shape_cast %swap3A_394 : vector<1x16xf32> to vector<16xf32>
        %swap3A_396 = vector.shape_cast %mul3A_391 : vector<16xf32> to vector<1x16xf32>
        tpu.vector_store %arg13[%swap3A_392, %swap3A_393], %swap3A_396 {strides = array<i32>} : memref<128x16xf32, #tpu.memory_space<vmem>>, vector<1x16xf32>,
        %get3A_397 = arith.index_cast %add3A_385 : i32 to index
        %get3A_398 = arith.constant 0 : index
        %get3A_399 = tpu.vector_load %arg12[%get3A_397, %get3A_398] {strides = array<i32>} : memref<128x128xf32, #tpu.memory_space<vmem>>, vector<1x16xf32>,
        %get3A_400 = vector.shape_cast %get3A_399 : vector<1x16xf32> to vector<16xf32>
        %mul3A_401 = vector.broadcast %squeeze3A_387 : f32 to vector<16xf32>
        %mul3A_402 = arith.mulf %get3A_400, %mul3A_401 : vector<16xf32>
        %swap3A_403 = arith.index_cast %add3A_385 : i32 to index
        %swap3A_404 = arith.constant 0 : index
        %swap3A_405 = tpu.vector_load %arg12[%swap3A_403, %swap3A_404] {strides = array<i32>} : memref<128x128xf32, #tpu.memory_space<vmem>>, vector<1x16xf32>,
        %swap3A_406 = vector.shape_cast %swap3A_405 : vector<1x16xf32> to vector<16xf32>
        %swap3A_407 = vector.shape_cast %mul3A_402 : vector<16xf32> to vector<1x16xf32>
        tpu.vector_store %arg12[%swap3A_403, %swap3A_404], %swap3A_407 {strides = array<i32>} : memref<128x128xf32, #tpu.memory_space<vmem>>, vector<1x16xf32>,
        %get3A_408 = arith.index_cast %add3A_385 : i32 to index
        %get3A_409 = arith.constant 16 : index
        %get3A_410 = tpu.vector_load %arg12[%get3A_408, %get3A_409] {strides = array<i32>} : memref<128x128xf32, #tpu.memory_space<vmem>>, vector<1x16xf32>,
        %get3A_411 = vector.shape_cast %get3A_410 : vector<1x16xf32> to vector<16xf32>
        %mul3A_412 = vector.broadcast %squeeze3A_387 : f32 to vector<16xf32>
        %mul3A_413 = arith.mulf %get3A_411, %mul3A_412 : vector<16xf32>
        %swap3A_414 = arith.index_cast %add3A_385 : i32 to index
        %swap3A_415 = arith.constant 16 : index
        %swap3A_416 = tpu.vector_load %arg12[%swap3A_414, %swap3A_415] {strides = array<i32>} : memref<128x128xf32, #tpu.memory_space<vmem>>, vector<1x16xf32>,
        %swap3A_417 = vector.shape_cast %swap3A_416 : vector<1x16xf32> to vector<16xf32>
        %swap3A_418 = vector.shape_cast %mul3A_413 : vector<16xf32> to vector<1x16xf32>
        tpu.vector_store %arg12[%swap3A_414, %swap3A_415], %swap3A_418 {strides = array<i32>} : memref<128x128xf32, #tpu.memory_space<vmem>>, vector<1x16xf32>,
        %get3A_419 = arith.index_cast %add3A_385 : i32 to index
        %get3A_420 = arith.constant 32 : index
        %get3A_421 = tpu.vector_load %arg12[%get3A_419, %get3A_420] {strides = array<i32>} : memref<128x128xf32, #tpu.memory_space<vmem>>, vector<1x16xf32>,
        %get3A_422 = vector.shape_cast %get3A_421 : vector<1x16xf32> to vector<16xf32>
        %mul3A_423 = vector.broadcast %squeeze3A_387 : f32 to vector<16xf32>
        %mul3A_424 = arith.mulf %get3A_422, %mul3A_423 : vector<16xf32>
        %swap3A_425 = arith.index_cast %add3A_385 : i32 to index
        %swap3A_426 = arith.constant 32 : index
        %swap3A_427 = tpu.vector_load %arg12[%swap3A_425, %swap3A_426] {strides = array<i32>} : memref<128x128xf32, #tpu.memory_space<vmem>>, vector<1x16xf32>,
        %swap3A_428 = vector.shape_cast %swap3A_427 : vector<1x16xf32> to vector<16xf32>
        %swap3A_429 = vector.shape_cast %mul3A_424 : vector<16xf32> to vector<1x16xf32>
        tpu.vector_store %arg12[%swap3A_425, %swap3A_426], %swap3A_429 {strides = array<i32>} : memref<128x128xf32, #tpu.memory_space<vmem>>, vector<1x16xf32>,
        %get3A_430 = arith.index_cast %add3A_385 : i32 to index
        %get3A_431 = arith.constant 48 : index
        %get3A_432 = tpu.vector_load %arg12[%get3A_430, %get3A_431] {strides = array<i32>} : memref<128x128xf32, #tpu.memory_space<vmem>>, vector<1x16xf32>,
        %get3A_433 = vector.shape_cast %get3A_432 : vector<1x16xf32> to vector<16xf32>
        %mul3A_434 = vector.broadcast %squeeze3A_387 : f32 to vector<16xf32>
        %mul3A_435 = arith.mulf %get3A_433, %mul3A_434 : vector<16xf32>
        %swap3A_436 = arith.index_cast %add3A_385 : i32 to index
        %swap3A_437 = arith.constant 48 : index
        %swap3A_438 = tpu.vector_load %arg12[%swap3A_436, %swap3A_437] {strides = array<i32>} : memref<128x128xf32, #tpu.memory_space<vmem>>, vector<1x16xf32>,
        %swap3A_439 = vector.shape_cast %swap3A_438 : vector<1x16xf32> to vector<16xf32>
        %swap3A_440 = vector.shape_cast %mul3A_435 : vector<16xf32> to vector<1x16xf32>
        tpu.vector_store %arg12[%swap3A_436, %swap3A_437], %swap3A_440 {strides = array<i32>} : memref<128x128xf32, #tpu.memory_space<vmem>>, vector<1x16xf32>,
        %get3A_441 = arith.index_cast %add3A_385 : i32 to index
        %get3A_442 = arith.constant 64 : index
        %get3A_443 = tpu.vector_load %arg12[%get3A_441, %get3A_442] {strides = array<i32>} : memref<128x128xf32, #tpu.memory_space<vmem>>, vector<1x16xf32>,
        %get3A_444 = vector.shape_cast %get3A_443 : vector<1x16xf32> to vector<16xf32>
        %mul3A_445 = vector.broadcast %squeeze3A_387 : f32 to vector<16xf32>
        %mul3A_446 = arith.mulf %get3A_444, %mul3A_445 : vector<16xf32>
        %swap3A_447 = arith.index_cast %add3A_385 : i32 to index
        %swap3A_448 = arith.constant 64 : index
        %swap3A_449 = tpu.vector_load %arg12[%swap3A_447, %swap3A_448] {strides = array<i32>} : memref<128x128xf32, #tpu.memory_space<vmem>>, vector<1x16xf32>,
        %swap3A_450 = vector.shape_cast %swap3A_449 : vector<1x16xf32> to vector<16xf32>
        %swap3A_451 = vector.shape_cast %mul3A_446 : vector<16xf32> to vector<1x16xf32>
        tpu.vector_store %arg12[%swap3A_447, %swap3A_448], %swap3A_451 {strides = array<i32>} : memref<128x128xf32, #tpu.memory_space<vmem>>, vector<1x16xf32>,
        %get3A_452 = arith.index_cast %add3A_385 : i32 to index
        %get3A_453 = arith.constant 80 : index
        %get3A_454 = tpu.vector_load %arg12[%get3A_452, %get3A_453] {strides = array<i32>} : memref<128x128xf32, #tpu.memory_space<vmem>>, vector<1x16xf32>,
        %get3A_455 = vector.shape_cast %get3A_454 : vector<1x16xf32> to vector<16xf32>
        %mul3A_456 = vector.broadcast %squeeze3A_387 : f32 to vector<16xf32>
        %mul3A_457 = arith.mulf %get3A_455, %mul3A_456 : vector<16xf32>
        %swap3A_458 = arith.index_cast %add3A_385 : i32 to index
        %swap3A_459 = arith.constant 80 : index
        %swap3A_460 = tpu.vector_load %arg12[%swap3A_458, %swap3A_459] {strides = array<i32>} : memref<128x128xf32, #tpu.memory_space<vmem>>, vector<1x16xf32>,
        %swap3A_461 = vector.shape_cast %swap3A_460 : vector<1x16xf32> to vector<16xf32>
        %swap3A_462 = vector.shape_cast %mul3A_457 : vector<16xf32> to vector<1x16xf32>
        tpu.vector_store %arg12[%swap3A_458, %swap3A_459], %swap3A_462 {strides = array<i32>} : memref<128x128xf32, #tpu.memory_space<vmem>>, vector<1x16xf32>,
        %get3A_463 = arith.index_cast %add3A_385 : i32 to index
        %get3A_464 = arith.constant 96 : index
        %get3A_465 = tpu.vector_load %arg12[%get3A_463, %get3A_464] {strides = array<i32>} : memref<128x128xf32, #tpu.memory_space<vmem>>, vector<1x16xf32>,
        %get3A_466 = vector.shape_cast %get3A_465 : vector<1x16xf32> to vector<16xf32>
        %mul3A_467 = vector.broadcast %squeeze3A_387 : f32 to vector<16xf32>
        %mul3A_468 = arith.mulf %get3A_466, %mul3A_467 : vector<16xf32>
        %swap3A_469 = arith.index_cast %add3A_385 : i32 to index
        %swap3A_470 = arith.constant 96 : index
        %swap3A_471 = tpu.vector_load %arg12[%swap3A_469, %swap3A_470] {strides = array<i32>} : memref<128x128xf32, #tpu.memory_space<vmem>>, vector<1x16xf32>,
        %swap3A_472 = vector.shape_cast %swap3A_471 : vector<1x16xf32> to vector<16xf32>
        %swap3A_473 = vector.shape_cast %mul3A_468 : vector<16xf32> to vector<1x16xf32>
        tpu.vector_store %arg12[%swap3A_469, %swap3A_470], %swap3A_473 {strides = array<i32>} : memref<128x128xf32, #tpu.memory_space<vmem>>, vector<1x16xf32>,
        %get3A_474 = arith.index_cast %add3A_385 : i32 to index
        %get3A_475 = arith.constant 112 : index
        %get3A_476 = tpu.vector_load %arg12[%get3A_474, %get3A_475] {strides = array<i32>} : memref<128x128xf32, #tpu.memory_space<vmem>>, vector<1x16xf32>,
        %get3A_477 = vector.shape_cast %get3A_476 : vector<1x16xf32> to vector<16xf32>
        %mul3A_478 = vector.broadcast %squeeze3A_387 : f32 to vector<16xf32>
        %mul3A_479 = arith.mulf %get3A_477, %mul3A_478 : vector<16xf32>
        %swap3A_480 = arith.index_cast %add3A_385 : i32 to index
        %swap3A_481 = arith.constant 112 : index
        %swap3A_482 = tpu.vector_load %arg12[%swap3A_480, %swap3A_481] {strides = array<i32>} : memref<128x128xf32, #tpu.memory_space<vmem>>, vector<1x16xf32>,
        %swap3A_483 = vector.shape_cast %swap3A_482 : vector<1x16xf32> to vector<16xf32>
        %swap3A_484 = vector.shape_cast %mul3A_479 : vector<16xf32> to vector<1x16xf32>
        tpu.vector_store %arg12[%swap3A_480, %swap3A_481], %swap3A_484 {strides = array<i32>} : memref<128x128xf32, #tpu.memory_space<vmem>>, vector<1x16xf32>,
        %mul3A_485 = arith.constant 16 : i32
        %mul3A_486 = arith.muli %scan3A_54, %mul3A_485 : i32
        %add3A_487 = arith.constant 4 : i32
        %add3A_488 = arith.addi %mul3A_486, %add3A_487 : i32
        %slice3A_489 = vector.extract_strided_slice %mul3A_75 {offsets = [4], sizes = [1], strides = [1]} : vector<16xf32> to vector<1xf32>
        %squeeze3A_490 = vector.extract %slice3A_489[0] : f32 from vector<1xf32>
        %slice3A_491 = vector.extract_strided_slice %select_n3A_73 {offsets = [4], sizes = [1], strides = [1]} : vector<16xf32> to vector<1xf32>
        %squeeze3A_492 = vector.extract %slice3A_491[0] : f32 from vector<1xf32>
        %mul3A_493 = vector.broadcast %squeeze3A_492 : f32 to vector<16xf32>
        %mul3A_494 = arith.mulf %select_n3A, %mul3A_493 : vector<16xf32>
        %swap3A_495 = arith.index_cast %add3A_488 : i32 to index
        %swap3A_496 = arith.constant 0 : index
        %swap3A_497 = tpu.vector_load %arg13[%swap3A_495, %swap3A_496] {strides = array<i32>} : memref<128x16xf32, #tpu.memory_space<vmem>>, vector<1x16xf32>,
        %swap3A_498 = vector.shape_cast %swap3A_497 : vector<1x16xf32> to vector<16xf32>
        %swap3A_499 = vector.shape_cast %mul3A_494 : vector<16xf32> to vector<1x16xf32>
        tpu.vector_store %arg13[%swap3A_495, %swap3A_496], %swap3A_499 {strides = array<i32>} : memref<128x16xf32, #tpu.memory_space<vmem>>, vector<1x16xf32>,
        %get3A_500 = arith.index_cast %add3A_488 : i32 to index
        %get3A_501 = arith.constant 0 : index
        %get3A_502 = tpu.vector_load %arg12[%get3A_500, %get3A_501] {strides = array<i32>} : memref<128x128xf32, #tpu.memory_space<vmem>>, vector<1x16xf32>,
        %get3A_503 = vector.shape_cast %get3A_502 : vector<1x16xf32> to vector<16xf32>
        %mul3A_504 = vector.broadcast %squeeze3A_490 : f32 to vector<16xf32>
        %mul3A_505 = arith.mulf %get3A_503, %mul3A_504 : vector<16xf32>
        %swap3A_506 = arith.index_cast %add3A_488 : i32 to index
        %swap3A_507 = arith.constant 0 : index
        %swap3A_508 = tpu.vector_load %arg12[%swap3A_506, %swap3A_507] {strides = array<i32>} : memref<128x128xf32, #tpu.memory_space<vmem>>, vector<1x16xf32>,
        %swap3A_509 = vector.shape_cast %swap3A_508 : vector<1x16xf32> to vector<16xf32>
        %swap3A_510 = vector.shape_cast %mul3A_505 : vector<16xf32> to vector<1x16xf32>
        tpu.vector_store %arg12[%swap3A_506, %swap3A_507], %swap3A_510 {strides = array<i32>} : memref<128x128xf32, #tpu.memory_space<vmem>>, vector<1x16xf32>,
        %get3A_511 = arith.index_cast %add3A_488 : i32 to index
        %get3A_512 = arith.constant 16 : index
        %get3A_513 = tpu.vector_load %arg12[%get3A_511, %get3A_512] {strides = array<i32>} : memref<128x128xf32, #tpu.memory_space<vmem>>, vector<1x16xf32>,
        %get3A_514 = vector.shape_cast %get3A_513 : vector<1x16xf32> to vector<16xf32>
        %mul3A_515 = vector.broadcast %squeeze3A_490 : f32 to vector<16xf32>
        %mul3A_516 = arith.mulf %get3A_514, %mul3A_515 : vector<16xf32>
        %swap3A_517 = arith.index_cast %add3A_488 : i32 to index
        %swap3A_518 = arith.constant 16 : index
        %swap3A_519 = tpu.vector_load %arg12[%swap3A_517, %swap3A_518] {strides = array<i32>} : memref<128x128xf32, #tpu.memory_space<vmem>>, vector<1x16xf32>,
        %swap3A_520 = vector.shape_cast %swap3A_519 : vector<1x16xf32> to vector<16xf32>
        %swap3A_521 = vector.shape_cast %mul3A_516 : vector<16xf32> to vector<1x16xf32>
        tpu.vector_store %arg12[%swap3A_517, %swap3A_518], %swap3A_521 {strides = array<i32>} : memref<128x128xf32, #tpu.memory_space<vmem>>, vector<1x16xf32>,
        %get3A_522 = arith.index_cast %add3A_488 : i32 to index
        %get3A_523 = arith.constant 32 : index
        %get3A_524 = tpu.vector_load %arg12[%get3A_522, %get3A_523] {strides = array<i32>} : memref<128x128xf32, #tpu.memory_space<vmem>>, vector<1x16xf32>,
        %get3A_525 = vector.shape_cast %get3A_524 : vector<1x16xf32> to vector<16xf32>
        %mul3A_526 = vector.broadcast %squeeze3A_490 : f32 to vector<16xf32>
        %mul3A_527 = arith.mulf %get3A_525, %mul3A_526 : vector<16xf32>
        %swap3A_528 = arith.index_cast %add3A_488 : i32 to index
        %swap3A_529 = arith.constant 32 : index
        %swap3A_530 = tpu.vector_load %arg12[%swap3A_528, %swap3A_529] {strides = array<i32>} : memref<128x128xf32, #tpu.memory_space<vmem>>, vector<1x16xf32>,
        %swap3A_531 = vector.shape_cast %swap3A_530 : vector<1x16xf32> to vector<16xf32>
        %swap3A_532 = vector.shape_cast %mul3A_527 : vector<16xf32> to vector<1x16xf32>
        tpu.vector_store %arg12[%swap3A_528, %swap3A_529], %swap3A_532 {strides = array<i32>} : memref<128x128xf32, #tpu.memory_space<vmem>>, vector<1x16xf32>,
        %get3A_533 = arith.index_cast %add3A_488 : i32 to index
        %get3A_534 = arith.constant 48 : index
        %get3A_535 = tpu.vector_load %arg12[%get3A_533, %get3A_534] {strides = array<i32>} : memref<128x128xf32, #tpu.memory_space<vmem>>, vector<1x16xf32>,
        %get3A_536 = vector.shape_cast %get3A_535 : vector<1x16xf32> to vector<16xf32>
        %mul3A_537 = vector.broadcast %squeeze3A_490 : f32 to vector<16xf32>
        %mul3A_538 = arith.mulf %get3A_536, %mul3A_537 : vector<16xf32>
        %swap3A_539 = arith.index_cast %add3A_488 : i32 to index
        %swap3A_540 = arith.constant 48 : index
        %swap3A_541 = tpu.vector_load %arg12[%swap3A_539, %swap3A_540] {strides = array<i32>} : memref<128x128xf32, #tpu.memory_space<vmem>>, vector<1x16xf32>,
        %swap3A_542 = vector.shape_cast %swap3A_541 : vector<1x16xf32> to vector<16xf32>
        %swap3A_543 = vector.shape_cast %mul3A_538 : vector<16xf32> to vector<1x16xf32>
        tpu.vector_store %arg12[%swap3A_539, %swap3A_540], %swap3A_543 {strides = array<i32>} : memref<128x128xf32, #tpu.memory_space<vmem>>, vector<1x16xf32>,
        %get3A_544 = arith.index_cast %add3A_488 : i32 to index
        %get3A_545 = arith.constant 64 : index
        %get3A_546 = tpu.vector_load %arg12[%get3A_544, %get3A_545] {strides = array<i32>} : memref<128x128xf32, #tpu.memory_space<vmem>>, vector<1x16xf32>,
        %get3A_547 = vector.shape_cast %get3A_546 : vector<1x16xf32> to vector<16xf32>
        %mul3A_548 = vector.broadcast %squeeze3A_490 : f32 to vector<16xf32>
        %mul3A_549 = arith.mulf %get3A_547, %mul3A_548 : vector<16xf32>
        %swap3A_550 = arith.index_cast %add3A_488 : i32 to index
        %swap3A_551 = arith.constant 64 : index
        %swap3A_552 = tpu.vector_load %arg12[%swap3A_550, %swap3A_551] {strides = array<i32>} : memref<128x128xf32, #tpu.memory_space<vmem>>, vector<1x16xf32>,
        %swap3A_553 = vector.shape_cast %swap3A_552 : vector<1x16xf32> to vector<16xf32>
        %swap3A_554 = vector.shape_cast %mul3A_549 : vector<16xf32> to vector<1x16xf32>
        tpu.vector_store %arg12[%swap3A_550, %swap3A_551], %swap3A_554 {strides = array<i32>} : memref<128x128xf32, #tpu.memory_space<vmem>>, vector<1x16xf32>,
        %get3A_555 = arith.index_cast %add3A_488 : i32 to index
        %get3A_556 = arith.constant 80 : index
        %get3A_557 = tpu.vector_load %arg12[%get3A_555, %get3A_556] {strides = array<i32>} : memref<128x128xf32, #tpu.memory_space<vmem>>, vector<1x16xf32>,
        %get3A_558 = vector.shape_cast %get3A_557 : vector<1x16xf32> to vector<16xf32>
        %mul3A_559 = vector.broadcast %squeeze3A_490 : f32 to vector<16xf32>
        %mul3A_560 = arith.mulf %get3A_558, %mul3A_559 : vector<16xf32>
        %swap3A_561 = arith.index_cast %add3A_488 : i32 to index
        %swap3A_562 = arith.constant 80 : index
        %swap3A_563 = tpu.vector_load %arg12[%swap3A_561, %swap3A_562] {strides = array<i32>} : memref<128x128xf32, #tpu.memory_space<vmem>>, vector<1x16xf32>,
        %swap3A_564 = vector.shape_cast %swap3A_563 : vector<1x16xf32> to vector<16xf32>
        %swap3A_565 = vector.shape_cast %mul3A_560 : vector<16xf32> to vector<1x16xf32>
        tpu.vector_store %arg12[%swap3A_561, %swap3A_562], %swap3A_565 {strides = array<i32>} : memref<128x128xf32, #tpu.memory_space<vmem>>, vector<1x16xf32>,
        %get3A_566 = arith.index_cast %add3A_488 : i32 to index
        %get3A_567 = arith.constant 96 : index
        %get3A_568 = tpu.vector_load %arg12[%get3A_566, %get3A_567] {strides = array<i32>} : memref<128x128xf32, #tpu.memory_space<vmem>>, vector<1x16xf32>,
        %get3A_569 = vector.shape_cast %get3A_568 : vector<1x16xf32> to vector<16xf32>
        %mul3A_570 = vector.broadcast %squeeze3A_490 : f32 to vector<16xf32>
        %mul3A_571 = arith.mulf %get3A_569, %mul3A_570 : vector<16xf32>
        %swap3A_572 = arith.index_cast %add3A_488 : i32 to index
        %swap3A_573 = arith.constant 96 : index
        %swap3A_574 = tpu.vector_load %arg12[%swap3A_572, %swap3A_573] {strides = array<i32>} : memref<128x128xf32, #tpu.memory_space<vmem>>, vector<1x16xf32>,
        %swap3A_575 = vector.shape_cast %swap3A_574 : vector<1x16xf32> to vector<16xf32>
        %swap3A_576 = vector.shape_cast %mul3A_571 : vector<16xf32> to vector<1x16xf32>
        tpu.vector_store %arg12[%swap3A_572, %swap3A_573], %swap3A_576 {strides = array<i32>} : memref<128x128xf32, #tpu.memory_space<vmem>>, vector<1x16xf32>,
        %get3A_577 = arith.index_cast %add3A_488 : i32 to index
        %get3A_578 = arith.constant 112 : index
        %get3A_579 = tpu.vector_load %arg12[%get3A_577, %get3A_578] {strides = array<i32>} : memref<128x128xf32, #tpu.memory_space<vmem>>, vector<1x16xf32>,
        %get3A_580 = vector.shape_cast %get3A_579 : vector<1x16xf32> to vector<16xf32>
        %mul3A_581 = vector.broadcast %squeeze3A_490 : f32 to vector<16xf32>
        %mul3A_582 = arith.mulf %get3A_580, %mul3A_581 : vector<16xf32>
        %swap3A_583 = arith.index_cast %add3A_488 : i32 to index
        %swap3A_584 = arith.constant 112 : index
        %swap3A_585 = tpu.vector_load %arg12[%swap3A_583, %swap3A_584] {strides = array<i32>} : memref<128x128xf32, #tpu.memory_space<vmem>>, vector<1x16xf32>,
        %swap3A_586 = vector.shape_cast %swap3A_585 : vector<1x16xf32> to vector<16xf32>
        %swap3A_587 = vector.shape_cast %mul3A_582 : vector<16xf32> to vector<1x16xf32>
        tpu.vector_store %arg12[%swap3A_583, %swap3A_584], %swap3A_587 {strides = array<i32>} : memref<128x128xf32, #tpu.memory_space<vmem>>, vector<1x16xf32>,
        %mul3A_588 = arith.constant 16 : i32
        %mul3A_589 = arith.muli %scan3A_54, %mul3A_588 : i32
        %add3A_590 = arith.constant 5 : i32
        %add3A_591 = arith.addi %mul3A_589, %add3A_590 : i32
        %slice3A_592 = vector.extract_strided_slice %mul3A_75 {offsets = [5], sizes = [1], strides = [1]} : vector<16xf32> to vector<1xf32>
        %squeeze3A_593 = vector.extract %slice3A_592[0] : f32 from vector<1xf32>
        %slice3A_594 = vector.extract_strided_slice %select_n3A_73 {offsets = [5], sizes = [1], strides = [1]} : vector<16xf32> to vector<1xf32>
        %squeeze3A_595 = vector.extract %slice3A_594[0] : f32 from vector<1xf32>
        %mul3A_596 = vector.broadcast %squeeze3A_595 : f32 to vector<16xf32>
        %mul3A_597 = arith.mulf %select_n3A, %mul3A_596 : vector<16xf32>
        %swap3A_598 = arith.index_cast %add3A_591 : i32 to index
        %swap3A_599 = arith.constant 0 : index
        %swap3A_600 = tpu.vector_load %arg13[%swap3A_598, %swap3A_599] {strides = array<i32>} : memref<128x16xf32, #tpu.memory_space<vmem>>, vector<1x16xf32>,
        %swap3A_601 = vector.shape_cast %swap3A_600 : vector<1x16xf32> to vector<16xf32>
        %swap3A_602 = vector.shape_cast %mul3A_597 : vector<16xf32> to vector<1x16xf32>
        tpu.vector_store %arg13[%swap3A_598, %swap3A_599], %swap3A_602 {strides = array<i32>} : memref<128x16xf32, #tpu.memory_space<vmem>>, vector<1x16xf32>,
        %get3A_603 = arith.index_cast %add3A_591 : i32 to index
        %get3A_604 = arith.constant 0 : index
        %get3A_605 = tpu.vector_load %arg12[%get3A_603, %get3A_604] {strides = array<i32>} : memref<128x128xf32, #tpu.memory_space<vmem>>, vector<1x16xf32>,
        %get3A_606 = vector.shape_cast %get3A_605 : vector<1x16xf32> to vector<16xf32>
        %mul3A_607 = vector.broadcast %squeeze3A_593 : f32 to vector<16xf32>
        %mul3A_608 = arith.mulf %get3A_606, %mul3A_607 : vector<16xf32>
        %swap3A_609 = arith.index_cast %add3A_591 : i32 to index
        %swap3A_610 = arith.constant 0 : index
        %swap3A_611 = tpu.vector_load %arg12[%swap3A_609, %swap3A_610] {strides = array<i32>} : memref<128x128xf32, #tpu.memory_space<vmem>>, vector<1x16xf32>,
        %swap3A_612 = vector.shape_cast %swap3A_611 : vector<1x16xf32> to vector<16xf32>
        %swap3A_613 = vector.shape_cast %mul3A_608 : vector<16xf32> to vector<1x16xf32>
        tpu.vector_store %arg12[%swap3A_609, %swap3A_610], %swap3A_613 {strides = array<i32>} : memref<128x128xf32, #tpu.memory_space<vmem>>, vector<1x16xf32>,
        %get3A_614 = arith.index_cast %add3A_591 : i32 to index
        %get3A_615 = arith.constant 16 : index
        %get3A_616 = tpu.vector_load %arg12[%get3A_614, %get3A_615] {strides = array<i32>} : memref<128x128xf32, #tpu.memory_space<vmem>>, vector<1x16xf32>,
        %get3A_617 = vector.shape_cast %get3A_616 : vector<1x16xf32> to vector<16xf32>
        %mul3A_618 = vector.broadcast %squeeze3A_593 : f32 to vector<16xf32>
        %mul3A_619 = arith.mulf %get3A_617, %mul3A_618 : vector<16xf32>
        %swap3A_620 = arith.index_cast %add3A_591 : i32 to index
        %swap3A_621 = arith.constant 16 : index
        %swap3A_622 = tpu.vector_load %arg12[%swap3A_620, %swap3A_621] {strides = array<i32>} : memref<128x128xf32, #tpu.memory_space<vmem>>, vector<1x16xf32>,
        %swap3A_623 = vector.shape_cast %swap3A_622 : vector<1x16xf32> to vector<16xf32>
        %swap3A_624 = vector.shape_cast %mul3A_619 : vector<16xf32> to vector<1x16xf32>
        tpu.vector_store %arg12[%swap3A_620, %swap3A_621], %swap3A_624 {strides = array<i32>} : memref<128x128xf32, #tpu.memory_space<vmem>>, vector<1x16xf32>,
        %get3A_625 = arith.index_cast %add3A_591 : i32 to index
        %get3A_626 = arith.constant 32 : index
        %get3A_627 = tpu.vector_load %arg12[%get3A_625, %get3A_626] {strides = array<i32>} : memref<128x128xf32, #tpu.memory_space<vmem>>, vector<1x16xf32>,
        %get3A_628 = vector.shape_cast %get3A_627 : vector<1x16xf32> to vector<16xf32>
        %mul3A_629 = vector.broadcast %squeeze3A_593 : f32 to vector<16xf32>
        %mul3A_630 = arith.mulf %get3A_628, %mul3A_629 : vector<16xf32>
        %swap3A_631 = arith.index_cast %add3A_591 : i32 to index
        %swap3A_632 = arith.constant 32 : index
        %swap3A_633 = tpu.vector_load %arg12[%swap3A_631, %swap3A_632] {strides = array<i32>} : memref<128x128xf32, #tpu.memory_space<vmem>>, vector<1x16xf32>,
        %swap3A_634 = vector.shape_cast %swap3A_633 : vector<1x16xf32> to vector<16xf32>
        %swap3A_635 = vector.shape_cast %mul3A_630 : vector<16xf32> to vector<1x16xf32>
        tpu.vector_store %arg12[%swap3A_631, %swap3A_632], %swap3A_635 {strides = array<i32>} : memref<128x128xf32, #tpu.memory_space<vmem>>, vector<1x16xf32>,
        %get3A_636 = arith.index_cast %add3A_591 : i32 to index
        %get3A_637 = arith.constant 48 : index
        %get3A_638 = tpu.vector_load %arg12[%get3A_636, %get3A_637] {strides = array<i32>} : memref<128x128xf32, #tpu.memory_space<vmem>>, vector<1x16xf32>,
        %get3A_639 = vector.shape_cast %get3A_638 : vector<1x16xf32> to vector<16xf32>
        %mul3A_640 = vector.broadcast %squeeze3A_593 : f32 to vector<16xf32>
        %mul3A_641 = arith.mulf %get3A_639, %mul3A_640 : vector<16xf32>
        %swap3A_642 = arith.index_cast %add3A_591 : i32 to index
        %swap3A_643 = arith.constant 48 : index
        %swap3A_644 = tpu.vector_load %arg12[%swap3A_642, %swap3A_643] {strides = array<i32>} : memref<128x128xf32, #tpu.memory_space<vmem>>, vector<1x16xf32>,
        %swap3A_645 = vector.shape_cast %swap3A_644 : vector<1x16xf32> to vector<16xf32>
        %swap3A_646 = vector.shape_cast %mul3A_641 : vector<16xf32> to vector<1x16xf32>
        tpu.vector_store %arg12[%swap3A_642, %swap3A_643], %swap3A_646 {strides = array<i32>} : memref<128x128xf32, #tpu.memory_space<vmem>>, vector<1x16xf32>,
        %get3A_647 = arith.index_cast %add3A_591 : i32 to index
        %get3A_648 = arith.constant 64 : index
        %get3A_649 = tpu.vector_load %arg12[%get3A_647, %get3A_648] {strides = array<i32>} : memref<128x128xf32, #tpu.memory_space<vmem>>, vector<1x16xf32>,
        %get3A_650 = vector.shape_cast %get3A_649 : vector<1x16xf32> to vector<16xf32>
        %mul3A_651 = vector.broadcast %squeeze3A_593 : f32 to vector<16xf32>
        %mul3A_652 = arith.mulf %get3A_650, %mul3A_651 : vector<16xf32>
        %swap3A_653 = arith.index_cast %add3A_591 : i32 to index
        %swap3A_654 = arith.constant 64 : index
        %swap3A_655 = tpu.vector_load %arg12[%swap3A_653, %swap3A_654] {strides = array<i32>} : memref<128x128xf32, #tpu.memory_space<vmem>>, vector<1x16xf32>,
        %swap3A_656 = vector.shape_cast %swap3A_655 : vector<1x16xf32> to vector<16xf32>
        %swap3A_657 = vector.shape_cast %mul3A_652 : vector<16xf32> to vector<1x16xf32>
        tpu.vector_store %arg12[%swap3A_653, %swap3A_654], %swap3A_657 {strides = array<i32>} : memref<128x128xf32, #tpu.memory_space<vmem>>, vector<1x16xf32>,
        %get3A_658 = arith.index_cast %add3A_591 : i32 to index
        %get3A_659 = arith.constant 80 : index
        %get3A_660 = tpu.vector_load %arg12[%get3A_658, %get3A_659] {strides = array<i32>} : memref<128x128xf32, #tpu.memory_space<vmem>>, vector<1x16xf32>,
        %get3A_661 = vector.shape_cast %get3A_660 : vector<1x16xf32> to vector<16xf32>
        %mul3A_662 = vector.broadcast %squeeze3A_593 : f32 to vector<16xf32>
        %mul3A_663 = arith.mulf %get3A_661, %mul3A_662 : vector<16xf32>
        %swap3A_664 = arith.index_cast %add3A_591 : i32 to index
        %swap3A_665 = arith.constant 80 : index
        %swap3A_666 = tpu.vector_load %arg12[%swap3A_664, %swap3A_665] {strides = array<i32>} : memref<128x128xf32, #tpu.memory_space<vmem>>, vector<1x16xf32>,
        %swap3A_667 = vector.shape_cast %swap3A_666 : vector<1x16xf32> to vector<16xf32>
        %swap3A_668 = vector.shape_cast %mul3A_663 : vector<16xf32> to vector<1x16xf32>
        tpu.vector_store %arg12[%swap3A_664, %swap3A_665], %swap3A_668 {strides = array<i32>} : memref<128x128xf32, #tpu.memory_space<vmem>>, vector<1x16xf32>,
        %get3A_669 = arith.index_cast %add3A_591 : i32 to index
        %get3A_670 = arith.constant 96 : index
        %get3A_671 = tpu.vector_load %arg12[%get3A_669, %get3A_670] {strides = array<i32>} : memref<128x128xf32, #tpu.memory_space<vmem>>, vector<1x16xf32>,
        %get3A_672 = vector.shape_cast %get3A_671 : vector<1x16xf32> to vector<16xf32>
        %mul3A_673 = vector.broadcast %squeeze3A_593 : f32 to vector<16xf32>
        %mul3A_674 = arith.mulf %get3A_672, %mul3A_673 : vector<16xf32>
        %swap3A_675 = arith.index_cast %add3A_591 : i32 to index
        %swap3A_676 = arith.constant 96 : index
        %swap3A_677 = tpu.vector_load %arg12[%swap3A_675, %swap3A_676] {strides = array<i32>} : memref<128x128xf32, #tpu.memory_space<vmem>>, vector<1x16xf32>,
        %swap3A_678 = vector.shape_cast %swap3A_677 : vector<1x16xf32> to vector<16xf32>
        %swap3A_679 = vector.shape_cast %mul3A_674 : vector<16xf32> to vector<1x16xf32>
        tpu.vector_store %arg12[%swap3A_675, %swap3A_676], %swap3A_679 {strides = array<i32>} : memref<128x128xf32, #tpu.memory_space<vmem>>, vector<1x16xf32>,
        %get3A_680 = arith.index_cast %add3A_591 : i32 to index
        %get3A_681 = arith.constant 112 : index
        %get3A_682 = tpu.vector_load %arg12[%get3A_680, %get3A_681] {strides = array<i32>} : memref<128x128xf32, #tpu.memory_space<vmem>>, vector<1x16xf32>,
        %get3A_683 = vector.shape_cast %get3A_682 : vector<1x16xf32> to vector<16xf32>
        %mul3A_684 = vector.broadcast %squeeze3A_593 : f32 to vector<16xf32>
        %mul3A_685 = arith.mulf %get3A_683, %mul3A_684 : vector<16xf32>
        %swap3A_686 = arith.index_cast %add3A_591 : i32 to index
        %swap3A_687 = arith.constant 112 : index
        %swap3A_688 = tpu.vector_load %arg12[%swap3A_686, %swap3A_687] {strides = array<i32>} : memref<128x128xf32, #tpu.memory_space<vmem>>, vector<1x16xf32>,
        %swap3A_689 = vector.shape_cast %swap3A_688 : vector<1x16xf32> to vector<16xf32>
        %swap3A_690 = vector.shape_cast %mul3A_685 : vector<16xf32> to vector<1x16xf32>
        tpu.vector_store %arg12[%swap3A_686, %swap3A_687], %swap3A_690 {strides = array<i32>} : memref<128x128xf32, #tpu.memory_space<vmem>>, vector<1x16xf32>,
        %mul3A_691 = arith.constant 16 : i32
        %mul3A_692 = arith.muli %scan3A_54, %mul3A_691 : i32
        %add3A_693 = arith.constant 6 : i32
        %add3A_694 = arith.addi %mul3A_692, %add3A_693 : i32
        %slice3A_695 = vector.extract_strided_slice %mul3A_75 {offsets = [6], sizes = [1], strides = [1]} : vector<16xf32> to vector<1xf32>
        %squeeze3A_696 = vector.extract %slice3A_695[0] : f32 from vector<1xf32>
        %slice3A_697 = vector.extract_strided_slice %select_n3A_73 {offsets = [6], sizes = [1], strides = [1]} : vector<16xf32> to vector<1xf32>
        %squeeze3A_698 = vector.extract %slice3A_697[0] : f32 from vector<1xf32>
        %mul3A_699 = vector.broadcast %squeeze3A_698 : f32 to vector<16xf32>
        %mul3A_700 = arith.mulf %select_n3A, %mul3A_699 : vector<16xf32>
        %swap3A_701 = arith.index_cast %add3A_694 : i32 to index
        %swap3A_702 = arith.constant 0 : index
        %swap3A_703 = tpu.vector_load %arg13[%swap3A_701, %swap3A_702] {strides = array<i32>} : memref<128x16xf32, #tpu.memory_space<vmem>>, vector<1x16xf32>,
        %swap3A_704 = vector.shape_cast %swap3A_703 : vector<1x16xf32> to vector<16xf32>
        %swap3A_705 = vector.shape_cast %mul3A_700 : vector<16xf32> to vector<1x16xf32>
        tpu.vector_store %arg13[%swap3A_701, %swap3A_702], %swap3A_705 {strides = array<i32>} : memref<128x16xf32, #tpu.memory_space<vmem>>, vector<1x16xf32>,
        %get3A_706 = arith.index_cast %add3A_694 : i32 to index
        %get3A_707 = arith.constant 0 : index
        %get3A_708 = tpu.vector_load %arg12[%get3A_706, %get3A_707] {strides = array<i32>} : memref<128x128xf32, #tpu.memory_space<vmem>>, vector<1x16xf32>,
        %get3A_709 = vector.shape_cast %get3A_708 : vector<1x16xf32> to vector<16xf32>
        %mul3A_710 = vector.broadcast %squeeze3A_696 : f32 to vector<16xf32>
        %mul3A_711 = arith.mulf %get3A_709, %mul3A_710 : vector<16xf32>
        %swap3A_712 = arith.index_cast %add3A_694 : i32 to index
        %swap3A_713 = arith.constant 0 : index
        %swap3A_714 = tpu.vector_load %arg12[%swap3A_712, %swap3A_713] {strides = array<i32>} : memref<128x128xf32, #tpu.memory_space<vmem>>, vector<1x16xf32>,
        %swap3A_715 = vector.shape_cast %swap3A_714 : vector<1x16xf32> to vector<16xf32>
        %swap3A_716 = vector.shape_cast %mul3A_711 : vector<16xf32> to vector<1x16xf32>
        tpu.vector_store %arg12[%swap3A_712, %swap3A_713], %swap3A_716 {strides = array<i32>} : memref<128x128xf32, #tpu.memory_space<vmem>>, vector<1x16xf32>,
        %get3A_717 = arith.index_cast %add3A_694 : i32 to index
        %get3A_718 = arith.constant 16 : index
        %get3A_719 = tpu.vector_load %arg12[%get3A_717, %get3A_718] {strides = array<i32>} : memref<128x128xf32, #tpu.memory_space<vmem>>, vector<1x16xf32>,
        %get3A_720 = vector.shape_cast %get3A_719 : vector<1x16xf32> to vector<16xf32>
        %mul3A_721 = vector.broadcast %squeeze3A_696 : f32 to vector<16xf32>
        %mul3A_722 = arith.mulf %get3A_720, %mul3A_721 : vector<16xf32>
        %swap3A_723 = arith.index_cast %add3A_694 : i32 to index
        %swap3A_724 = arith.constant 16 : index
        %swap3A_725 = tpu.vector_load %arg12[%swap3A_723, %swap3A_724] {strides = array<i32>} : memref<128x128xf32, #tpu.memory_space<vmem>>, vector<1x16xf32>,
        %swap3A_726 = vector.shape_cast %swap3A_725 : vector<1x16xf32> to vector<16xf32>
        %swap3A_727 = vector.shape_cast %mul3A_722 : vector<16xf32> to vector<1x16xf32>
        tpu.vector_store %arg12[%swap3A_723, %swap3A_724], %swap3A_727 {strides = array<i32>} : memref<128x128xf32, #tpu.memory_space<vmem>>, vector<1x16xf32>,
        %get3A_728 = arith.index_cast %add3A_694 : i32 to index
        %get3A_729 = arith.constant 32 : index
        %get3A_730 = tpu.vector_load %arg12[%get3A_728, %get3A_729] {strides = array<i32>} : memref<128x128xf32, #tpu.memory_space<vmem>>, vector<1x16xf32>,
        %get3A_731 = vector.shape_cast %get3A_730 : vector<1x16xf32> to vector<16xf32>
        %mul3A_732 = vector.broadcast %squeeze3A_696 : f32 to vector<16xf32>
        %mul3A_733 = arith.mulf %get3A_731, %mul3A_732 : vector<16xf32>
        %swap3A_734 = arith.index_cast %add3A_694 : i32 to index
        %swap3A_735 = arith.constant 32 : index
        %swap3A_736 = tpu.vector_load %arg12[%swap3A_734, %swap3A_735] {strides = array<i32>} : memref<128x128xf32, #tpu.memory_space<vmem>>, vector<1x16xf32>,
        %swap3A_737 = vector.shape_cast %swap3A_736 : vector<1x16xf32> to vector<16xf32>
        %swap3A_738 = vector.shape_cast %mul3A_733 : vector<16xf32> to vector<1x16xf32>
        tpu.vector_store %arg12[%swap3A_734, %swap3A_735], %swap3A_738 {strides = array<i32>} : memref<128x128xf32, #tpu.memory_space<vmem>>, vector<1x16xf32>,
        %get3A_739 = arith.index_cast %add3A_694 : i32 to index
        %get3A_740 = arith.constant 48 : index
        %get3A_741 = tpu.vector_load %arg12[%get3A_739, %get3A_740] {strides = array<i32>} : memref<128x128xf32, #tpu.memory_space<vmem>>, vector<1x16xf32>,
        %get3A_742 = vector.shape_cast %get3A_741 : vector<1x16xf32> to vector<16xf32>
        %mul3A_743 = vector.broadcast %squeeze3A_696 : f32 to vector<16xf32>
        %mul3A_744 = arith.mulf %get3A_742, %mul3A_743 : vector<16xf32>
        %swap3A_745 = arith.index_cast %add3A_694 : i32 to index
        %swap3A_746 = arith.constant 48 : index
        %swap3A_747 = tpu.vector_load %arg12[%swap3A_745, %swap3A_746] {strides = array<i32>} : memref<128x128xf32, #tpu.memory_space<vmem>>, vector<1x16xf32>,
        %swap3A_748 = vector.shape_cast %swap3A_747 : vector<1x16xf32> to vector<16xf32>
        %swap3A_749 = vector.shape_cast %mul3A_744 : vector<16xf32> to vector<1x16xf32>
        tpu.vector_store %arg12[%swap3A_745, %swap3A_746], %swap3A_749 {strides = array<i32>} : memref<128x128xf32, #tpu.memory_space<vmem>>, vector<1x16xf32>,
        %get3A_750 = arith.index_cast %add3A_694 : i32 to index
        %get3A_751 = arith.constant 64 : index
        %get3A_752 = tpu.vector_load %arg12[%get3A_750, %get3A_751] {strides = array<i32>} : memref<128x128xf32, #tpu.memory_space<vmem>>, vector<1x16xf32>,
        %get3A_753 = vector.shape_cast %get3A_752 : vector<1x16xf32> to vector<16xf32>
        %mul3A_754 = vector.broadcast %squeeze3A_696 : f32 to vector<16xf32>
        %mul3A_755 = arith.mulf %get3A_753, %mul3A_754 : vector<16xf32>
        %swap3A_756 = arith.index_cast %add3A_694 : i32 to index
        %swap3A_757 = arith.constant 64 : index
        %swap3A_758 = tpu.vector_load %arg12[%swap3A_756, %swap3A_757] {strides = array<i32>} : memref<128x128xf32, #tpu.memory_space<vmem>>, vector<1x16xf32>,
        %swap3A_759 = vector.shape_cast %swap3A_758 : vector<1x16xf32> to vector<16xf32>
        %swap3A_760 = vector.shape_cast %mul3A_755 : vector<16xf32> to vector<1x16xf32>
        tpu.vector_store %arg12[%swap3A_756, %swap3A_757], %swap3A_760 {strides = array<i32>} : memref<128x128xf32, #tpu.memory_space<vmem>>, vector<1x16xf32>,
        %get3A_761 = arith.index_cast %add3A_694 : i32 to index
        %get3A_762 = arith.constant 80 : index
        %get3A_763 = tpu.vector_load %arg12[%get3A_761, %get3A_762] {strides = array<i32>} : memref<128x128xf32, #tpu.memory_space<vmem>>, vector<1x16xf32>,
        %get3A_764 = vector.shape_cast %get3A_763 : vector<1x16xf32> to vector<16xf32>
        %mul3A_765 = vector.broadcast %squeeze3A_696 : f32 to vector<16xf32>
        %mul3A_766 = arith.mulf %get3A_764, %mul3A_765 : vector<16xf32>
        %swap3A_767 = arith.index_cast %add3A_694 : i32 to index
        %swap3A_768 = arith.constant 80 : index
        %swap3A_769 = tpu.vector_load %arg12[%swap3A_767, %swap3A_768] {strides = array<i32>} : memref<128x128xf32, #tpu.memory_space<vmem>>, vector<1x16xf32>,
        %swap3A_770 = vector.shape_cast %swap3A_769 : vector<1x16xf32> to vector<16xf32>
        %swap3A_771 = vector.shape_cast %mul3A_766 : vector<16xf32> to vector<1x16xf32>
        tpu.vector_store %arg12[%swap3A_767, %swap3A_768], %swap3A_771 {strides = array<i32>} : memref<128x128xf32, #tpu.memory_space<vmem>>, vector<1x16xf32>,
        %get3A_772 = arith.index_cast %add3A_694 : i32 to index
        %get3A_773 = arith.constant 96 : index
        %get3A_774 = tpu.vector_load %arg12[%get3A_772, %get3A_773] {strides = array<i32>} : memref<128x128xf32, #tpu.memory_space<vmem>>, vector<1x16xf32>,
        %get3A_775 = vector.shape_cast %get3A_774 : vector<1x16xf32> to vector<16xf32>
        %mul3A_776 = vector.broadcast %squeeze3A_696 : f32 to vector<16xf32>
        %mul3A_777 = arith.mulf %get3A_775, %mul3A_776 : vector<16xf32>
        %swap3A_778 = arith.index_cast %add3A_694 : i32 to index
        %swap3A_779 = arith.constant 96 : index
        %swap3A_780 = tpu.vector_load %arg12[%swap3A_778, %swap3A_779] {strides = array<i32>} : memref<128x128xf32, #tpu.memory_space<vmem>>, vector<1x16xf32>,
        %swap3A_781 = vector.shape_cast %swap3A_780 : vector<1x16xf32> to vector<16xf32>
        %swap3A_782 = vector.shape_cast %mul3A_777 : vector<16xf32> to vector<1x16xf32>
        tpu.vector_store %arg12[%swap3A_778, %swap3A_779], %swap3A_782 {strides = array<i32>} : memref<128x128xf32, #tpu.memory_space<vmem>>, vector<1x16xf32>,
        %get3A_783 = arith.index_cast %add3A_694 : i32 to index
        %get3A_784 = arith.constant 112 : index
        %get3A_785 = tpu.vector_load %arg12[%get3A_783, %get3A_784] {strides = array<i32>} : memref<128x128xf32, #tpu.memory_space<vmem>>, vector<1x16xf32>,
        %get3A_786 = vector.shape_cast %get3A_785 : vector<1x16xf32> to vector<16xf32>
        %mul3A_787 = vector.broadcast %squeeze3A_696 : f32 to vector<16xf32>
        %mul3A_788 = arith.mulf %get3A_786, %mul3A_787 : vector<16xf32>
        %swap3A_789 = arith.index_cast %add3A_694 : i32 to index
        %swap3A_790 = arith.constant 112 : index
        %swap3A_791 = tpu.vector_load %arg12[%swap3A_789, %swap3A_790] {strides = array<i32>} : memref<128x128xf32, #tpu.memory_space<vmem>>, vector<1x16xf32>,
        %swap3A_792 = vector.shape_cast %swap3A_791 : vector<1x16xf32> to vector<16xf32>
        %swap3A_793 = vector.shape_cast %mul3A_788 : vector<16xf32> to vector<1x16xf32>
        tpu.vector_store %arg12[%swap3A_789, %swap3A_790], %swap3A_793 {strides = array<i32>} : memref<128x128xf32, #tpu.memory_space<vmem>>, vector<1x16xf32>,
        %mul3A_794 = arith.constant 16 : i32
        %mul3A_795 = arith.muli %scan3A_54, %mul3A_794 : i32
        %add3A_796 = arith.constant 7 : i32
        %add3A_797 = arith.addi %mul3A_795, %add3A_796 : i32
        %slice3A_798 = vector.extract_strided_slice %mul3A_75 {offsets = [7], sizes = [1], strides = [1]} : vector<16xf32> to vector<1xf32>
        %squeeze3A_799 = vector.extract %slice3A_798[0] : f32 from vector<1xf32>
        %slice3A_800 = vector.extract_strided_slice %select_n3A_73 {offsets = [7], sizes = [1], strides = [1]} : vector<16xf32> to vector<1xf32>
        %squeeze3A_801 = vector.extract %slice3A_800[0] : f32 from vector<1xf32>
        %mul3A_802 = vector.broadcast %squeeze3A_801 : f32 to vector<16xf32>
        %mul3A_803 = arith.mulf %select_n3A, %mul3A_802 : vector<16xf32>
        %swap3A_804 = arith.index_cast %add3A_797 : i32 to index
        %swap3A_805 = arith.constant 0 : index
        %swap3A_806 = tpu.vector_load %arg13[%swap3A_804, %swap3A_805] {strides = array<i32>} : memref<128x16xf32, #tpu.memory_space<vmem>>, vector<1x16xf32>,
        %swap3A_807 = vector.shape_cast %swap3A_806 : vector<1x16xf32> to vector<16xf32>
        %swap3A_808 = vector.shape_cast %mul3A_803 : vector<16xf32> to vector<1x16xf32>
        tpu.vector_store %arg13[%swap3A_804, %swap3A_805], %swap3A_808 {strides = array<i32>} : memref<128x16xf32, #tpu.memory_space<vmem>>, vector<1x16xf32>,
        %get3A_809 = arith.index_cast %add3A_797 : i32 to index
        %get3A_810 = arith.constant 0 : index
        %get3A_811 = tpu.vector_load %arg12[%get3A_809, %get3A_810] {strides = array<i32>} : memref<128x128xf32, #tpu.memory_space<vmem>>, vector<1x16xf32>,
        %get3A_812 = vector.shape_cast %get3A_811 : vector<1x16xf32> to vector<16xf32>
        %mul3A_813 = vector.broadcast %squeeze3A_799 : f32 to vector<16xf32>
        %mul3A_814 = arith.mulf %get3A_812, %mul3A_813 : vector<16xf32>
        %swap3A_815 = arith.index_cast %add3A_797 : i32 to index
        %swap3A_816 = arith.constant 0 : index
        %swap3A_817 = tpu.vector_load %arg12[%swap3A_815, %swap3A_816] {strides = array<i32>} : memref<128x128xf32, #tpu.memory_space<vmem>>, vector<1x16xf32>,
        %swap3A_818 = vector.shape_cast %swap3A_817 : vector<1x16xf32> to vector<16xf32>
        %swap3A_819 = vector.shape_cast %mul3A_814 : vector<16xf32> to vector<1x16xf32>
        tpu.vector_store %arg12[%swap3A_815, %swap3A_816], %swap3A_819 {strides = array<i32>} : memref<128x128xf32, #tpu.memory_space<vmem>>, vector<1x16xf32>,
        %get3A_820 = arith.index_cast %add3A_797 : i32 to index
        %get3A_821 = arith.constant 16 : index
        %get3A_822 = tpu.vector_load %arg12[%get3A_820, %get3A_821] {strides = array<i32>} : memref<128x128xf32, #tpu.memory_space<vmem>>, vector<1x16xf32>,
        %get3A_823 = vector.shape_cast %get3A_822 : vector<1x16xf32> to vector<16xf32>
        %mul3A_824 = vector.broadcast %squeeze3A_799 : f32 to vector<16xf32>
        %mul3A_825 = arith.mulf %get3A_823, %mul3A_824 : vector<16xf32>
        %swap3A_826 = arith.index_cast %add3A_797 : i32 to index
        %swap3A_827 = arith.constant 16 : index
        %swap3A_828 = tpu.vector_load %arg12[%swap3A_826, %swap3A_827] {strides = array<i32>} : memref<128x128xf32, #tpu.memory_space<vmem>>, vector<1x16xf32>,
        %swap3A_829 = vector.shape_cast %swap3A_828 : vector<1x16xf32> to vector<16xf32>
        %swap3A_830 = vector.shape_cast %mul3A_825 : vector<16xf32> to vector<1x16xf32>
        tpu.vector_store %arg12[%swap3A_826, %swap3A_827], %swap3A_830 {strides = array<i32>} : memref<128x128xf32, #tpu.memory_space<vmem>>, vector<1x16xf32>,
        %get3A_831 = arith.index_cast %add3A_797 : i32 to index
        %get3A_832 = arith.constant 32 : index
        %get3A_833 = tpu.vector_load %arg12[%get3A_831, %get3A_832] {strides = array<i32>} : memref<128x128xf32, #tpu.memory_space<vmem>>, vector<1x16xf32>,
        %get3A_834 = vector.shape_cast %get3A_833 : vector<1x16xf32> to vector<16xf32>
        %mul3A_835 = vector.broadcast %squeeze3A_799 : f32 to vector<16xf32>
        %mul3A_836 = arith.mulf %get3A_834, %mul3A_835 : vector<16xf32>
        %swap3A_837 = arith.index_cast %add3A_797 : i32 to index
        %swap3A_838 = arith.constant 32 : index
        %swap3A_839 = tpu.vector_load %arg12[%swap3A_837, %swap3A_838] {strides = array<i32>} : memref<128x128xf32, #tpu.memory_space<vmem>>, vector<1x16xf32>,
        %swap3A_840 = vector.shape_cast %swap3A_839 : vector<1x16xf32> to vector<16xf32>
        %swap3A_841 = vector.shape_cast %mul3A_836 : vector<16xf32> to vector<1x16xf32>
        tpu.vector_store %arg12[%swap3A_837, %swap3A_838], %swap3A_841 {strides = array<i32>} : memref<128x128xf32, #tpu.memory_space<vmem>>, vector<1x16xf32>,
        %get3A_842 = arith.index_cast %add3A_797 : i32 to index
        %get3A_843 = arith.constant 48 : index
        %get3A_844 = tpu.vector_load %arg12[%get3A_842, %get3A_843] {strides = array<i32>} : memref<128x128xf32, #tpu.memory_space<vmem>>, vector<1x16xf32>,
        %get3A_845 = vector.shape_cast %get3A_844 : vector<1x16xf32> to vector<16xf32>
        %mul3A_846 = vector.broadcast %squeeze3A_799 : f32 to vector<16xf32>
        %mul3A_847 = arith.mulf %get3A_845, %mul3A_846 : vector<16xf32>
        %swap3A_848 = arith.index_cast %add3A_797 : i32 to index
        %swap3A_849 = arith.constant 48 : index
        %swap3A_850 = tpu.vector_load %arg12[%swap3A_848, %swap3A_849] {strides = array<i32>} : memref<128x128xf32, #tpu.memory_space<vmem>>, vector<1x16xf32>,
        %swap3A_851 = vector.shape_cast %swap3A_850 : vector<1x16xf32> to vector<16xf32>
        %swap3A_852 = vector.shape_cast %mul3A_847 : vector<16xf32> to vector<1x16xf32>
        tpu.vector_store %arg12[%swap3A_848, %swap3A_849], %swap3A_852 {strides = array<i32>} : memref<128x128xf32, #tpu.memory_space<vmem>>, vector<1x16xf32>,
        %get3A_853 = arith.index_cast %add3A_797 : i32 to index
        %get3A_854 = arith.constant 64 : index
        %get3A_855 = tpu.vector_load %arg12[%get3A_853, %get3A_854] {strides = array<i32>} : memref<128x128xf32, #tpu.memory_space<vmem>>, vector<1x16xf32>,
        %get3A_856 = vector.shape_cast %get3A_855 : vector<1x16xf32> to vector<16xf32>
        %mul3A_857 = vector.broadcast %squeeze3A_799 : f32 to vector<16xf32>
        %mul3A_858 = arith.mulf %get3A_856, %mul3A_857 : vector<16xf32>
        %swap3A_859 = arith.index_cast %add3A_797 : i32 to index
        %swap3A_860 = arith.constant 64 : index
        %swap3A_861 = tpu.vector_load %arg12[%swap3A_859, %swap3A_860] {strides = array<i32>} : memref<128x128xf32, #tpu.memory_space<vmem>>, vector<1x16xf32>,
        %swap3A_862 = vector.shape_cast %swap3A_861 : vector<1x16xf32> to vector<16xf32>
        %swap3A_863 = vector.shape_cast %mul3A_858 : vector<16xf32> to vector<1x16xf32>
        tpu.vector_store %arg12[%swap3A_859, %swap3A_860], %swap3A_863 {strides = array<i32>} : memref<128x128xf32, #tpu.memory_space<vmem>>, vector<1x16xf32>,
        %get3A_864 = arith.index_cast %add3A_797 : i32 to index
        %get3A_865 = arith.constant 80 : index
        %get3A_866 = tpu.vector_load %arg12[%get3A_864, %get3A_865] {strides = array<i32>} : memref<128x128xf32, #tpu.memory_space<vmem>>, vector<1x16xf32>,
        %get3A_867 = vector.shape_cast %get3A_866 : vector<1x16xf32> to vector<16xf32>
        %mul3A_868 = vector.broadcast %squeeze3A_799 : f32 to vector<16xf32>
        %mul3A_869 = arith.mulf %get3A_867, %mul3A_868 : vector<16xf32>
        %swap3A_870 = arith.index_cast %add3A_797 : i32 to index
        %swap3A_871 = arith.constant 80 : index
        %swap3A_872 = tpu.vector_load %arg12[%swap3A_870, %swap3A_871] {strides = array<i32>} : memref<128x128xf32, #tpu.memory_space<vmem>>, vector<1x16xf32>,
        %swap3A_873 = vector.shape_cast %swap3A_872 : vector<1x16xf32> to vector<16xf32>
        %swap3A_874 = vector.shape_cast %mul3A_869 : vector<16xf32> to vector<1x16xf32>
        tpu.vector_store %arg12[%swap3A_870, %swap3A_871], %swap3A_874 {strides = array<i32>} : memref<128x128xf32, #tpu.memory_space<vmem>>, vector<1x16xf32>,
        %get3A_875 = arith.index_cast %add3A_797 : i32 to index
        %get3A_876 = arith.constant 96 : index
        %get3A_877 = tpu.vector_load %arg12[%get3A_875, %get3A_876] {strides = array<i32>} : memref<128x128xf32, #tpu.memory_space<vmem>>, vector<1x16xf32>,
        %get3A_878 = vector.shape_cast %get3A_877 : vector<1x16xf32> to vector<16xf32>
        %mul3A_879 = vector.broadcast %squeeze3A_799 : f32 to vector<16xf32>
        %mul3A_880 = arith.mulf %get3A_878, %mul3A_879 : vector<16xf32>
        %swap3A_881 = arith.index_cast %add3A_797 : i32 to index
        %swap3A_882 = arith.constant 96 : index
        %swap3A_883 = tpu.vector_load %arg12[%swap3A_881, %swap3A_882] {strides = array<i32>} : memref<128x128xf32, #tpu.memory_space<vmem>>, vector<1x16xf32>,
        %swap3A_884 = vector.shape_cast %swap3A_883 : vector<1x16xf32> to vector<16xf32>
        %swap3A_885 = vector.shape_cast %mul3A_880 : vector<16xf32> to vector<1x16xf32>
        tpu.vector_store %arg12[%swap3A_881, %swap3A_882], %swap3A_885 {strides = array<i32>} : memref<128x128xf32, #tpu.memory_space<vmem>>, vector<1x16xf32>,
        %get3A_886 = arith.index_cast %add3A_797 : i32 to index
        %get3A_887 = arith.constant 112 : index
        %get3A_888 = tpu.vector_load %arg12[%get3A_886, %get3A_887] {strides = array<i32>} : memref<128x128xf32, #tpu.memory_space<vmem>>, vector<1x16xf32>,
        %get3A_889 = vector.shape_cast %get3A_888 : vector<1x16xf32> to vector<16xf32>
        %mul3A_890 = vector.broadcast %squeeze3A_799 : f32 to vector<16xf32>
        %mul3A_891 = arith.mulf %get3A_889, %mul3A_890 : vector<16xf32>
        %swap3A_892 = arith.index_cast %add3A_797 : i32 to index
        %swap3A_893 = arith.constant 112 : index
        %swap3A_894 = tpu.vector_load %arg12[%swap3A_892, %swap3A_893] {strides = array<i32>} : memref<128x128xf32, #tpu.memory_space<vmem>>, vector<1x16xf32>,
        %swap3A_895 = vector.shape_cast %swap3A_894 : vector<1x16xf32> to vector<16xf32>
        %swap3A_896 = vector.shape_cast %mul3A_891 : vector<16xf32> to vector<1x16xf32>
        tpu.vector_store %arg12[%swap3A_892, %swap3A_893], %swap3A_896 {strides = array<i32>} : memref<128x128xf32, #tpu.memory_space<vmem>>, vector<1x16xf32>,
        %mul3A_897 = arith.constant 16 : i32
        %mul3A_898 = arith.muli %scan3A_54, %mul3A_897 : i32
        %add3A_899 = arith.constant 8 : i32
        %add3A_900 = arith.addi %mul3A_898, %add3A_899 : i32
        %slice3A_901 = vector.extract_strided_slice %mul3A_75 {offsets = [8], sizes = [1], strides = [1]} : vector<16xf32> to vector<1xf32>
        %squeeze3A_902 = vector.extract %slice3A_901[0] : f32 from vector<1xf32>
        %slice3A_903 = vector.extract_strided_slice %select_n3A_73 {offsets = [8], sizes = [1], strides = [1]} : vector<16xf32> to vector<1xf32>
        %squeeze3A_904 = vector.extract %slice3A_903[0] : f32 from vector<1xf32>
        %mul3A_905 = vector.broadcast %squeeze3A_904 : f32 to vector<16xf32>
        %mul3A_906 = arith.mulf %select_n3A, %mul3A_905 : vector<16xf32>
        %swap3A_907 = arith.index_cast %add3A_900 : i32 to index
        %swap3A_908 = arith.constant 0 : index
        %swap3A_909 = tpu.vector_load %arg13[%swap3A_907, %swap3A_908] {strides = array<i32>} : memref<128x16xf32, #tpu.memory_space<vmem>>, vector<1x16xf32>,
        %swap3A_910 = vector.shape_cast %swap3A_909 : vector<1x16xf32> to vector<16xf32>
        %swap3A_911 = vector.shape_cast %mul3A_906 : vector<16xf32> to vector<1x16xf32>
        tpu.vector_store %arg13[%swap3A_907, %swap3A_908], %swap3A_911 {strides = array<i32>} : memref<128x16xf32, #tpu.memory_space<vmem>>, vector<1x16xf32>,
        %get3A_912 = arith.index_cast %add3A_900 : i32 to index
        %get3A_913 = arith.constant 0 : index
        %get3A_914 = tpu.vector_load %arg12[%get3A_912, %get3A_913] {strides = array<i32>} : memref<128x128xf32, #tpu.memory_space<vmem>>, vector<1x16xf32>,
        %get3A_915 = vector.shape_cast %get3A_914 : vector<1x16xf32> to vector<16xf32>
        %mul3A_916 = vector.broadcast %squeeze3A_902 : f32 to vector<16xf32>
        %mul3A_917 = arith.mulf %get3A_915, %mul3A_916 : vector<16xf32>
        %swap3A_918 = arith.index_cast %add3A_900 : i32 to index
        %swap3A_919 = arith.constant 0 : index
        %swap3A_920 = tpu.vector_load %arg12[%swap3A_918, %swap3A_919] {strides = array<i32>} : memref<128x128xf32, #tpu.memory_space<vmem>>, vector<1x16xf32>,
        %swap3A_921 = vector.shape_cast %swap3A_920 : vector<1x16xf32> to vector<16xf32>
        %swap3A_922 = vector.shape_cast %mul3A_917 : vector<16xf32> to vector<1x16xf32>
        tpu.vector_store %arg12[%swap3A_918, %swap3A_919], %swap3A_922 {strides = array<i32>} : memref<128x128xf32, #tpu.memory_space<vmem>>, vector<1x16xf32>,
        %get3A_923 = arith.index_cast %add3A_900 : i32 to index
        %get3A_924 = arith.constant 16 : index
        %get3A_925 = tpu.vector_load %arg12[%get3A_923, %get3A_924] {strides = array<i32>} : memref<128x128xf32, #tpu.memory_space<vmem>>, vector<1x16xf32>,
        %get3A_926 = vector.shape_cast %get3A_925 : vector<1x16xf32> to vector<16xf32>
        %mul3A_927 = vector.broadcast %squeeze3A_902 : f32 to vector<16xf32>
        %mul3A_928 = arith.mulf %get3A_926, %mul3A_927 : vector<16xf32>
        %swap3A_929 = arith.index_cast %add3A_900 : i32 to index
        %swap3A_930 = arith.constant 16 : index
        %swap3A_931 = tpu.vector_load %arg12[%swap3A_929, %swap3A_930] {strides = array<i32>} : memref<128x128xf32, #tpu.memory_space<vmem>>, vector<1x16xf32>,
        %swap3A_932 = vector.shape_cast %swap3A_931 : vector<1x16xf32> to vector<16xf32>
        %swap3A_933 = vector.shape_cast %mul3A_928 : vector<16xf32> to vector<1x16xf32>
        tpu.vector_store %arg12[%swap3A_929, %swap3A_930], %swap3A_933 {strides = array<i32>} : memref<128x128xf32, #tpu.memory_space<vmem>>, vector<1x16xf32>,
        %get3A_934 = arith.index_cast %add3A_900 : i32 to index
        %get3A_935 = arith.constant 32 : index
        %get3A_936 = tpu.vector_load %arg12[%get3A_934, %get3A_935] {strides = array<i32>} : memref<128x128xf32, #tpu.memory_space<vmem>>, vector<1x16xf32>,
        %get3A_937 = vector.shape_cast %get3A_936 : vector<1x16xf32> to vector<16xf32>
        %mul3A_938 = vector.broadcast %squeeze3A_902 : f32 to vector<16xf32>
        %mul3A_939 = arith.mulf %get3A_937, %mul3A_938 : vector<16xf32>
        %swap3A_940 = arith.index_cast %add3A_900 : i32 to index
        %swap3A_941 = arith.constant 32 : index
        %swap3A_942 = tpu.vector_load %arg12[%swap3A_940, %swap3A_941] {strides = array<i32>} : memref<128x128xf32, #tpu.memory_space<vmem>>, vector<1x16xf32>,
        %swap3A_943 = vector.shape_cast %swap3A_942 : vector<1x16xf32> to vector<16xf32>
        %swap3A_944 = vector.shape_cast %mul3A_939 : vector<16xf32> to vector<1x16xf32>
        tpu.vector_store %arg12[%swap3A_940, %swap3A_941], %swap3A_944 {strides = array<i32>} : memref<128x128xf32, #tpu.memory_space<vmem>>, vector<1x16xf32>,
        %get3A_945 = arith.index_cast %add3A_900 : i32 to index
        %get3A_946 = arith.constant 48 : index
        %get3A_947 = tpu.vector_load %arg12[%get3A_945, %get3A_946] {strides = array<i32>} : memref<128x128xf32, #tpu.memory_space<vmem>>, vector<1x16xf32>,
        %get3A_948 = vector.shape_cast %get3A_947 : vector<1x16xf32> to vector<16xf32>
        %mul3A_949 = vector.broadcast %squeeze3A_902 : f32 to vector<16xf32>
        %mul3A_950 = arith.mulf %get3A_948, %mul3A_949 : vector<16xf32>
        %swap3A_951 = arith.index_cast %add3A_900 : i32 to index
        %swap3A_952 = arith.constant 48 : index
        %swap3A_953 = tpu.vector_load %arg12[%swap3A_951, %swap3A_952] {strides = array<i32>} : memref<128x128xf32, #tpu.memory_space<vmem>>, vector<1x16xf32>,
        %swap3A_954 = vector.shape_cast %swap3A_953 : vector<1x16xf32> to vector<16xf32>
        %swap3A_955 = vector.shape_cast %mul3A_950 : vector<16xf32> to vector<1x16xf32>
        tpu.vector_store %arg12[%swap3A_951, %swap3A_952], %swap3A_955 {strides = array<i32>} : memref<128x128xf32, #tpu.memory_space<vmem>>, vector<1x16xf32>,
        %get3A_956 = arith.index_cast %add3A_900 : i32 to index
        %get3A_957 = arith.constant 64 : index
        %get3A_958 = tpu.vector_load %arg12[%get3A_956, %get3A_957] {strides = array<i32>} : memref<128x128xf32, #tpu.memory_space<vmem>>, vector<1x16xf32>,
        %get3A_959 = vector.shape_cast %get3A_958 : vector<1x16xf32> to vector<16xf32>
        %mul3A_960 = vector.broadcast %squeeze3A_902 : f32 to vector<16xf32>
        %mul3A_961 = arith.mulf %get3A_959, %mul3A_960 : vector<16xf32>
        %swap3A_962 = arith.index_cast %add3A_900 : i32 to index
        %swap3A_963 = arith.constant 64 : index
        %swap3A_964 = tpu.vector_load %arg12[%swap3A_962, %swap3A_963] {strides = array<i32>} : memref<128x128xf32, #tpu.memory_space<vmem>>, vector<1x16xf32>,
        %swap3A_965 = vector.shape_cast %swap3A_964 : vector<1x16xf32> to vector<16xf32>
        %swap3A_966 = vector.shape_cast %mul3A_961 : vector<16xf32> to vector<1x16xf32>
        tpu.vector_store %arg12[%swap3A_962, %swap3A_963], %swap3A_966 {strides = array<i32>} : memref<128x128xf32, #tpu.memory_space<vmem>>, vector<1x16xf32>,
        %get3A_967 = arith.index_cast %add3A_900 : i32 to index
        %get3A_968 = arith.constant 80 : index
        %get3A_969 = tpu.vector_load %arg12[%get3A_967, %get3A_968] {strides = array<i32>} : memref<128x128xf32, #tpu.memory_space<vmem>>, vector<1x16xf32>,
        %get3A_970 = vector.shape_cast %get3A_969 : vector<1x16xf32> to vector<16xf32>
        %mul3A_971 = vector.broadcast %squeeze3A_902 : f32 to vector<16xf32>
        %mul3A_972 = arith.mulf %get3A_970, %mul3A_971 : vector<16xf32>
        %swap3A_973 = arith.index_cast %add3A_900 : i32 to index
        %swap3A_974 = arith.constant 80 : index
        %swap3A_975 = tpu.vector_load %arg12[%swap3A_973, %swap3A_974] {strides = array<i32>} : memref<128x128xf32, #tpu.memory_space<vmem>>, vector<1x16xf32>,
        %swap3A_976 = vector.shape_cast %swap3A_975 : vector<1x16xf32> to vector<16xf32>
        %swap3A_977 = vector.shape_cast %mul3A_972 : vector<16xf32> to vector<1x16xf32>
        tpu.vector_store %arg12[%swap3A_973, %swap3A_974], %swap3A_977 {strides = array<i32>} : memref<128x128xf32, #tpu.memory_space<vmem>>, vector<1x16xf32>,
        %get3A_978 = arith.index_cast %add3A_900 : i32 to index
        %get3A_979 = arith.constant 96 : index
        %get3A_980 = tpu.vector_load %arg12[%get3A_978, %get3A_979] {strides = array<i32>} : memref<128x128xf32, #tpu.memory_space<vmem>>, vector<1x16xf32>,
        %get3A_981 = vector.shape_cast %get3A_980 : vector<1x16xf32> to vector<16xf32>
        %mul3A_982 = vector.broadcast %squeeze3A_902 : f32 to vector<16xf32>
        %mul3A_983 = arith.mulf %get3A_981, %mul3A_982 : vector<16xf32>
        %swap3A_984 = arith.index_cast %add3A_900 : i32 to index
        %swap3A_985 = arith.constant 96 : index
        %swap3A_986 = tpu.vector_load %arg12[%swap3A_984, %swap3A_985] {strides = array<i32>} : memref<128x128xf32, #tpu.memory_space<vmem>>, vector<1x16xf32>,
        %swap3A_987 = vector.shape_cast %swap3A_986 : vector<1x16xf32> to vector<16xf32>
        %swap3A_988 = vector.shape_cast %mul3A_983 : vector<16xf32> to vector<1x16xf32>
        tpu.vector_store %arg12[%swap3A_984, %swap3A_985], %swap3A_988 {strides = array<i32>} : memref<128x128xf32, #tpu.memory_space<vmem>>, vector<1x16xf32>,
        %get3A_989 = arith.index_cast %add3A_900 : i32 to index
        %get3A_990 = arith.constant 112 : index
        %get3A_991 = tpu.vector_load %arg12[%get3A_989, %get3A_990] {strides = array<i32>} : memref<128x128xf32, #tpu.memory_space<vmem>>, vector<1x16xf32>,
        %get3A_992 = vector.shape_cast %get3A_991 : vector<1x16xf32> to vector<16xf32>
        %mul3A_993 = vector.broadcast %squeeze3A_902 : f32 to vector<16xf32>
        %mul3A_994 = arith.mulf %get3A_992, %mul3A_993 : vector<16xf32>
        %swap3A_995 = arith.index_cast %add3A_900 : i32 to index
        %swap3A_996 = arith.constant 112 : index
        %swap3A_997 = tpu.vector_load %arg12[%swap3A_995, %swap3A_996] {strides = array<i32>} : memref<128x128xf32, #tpu.memory_space<vmem>>, vector<1x16xf32>,
        %swap3A_998 = vector.shape_cast %swap3A_997 : vector<1x16xf32> to vector<16xf32>
        %swap3A_999 = vector.shape_cast %mul3A_994 : vector<16xf32> to vector<1x16xf32>
        tpu.vector_store %arg12[%swap3A_995, %swap3A_996], %swap3A_999 {strides = array<i32>} : memref<128x128xf32, #tpu.memory_space<vmem>>, vector<1x16xf32>,
        %mul3A_1000 = arith.constant 16 : i32
        %mul3A_1001 = arith.muli %scan3A_54, %mul3A_1000 : i32
        %add3A_1002 = arith.constant 9 : i32
        %add3A_1003 = arith.addi %mul3A_1001, %add3A_1002 : i32
        %slice3A_1004 = vector.extract_strided_slice %mul3A_75 {offsets = [9], sizes = [1], strides = [1]} : vector<16xf32> to vector<1xf32>
        %squeeze3A_1005 = vector.extract %slice3A_1004[0] : f32 from vector<1xf32>
        %slice3A_1006 = vector.extract_strided_slice %select_n3A_73 {offsets = [9], sizes = [1], strides = [1]} : vector<16xf32> to vector<1xf32>
        %squeeze3A_1007 = vector.extract %slice3A_1006[0] : f32 from vector<1xf32>
        %mul3A_1008 = vector.broadcast %squeeze3A_1007 : f32 to vector<16xf32>
        %mul3A_1009 = arith.mulf %select_n3A, %mul3A_1008 : vector<16xf32>
        %swap3A_1010 = arith.index_cast %add3A_1003 : i32 to index
        %swap3A_1011 = arith.constant 0 : index
        %swap3A_1012 = tpu.vector_load %arg13[%swap3A_1010, %swap3A_1011] {strides = array<i32>} : memref<128x16xf32, #tpu.memory_space<vmem>>, vector<1x16xf32>,
        %swap3A_1013 = vector.shape_cast %swap3A_1012 : vector<1x16xf32> to vector<16xf32>
        %swap3A_1014 = vector.shape_cast %mul3A_1009 : vector<16xf32> to vector<1x16xf32>
        tpu.vector_store %arg13[%swap3A_1010, %swap3A_1011], %swap3A_1014 {strides = array<i32>} : memref<128x16xf32, #tpu.memory_space<vmem>>, vector<1x16xf32>,
        %get3A_1015 = arith.index_cast %add3A_1003 : i32 to index
        %get3A_1016 = arith.constant 0 : index
        %get3A_1017 = tpu.vector_load %arg12[%get3A_1015, %get3A_1016] {strides = array<i32>} : memref<128x128xf32, #tpu.memory_space<vmem>>, vector<1x16xf32>,
        %get3A_1018 = vector.shape_cast %get3A_1017 : vector<1x16xf32> to vector<16xf32>
        %mul3A_1019 = vector.broadcast %squeeze3A_1005 : f32 to vector<16xf32>
        %mul3A_1020 = arith.mulf %get3A_1018, %mul3A_1019 : vector<16xf32>
        %swap3A_1021 = arith.index_cast %add3A_1003 : i32 to index
        %swap3A_1022 = arith.constant 0 : index
        %swap3A_1023 = tpu.vector_load %arg12[%swap3A_1021, %swap3A_1022] {strides = array<i32>} : memref<128x128xf32, #tpu.memory_space<vmem>>, vector<1x16xf32>,
        %swap3A_1024 = vector.shape_cast %swap3A_1023 : vector<1x16xf32> to vector<16xf32>
        %swap3A_1025 = vector.shape_cast %mul3A_1020 : vector<16xf32> to vector<1x16xf32>
        tpu.vector_store %arg12[%swap3A_1021, %swap3A_1022], %swap3A_1025 {strides = array<i32>} : memref<128x128xf32, #tpu.memory_space<vmem>>, vector<1x16xf32>,
        %get3A_1026 = arith.index_cast %add3A_1003 : i32 to index
        %get3A_1027 = arith.constant 16 : index
        %get3A_1028 = tpu.vector_load %arg12[%get3A_1026, %get3A_1027] {strides = array<i32>} : memref<128x128xf32, #tpu.memory_space<vmem>>, vector<1x16xf32>,
        %get3A_1029 = vector.shape_cast %get3A_1028 : vector<1x16xf32> to vector<16xf32>
        %mul3A_1030 = vector.broadcast %squeeze3A_1005 : f32 to vector<16xf32>
        %mul3A_1031 = arith.mulf %get3A_1029, %mul3A_1030 : vector<16xf32>
        %swap3A_1032 = arith.index_cast %add3A_1003 : i32 to index
        %swap3A_1033 = arith.constant 16 : index
        %swap3A_1034 = tpu.vector_load %arg12[%swap3A_1032, %swap3A_1033] {strides = array<i32>} : memref<128x128xf32, #tpu.memory_space<vmem>>, vector<1x16xf32>,
        %swap3A_1035 = vector.shape_cast %swap3A_1034 : vector<1x16xf32> to vector<16xf32>
        %swap3A_1036 = vector.shape_cast %mul3A_1031 : vector<16xf32> to vector<1x16xf32>
        tpu.vector_store %arg12[%swap3A_1032, %swap3A_1033], %swap3A_1036 {strides = array<i32>} : memref<128x128xf32, #tpu.memory_space<vmem>>, vector<1x16xf32>,
        %get3A_1037 = arith.index_cast %add3A_1003 : i32 to index
        %get3A_1038 = arith.constant 32 : index
        %get3A_1039 = tpu.vector_load %arg12[%get3A_1037, %get3A_1038] {strides = array<i32>} : memref<128x128xf32, #tpu.memory_space<vmem>>, vector<1x16xf32>,
        %get3A_1040 = vector.shape_cast %get3A_1039 : vector<1x16xf32> to vector<16xf32>
        %mul3A_1041 = vector.broadcast %squeeze3A_1005 : f32 to vector<16xf32>
        %mul3A_1042 = arith.mulf %get3A_1040, %mul3A_1041 : vector<16xf32>
        %swap3A_1043 = arith.index_cast %add3A_1003 : i32 to index
        %swap3A_1044 = arith.constant 32 : index
        %swap3A_1045 = tpu.vector_load %arg12[%swap3A_1043, %swap3A_1044] {strides = array<i32>} : memref<128x128xf32, #tpu.memory_space<vmem>>, vector<1x16xf32>,
        %swap3A_1046 = vector.shape_cast %swap3A_1045 : vector<1x16xf32> to vector<16xf32>
        %swap3A_1047 = vector.shape_cast %mul3A_1042 : vector<16xf32> to vector<1x16xf32>
        tpu.vector_store %arg12[%swap3A_1043, %swap3A_1044], %swap3A_1047 {strides = array<i32>} : memref<128x128xf32, #tpu.memory_space<vmem>>, vector<1x16xf32>,
        %get3A_1048 = arith.index_cast %add3A_1003 : i32 to index
        %get3A_1049 = arith.constant 48 : index
        %get3A_1050 = tpu.vector_load %arg12[%get3A_1048, %get3A_1049] {strides = array<i32>} : memref<128x128xf32, #tpu.memory_space<vmem>>, vector<1x16xf32>,
        %get3A_1051 = vector.shape_cast %get3A_1050 : vector<1x16xf32> to vector<16xf32>
        %mul3A_1052 = vector.broadcast %squeeze3A_1005 : f32 to vector<16xf32>
        %mul3A_1053 = arith.mulf %get3A_1051, %mul3A_1052 : vector<16xf32>
        %swap3A_1054 = arith.index_cast %add3A_1003 : i32 to index
        %swap3A_1055 = arith.constant 48 : index
        %swap3A_1056 = tpu.vector_load %arg12[%swap3A_1054, %swap3A_1055] {strides = array<i32>} : memref<128x128xf32, #tpu.memory_space<vmem>>, vector<1x16xf32>,
        %swap3A_1057 = vector.shape_cast %swap3A_1056 : vector<1x16xf32> to vector<16xf32>
        %swap3A_1058 = vector.shape_cast %mul3A_1053 : vector<16xf32> to vector<1x16xf32>
        tpu.vector_store %arg12[%swap3A_1054, %swap3A_1055], %swap3A_1058 {strides = array<i32>} : memref<128x128xf32, #tpu.memory_space<vmem>>, vector<1x16xf32>,
        %get3A_1059 = arith.index_cast %add3A_1003 : i32 to index
        %get3A_1060 = arith.constant 64 : index
        %get3A_1061 = tpu.vector_load %arg12[%get3A_1059, %get3A_1060] {strides = array<i32>} : memref<128x128xf32, #tpu.memory_space<vmem>>, vector<1x16xf32>,
        %get3A_1062 = vector.shape_cast %get3A_1061 : vector<1x16xf32> to vector<16xf32>
        %mul3A_1063 = vector.broadcast %squeeze3A_1005 : f32 to vector<16xf32>
        %mul3A_1064 = arith.mulf %get3A_1062, %mul3A_1063 : vector<16xf32>
        %swap3A_1065 = arith.index_cast %add3A_1003 : i32 to index
        %swap3A_1066 = arith.constant 64 : index
        %swap3A_1067 = tpu.vector_load %arg12[%swap3A_1065, %swap3A_1066] {strides = array<i32>} : memref<128x128xf32, #tpu.memory_space<vmem>>, vector<1x16xf32>,
        %swap3A_1068 = vector.shape_cast %swap3A_1067 : vector<1x16xf32> to vector<16xf32>
        %swap3A_1069 = vector.shape_cast %mul3A_1064 : vector<16xf32> to vector<1x16xf32>
        tpu.vector_store %arg12[%swap3A_1065, %swap3A_1066], %swap3A_1069 {strides = array<i32>} : memref<128x128xf32, #tpu.memory_space<vmem>>, vector<1x16xf32>,
        %get3A_1070 = arith.index_cast %add3A_1003 : i32 to index
        %get3A_1071 = arith.constant 80 : index
        %get3A_1072 = tpu.vector_load %arg12[%get3A_1070, %get3A_1071] {strides = array<i32>} : memref<128x128xf32, #tpu.memory_space<vmem>>, vector<1x16xf32>,
        %get3A_1073 = vector.shape_cast %get3A_1072 : vector<1x16xf32> to vector<16xf32>
        %mul3A_1074 = vector.broadcast %squeeze3A_1005 : f32 to vector<16xf32>
        %mul3A_1075 = arith.mulf %get3A_1073, %mul3A_1074 : vector<16xf32>
        %swap3A_1076 = arith.index_cast %add3A_1003 : i32 to index
        %swap3A_1077 = arith.constant 80 : index
        %swap3A_1078 = tpu.vector_load %arg12[%swap3A_1076, %swap3A_1077] {strides = array<i32>} : memref<128x128xf32, #tpu.memory_space<vmem>>, vector<1x16xf32>,
        %swap3A_1079 = vector.shape_cast %swap3A_1078 : vector<1x16xf32> to vector<16xf32>
        %swap3A_1080 = vector.shape_cast %mul3A_1075 : vector<16xf32> to vector<1x16xf32>
        tpu.vector_store %arg12[%swap3A_1076, %swap3A_1077], %swap3A_1080 {strides = array<i32>} : memref<128x128xf32, #tpu.memory_space<vmem>>, vector<1x16xf32>,
        %get3A_1081 = arith.index_cast %add3A_1003 : i32 to index
        %get3A_1082 = arith.constant 96 : index
        %get3A_1083 = tpu.vector_load %arg12[%get3A_1081, %get3A_1082] {strides = array<i32>} : memref<128x128xf32, #tpu.memory_space<vmem>>, vector<1x16xf32>,
        %get3A_1084 = vector.shape_cast %get3A_1083 : vector<1x16xf32> to vector<16xf32>
        %mul3A_1085 = vector.broadcast %squeeze3A_1005 : f32 to vector<16xf32>
        %mul3A_1086 = arith.mulf %get3A_1084, %mul3A_1085 : vector<16xf32>
        %swap3A_1087 = arith.index_cast %add3A_1003 : i32 to index
        %swap3A_1088 = arith.constant 96 : index
        %swap3A_1089 = tpu.vector_load %arg12[%swap3A_1087, %swap3A_1088] {strides = array<i32>} : memref<128x128xf32, #tpu.memory_space<vmem>>, vector<1x16xf32>,
        %swap3A_1090 = vector.shape_cast %swap3A_1089 : vector<1x16xf32> to vector<16xf32>
        %swap3A_1091 = vector.shape_cast %mul3A_1086 : vector<16xf32> to vector<1x16xf32>
        tpu.vector_store %arg12[%swap3A_1087, %swap3A_1088], %swap3A_1091 {strides = array<i32>} : memref<128x128xf32, #tpu.memory_space<vmem>>, vector<1x16xf32>,
        %get3A_1092 = arith.index_cast %add3A_1003 : i32 to index
        %get3A_1093 = arith.constant 112 : index
        %get3A_1094 = tpu.vector_load %arg12[%get3A_1092, %get3A_1093] {strides = array<i32>} : memref<128x128xf32, #tpu.memory_space<vmem>>, vector<1x16xf32>,
        %get3A_1095 = vector.shape_cast %get3A_1094 : vector<1x16xf32> to vector<16xf32>
        %mul3A_1096 = vector.broadcast %squeeze3A_1005 : f32 to vector<16xf32>
        %mul3A_1097 = arith.mulf %get3A_1095, %mul3A_1096 : vector<16xf32>
        %swap3A_1098 = arith.index_cast %add3A_1003 : i32 to index
        %swap3A_1099 = arith.constant 112 : index
        %swap3A_1100 = tpu.vector_load %arg12[%swap3A_1098, %swap3A_1099] {strides = array<i32>} : memref<128x128xf32, #tpu.memory_space<vmem>>, vector<1x16xf32>,
        %swap3A_1101 = vector.shape_cast %swap3A_1100 : vector<1x16xf32> to vector<16xf32>
        %swap3A_1102 = vector.shape_cast %mul3A_1097 : vector<16xf32> to vector<1x16xf32>
        tpu.vector_store %arg12[%swap3A_1098, %swap3A_1099], %swap3A_1102 {strides = array<i32>} : memref<128x128xf32, #tpu.memory_space<vmem>>, vector<1x16xf32>,
        %mul3A_1103 = arith.constant 16 : i32
        %mul3A_1104 = arith.muli %scan3A_54, %mul3A_1103 : i32
        %add3A_1105 = arith.constant 10 : i32
        %add3A_1106 = arith.addi %mul3A_1104, %add3A_1105 : i32
        %slice3A_1107 = vector.extract_strided_slice %mul3A_75 {offsets = [10], sizes = [1], strides = [1]} : vector<16xf32> to vector<1xf32>
        %squeeze3A_1108 = vector.extract %slice3A_1107[0] : f32 from vector<1xf32>
        %slice3A_1109 = vector.extract_strided_slice %select_n3A_73 {offsets = [10], sizes = [1], strides = [1]} : vector<16xf32> to vector<1xf32>
        %squeeze3A_1110 = vector.extract %slice3A_1109[0] : f32 from vector<1xf32>
        %mul3A_1111 = vector.broadcast %squeeze3A_1110 : f32 to vector<16xf32>
        %mul3A_1112 = arith.mulf %select_n3A, %mul3A_1111 : vector<16xf32>
        %swap3A_1113 = arith.index_cast %add3A_1106 : i32 to index
        %swap3A_1114 = arith.constant 0 : index
        %swap3A_1115 = tpu.vector_load %arg13[%swap3A_1113, %swap3A_1114] {strides = array<i32>} : memref<128x16xf32, #tpu.memory_space<vmem>>, vector<1x16xf32>,
        %swap3A_1116 = vector.shape_cast %swap3A_1115 : vector<1x16xf32> to vector<16xf32>
        %swap3A_1117 = vector.shape_cast %mul3A_1112 : vector<16xf32> to vector<1x16xf32>
        tpu.vector_store %arg13[%swap3A_1113, %swap3A_1114], %swap3A_1117 {strides = array<i32>} : memref<128x16xf32, #tpu.memory_space<vmem>>, vector<1x16xf32>,
        %get3A_1118 = arith.index_cast %add3A_1106 : i32 to index
        %get3A_1119 = arith.constant 0 : index
        %get3A_1120 = tpu.vector_load %arg12[%get3A_1118, %get3A_1119] {strides = array<i32>} : memref<128x128xf32, #tpu.memory_space<vmem>>, vector<1x16xf32>,
        %get3A_1121 = vector.shape_cast %get3A_1120 : vector<1x16xf32> to vector<16xf32>
        %mul3A_1122 = vector.broadcast %squeeze3A_1108 : f32 to vector<16xf32>
        %mul3A_1123 = arith.mulf %get3A_1121, %mul3A_1122 : vector<16xf32>
        %swap3A_1124 = arith.index_cast %add3A_1106 : i32 to index
        %swap3A_1125 = arith.constant 0 : index
        %swap3A_1126 = tpu.vector_load %arg12[%swap3A_1124, %swap3A_1125] {strides = array<i32>} : memref<128x128xf32, #tpu.memory_space<vmem>>, vector<1x16xf32>,
        %swap3A_1127 = vector.shape_cast %swap3A_1126 : vector<1x16xf32> to vector<16xf32>
        %swap3A_1128 = vector.shape_cast %mul3A_1123 : vector<16xf32> to vector<1x16xf32>
        tpu.vector_store %arg12[%swap3A_1124, %swap3A_1125], %swap3A_1128 {strides = array<i32>} : memref<128x128xf32, #tpu.memory_space<vmem>>, vector<1x16xf32>,
        %get3A_1129 = arith.index_cast %add3A_1106 : i32 to index
        %get3A_1130 = arith.constant 16 : index
        %get3A_1131 = tpu.vector_load %arg12[%get3A_1129, %get3A_1130] {strides = array<i32>} : memref<128x128xf32, #tpu.memory_space<vmem>>, vector<1x16xf32>,
        %get3A_1132 = vector.shape_cast %get3A_1131 : vector<1x16xf32> to vector<16xf32>
        %mul3A_1133 = vector.broadcast %squeeze3A_1108 : f32 to vector<16xf32>
        %mul3A_1134 = arith.mulf %get3A_1132, %mul3A_1133 : vector<16xf32>
        %swap3A_1135 = arith.index_cast %add3A_1106 : i32 to index
        %swap3A_1136 = arith.constant 16 : index
        %swap3A_1137 = tpu.vector_load %arg12[%swap3A_1135, %swap3A_1136] {strides = array<i32>} : memref<128x128xf32, #tpu.memory_space<vmem>>, vector<1x16xf32>,
        %swap3A_1138 = vector.shape_cast %swap3A_1137 : vector<1x16xf32> to vector<16xf32>
        %swap3A_1139 = vector.shape_cast %mul3A_1134 : vector<16xf32> to vector<1x16xf32>
        tpu.vector_store %arg12[%swap3A_1135, %swap3A_1136], %swap3A_1139 {strides = array<i32>} : memref<128x128xf32, #tpu.memory_space<vmem>>, vector<1x16xf32>,
        %get3A_1140 = arith.index_cast %add3A_1106 : i32 to index
        %get3A_1141 = arith.constant 32 : index
        %get3A_1142 = tpu.vector_load %arg12[%get3A_1140, %get3A_1141] {strides = array<i32>} : memref<128x128xf32, #tpu.memory_space<vmem>>, vector<1x16xf32>,
        %get3A_1143 = vector.shape_cast %get3A_1142 : vector<1x16xf32> to vector<16xf32>
        %mul3A_1144 = vector.broadcast %squeeze3A_1108 : f32 to vector<16xf32>
        %mul3A_1145 = arith.mulf %get3A_1143, %mul3A_1144 : vector<16xf32>
        %swap3A_1146 = arith.index_cast %add3A_1106 : i32 to index
        %swap3A_1147 = arith.constant 32 : index
        %swap3A_1148 = tpu.vector_load %arg12[%swap3A_1146, %swap3A_1147] {strides = array<i32>} : memref<128x128xf32, #tpu.memory_space<vmem>>, vector<1x16xf32>,
        %swap3A_1149 = vector.shape_cast %swap3A_1148 : vector<1x16xf32> to vector<16xf32>
        %swap3A_1150 = vector.shape_cast %mul3A_1145 : vector<16xf32> to vector<1x16xf32>
        tpu.vector_store %arg12[%swap3A_1146, %swap3A_1147], %swap3A_1150 {strides = array<i32>} : memref<128x128xf32, #tpu.memory_space<vmem>>, vector<1x16xf32>,
        %get3A_1151 = arith.index_cast %add3A_1106 : i32 to index
        %get3A_1152 = arith.constant 48 : index
        %get3A_1153 = tpu.vector_load %arg12[%get3A_1151, %get3A_1152] {strides = array<i32>} : memref<128x128xf32, #tpu.memory_space<vmem>>, vector<1x16xf32>,
        %get3A_1154 = vector.shape_cast %get3A_1153 : vector<1x16xf32> to vector<16xf32>
        %mul3A_1155 = vector.broadcast %squeeze3A_1108 : f32 to vector<16xf32>
        %mul3A_1156 = arith.mulf %get3A_1154, %mul3A_1155 : vector<16xf32>
        %swap3A_1157 = arith.index_cast %add3A_1106 : i32 to index
        %swap3A_1158 = arith.constant 48 : index
        %swap3A_1159 = tpu.vector_load %arg12[%swap3A_1157, %swap3A_1158] {strides = array<i32>} : memref<128x128xf32, #tpu.memory_space<vmem>>, vector<1x16xf32>,
        %swap3A_1160 = vector.shape_cast %swap3A_1159 : vector<1x16xf32> to vector<16xf32>
        %swap3A_1161 = vector.shape_cast %mul3A_1156 : vector<16xf32> to vector<1x16xf32>
        tpu.vector_store %arg12[%swap3A_1157, %swap3A_1158], %swap3A_1161 {strides = array<i32>} : memref<128x128xf32, #tpu.memory_space<vmem>>, vector<1x16xf32>,
        %get3A_1162 = arith.index_cast %add3A_1106 : i32 to index
        %get3A_1163 = arith.constant 64 : index
        %get3A_1164 = tpu.vector_load %arg12[%get3A_1162, %get3A_1163] {strides = array<i32>} : memref<128x128xf32, #tpu.memory_space<vmem>>, vector<1x16xf32>,
        %get3A_1165 = vector.shape_cast %get3A_1164 : vector<1x16xf32> to vector<16xf32>
        %mul3A_1166 = vector.broadcast %squeeze3A_1108 : f32 to vector<16xf32>
        %mul3A_1167 = arith.mulf %get3A_1165, %mul3A_1166 : vector<16xf32>
        %swap3A_1168 = arith.index_cast %add3A_1106 : i32 to index
        %swap3A_1169 = arith.constant 64 : index
        %swap3A_1170 = tpu.vector_load %arg12[%swap3A_1168, %swap3A_1169] {strides = array<i32>} : memref<128x128xf32, #tpu.memory_space<vmem>>, vector<1x16xf32>,
        %swap3A_1171 = vector.shape_cast %swap3A_1170 : vector<1x16xf32> to vector<16xf32>
        %swap3A_1172 = vector.shape_cast %mul3A_1167 : vector<16xf32> to vector<1x16xf32>
        tpu.vector_store %arg12[%swap3A_1168, %swap3A_1169], %swap3A_1172 {strides = array<i32>} : memref<128x128xf32, #tpu.memory_space<vmem>>, vector<1x16xf32>,
        %get3A_1173 = arith.index_cast %add3A_1106 : i32 to index
        %get3A_1174 = arith.constant 80 : index
        %get3A_1175 = tpu.vector_load %arg12[%get3A_1173, %get3A_1174] {strides = array<i32>} : memref<128x128xf32, #tpu.memory_space<vmem>>, vector<1x16xf32>,
        %get3A_1176 = vector.shape_cast %get3A_1175 : vector<1x16xf32> to vector<16xf32>
        %mul3A_1177 = vector.broadcast %squeeze3A_1108 : f32 to vector<16xf32>
        %mul3A_1178 = arith.mulf %get3A_1176, %mul3A_1177 : vector<16xf32>
        %swap3A_1179 = arith.index_cast %add3A_1106 : i32 to index
        %swap3A_1180 = arith.constant 80 : index
        %swap3A_1181 = tpu.vector_load %arg12[%swap3A_1179, %swap3A_1180] {strides = array<i32>} : memref<128x128xf32, #tpu.memory_space<vmem>>, vector<1x16xf32>,
        %swap3A_1182 = vector.shape_cast %swap3A_1181 : vector<1x16xf32> to vector<16xf32>
        %swap3A_1183 = vector.shape_cast %mul3A_1178 : vector<16xf32> to vector<1x16xf32>
        tpu.vector_store %arg12[%swap3A_1179, %swap3A_1180], %swap3A_1183 {strides = array<i32>} : memref<128x128xf32, #tpu.memory_space<vmem>>, vector<1x16xf32>,
        %get3A_1184 = arith.index_cast %add3A_1106 : i32 to index
        %get3A_1185 = arith.constant 96 : index
        %get3A_1186 = tpu.vector_load %arg12[%get3A_1184, %get3A_1185] {strides = array<i32>} : memref<128x128xf32, #tpu.memory_space<vmem>>, vector<1x16xf32>,
        %get3A_1187 = vector.shape_cast %get3A_1186 : vector<1x16xf32> to vector<16xf32>
        %mul3A_1188 = vector.broadcast %squeeze3A_1108 : f32 to vector<16xf32>
        %mul3A_1189 = arith.mulf %get3A_1187, %mul3A_1188 : vector<16xf32>
        %swap3A_1190 = arith.index_cast %add3A_1106 : i32 to index
        %swap3A_1191 = arith.constant 96 : index
        %swap3A_1192 = tpu.vector_load %arg12[%swap3A_1190, %swap3A_1191] {strides = array<i32>} : memref<128x128xf32, #tpu.memory_space<vmem>>, vector<1x16xf32>,
        %swap3A_1193 = vector.shape_cast %swap3A_1192 : vector<1x16xf32> to vector<16xf32>
        %swap3A_1194 = vector.shape_cast %mul3A_1189 : vector<16xf32> to vector<1x16xf32>
        tpu.vector_store %arg12[%swap3A_1190, %swap3A_1191], %swap3A_1194 {strides = array<i32>} : memref<128x128xf32, #tpu.memory_space<vmem>>, vector<1x16xf32>,
        %get3A_1195 = arith.index_cast %add3A_1106 : i32 to index
        %get3A_1196 = arith.constant 112 : index
        %get3A_1197 = tpu.vector_load %arg12[%get3A_1195, %get3A_1196] {strides = array<i32>} : memref<128x128xf32, #tpu.memory_space<vmem>>, vector<1x16xf32>,
        %get3A_1198 = vector.shape_cast %get3A_1197 : vector<1x16xf32> to vector<16xf32>
        %mul3A_1199 = vector.broadcast %squeeze3A_1108 : f32 to vector<16xf32>
        %mul3A_1200 = arith.mulf %get3A_1198, %mul3A_1199 : vector<16xf32>
        %swap3A_1201 = arith.index_cast %add3A_1106 : i32 to index
        %swap3A_1202 = arith.constant 112 : index
        %swap3A_1203 = tpu.vector_load %arg12[%swap3A_1201, %swap3A_1202] {strides = array<i32>} : memref<128x128xf32, #tpu.memory_space<vmem>>, vector<1x16xf32>,
        %swap3A_1204 = vector.shape_cast %swap3A_1203 : vector<1x16xf32> to vector<16xf32>
        %swap3A_1205 = vector.shape_cast %mul3A_1200 : vector<16xf32> to vector<1x16xf32>
        tpu.vector_store %arg12[%swap3A_1201, %swap3A_1202], %swap3A_1205 {strides = array<i32>} : memref<128x128xf32, #tpu.memory_space<vmem>>, vector<1x16xf32>,
        %mul3A_1206 = arith.constant 16 : i32
        %mul3A_1207 = arith.muli %scan3A_54, %mul3A_1206 : i32
        %add3A_1208 = arith.constant 11 : i32
        %add3A_1209 = arith.addi %mul3A_1207, %add3A_1208 : i32
        %slice3A_1210 = vector.extract_strided_slice %mul3A_75 {offsets = [11], sizes = [1], strides = [1]} : vector<16xf32> to vector<1xf32>
        %squeeze3A_1211 = vector.extract %slice3A_1210[0] : f32 from vector<1xf32>
        %slice3A_1212 = vector.extract_strided_slice %select_n3A_73 {offsets = [11], sizes = [1], strides = [1]} : vector<16xf32> to vector<1xf32>
        %squeeze3A_1213 = vector.extract %slice3A_1212[0] : f32 from vector<1xf32>
        %mul3A_1214 = vector.broadcast %squeeze3A_1213 : f32 to vector<16xf32>
        %mul3A_1215 = arith.mulf %select_n3A, %mul3A_1214 : vector<16xf32>
        %swap3A_1216 = arith.index_cast %add3A_1209 : i32 to index
        %swap3A_1217 = arith.constant 0 : index
        %swap3A_1218 = tpu.vector_load %arg13[%swap3A_1216, %swap3A_1217] {strides = array<i32>} : memref<128x16xf32, #tpu.memory_space<vmem>>, vector<1x16xf32>,
        %swap3A_1219 = vector.shape_cast %swap3A_1218 : vector<1x16xf32> to vector<16xf32>
        %swap3A_1220 = vector.shape_cast %mul3A_1215 : vector<16xf32> to vector<1x16xf32>
        tpu.vector_store %arg13[%swap3A_1216, %swap3A_1217], %swap3A_1220 {strides = array<i32>} : memref<128x16xf32, #tpu.memory_space<vmem>>, vector<1x16xf32>,
        %get3A_1221 = arith.index_cast %add3A_1209 : i32 to index
        %get3A_1222 = arith.constant 0 : index
        %get3A_1223 = tpu.vector_load %arg12[%get3A_1221, %get3A_1222] {strides = array<i32>} : memref<128x128xf32, #tpu.memory_space<vmem>>, vector<1x16xf32>,
        %get3A_1224 = vector.shape_cast %get3A_1223 : vector<1x16xf32> to vector<16xf32>
        %mul3A_1225 = vector.broadcast %squeeze3A_1211 : f32 to vector<16xf32>
        %mul3A_1226 = arith.mulf %get3A_1224, %mul3A_1225 : vector<16xf32>
        %swap3A_1227 = arith.index_cast %add3A_1209 : i32 to index
        %swap3A_1228 = arith.constant 0 : index
        %swap3A_1229 = tpu.vector_load %arg12[%swap3A_1227, %swap3A_1228] {strides = array<i32>} : memref<128x128xf32, #tpu.memory_space<vmem>>, vector<1x16xf32>,
        %swap3A_1230 = vector.shape_cast %swap3A_1229 : vector<1x16xf32> to vector<16xf32>
        %swap3A_1231 = vector.shape_cast %mul3A_1226 : vector<16xf32> to vector<1x16xf32>
        tpu.vector_store %arg12[%swap3A_1227, %swap3A_1228], %swap3A_1231 {strides = array<i32>} : memref<128x128xf32, #tpu.memory_space<vmem>>, vector<1x16xf32>,
        %get3A_1232 = arith.index_cast %add3A_1209 : i32 to index
        %get3A_1233 = arith.constant 16 : index
        %get3A_1234 = tpu.vector_load %arg12[%get3A_1232, %get3A_1233] {strides = array<i32>} : memref<128x128xf32, #tpu.memory_space<vmem>>, vector<1x16xf32>,
        %get3A_1235 = vector.shape_cast %get3A_1234 : vector<1x16xf32> to vector<16xf32>
        %mul3A_1236 = vector.broadcast %squeeze3A_1211 : f32 to vector<16xf32>
        %mul3A_1237 = arith.mulf %get3A_1235, %mul3A_1236 : vector<16xf32>
        %swap3A_1238 = arith.index_cast %add3A_1209 : i32 to index
        %swap3A_1239 = arith.constant 16 : index
        %swap3A_1240 = tpu.vector_load %arg12[%swap3A_1238, %swap3A_1239] {strides = array<i32>} : memref<128x128xf32, #tpu.memory_space<vmem>>, vector<1x16xf32>,
        %swap3A_1241 = vector.shape_cast %swap3A_1240 : vector<1x16xf32> to vector<16xf32>
        %swap3A_1242 = vector.shape_cast %mul3A_1237 : vector<16xf32> to vector<1x16xf32>
        tpu.vector_store %arg12[%swap3A_1238, %swap3A_1239], %swap3A_1242 {strides = array<i32>} : memref<128x128xf32, #tpu.memory_space<vmem>>, vector<1x16xf32>,
        %get3A_1243 = arith.index_cast %add3A_1209 : i32 to index
        %get3A_1244 = arith.constant 32 : index
        %get3A_1245 = tpu.vector_load %arg12[%get3A_1243, %get3A_1244] {strides = array<i32>} : memref<128x128xf32, #tpu.memory_space<vmem>>, vector<1x16xf32>,
        %get3A_1246 = vector.shape_cast %get3A_1245 : vector<1x16xf32> to vector<16xf32>
        %mul3A_1247 = vector.broadcast %squeeze3A_1211 : f32 to vector<16xf32>
        %mul3A_1248 = arith.mulf %get3A_1246, %mul3A_1247 : vector<16xf32>
        %swap3A_1249 = arith.index_cast %add3A_1209 : i32 to index
        %swap3A_1250 = arith.constant 32 : index
        %swap3A_1251 = tpu.vector_load %arg12[%swap3A_1249, %swap3A_1250] {strides = array<i32>} : memref<128x128xf32, #tpu.memory_space<vmem>>, vector<1x16xf32>,
        %swap3A_1252 = vector.shape_cast %swap3A_1251 : vector<1x16xf32> to vector<16xf32>
        %swap3A_1253 = vector.shape_cast %mul3A_1248 : vector<16xf32> to vector<1x16xf32>
        tpu.vector_store %arg12[%swap3A_1249, %swap3A_1250], %swap3A_1253 {strides = array<i32>} : memref<128x128xf32, #tpu.memory_space<vmem>>, vector<1x16xf32>,
        %get3A_1254 = arith.index_cast %add3A_1209 : i32 to index
        %get3A_1255 = arith.constant 48 : index
        %get3A_1256 = tpu.vector_load %arg12[%get3A_1254, %get3A_1255] {strides = array<i32>} : memref<128x128xf32, #tpu.memory_space<vmem>>, vector<1x16xf32>,
        %get3A_1257 = vector.shape_cast %get3A_1256 : vector<1x16xf32> to vector<16xf32>
        %mul3A_1258 = vector.broadcast %squeeze3A_1211 : f32 to vector<16xf32>
        %mul3A_1259 = arith.mulf %get3A_1257, %mul3A_1258 : vector<16xf32>
        %swap3A_1260 = arith.index_cast %add3A_1209 : i32 to index
        %swap3A_1261 = arith.constant 48 : index
        %swap3A_1262 = tpu.vector_load %arg12[%swap3A_1260, %swap3A_1261] {strides = array<i32>} : memref<128x128xf32, #tpu.memory_space<vmem>>, vector<1x16xf32>,
        %swap3A_1263 = vector.shape_cast %swap3A_1262 : vector<1x16xf32> to vector<16xf32>
        %swap3A_1264 = vector.shape_cast %mul3A_1259 : vector<16xf32> to vector<1x16xf32>
        tpu.vector_store %arg12[%swap3A_1260, %swap3A_1261], %swap3A_1264 {strides = array<i32>} : memref<128x128xf32, #tpu.memory_space<vmem>>, vector<1x16xf32>,
        %get3A_1265 = arith.index_cast %add3A_1209 : i32 to index
        %get3A_1266 = arith.constant 64 : index
        %get3A_1267 = tpu.vector_load %arg12[%get3A_1265, %get3A_1266] {strides = array<i32>} : memref<128x128xf32, #tpu.memory_space<vmem>>, vector<1x16xf32>,
        %get3A_1268 = vector.shape_cast %get3A_1267 : vector<1x16xf32> to vector<16xf32>
        %mul3A_1269 = vector.broadcast %squeeze3A_1211 : f32 to vector<16xf32>
        %mul3A_1270 = arith.mulf %get3A_1268, %mul3A_1269 : vector<16xf32>
        %swap3A_1271 = arith.index_cast %add3A_1209 : i32 to index
        %swap3A_1272 = arith.constant 64 : index
        %swap3A_1273 = tpu.vector_load %arg12[%swap3A_1271, %swap3A_1272] {strides = array<i32>} : memref<128x128xf32, #tpu.memory_space<vmem>>, vector<1x16xf32>,
        %swap3A_1274 = vector.shape_cast %swap3A_1273 : vector<1x16xf32> to vector<16xf32>
        %swap3A_1275 = vector.shape_cast %mul3A_1270 : vector<16xf32> to vector<1x16xf32>
        tpu.vector_store %arg12[%swap3A_1271, %swap3A_1272], %swap3A_1275 {strides = array<i32>} : memref<128x128xf32, #tpu.memory_space<vmem>>, vector<1x16xf32>,
        %get3A_1276 = arith.index_cast %add3A_1209 : i32 to index
        %get3A_1277 = arith.constant 80 : index
        %get3A_1278 = tpu.vector_load %arg12[%get3A_1276, %get3A_1277] {strides = array<i32>} : memref<128x128xf32, #tpu.memory_space<vmem>>, vector<1x16xf32>,
        %get3A_1279 = vector.shape_cast %get3A_1278 : vector<1x16xf32> to vector<16xf32>
        %mul3A_1280 = vector.broadcast %squeeze3A_1211 : f32 to vector<16xf32>
        %mul3A_1281 = arith.mulf %get3A_1279, %mul3A_1280 : vector<16xf32>
        %swap3A_1282 = arith.index_cast %add3A_1209 : i32 to index
        %swap3A_1283 = arith.constant 80 : index
        %swap3A_1284 = tpu.vector_load %arg12[%swap3A_1282, %swap3A_1283] {strides = array<i32>} : memref<128x128xf32, #tpu.memory_space<vmem>>, vector<1x16xf32>,
        %swap3A_1285 = vector.shape_cast %swap3A_1284 : vector<1x16xf32> to vector<16xf32>
        %swap3A_1286 = vector.shape_cast %mul3A_1281 : vector<16xf32> to vector<1x16xf32>
        tpu.vector_store %arg12[%swap3A_1282, %swap3A_1283], %swap3A_1286 {strides = array<i32>} : memref<128x128xf32, #tpu.memory_space<vmem>>, vector<1x16xf32>,
        %get3A_1287 = arith.index_cast %add3A_1209 : i32 to index
        %get3A_1288 = arith.constant 96 : index
        %get3A_1289 = tpu.vector_load %arg12[%get3A_1287, %get3A_1288] {strides = array<i32>} : memref<128x128xf32, #tpu.memory_space<vmem>>, vector<1x16xf32>,
        %get3A_1290 = vector.shape_cast %get3A_1289 : vector<1x16xf32> to vector<16xf32>
        %mul3A_1291 = vector.broadcast %squeeze3A_1211 : f32 to vector<16xf32>
        %mul3A_1292 = arith.mulf %get3A_1290, %mul3A_1291 : vector<16xf32>
        %swap3A_1293 = arith.index_cast %add3A_1209 : i32 to index
        %swap3A_1294 = arith.constant 96 : index
        %swap3A_1295 = tpu.vector_load %arg12[%swap3A_1293, %swap3A_1294] {strides = array<i32>} : memref<128x128xf32, #tpu.memory_space<vmem>>, vector<1x16xf32>,
        %swap3A_1296 = vector.shape_cast %swap3A_1295 : vector<1x16xf32> to vector<16xf32>
        %swap3A_1297 = vector.shape_cast %mul3A_1292 : vector<16xf32> to vector<1x16xf32>
        tpu.vector_store %arg12[%swap3A_1293, %swap3A_1294], %swap3A_1297 {strides = array<i32>} : memref<128x128xf32, #tpu.memory_space<vmem>>, vector<1x16xf32>,
        %get3A_1298 = arith.index_cast %add3A_1209 : i32 to index
        %get3A_1299 = arith.constant 112 : index
        %get3A_1300 = tpu.vector_load %arg12[%get3A_1298, %get3A_1299] {strides = array<i32>} : memref<128x128xf32, #tpu.memory_space<vmem>>, vector<1x16xf32>,
        %get3A_1301 = vector.shape_cast %get3A_1300 : vector<1x16xf32> to vector<16xf32>
        %mul3A_1302 = vector.broadcast %squeeze3A_1211 : f32 to vector<16xf32>
        %mul3A_1303 = arith.mulf %get3A_1301, %mul3A_1302 : vector<16xf32>
        %swap3A_1304 = arith.index_cast %add3A_1209 : i32 to index
        %swap3A_1305 = arith.constant 112 : index
        %swap3A_1306 = tpu.vector_load %arg12[%swap3A_1304, %swap3A_1305] {strides = array<i32>} : memref<128x128xf32, #tpu.memory_space<vmem>>, vector<1x16xf32>,
        %swap3A_1307 = vector.shape_cast %swap3A_1306 : vector<1x16xf32> to vector<16xf32>
        %swap3A_1308 = vector.shape_cast %mul3A_1303 : vector<16xf32> to vector<1x16xf32>
        tpu.vector_store %arg12[%swap3A_1304, %swap3A_1305], %swap3A_1308 {strides = array<i32>} : memref<128x128xf32, #tpu.memory_space<vmem>>, vector<1x16xf32>,
        %mul3A_1309 = arith.constant 16 : i32
        %mul3A_1310 = arith.muli %scan3A_54, %mul3A_1309 : i32
        %add3A_1311 = arith.constant 12 : i32
        %add3A_1312 = arith.addi %mul3A_1310, %add3A_1311 : i32
        %slice3A_1313 = vector.extract_strided_slice %mul3A_75 {offsets = [12], sizes = [1], strides = [1]} : vector<16xf32> to vector<1xf32>
        %squeeze3A_1314 = vector.extract %slice3A_1313[0] : f32 from vector<1xf32>
        %slice3A_1315 = vector.extract_strided_slice %select_n3A_73 {offsets = [12], sizes = [1], strides = [1]} : vector<16xf32> to vector<1xf32>
        %squeeze3A_1316 = vector.extract %slice3A_1315[0] : f32 from vector<1xf32>
        %mul3A_1317 = vector.broadcast %squeeze3A_1316 : f32 to vector<16xf32>
        %mul3A_1318 = arith.mulf %select_n3A, %mul3A_1317 : vector<16xf32>
        %swap3A_1319 = arith.index_cast %add3A_1312 : i32 to index
        %swap3A_1320 = arith.constant 0 : index
        %swap3A_1321 = tpu.vector_load %arg13[%swap3A_1319, %swap3A_1320] {strides = array<i32>} : memref<128x16xf32, #tpu.memory_space<vmem>>, vector<1x16xf32>,
        %swap3A_1322 = vector.shape_cast %swap3A_1321 : vector<1x16xf32> to vector<16xf32>
        %swap3A_1323 = vector.shape_cast %mul3A_1318 : vector<16xf32> to vector<1x16xf32>
        tpu.vector_store %arg13[%swap3A_1319, %swap3A_1320], %swap3A_1323 {strides = array<i32>} : memref<128x16xf32, #tpu.memory_space<vmem>>, vector<1x16xf32>,
        %get3A_1324 = arith.index_cast %add3A_1312 : i32 to index
        %get3A_1325 = arith.constant 0 : index
        %get3A_1326 = tpu.vector_load %arg12[%get3A_1324, %get3A_1325] {strides = array<i32>} : memref<128x128xf32, #tpu.memory_space<vmem>>, vector<1x16xf32>,
        %get3A_1327 = vector.shape_cast %get3A_1326 : vector<1x16xf32> to vector<16xf32>
        %mul3A_1328 = vector.broadcast %squeeze3A_1314 : f32 to vector<16xf32>
        %mul3A_1329 = arith.mulf %get3A_1327, %mul3A_1328 : vector<16xf32>
        %swap3A_1330 = arith.index_cast %add3A_1312 : i32 to index
        %swap3A_1331 = arith.constant 0 : index
        %swap3A_1332 = tpu.vector_load %arg12[%swap3A_1330, %swap3A_1331] {strides = array<i32>} : memref<128x128xf32, #tpu.memory_space<vmem>>, vector<1x16xf32>,
        %swap3A_1333 = vector.shape_cast %swap3A_1332 : vector<1x16xf32> to vector<16xf32>
        %swap3A_1334 = vector.shape_cast %mul3A_1329 : vector<16xf32> to vector<1x16xf32>
        tpu.vector_store %arg12[%swap3A_1330, %swap3A_1331], %swap3A_1334 {strides = array<i32>} : memref<128x128xf32, #tpu.memory_space<vmem>>, vector<1x16xf32>,
        %get3A_1335 = arith.index_cast %add3A_1312 : i32 to index
        %get3A_1336 = arith.constant 16 : index
        %get3A_1337 = tpu.vector_load %arg12[%get3A_1335, %get3A_1336] {strides = array<i32>} : memref<128x128xf32, #tpu.memory_space<vmem>>, vector<1x16xf32>,
        %get3A_1338 = vector.shape_cast %get3A_1337 : vector<1x16xf32> to vector<16xf32>
        %mul3A_1339 = vector.broadcast %squeeze3A_1314 : f32 to vector<16xf32>
        %mul3A_1340 = arith.mulf %get3A_1338, %mul3A_1339 : vector<16xf32>
        %swap3A_1341 = arith.index_cast %add3A_1312 : i32 to index
        %swap3A_1342 = arith.constant 16 : index
        %swap3A_1343 = tpu.vector_load %arg12[%swap3A_1341, %swap3A_1342] {strides = array<i32>} : memref<128x128xf32, #tpu.memory_space<vmem>>, vector<1x16xf32>,
        %swap3A_1344 = vector.shape_cast %swap3A_1343 : vector<1x16xf32> to vector<16xf32>
        %swap3A_1345 = vector.shape_cast %mul3A_1340 : vector<16xf32> to vector<1x16xf32>
        tpu.vector_store %arg12[%swap3A_1341, %swap3A_1342], %swap3A_1345 {strides = array<i32>} : memref<128x128xf32, #tpu.memory_space<vmem>>, vector<1x16xf32>,
        %get3A_1346 = arith.index_cast %add3A_1312 : i32 to index
        %get3A_1347 = arith.constant 32 : index
        %get3A_1348 = tpu.vector_load %arg12[%get3A_1346, %get3A_1347] {strides = array<i32>} : memref<128x128xf32, #tpu.memory_space<vmem>>, vector<1x16xf32>,
        %get3A_1349 = vector.shape_cast %get3A_1348 : vector<1x16xf32> to vector<16xf32>
        %mul3A_1350 = vector.broadcast %squeeze3A_1314 : f32 to vector<16xf32>
        %mul3A_1351 = arith.mulf %get3A_1349, %mul3A_1350 : vector<16xf32>
        %swap3A_1352 = arith.index_cast %add3A_1312 : i32 to index
        %swap3A_1353 = arith.constant 32 : index
        %swap3A_1354 = tpu.vector_load %arg12[%swap3A_1352, %swap3A_1353] {strides = array<i32>} : memref<128x128xf32, #tpu.memory_space<vmem>>, vector<1x16xf32>,
        %swap3A_1355 = vector.shape_cast %swap3A_1354 : vector<1x16xf32> to vector<16xf32>
        %swap3A_1356 = vector.shape_cast %mul3A_1351 : vector<16xf32> to vector<1x16xf32>
        tpu.vector_store %arg12[%swap3A_1352, %swap3A_1353], %swap3A_1356 {strides = array<i32>} : memref<128x128xf32, #tpu.memory_space<vmem>>, vector<1x16xf32>,
        %get3A_1357 = arith.index_cast %add3A_1312 : i32 to index
        %get3A_1358 = arith.constant 48 : index
        %get3A_1359 = tpu.vector_load %arg12[%get3A_1357, %get3A_1358] {strides = array<i32>} : memref<128x128xf32, #tpu.memory_space<vmem>>, vector<1x16xf32>,
        %get3A_1360 = vector.shape_cast %get3A_1359 : vector<1x16xf32> to vector<16xf32>
        %mul3A_1361 = vector.broadcast %squeeze3A_1314 : f32 to vector<16xf32>
        %mul3A_1362 = arith.mulf %get3A_1360, %mul3A_1361 : vector<16xf32>
        %swap3A_1363 = arith.index_cast %add3A_1312 : i32 to index
        %swap3A_1364 = arith.constant 48 : index
        %swap3A_1365 = tpu.vector_load %arg12[%swap3A_1363, %swap3A_1364] {strides = array<i32>} : memref<128x128xf32, #tpu.memory_space<vmem>>, vector<1x16xf32>,
        %swap3A_1366 = vector.shape_cast %swap3A_1365 : vector<1x16xf32> to vector<16xf32>
        %swap3A_1367 = vector.shape_cast %mul3A_1362 : vector<16xf32> to vector<1x16xf32>
        tpu.vector_store %arg12[%swap3A_1363, %swap3A_1364], %swap3A_1367 {strides = array<i32>} : memref<128x128xf32, #tpu.memory_space<vmem>>, vector<1x16xf32>,
        %get3A_1368 = arith.index_cast %add3A_1312 : i32 to index
        %get3A_1369 = arith.constant 64 : index
        %get3A_1370 = tpu.vector_load %arg12[%get3A_1368, %get3A_1369] {strides = array<i32>} : memref<128x128xf32, #tpu.memory_space<vmem>>, vector<1x16xf32>,
        %get3A_1371 = vector.shape_cast %get3A_1370 : vector<1x16xf32> to vector<16xf32>
        %mul3A_1372 = vector.broadcast %squeeze3A_1314 : f32 to vector<16xf32>
        %mul3A_1373 = arith.mulf %get3A_1371, %mul3A_1372 : vector<16xf32>
        %swap3A_1374 = arith.index_cast %add3A_1312 : i32 to index
        %swap3A_1375 = arith.constant 64 : index
        %swap3A_1376 = tpu.vector_load %arg12[%swap3A_1374, %swap3A_1375] {strides = array<i32>} : memref<128x128xf32, #tpu.memory_space<vmem>>, vector<1x16xf32>,
        %swap3A_1377 = vector.shape_cast %swap3A_1376 : vector<1x16xf32> to vector<16xf32>
        %swap3A_1378 = vector.shape_cast %mul3A_1373 : vector<16xf32> to vector<1x16xf32>
        tpu.vector_store %arg12[%swap3A_1374, %swap3A_1375], %swap3A_1378 {strides = array<i32>} : memref<128x128xf32, #tpu.memory_space<vmem>>, vector<1x16xf32>,
        %get3A_1379 = arith.index_cast %add3A_1312 : i32 to index
        %get3A_1380 = arith.constant 80 : index
        %get3A_1381 = tpu.vector_load %arg12[%get3A_1379, %get3A_1380] {strides = array<i32>} : memref<128x128xf32, #tpu.memory_space<vmem>>, vector<1x16xf32>,
        %get3A_1382 = vector.shape_cast %get3A_1381 : vector<1x16xf32> to vector<16xf32>
        %mul3A_1383 = vector.broadcast %squeeze3A_1314 : f32 to vector<16xf32>
        %mul3A_1384 = arith.mulf %get3A_1382, %mul3A_1383 : vector<16xf32>
        %swap3A_1385 = arith.index_cast %add3A_1312 : i32 to index
        %swap3A_1386 = arith.constant 80 : index
        %swap3A_1387 = tpu.vector_load %arg12[%swap3A_1385, %swap3A_1386] {strides = array<i32>} : memref<128x128xf32, #tpu.memory_space<vmem>>, vector<1x16xf32>,
        %swap3A_1388 = vector.shape_cast %swap3A_1387 : vector<1x16xf32> to vector<16xf32>
        %swap3A_1389 = vector.shape_cast %mul3A_1384 : vector<16xf32> to vector<1x16xf32>
        tpu.vector_store %arg12[%swap3A_1385, %swap3A_1386], %swap3A_1389 {strides = array<i32>} : memref<128x128xf32, #tpu.memory_space<vmem>>, vector<1x16xf32>,
        %get3A_1390 = arith.index_cast %add3A_1312 : i32 to index
        %get3A_1391 = arith.constant 96 : index
        %get3A_1392 = tpu.vector_load %arg12[%get3A_1390, %get3A_1391] {strides = array<i32>} : memref<128x128xf32, #tpu.memory_space<vmem>>, vector<1x16xf32>,
        %get3A_1393 = vector.shape_cast %get3A_1392 : vector<1x16xf32> to vector<16xf32>
        %mul3A_1394 = vector.broadcast %squeeze3A_1314 : f32 to vector<16xf32>
        %mul3A_1395 = arith.mulf %get3A_1393, %mul3A_1394 : vector<16xf32>
        %swap3A_1396 = arith.index_cast %add3A_1312 : i32 to index
        %swap3A_1397 = arith.constant 96 : index
        %swap3A_1398 = tpu.vector_load %arg12[%swap3A_1396, %swap3A_1397] {strides = array<i32>} : memref<128x128xf32, #tpu.memory_space<vmem>>, vector<1x16xf32>,
        %swap3A_1399 = vector.shape_cast %swap3A_1398 : vector<1x16xf32> to vector<16xf32>
        %swap3A_1400 = vector.shape_cast %mul3A_1395 : vector<16xf32> to vector<1x16xf32>
        tpu.vector_store %arg12[%swap3A_1396, %swap3A_1397], %swap3A_1400 {strides = array<i32>} : memref<128x128xf32, #tpu.memory_space<vmem>>, vector<1x16xf32>,
        %get3A_1401 = arith.index_cast %add3A_1312 : i32 to index
        %get3A_1402 = arith.constant 112 : index
        %get3A_1403 = tpu.vector_load %arg12[%get3A_1401, %get3A_1402] {strides = array<i32>} : memref<128x128xf32, #tpu.memory_space<vmem>>, vector<1x16xf32>,
        %get3A_1404 = vector.shape_cast %get3A_1403 : vector<1x16xf32> to vector<16xf32>
        %mul3A_1405 = vector.broadcast %squeeze3A_1314 : f32 to vector<16xf32>
        %mul3A_1406 = arith.mulf %get3A_1404, %mul3A_1405 : vector<16xf32>
        %swap3A_1407 = arith.index_cast %add3A_1312 : i32 to index
        %swap3A_1408 = arith.constant 112 : index
        %swap3A_1409 = tpu.vector_load %arg12[%swap3A_1407, %swap3A_1408] {strides = array<i32>} : memref<128x128xf32, #tpu.memory_space<vmem>>, vector<1x16xf32>,
        %swap3A_1410 = vector.shape_cast %swap3A_1409 : vector<1x16xf32> to vector<16xf32>
        %swap3A_1411 = vector.shape_cast %mul3A_1406 : vector<16xf32> to vector<1x16xf32>
        tpu.vector_store %arg12[%swap3A_1407, %swap3A_1408], %swap3A_1411 {strides = array<i32>} : memref<128x128xf32, #tpu.memory_space<vmem>>, vector<1x16xf32>,
        %mul3A_1412 = arith.constant 16 : i32
        %mul3A_1413 = arith.muli %scan3A_54, %mul3A_1412 : i32
        %add3A_1414 = arith.constant 13 : i32
        %add3A_1415 = arith.addi %mul3A_1413, %add3A_1414 : i32
        %slice3A_1416 = vector.extract_strided_slice %mul3A_75 {offsets = [13], sizes = [1], strides = [1]} : vector<16xf32> to vector<1xf32>
        %squeeze3A_1417 = vector.extract %slice3A_1416[0] : f32 from vector<1xf32>
        %slice3A_1418 = vector.extract_strided_slice %select_n3A_73 {offsets = [13], sizes = [1], strides = [1]} : vector<16xf32> to vector<1xf32>
        %squeeze3A_1419 = vector.extract %slice3A_1418[0] : f32 from vector<1xf32>
        %mul3A_1420 = vector.broadcast %squeeze3A_1419 : f32 to vector<16xf32>
        %mul3A_1421 = arith.mulf %select_n3A, %mul3A_1420 : vector<16xf32>
        %swap3A_1422 = arith.index_cast %add3A_1415 : i32 to index
        %swap3A_1423 = arith.constant 0 : index
        %swap3A_1424 = tpu.vector_load %arg13[%swap3A_1422, %swap3A_1423] {strides = array<i32>} : memref<128x16xf32, #tpu.memory_space<vmem>>, vector<1x16xf32>,
        %swap3A_1425 = vector.shape_cast %swap3A_1424 : vector<1x16xf32> to vector<16xf32>
        %swap3A_1426 = vector.shape_cast %mul3A_1421 : vector<16xf32> to vector<1x16xf32>
        tpu.vector_store %arg13[%swap3A_1422, %swap3A_1423], %swap3A_1426 {strides = array<i32>} : memref<128x16xf32, #tpu.memory_space<vmem>>, vector<1x16xf32>,
        %get3A_1427 = arith.index_cast %add3A_1415 : i32 to index
        %get3A_1428 = arith.constant 0 : index
        %get3A_1429 = tpu.vector_load %arg12[%get3A_1427, %get3A_1428] {strides = array<i32>} : memref<128x128xf32, #tpu.memory_space<vmem>>, vector<1x16xf32>,
        %get3A_1430 = vector.shape_cast %get3A_1429 : vector<1x16xf32> to vector<16xf32>
        %mul3A_1431 = vector.broadcast %squeeze3A_1417 : f32 to vector<16xf32>
        %mul3A_1432 = arith.mulf %get3A_1430, %mul3A_1431 : vector<16xf32>
        %swap3A_1433 = arith.index_cast %add3A_1415 : i32 to index
        %swap3A_1434 = arith.constant 0 : index
        %swap3A_1435 = tpu.vector_load %arg12[%swap3A_1433, %swap3A_1434] {strides = array<i32>} : memref<128x128xf32, #tpu.memory_space<vmem>>, vector<1x16xf32>,
        %swap3A_1436 = vector.shape_cast %swap3A_1435 : vector<1x16xf32> to vector<16xf32>
        %swap3A_1437 = vector.shape_cast %mul3A_1432 : vector<16xf32> to vector<1x16xf32>
        tpu.vector_store %arg12[%swap3A_1433, %swap3A_1434], %swap3A_1437 {strides = array<i32>} : memref<128x128xf32, #tpu.memory_space<vmem>>, vector<1x16xf32>,
        %get3A_1438 = arith.index_cast %add3A_1415 : i32 to index
        %get3A_1439 = arith.constant 16 : index
        %get3A_1440 = tpu.vector_load %arg12[%get3A_1438, %get3A_1439] {strides = array<i32>} : memref<128x128xf32, #tpu.memory_space<vmem>>, vector<1x16xf32>,
        %get3A_1441 = vector.shape_cast %get3A_1440 : vector<1x16xf32> to vector<16xf32>
        %mul3A_1442 = vector.broadcast %squeeze3A_1417 : f32 to vector<16xf32>
        %mul3A_1443 = arith.mulf %get3A_1441, %mul3A_1442 : vector<16xf32>
        %swap3A_1444 = arith.index_cast %add3A_1415 : i32 to index
        %swap3A_1445 = arith.constant 16 : index
        %swap3A_1446 = tpu.vector_load %arg12[%swap3A_1444, %swap3A_1445] {strides = array<i32>} : memref<128x128xf32, #tpu.memory_space<vmem>>, vector<1x16xf32>,
        %swap3A_1447 = vector.shape_cast %swap3A_1446 : vector<1x16xf32> to vector<16xf32>
        %swap3A_1448 = vector.shape_cast %mul3A_1443 : vector<16xf32> to vector<1x16xf32>
        tpu.vector_store %arg12[%swap3A_1444, %swap3A_1445], %swap3A_1448 {strides = array<i32>} : memref<128x128xf32, #tpu.memory_space<vmem>>, vector<1x16xf32>,
        %get3A_1449 = arith.index_cast %add3A_1415 : i32 to index
        %get3A_1450 = arith.constant 32 : index
        %get3A_1451 = tpu.vector_load %arg12[%get3A_1449, %get3A_1450] {strides = array<i32>} : memref<128x128xf32, #tpu.memory_space<vmem>>, vector<1x16xf32>,
        %get3A_1452 = vector.shape_cast %get3A_1451 : vector<1x16xf32> to vector<16xf32>
        %mul3A_1453 = vector.broadcast %squeeze3A_1417 : f32 to vector<16xf32>
        %mul3A_1454 = arith.mulf %get3A_1452, %mul3A_1453 : vector<16xf32>
        %swap3A_1455 = arith.index_cast %add3A_1415 : i32 to index
        %swap3A_1456 = arith.constant 32 : index
        %swap3A_1457 = tpu.vector_load %arg12[%swap3A_1455, %swap3A_1456] {strides = array<i32>} : memref<128x128xf32, #tpu.memory_space<vmem>>, vector<1x16xf32>,
        %swap3A_1458 = vector.shape_cast %swap3A_1457 : vector<1x16xf32> to vector<16xf32>
        %swap3A_1459 = vector.shape_cast %mul3A_1454 : vector<16xf32> to vector<1x16xf32>
        tpu.vector_store %arg12[%swap3A_1455, %swap3A_1456], %swap3A_1459 {strides = array<i32>} : memref<128x128xf32, #tpu.memory_space<vmem>>, vector<1x16xf32>,
        %get3A_1460 = arith.index_cast %add3A_1415 : i32 to index
        %get3A_1461 = arith.constant 48 : index
        %get3A_1462 = tpu.vector_load %arg12[%get3A_1460, %get3A_1461] {strides = array<i32>} : memref<128x128xf32, #tpu.memory_space<vmem>>, vector<1x16xf32>,
        %get3A_1463 = vector.shape_cast %get3A_1462 : vector<1x16xf32> to vector<16xf32>
        %mul3A_1464 = vector.broadcast %squeeze3A_1417 : f32 to vector<16xf32>
        %mul3A_1465 = arith.mulf %get3A_1463, %mul3A_1464 : vector<16xf32>
        %swap3A_1466 = arith.index_cast %add3A_1415 : i32 to index
        %swap3A_1467 = arith.constant 48 : index
        %swap3A_1468 = tpu.vector_load %arg12[%swap3A_1466, %swap3A_1467] {strides = array<i32>} : memref<128x128xf32, #tpu.memory_space<vmem>>, vector<1x16xf32>,
        %swap3A_1469 = vector.shape_cast %swap3A_1468 : vector<1x16xf32> to vector<16xf32>
        %swap3A_1470 = vector.shape_cast %mul3A_1465 : vector<16xf32> to vector<1x16xf32>
        tpu.vector_store %arg12[%swap3A_1466, %swap3A_1467], %swap3A_1470 {strides = array<i32>} : memref<128x128xf32, #tpu.memory_space<vmem>>, vector<1x16xf32>,
        %get3A_1471 = arith.index_cast %add3A_1415 : i32 to index
        %get3A_1472 = arith.constant 64 : index
        %get3A_1473 = tpu.vector_load %arg12[%get3A_1471, %get3A_1472] {strides = array<i32>} : memref<128x128xf32, #tpu.memory_space<vmem>>, vector<1x16xf32>,
        %get3A_1474 = vector.shape_cast %get3A_1473 : vector<1x16xf32> to vector<16xf32>
        %mul3A_1475 = vector.broadcast %squeeze3A_1417 : f32 to vector<16xf32>
        %mul3A_1476 = arith.mulf %get3A_1474, %mul3A_1475 : vector<16xf32>
        %swap3A_1477 = arith.index_cast %add3A_1415 : i32 to index
        %swap3A_1478 = arith.constant 64 : index
        %swap3A_1479 = tpu.vector_load %arg12[%swap3A_1477, %swap3A_1478] {strides = array<i32>} : memref<128x128xf32, #tpu.memory_space<vmem>>, vector<1x16xf32>,
        %swap3A_1480 = vector.shape_cast %swap3A_1479 : vector<1x16xf32> to vector<16xf32>
        %swap3A_1481 = vector.shape_cast %mul3A_1476 : vector<16xf32> to vector<1x16xf32>
        tpu.vector_store %arg12[%swap3A_1477, %swap3A_1478], %swap3A_1481 {strides = array<i32>} : memref<128x128xf32, #tpu.memory_space<vmem>>, vector<1x16xf32>,
        %get3A_1482 = arith.index_cast %add3A_1415 : i32 to index
        %get3A_1483 = arith.constant 80 : index
        %get3A_1484 = tpu.vector_load %arg12[%get3A_1482, %get3A_1483] {strides = array<i32>} : memref<128x128xf32, #tpu.memory_space<vmem>>, vector<1x16xf32>,
        %get3A_1485 = vector.shape_cast %get3A_1484 : vector<1x16xf32> to vector<16xf32>
        %mul3A_1486 = vector.broadcast %squeeze3A_1417 : f32 to vector<16xf32>
        %mul3A_1487 = arith.mulf %get3A_1485, %mul3A_1486 : vector<16xf32>
        %swap3A_1488 = arith.index_cast %add3A_1415 : i32 to index
        %swap3A_1489 = arith.constant 80 : index
        %swap3A_1490 = tpu.vector_load %arg12[%swap3A_1488, %swap3A_1489] {strides = array<i32>} : memref<128x128xf32, #tpu.memory_space<vmem>>, vector<1x16xf32>,
        %swap3A_1491 = vector.shape_cast %swap3A_1490 : vector<1x16xf32> to vector<16xf32>
        %swap3A_1492 = vector.shape_cast %mul3A_1487 : vector<16xf32> to vector<1x16xf32>
        tpu.vector_store %arg12[%swap3A_1488, %swap3A_1489], %swap3A_1492 {strides = array<i32>} : memref<128x128xf32, #tpu.memory_space<vmem>>, vector<1x16xf32>,
        %get3A_1493 = arith.index_cast %add3A_1415 : i32 to index
        %get3A_1494 = arith.constant 96 : index
        %get3A_1495 = tpu.vector_load %arg12[%get3A_1493, %get3A_1494] {strides = array<i32>} : memref<128x128xf32, #tpu.memory_space<vmem>>, vector<1x16xf32>,
        %get3A_1496 = vector.shape_cast %get3A_1495 : vector<1x16xf32> to vector<16xf32>
        %mul3A_1497 = vector.broadcast %squeeze3A_1417 : f32 to vector<16xf32>
        %mul3A_1498 = arith.mulf %get3A_1496, %mul3A_1497 : vector<16xf32>
        %swap3A_1499 = arith.index_cast %add3A_1415 : i32 to index
        %swap3A_1500 = arith.constant 96 : index
        %swap3A_1501 = tpu.vector_load %arg12[%swap3A_1499, %swap3A_1500] {strides = array<i32>} : memref<128x128xf32, #tpu.memory_space<vmem>>, vector<1x16xf32>,
        %swap3A_1502 = vector.shape_cast %swap3A_1501 : vector<1x16xf32> to vector<16xf32>
        %swap3A_1503 = vector.shape_cast %mul3A_1498 : vector<16xf32> to vector<1x16xf32>
        tpu.vector_store %arg12[%swap3A_1499, %swap3A_1500], %swap3A_1503 {strides = array<i32>} : memref<128x128xf32, #tpu.memory_space<vmem>>, vector<1x16xf32>,
        %get3A_1504 = arith.index_cast %add3A_1415 : i32 to index
        %get3A_1505 = arith.constant 112 : index
        %get3A_1506 = tpu.vector_load %arg12[%get3A_1504, %get3A_1505] {strides = array<i32>} : memref<128x128xf32, #tpu.memory_space<vmem>>, vector<1x16xf32>,
        %get3A_1507 = vector.shape_cast %get3A_1506 : vector<1x16xf32> to vector<16xf32>
        %mul3A_1508 = vector.broadcast %squeeze3A_1417 : f32 to vector<16xf32>
        %mul3A_1509 = arith.mulf %get3A_1507, %mul3A_1508 : vector<16xf32>
        %swap3A_1510 = arith.index_cast %add3A_1415 : i32 to index
        %swap3A_1511 = arith.constant 112 : index
        %swap3A_1512 = tpu.vector_load %arg12[%swap3A_1510, %swap3A_1511] {strides = array<i32>} : memref<128x128xf32, #tpu.memory_space<vmem>>, vector<1x16xf32>,
        %swap3A_1513 = vector.shape_cast %swap3A_1512 : vector<1x16xf32> to vector<16xf32>
        %swap3A_1514 = vector.shape_cast %mul3A_1509 : vector<16xf32> to vector<1x16xf32>
        tpu.vector_store %arg12[%swap3A_1510, %swap3A_1511], %swap3A_1514 {strides = array<i32>} : memref<128x128xf32, #tpu.memory_space<vmem>>, vector<1x16xf32>,
        %mul3A_1515 = arith.constant 16 : i32
        %mul3A_1516 = arith.muli %scan3A_54, %mul3A_1515 : i32
        %add3A_1517 = arith.constant 14 : i32
        %add3A_1518 = arith.addi %mul3A_1516, %add3A_1517 : i32
        %slice3A_1519 = vector.extract_strided_slice %mul3A_75 {offsets = [14], sizes = [1], strides = [1]} : vector<16xf32> to vector<1xf32>
        %squeeze3A_1520 = vector.extract %slice3A_1519[0] : f32 from vector<1xf32>
        %slice3A_1521 = vector.extract_strided_slice %select_n3A_73 {offsets = [14], sizes = [1], strides = [1]} : vector<16xf32> to vector<1xf32>
        %squeeze3A_1522 = vector.extract %slice3A_1521[0] : f32 from vector<1xf32>
        %mul3A_1523 = vector.broadcast %squeeze3A_1522 : f32 to vector<16xf32>
        %mul3A_1524 = arith.mulf %select_n3A, %mul3A_1523 : vector<16xf32>
        %swap3A_1525 = arith.index_cast %add3A_1518 : i32 to index
        %swap3A_1526 = arith.constant 0 : index
        %swap3A_1527 = tpu.vector_load %arg13[%swap3A_1525, %swap3A_1526] {strides = array<i32>} : memref<128x16xf32, #tpu.memory_space<vmem>>, vector<1x16xf32>,
        %swap3A_1528 = vector.shape_cast %swap3A_1527 : vector<1x16xf32> to vector<16xf32>
        %swap3A_1529 = vector.shape_cast %mul3A_1524 : vector<16xf32> to vector<1x16xf32>
        tpu.vector_store %arg13[%swap3A_1525, %swap3A_1526], %swap3A_1529 {strides = array<i32>} : memref<128x16xf32, #tpu.memory_space<vmem>>, vector<1x16xf32>,
        %get3A_1530 = arith.index_cast %add3A_1518 : i32 to index
        %get3A_1531 = arith.constant 0 : index
        %get3A_1532 = tpu.vector_load %arg12[%get3A_1530, %get3A_1531] {strides = array<i32>} : memref<128x128xf32, #tpu.memory_space<vmem>>, vector<1x16xf32>,
        %get3A_1533 = vector.shape_cast %get3A_1532 : vector<1x16xf32> to vector<16xf32>
        %mul3A_1534 = vector.broadcast %squeeze3A_1520 : f32 to vector<16xf32>
        %mul3A_1535 = arith.mulf %get3A_1533, %mul3A_1534 : vector<16xf32>
        %swap3A_1536 = arith.index_cast %add3A_1518 : i32 to index
        %swap3A_1537 = arith.constant 0 : index
        %swap3A_1538 = tpu.vector_load %arg12[%swap3A_1536, %swap3A_1537] {strides = array<i32>} : memref<128x128xf32, #tpu.memory_space<vmem>>, vector<1x16xf32>,
        %swap3A_1539 = vector.shape_cast %swap3A_1538 : vector<1x16xf32> to vector<16xf32>
        %swap3A_1540 = vector.shape_cast %mul3A_1535 : vector<16xf32> to vector<1x16xf32>
        tpu.vector_store %arg12[%swap3A_1536, %swap3A_1537], %swap3A_1540 {strides = array<i32>} : memref<128x128xf32, #tpu.memory_space<vmem>>, vector<1x16xf32>,
        %get3A_1541 = arith.index_cast %add3A_1518 : i32 to index
        %get3A_1542 = arith.constant 16 : index
        %get3A_1543 = tpu.vector_load %arg12[%get3A_1541, %get3A_1542] {strides = array<i32>} : memref<128x128xf32, #tpu.memory_space<vmem>>, vector<1x16xf32>,
        %get3A_1544 = vector.shape_cast %get3A_1543 : vector<1x16xf32> to vector<16xf32>
        %mul3A_1545 = vector.broadcast %squeeze3A_1520 : f32 to vector<16xf32>
        %mul3A_1546 = arith.mulf %get3A_1544, %mul3A_1545 : vector<16xf32>
        %swap3A_1547 = arith.index_cast %add3A_1518 : i32 to index
        %swap3A_1548 = arith.constant 16 : index
        %swap3A_1549 = tpu.vector_load %arg12[%swap3A_1547, %swap3A_1548] {strides = array<i32>} : memref<128x128xf32, #tpu.memory_space<vmem>>, vector<1x16xf32>,
        %swap3A_1550 = vector.shape_cast %swap3A_1549 : vector<1x16xf32> to vector<16xf32>
        %swap3A_1551 = vector.shape_cast %mul3A_1546 : vector<16xf32> to vector<1x16xf32>
        tpu.vector_store %arg12[%swap3A_1547, %swap3A_1548], %swap3A_1551 {strides = array<i32>} : memref<128x128xf32, #tpu.memory_space<vmem>>, vector<1x16xf32>,
        %get3A_1552 = arith.index_cast %add3A_1518 : i32 to index
        %get3A_1553 = arith.constant 32 : index
        %get3A_1554 = tpu.vector_load %arg12[%get3A_1552, %get3A_1553] {strides = array<i32>} : memref<128x128xf32, #tpu.memory_space<vmem>>, vector<1x16xf32>,
        %get3A_1555 = vector.shape_cast %get3A_1554 : vector<1x16xf32> to vector<16xf32>
        %mul3A_1556 = vector.broadcast %squeeze3A_1520 : f32 to vector<16xf32>
        %mul3A_1557 = arith.mulf %get3A_1555, %mul3A_1556 : vector<16xf32>
        %swap3A_1558 = arith.index_cast %add3A_1518 : i32 to index
        %swap3A_1559 = arith.constant 32 : index
        %swap3A_1560 = tpu.vector_load %arg12[%swap3A_1558, %swap3A_1559] {strides = array<i32>} : memref<128x128xf32, #tpu.memory_space<vmem>>, vector<1x16xf32>,
        %swap3A_1561 = vector.shape_cast %swap3A_1560 : vector<1x16xf32> to vector<16xf32>
        %swap3A_1562 = vector.shape_cast %mul3A_1557 : vector<16xf32> to vector<1x16xf32>
        tpu.vector_store %arg12[%swap3A_1558, %swap3A_1559], %swap3A_1562 {strides = array<i32>} : memref<128x128xf32, #tpu.memory_space<vmem>>, vector<1x16xf32>,
        %get3A_1563 = arith.index_cast %add3A_1518 : i32 to index
        %get3A_1564 = arith.constant 48 : index
        %get3A_1565 = tpu.vector_load %arg12[%get3A_1563, %get3A_1564] {strides = array<i32>} : memref<128x128xf32, #tpu.memory_space<vmem>>, vector<1x16xf32>,
        %get3A_1566 = vector.shape_cast %get3A_1565 : vector<1x16xf32> to vector<16xf32>
        %mul3A_1567 = vector.broadcast %squeeze3A_1520 : f32 to vector<16xf32>
        %mul3A_1568 = arith.mulf %get3A_1566, %mul3A_1567 : vector<16xf32>
        %swap3A_1569 = arith.index_cast %add3A_1518 : i32 to index
        %swap3A_1570 = arith.constant 48 : index
        %swap3A_1571 = tpu.vector_load %arg12[%swap3A_1569, %swap3A_1570] {strides = array<i32>} : memref<128x128xf32, #tpu.memory_space<vmem>>, vector<1x16xf32>,
        %swap3A_1572 = vector.shape_cast %swap3A_1571 : vector<1x16xf32> to vector<16xf32>
        %swap3A_1573 = vector.shape_cast %mul3A_1568 : vector<16xf32> to vector<1x16xf32>
        tpu.vector_store %arg12[%swap3A_1569, %swap3A_1570], %swap3A_1573 {strides = array<i32>} : memref<128x128xf32, #tpu.memory_space<vmem>>, vector<1x16xf32>,
        %get3A_1574 = arith.index_cast %add3A_1518 : i32 to index
        %get3A_1575 = arith.constant 64 : index
        %get3A_1576 = tpu.vector_load %arg12[%get3A_1574, %get3A_1575] {strides = array<i32>} : memref<128x128xf32, #tpu.memory_space<vmem>>, vector<1x16xf32>,
        %get3A_1577 = vector.shape_cast %get3A_1576 : vector<1x16xf32> to vector<16xf32>
        %mul3A_1578 = vector.broadcast %squeeze3A_1520 : f32 to vector<16xf32>
        %mul3A_1579 = arith.mulf %get3A_1577, %mul3A_1578 : vector<16xf32>
        %swap3A_1580 = arith.index_cast %add3A_1518 : i32 to index
        %swap3A_1581 = arith.constant 64 : index
        %swap3A_1582 = tpu.vector_load %arg12[%swap3A_1580, %swap3A_1581] {strides = array<i32>} : memref<128x128xf32, #tpu.memory_space<vmem>>, vector<1x16xf32>,
        %swap3A_1583 = vector.shape_cast %swap3A_1582 : vector<1x16xf32> to vector<16xf32>
        %swap3A_1584 = vector.shape_cast %mul3A_1579 : vector<16xf32> to vector<1x16xf32>
        tpu.vector_store %arg12[%swap3A_1580, %swap3A_1581], %swap3A_1584 {strides = array<i32>} : memref<128x128xf32, #tpu.memory_space<vmem>>, vector<1x16xf32>,
        %get3A_1585 = arith.index_cast %add3A_1518 : i32 to index
        %get3A_1586 = arith.constant 80 : index
        %get3A_1587 = tpu.vector_load %arg12[%get3A_1585, %get3A_1586] {strides = array<i32>} : memref<128x128xf32, #tpu.memory_space<vmem>>, vector<1x16xf32>,
        %get3A_1588 = vector.shape_cast %get3A_1587 : vector<1x16xf32> to vector<16xf32>
        %mul3A_1589 = vector.broadcast %squeeze3A_1520 : f32 to vector<16xf32>
        %mul3A_1590 = arith.mulf %get3A_1588, %mul3A_1589 : vector<16xf32>
        %swap3A_1591 = arith.index_cast %add3A_1518 : i32 to index
        %swap3A_1592 = arith.constant 80 : index
        %swap3A_1593 = tpu.vector_load %arg12[%swap3A_1591, %swap3A_1592] {strides = array<i32>} : memref<128x128xf32, #tpu.memory_space<vmem>>, vector<1x16xf32>,
        %swap3A_1594 = vector.shape_cast %swap3A_1593 : vector<1x16xf32> to vector<16xf32>
        %swap3A_1595 = vector.shape_cast %mul3A_1590 : vector<16xf32> to vector<1x16xf32>
        tpu.vector_store %arg12[%swap3A_1591, %swap3A_1592], %swap3A_1595 {strides = array<i32>} : memref<128x128xf32, #tpu.memory_space<vmem>>, vector<1x16xf32>,
        %get3A_1596 = arith.index_cast %add3A_1518 : i32 to index
        %get3A_1597 = arith.constant 96 : index
        %get3A_1598 = tpu.vector_load %arg12[%get3A_1596, %get3A_1597] {strides = array<i32>} : memref<128x128xf32, #tpu.memory_space<vmem>>, vector<1x16xf32>,
        %get3A_1599 = vector.shape_cast %get3A_1598 : vector<1x16xf32> to vector<16xf32>
        %mul3A_1600 = vector.broadcast %squeeze3A_1520 : f32 to vector<16xf32>
        %mul3A_1601 = arith.mulf %get3A_1599, %mul3A_1600 : vector<16xf32>
        %swap3A_1602 = arith.index_cast %add3A_1518 : i32 to index
        %swap3A_1603 = arith.constant 96 : index
        %swap3A_1604 = tpu.vector_load %arg12[%swap3A_1602, %swap3A_1603] {strides = array<i32>} : memref<128x128xf32, #tpu.memory_space<vmem>>, vector<1x16xf32>,
        %swap3A_1605 = vector.shape_cast %swap3A_1604 : vector<1x16xf32> to vector<16xf32>
        %swap3A_1606 = vector.shape_cast %mul3A_1601 : vector<16xf32> to vector<1x16xf32>
        tpu.vector_store %arg12[%swap3A_1602, %swap3A_1603], %swap3A_1606 {strides = array<i32>} : memref<128x128xf32, #tpu.memory_space<vmem>>, vector<1x16xf32>,
        %get3A_1607 = arith.index_cast %add3A_1518 : i32 to index
        %get3A_1608 = arith.constant 112 : index
        %get3A_1609 = tpu.vector_load %arg12[%get3A_1607, %get3A_1608] {strides = array<i32>} : memref<128x128xf32, #tpu.memory_space<vmem>>, vector<1x16xf32>,
        %get3A_1610 = vector.shape_cast %get3A_1609 : vector<1x16xf32> to vector<16xf32>
        %mul3A_1611 = vector.broadcast %squeeze3A_1520 : f32 to vector<16xf32>
        %mul3A_1612 = arith.mulf %get3A_1610, %mul3A_1611 : vector<16xf32>
        %swap3A_1613 = arith.index_cast %add3A_1518 : i32 to index
        %swap3A_1614 = arith.constant 112 : index
        %swap3A_1615 = tpu.vector_load %arg12[%swap3A_1613, %swap3A_1614] {strides = array<i32>} : memref<128x128xf32, #tpu.memory_space<vmem>>, vector<1x16xf32>,
        %swap3A_1616 = vector.shape_cast %swap3A_1615 : vector<1x16xf32> to vector<16xf32>
        %swap3A_1617 = vector.shape_cast %mul3A_1612 : vector<16xf32> to vector<1x16xf32>
        tpu.vector_store %arg12[%swap3A_1613, %swap3A_1614], %swap3A_1617 {strides = array<i32>} : memref<128x128xf32, #tpu.memory_space<vmem>>, vector<1x16xf32>,
        %mul3A_1618 = arith.constant 16 : i32
        %mul3A_1619 = arith.muli %scan3A_54, %mul3A_1618 : i32
        %add3A_1620 = arith.constant 15 : i32
        %add3A_1621 = arith.addi %mul3A_1619, %add3A_1620 : i32
        %slice3A_1622 = vector.extract_strided_slice %mul3A_75 {offsets = [15], sizes = [1], strides = [1]} : vector<16xf32> to vector<1xf32>
        %squeeze3A_1623 = vector.extract %slice3A_1622[0] : f32 from vector<1xf32>
        %slice3A_1624 = vector.extract_strided_slice %select_n3A_73 {offsets = [15], sizes = [1], strides = [1]} : vector<16xf32> to vector<1xf32>
        %squeeze3A_1625 = vector.extract %slice3A_1624[0] : f32 from vector<1xf32>
        %mul3A_1626 = vector.broadcast %squeeze3A_1625 : f32 to vector<16xf32>
        %mul3A_1627 = arith.mulf %select_n3A, %mul3A_1626 : vector<16xf32>
        %swap3A_1628 = arith.index_cast %add3A_1621 : i32 to index
        %swap3A_1629 = arith.constant 0 : index
        %swap3A_1630 = tpu.vector_load %arg13[%swap3A_1628, %swap3A_1629] {strides = array<i32>} : memref<128x16xf32, #tpu.memory_space<vmem>>, vector<1x16xf32>,
        %swap3A_1631 = vector.shape_cast %swap3A_1630 : vector<1x16xf32> to vector<16xf32>
        %swap3A_1632 = vector.shape_cast %mul3A_1627 : vector<16xf32> to vector<1x16xf32>
        tpu.vector_store %arg13[%swap3A_1628, %swap3A_1629], %swap3A_1632 {strides = array<i32>} : memref<128x16xf32, #tpu.memory_space<vmem>>, vector<1x16xf32>,
        %get3A_1633 = arith.index_cast %add3A_1621 : i32 to index
        %get3A_1634 = arith.constant 0 : index
        %get3A_1635 = tpu.vector_load %arg12[%get3A_1633, %get3A_1634] {strides = array<i32>} : memref<128x128xf32, #tpu.memory_space<vmem>>, vector<1x16xf32>,
        %get3A_1636 = vector.shape_cast %get3A_1635 : vector<1x16xf32> to vector<16xf32>
        %mul3A_1637 = vector.broadcast %squeeze3A_1623 : f32 to vector<16xf32>
        %mul3A_1638 = arith.mulf %get3A_1636, %mul3A_1637 : vector<16xf32>
        %swap3A_1639 = arith.index_cast %add3A_1621 : i32 to index
        %swap3A_1640 = arith.constant 0 : index
        %swap3A_1641 = tpu.vector_load %arg12[%swap3A_1639, %swap3A_1640] {strides = array<i32>} : memref<128x128xf32, #tpu.memory_space<vmem>>, vector<1x16xf32>,
        %swap3A_1642 = vector.shape_cast %swap3A_1641 : vector<1x16xf32> to vector<16xf32>
        %swap3A_1643 = vector.shape_cast %mul3A_1638 : vector<16xf32> to vector<1x16xf32>
        tpu.vector_store %arg12[%swap3A_1639, %swap3A_1640], %swap3A_1643 {strides = array<i32>} : memref<128x128xf32, #tpu.memory_space<vmem>>, vector<1x16xf32>,
        %get3A_1644 = arith.index_cast %add3A_1621 : i32 to index
        %get3A_1645 = arith.constant 16 : index
        %get3A_1646 = tpu.vector_load %arg12[%get3A_1644, %get3A_1645] {strides = array<i32>} : memref<128x128xf32, #tpu.memory_space<vmem>>, vector<1x16xf32>,
        %get3A_1647 = vector.shape_cast %get3A_1646 : vector<1x16xf32> to vector<16xf32>
        %mul3A_1648 = vector.broadcast %squeeze3A_1623 : f32 to vector<16xf32>
        %mul3A_1649 = arith.mulf %get3A_1647, %mul3A_1648 : vector<16xf32>
        %swap3A_1650 = arith.index_cast %add3A_1621 : i32 to index
        %swap3A_1651 = arith.constant 16 : index
        %swap3A_1652 = tpu.vector_load %arg12[%swap3A_1650, %swap3A_1651] {strides = array<i32>} : memref<128x128xf32, #tpu.memory_space<vmem>>, vector<1x16xf32>,
        %swap3A_1653 = vector.shape_cast %swap3A_1652 : vector<1x16xf32> to vector<16xf32>
        %swap3A_1654 = vector.shape_cast %mul3A_1649 : vector<16xf32> to vector<1x16xf32>
        tpu.vector_store %arg12[%swap3A_1650, %swap3A_1651], %swap3A_1654 {strides = array<i32>} : memref<128x128xf32, #tpu.memory_space<vmem>>, vector<1x16xf32>,
        %get3A_1655 = arith.index_cast %add3A_1621 : i32 to index
        %get3A_1656 = arith.constant 32 : index
        %get3A_1657 = tpu.vector_load %arg12[%get3A_1655, %get3A_1656] {strides = array<i32>} : memref<128x128xf32, #tpu.memory_space<vmem>>, vector<1x16xf32>,
        %get3A_1658 = vector.shape_cast %get3A_1657 : vector<1x16xf32> to vector<16xf32>
        %mul3A_1659 = vector.broadcast %squeeze3A_1623 : f32 to vector<16xf32>
        %mul3A_1660 = arith.mulf %get3A_1658, %mul3A_1659 : vector<16xf32>
        %swap3A_1661 = arith.index_cast %add3A_1621 : i32 to index
        %swap3A_1662 = arith.constant 32 : index
        %swap3A_1663 = tpu.vector_load %arg12[%swap3A_1661, %swap3A_1662] {strides = array<i32>} : memref<128x128xf32, #tpu.memory_space<vmem>>, vector<1x16xf32>,
        %swap3A_1664 = vector.shape_cast %swap3A_1663 : vector<1x16xf32> to vector<16xf32>
        %swap3A_1665 = vector.shape_cast %mul3A_1660 : vector<16xf32> to vector<1x16xf32>
        tpu.vector_store %arg12[%swap3A_1661, %swap3A_1662], %swap3A_1665 {strides = array<i32>} : memref<128x128xf32, #tpu.memory_space<vmem>>, vector<1x16xf32>,
        %get3A_1666 = arith.index_cast %add3A_1621 : i32 to index
        %get3A_1667 = arith.constant 48 : index
        %get3A_1668 = tpu.vector_load %arg12[%get3A_1666, %get3A_1667] {strides = array<i32>} : memref<128x128xf32, #tpu.memory_space<vmem>>, vector<1x16xf32>,
        %get3A_1669 = vector.shape_cast %get3A_1668 : vector<1x16xf32> to vector<16xf32>
        %mul3A_1670 = vector.broadcast %squeeze3A_1623 : f32 to vector<16xf32>
        %mul3A_1671 = arith.mulf %get3A_1669, %mul3A_1670 : vector<16xf32>
        %swap3A_1672 = arith.index_cast %add3A_1621 : i32 to index
        %swap3A_1673 = arith.constant 48 : index
        %swap3A_1674 = tpu.vector_load %arg12[%swap3A_1672, %swap3A_1673] {strides = array<i32>} : memref<128x128xf32, #tpu.memory_space<vmem>>, vector<1x16xf32>,
        %swap3A_1675 = vector.shape_cast %swap3A_1674 : vector<1x16xf32> to vector<16xf32>
        %swap3A_1676 = vector.shape_cast %mul3A_1671 : vector<16xf32> to vector<1x16xf32>
        tpu.vector_store %arg12[%swap3A_1672, %swap3A_1673], %swap3A_1676 {strides = array<i32>} : memref<128x128xf32, #tpu.memory_space<vmem>>, vector<1x16xf32>,
        %get3A_1677 = arith.index_cast %add3A_1621 : i32 to index
        %get3A_1678 = arith.constant 64 : index
        %get3A_1679 = tpu.vector_load %arg12[%get3A_1677, %get3A_1678] {strides = array<i32>} : memref<128x128xf32, #tpu.memory_space<vmem>>, vector<1x16xf32>,
        %get3A_1680 = vector.shape_cast %get3A_1679 : vector<1x16xf32> to vector<16xf32>
        %mul3A_1681 = vector.broadcast %squeeze3A_1623 : f32 to vector<16xf32>
        %mul3A_1682 = arith.mulf %get3A_1680, %mul3A_1681 : vector<16xf32>
        %swap3A_1683 = arith.index_cast %add3A_1621 : i32 to index
        %swap3A_1684 = arith.constant 64 : index
        %swap3A_1685 = tpu.vector_load %arg12[%swap3A_1683, %swap3A_1684] {strides = array<i32>} : memref<128x128xf32, #tpu.memory_space<vmem>>, vector<1x16xf32>,
        %swap3A_1686 = vector.shape_cast %swap3A_1685 : vector<1x16xf32> to vector<16xf32>
        %swap3A_1687 = vector.shape_cast %mul3A_1682 : vector<16xf32> to vector<1x16xf32>
        tpu.vector_store %arg12[%swap3A_1683, %swap3A_1684], %swap3A_1687 {strides = array<i32>} : memref<128x128xf32, #tpu.memory_space<vmem>>, vector<1x16xf32>,
        %get3A_1688 = arith.index_cast %add3A_1621 : i32 to index
        %get3A_1689 = arith.constant 80 : index
        %get3A_1690 = tpu.vector_load %arg12[%get3A_1688, %get3A_1689] {strides = array<i32>} : memref<128x128xf32, #tpu.memory_space<vmem>>, vector<1x16xf32>,
        %get3A_1691 = vector.shape_cast %get3A_1690 : vector<1x16xf32> to vector<16xf32>
        %mul3A_1692 = vector.broadcast %squeeze3A_1623 : f32 to vector<16xf32>
        %mul3A_1693 = arith.mulf %get3A_1691, %mul3A_1692 : vector<16xf32>
        %swap3A_1694 = arith.index_cast %add3A_1621 : i32 to index
        %swap3A_1695 = arith.constant 80 : index
        %swap3A_1696 = tpu.vector_load %arg12[%swap3A_1694, %swap3A_1695] {strides = array<i32>} : memref<128x128xf32, #tpu.memory_space<vmem>>, vector<1x16xf32>,
        %swap3A_1697 = vector.shape_cast %swap3A_1696 : vector<1x16xf32> to vector<16xf32>
        %swap3A_1698 = vector.shape_cast %mul3A_1693 : vector<16xf32> to vector<1x16xf32>
        tpu.vector_store %arg12[%swap3A_1694, %swap3A_1695], %swap3A_1698 {strides = array<i32>} : memref<128x128xf32, #tpu.memory_space<vmem>>, vector<1x16xf32>,
        %get3A_1699 = arith.index_cast %add3A_1621 : i32 to index
        %get3A_1700 = arith.constant 96 : index
        %get3A_1701 = tpu.vector_load %arg12[%get3A_1699, %get3A_1700] {strides = array<i32>} : memref<128x128xf32, #tpu.memory_space<vmem>>, vector<1x16xf32>,
        %get3A_1702 = vector.shape_cast %get3A_1701 : vector<1x16xf32> to vector<16xf32>
        %mul3A_1703 = vector.broadcast %squeeze3A_1623 : f32 to vector<16xf32>
        %mul3A_1704 = arith.mulf %get3A_1702, %mul3A_1703 : vector<16xf32>
        %swap3A_1705 = arith.index_cast %add3A_1621 : i32 to index
        %swap3A_1706 = arith.constant 96 : index
        %swap3A_1707 = tpu.vector_load %arg12[%swap3A_1705, %swap3A_1706] {strides = array<i32>} : memref<128x128xf32, #tpu.memory_space<vmem>>, vector<1x16xf32>,
        %swap3A_1708 = vector.shape_cast %swap3A_1707 : vector<1x16xf32> to vector<16xf32>
        %swap3A_1709 = vector.shape_cast %mul3A_1704 : vector<16xf32> to vector<1x16xf32>
        tpu.vector_store %arg12[%swap3A_1705, %swap3A_1706], %swap3A_1709 {strides = array<i32>} : memref<128x128xf32, #tpu.memory_space<vmem>>, vector<1x16xf32>,
        %get3A_1710 = arith.index_cast %add3A_1621 : i32 to index
        %get3A_1711 = arith.constant 112 : index
        %get3A_1712 = tpu.vector_load %arg12[%get3A_1710, %get3A_1711] {strides = array<i32>} : memref<128x128xf32, #tpu.memory_space<vmem>>, vector<1x16xf32>,
        %get3A_1713 = vector.shape_cast %get3A_1712 : vector<1x16xf32> to vector<16xf32>
        %mul3A_1714 = vector.broadcast %squeeze3A_1623 : f32 to vector<16xf32>
        %mul3A_1715 = arith.mulf %get3A_1713, %mul3A_1714 : vector<16xf32>
        %swap3A_1716 = arith.index_cast %add3A_1621 : i32 to index
        %swap3A_1717 = arith.constant 112 : index
        %swap3A_1718 = tpu.vector_load %arg12[%swap3A_1716, %swap3A_1717] {strides = array<i32>} : memref<128x128xf32, #tpu.memory_space<vmem>>, vector<1x16xf32>,
        %swap3A_1719 = vector.shape_cast %swap3A_1718 : vector<1x16xf32> to vector<16xf32>
        %swap3A_1720 = vector.shape_cast %mul3A_1715 : vector<16xf32> to vector<1x16xf32>
        tpu.vector_store %arg12[%swap3A_1716, %swap3A_1717], %swap3A_1720 {strides = array<i32>} : memref<128x128xf32, #tpu.memory_space<vmem>>, vector<1x16xf32>,
      }
      %scan3A_53 = arith.constant 8 : i32
      "tpu.region"() ({
        %run_scoped3A = tpu.sem_alloc : memref<!tpu.dma_semaphore, #tpu.memory_space<semaphore_mem>>
        %dma_start3A_54 = arith.constant 0 : i32
        %dma_start3A_55 = arith.constant 0 : i32
        %dma_start3A_56 = tpu.memref_slice %arg14[%dma_start3A_54, %dma_start3A_55] : memref<10240x128xf32, #tpu.memory_space<vmem_shared>> -> memref<10240x128xf32, #tpu.memory_space<vmem_shared>>
        tpu.enqueue_indirect_dma source(%arg12 : memref<128x128xf32, #tpu.memory_space<vmem>>) target(%dma_start3A_56 : memref<10240x128xf32, #tpu.memory_space<vmem_shared>>) offsets(%arg9 : memref<128xi32, #tpu.memory_space<vmem>>) semaphore(%run_scoped3A : memref<!tpu.dma_semaphore, #tpu.memory_space<semaphore_mem>>) {add = true}
        %dma_wait3A_57 = arith.constant 0 : i32
        %dma_wait3A_58 = arith.constant 0 : i32
        %dma_wait3A_59 = tpu.memref_slice %arg14[%dma_wait3A_57, %dma_wait3A_58] : memref<10240x128xf32, #tpu.memory_space<vmem_shared>> -> memref<10240x128xf32, #tpu.memory_space<vmem_shared>>
        tpu.wait_indirect_dma semaphore(%run_scoped3A : memref<!tpu.dma_semaphore, #tpu.memory_space<semaphore_mem>>) src(%arg12 : memref<128x128xf32, #tpu.memory_space<vmem>>) dst(%dma_wait3A_59 : memref<10240x128xf32, #tpu.memory_space<vmem_shared>>)
        tpu.yield
      }) : () -> ()
      "tpu.region"() ({
        %run_scoped3A = tpu.sem_alloc : memref<!tpu.dma_semaphore, #tpu.memory_space<semaphore_mem>>
        %dma_start3A_54 = arith.constant 0 : i32
        %dma_start3A_55 = arith.constant 0 : i32
        %dma_start3A_56 = tpu.memref_slice %arg15[%dma_start3A_54, %dma_start3A_55] : memref<10240x16xf32, #tpu.memory_space<vmem_shared>> -> memref<10240x16xf32, #tpu.memory_space<vmem_shared>>
        tpu.enqueue_indirect_dma source(%arg13 : memref<128x16xf32, #tpu.memory_space<vmem>>) target(%dma_start3A_56 : memref<10240x16xf32, #tpu.memory_space<vmem_shared>>) offsets(%arg9 : memref<128xi32, #tpu.memory_space<vmem>>) semaphore(%run_scoped3A : memref<!tpu.dma_semaphore, #tpu.memory_space<semaphore_mem>>) {add = true}
        %dma_wait3A_57 = arith.constant 0 : i32
        %dma_wait3A_58 = arith.constant 0 : i32
        %dma_wait3A_59 = tpu.memref_slice %arg15[%dma_wait3A_57, %dma_wait3A_58] : memref<10240x16xf32, #tpu.memory_space<vmem_shared>> -> memref<10240x16xf32, #tpu.memory_space<vmem_shared>>
        tpu.wait_indirect_dma semaphore(%run_scoped3A : memref<!tpu.dma_semaphore, #tpu.memory_space<semaphore_mem>>) src(%arg13 : memref<128x16xf32, #tpu.memory_space<vmem>>) dst(%dma_wait3A_59 : memref<10240x16xf32, #tpu.memory_space<vmem_shared>>)
        tpu.yield
      }) : () -> ()
    }
    %while3A_30 = arith.constant 1 : i32
    scf.for %while3A_38 = %while3A_28 to %while3A_24 step %while3A_30  : i32 {
      %mul3A_39 = arith.constant 32 : i32
      %mul3A_40 = arith.muli %while3A_38, %mul3A_39 : i32
      %add3A_41 = arith.addi %add3A, %mul3A_40 : i32
      %mul3A_42 = arith.constant 128 : i32
      %mul3A_43 = arith.muli %add3A_41, %mul3A_42 : i32
      "tpu.region"() ({
        %run_scoped3A = tpu.sem_alloc : memref<!tpu.dma_semaphore, #tpu.memory_space<semaphore_mem>>
        %dma_start3A_54 = tpu.memref_slice %arg3[%mul3A_43] : memref<320000xi32, #tpu.memory_space<hbm>> -> memref<128xi32, #tpu.memory_space<hbm>>
        %dma_start3A_55 = tpu.memref_slice %arg3[%mul3A_43] : memref<320000xi32, #tpu.memory_space<hbm>> -> memref<128xi32, #tpu.memory_space<hbm>>
        tpu.enqueue_dma source(%dma_start3A_55 : memref<128xi32, #tpu.memory_space<hbm>>) target(%arg8 : memref<128xi32, #tpu.memory_space<vmem>>) target_semaphore(%run_scoped3A : memref<!tpu.dma_semaphore, #tpu.memory_space<semaphore_mem>>)
        %dma_wait3A_56 = tpu.memref_slice %arg3[%mul3A_43] : memref<320000xi32, #tpu.memory_space<hbm>> -> memref<128xi32, #tpu.memory_space<hbm>>
        %dma_wait3A_57 = tpu.memref_slice %arg3[%mul3A_43] : memref<320000xi32, #tpu.memory_space<hbm>> -> memref<128xi32, #tpu.memory_space<hbm>>
        tpu.wait_dma2 semaphore(%run_scoped3A : memref<!tpu.dma_semaphore, #tpu.memory_space<semaphore_mem>>) src(%dma_wait3A_57 : memref<128xi32, #tpu.memory_space<hbm>>) dst(%arg8 : memref<128xi32, #tpu.memory_space<vmem>>)
        tpu.yield
      }) : () -> ()
      "tpu.region"() ({
        %run_scoped3A = tpu.sem_alloc : memref<!tpu.dma_semaphore, #tpu.memory_space<semaphore_mem>>
        %dma_start3A_54 = tpu.memref_slice %arg4[%mul3A_43] : memref<320000xi32, #tpu.memory_space<hbm>> -> memref<128xi32, #tpu.memory_space<hbm>>
        %dma_start3A_55 = tpu.memref_slice %arg4[%mul3A_43] : memref<320000xi32, #tpu.memory_space<hbm>> -> memref<128xi32, #tpu.memory_space<hbm>>
        tpu.enqueue_dma source(%dma_start3A_55 : memref<128xi32, #tpu.memory_space<hbm>>) target(%arg9 : memref<128xi32, #tpu.memory_space<vmem>>) target_semaphore(%run_scoped3A : memref<!tpu.dma_semaphore, #tpu.memory_space<semaphore_mem>>)
        %dma_wait3A_56 = tpu.memref_slice %arg4[%mul3A_43] : memref<320000xi32, #tpu.memory_space<hbm>> -> memref<128xi32, #tpu.memory_space<hbm>>
        %dma_wait3A_57 = tpu.memref_slice %arg4[%mul3A_43] : memref<320000xi32, #tpu.memory_space<hbm>> -> memref<128xi32, #tpu.memory_space<hbm>>
        tpu.wait_dma2 semaphore(%run_scoped3A : memref<!tpu.dma_semaphore, #tpu.memory_space<semaphore_mem>>) src(%dma_wait3A_57 : memref<128xi32, #tpu.memory_space<hbm>>) dst(%arg9 : memref<128xi32, #tpu.memory_space<vmem>>)
        tpu.yield
      }) : () -> ()
      "tpu.region"() ({
        %run_scoped3A = tpu.sem_alloc : memref<!tpu.dma_semaphore, #tpu.memory_space<semaphore_mem>>
        %dma_start3A_54 = tpu.memref_slice %arg5[%mul3A_43] : memref<320000xf32, #tpu.memory_space<hbm>> -> memref<128xf32, #tpu.memory_space<hbm>>
        %dma_start3A_55 = tpu.memref_slice %arg5[%mul3A_43] : memref<320000xf32, #tpu.memory_space<hbm>> -> memref<128xf32, #tpu.memory_space<hbm>>
        tpu.enqueue_dma source(%dma_start3A_55 : memref<128xf32, #tpu.memory_space<hbm>>) target(%arg10 : memref<128xf32, #tpu.memory_space<vmem>>) target_semaphore(%run_scoped3A : memref<!tpu.dma_semaphore, #tpu.memory_space<semaphore_mem>>)
        %dma_wait3A_56 = tpu.memref_slice %arg5[%mul3A_43] : memref<320000xf32, #tpu.memory_space<hbm>> -> memref<128xf32, #tpu.memory_space<hbm>>
        %dma_wait3A_57 = tpu.memref_slice %arg5[%mul3A_43] : memref<320000xf32, #tpu.memory_space<hbm>> -> memref<128xf32, #tpu.memory_space<hbm>>
        tpu.wait_dma2 semaphore(%run_scoped3A : memref<!tpu.dma_semaphore, #tpu.memory_space<semaphore_mem>>) src(%dma_wait3A_57 : memref<128xf32, #tpu.memory_space<hbm>>) dst(%arg10 : memref<128xf32, #tpu.memory_space<vmem>>)
        tpu.yield
      }) : () -> ()
      %dma_start3A = arith.constant 0 : i32
      %dma_start3A_44 = arith.constant 0 : i32
      %dma_start3A_45 = tpu.memref_slice %arg2[%dma_start3A, %dma_start3A_44] : memref<10000x128xf32, #tpu.memory_space<hbm>> -> memref<10000x128xf32, #tpu.memory_space<hbm>>
      tpu.enqueue_indirect_dma source(%dma_start3A_45 : memref<10000x128xf32, #tpu.memory_space<hbm>>) target(%arg12 : memref<128x128xf32, #tpu.memory_space<vmem>>) offsets(%arg8 : memref<128xi32, #tpu.memory_space<vmem>>) semaphore(%arg16 : memref<!tpu.dma_semaphore, #tpu.memory_space<semaphore_mem>>)
      %dma_wait3A = arith.constant 0 : i32
      %dma_wait3A_46 = arith.constant 0 : i32
      %dma_wait3A_47 = tpu.memref_slice %arg2[%dma_wait3A, %dma_wait3A_46] : memref<10000x128xf32, #tpu.memory_space<hbm>> -> memref<10000x128xf32, #tpu.memory_space<hbm>>
      tpu.wait_indirect_dma semaphore(%arg16 : memref<!tpu.dma_semaphore, #tpu.memory_space<semaphore_mem>>) src(%dma_wait3A_47 : memref<10000x128xf32, #tpu.memory_space<hbm>>) dst(%arg12 : memref<128x128xf32, #tpu.memory_space<vmem>>)
      %scan3A_48 = arith.constant 0 : i32
      %scan3A_49 = arith.constant 0 : i32
      %scan3A_50 = arith.constant 8 : i32
      %scan3A_51 = arith.addi %scan3A_49, %scan3A_50 : i32
      %scan3A_52 = arith.constant 1 : i32
      scf.for %scan3A_54 = %scan3A_49 to %scan3A_51 step %scan3A_52  : i32 {
        %mul3A_55 = arith.constant 16 : i32
        %mul3A_56 = arith.muli %scan3A_54, %mul3A_55 : i32
        %get3A = arith.index_cast %mul3A_56 : i32 to index
        %get3A_57 = tpu.vector_load %arg8[%get3A] {strides = array<i32>} : memref<128xi32, #tpu.memory_space<vmem>>, vector<16xi32>,
        %get3A_58 = vector.shape_cast %get3A_57 : vector<16xi32> to vector<16xi32>
        %mul3A_59 = arith.constant 16 : i32
        %mul3A_60 = arith.muli %scan3A_54, %mul3A_59 : i32
        %get3A_61 = arith.index_cast %mul3A_60 : i32 to index
        %get3A_62 = tpu.vector_load %arg9[%get3A_61] {strides = array<i32>} : memref<128xi32, #tpu.memory_space<vmem>>, vector<16xi32>,
        %get3A_63 = vector.shape_cast %get3A_62 : vector<16xi32> to vector<16xi32>
        %mul3A_64 = arith.constant 16 : i32
        %mul3A_65 = arith.muli %scan3A_54, %mul3A_64 : i32
        %get3A_66 = arith.index_cast %mul3A_65 : i32 to index
        %get3A_67 = tpu.vector_load %arg10[%get3A_66] {strides = array<i32>} : memref<128xf32, #tpu.memory_space<vmem>>, vector<16xf32>,
        %get3A_68 = vector.shape_cast %get3A_67 : vector<16xf32> to vector<16xf32>
        %ne3A = arith.cmpi ne, %get3A_58, %get3A_63 : vector<16xi32>
        %jit3A_69 = arith.constant 1.000000e+00 : f32
        %jit3A_70 = arith.constant 0.000000e+00 : f32
        %broadcast_in_dim3A_71 = vector.broadcast %jit3A_69 : f32 to vector<16xf32>
        %broadcast_in_dim3A_72 = vector.broadcast %jit3A_70 : f32 to vector<16xf32>
        %select_n3A_73 = arith.select %ne3A, %broadcast_in_dim3A_71, %broadcast_in_dim3A_72 : vector<16xi1>, vector<16xf32>
        %mul3A_74 = arith.mulf %get3A_68, %get3A_68 : vector<16xf32>
        %mul3A_75 = arith.mulf %mul3A_74, %select_n3A_73 : vector<16xf32>
        %mul3A_76 = arith.constant 16 : i32
        %mul3A_77 = arith.muli %scan3A_54, %mul3A_76 : i32
        %add3A_78 = arith.constant 0 : i32
        %add3A_79 = arith.addi %mul3A_77, %add3A_78 : i32
        %slice3A = vector.extract_strided_slice %mul3A_75 {offsets = [0], sizes = [1], strides = [1]} : vector<16xf32> to vector<1xf32>
        %squeeze3A = vector.extract %slice3A[0] : f32 from vector<1xf32>
        %slice3A_80 = vector.extract_strided_slice %select_n3A_73 {offsets = [0], sizes = [1], strides = [1]} : vector<16xf32> to vector<1xf32>
        %squeeze3A_81 = vector.extract %slice3A_80[0] : f32 from vector<1xf32>
        %mul3A_82 = vector.broadcast %squeeze3A_81 : f32 to vector<16xf32>
        %mul3A_83 = arith.mulf %select_n3A, %mul3A_82 : vector<16xf32>
        %swap3A = arith.index_cast %add3A_79 : i32 to index
        %swap3A_84 = arith.constant 0 : index
        %swap3A_85 = tpu.vector_load %arg13[%swap3A, %swap3A_84] {strides = array<i32>} : memref<128x16xf32, #tpu.memory_space<vmem>>, vector<1x16xf32>,
        %swap3A_86 = vector.shape_cast %swap3A_85 : vector<1x16xf32> to vector<16xf32>
        %swap3A_87 = vector.shape_cast %mul3A_83 : vector<16xf32> to vector<1x16xf32>
        tpu.vector_store %arg13[%swap3A, %swap3A_84], %swap3A_87 {strides = array<i32>} : memref<128x16xf32, #tpu.memory_space<vmem>>, vector<1x16xf32>,
        %get3A_88 = arith.index_cast %add3A_79 : i32 to index
        %get3A_89 = arith.constant 0 : index
        %get3A_90 = tpu.vector_load %arg12[%get3A_88, %get3A_89] {strides = array<i32>} : memref<128x128xf32, #tpu.memory_space<vmem>>, vector<1x16xf32>,
        %get3A_91 = vector.shape_cast %get3A_90 : vector<1x16xf32> to vector<16xf32>
        %mul3A_92 = vector.broadcast %squeeze3A : f32 to vector<16xf32>
        %mul3A_93 = arith.mulf %get3A_91, %mul3A_92 : vector<16xf32>
        %swap3A_94 = arith.index_cast %add3A_79 : i32 to index
        %swap3A_95 = arith.constant 0 : index
        %swap3A_96 = tpu.vector_load %arg12[%swap3A_94, %swap3A_95] {strides = array<i32>} : memref<128x128xf32, #tpu.memory_space<vmem>>, vector<1x16xf32>,
        %swap3A_97 = vector.shape_cast %swap3A_96 : vector<1x16xf32> to vector<16xf32>
        %swap3A_98 = vector.shape_cast %mul3A_93 : vector<16xf32> to vector<1x16xf32>
        tpu.vector_store %arg12[%swap3A_94, %swap3A_95], %swap3A_98 {strides = array<i32>} : memref<128x128xf32, #tpu.memory_space<vmem>>, vector<1x16xf32>,
        %get3A_99 = arith.index_cast %add3A_79 : i32 to index
        %get3A_100 = arith.constant 16 : index
        %get3A_101 = tpu.vector_load %arg12[%get3A_99, %get3A_100] {strides = array<i32>} : memref<128x128xf32, #tpu.memory_space<vmem>>, vector<1x16xf32>,
        %get3A_102 = vector.shape_cast %get3A_101 : vector<1x16xf32> to vector<16xf32>
        %mul3A_103 = vector.broadcast %squeeze3A : f32 to vector<16xf32>
        %mul3A_104 = arith.mulf %get3A_102, %mul3A_103 : vector<16xf32>
        %swap3A_105 = arith.index_cast %add3A_79 : i32 to index
        %swap3A_106 = arith.constant 16 : index
        %swap3A_107 = tpu.vector_load %arg12[%swap3A_105, %swap3A_106] {strides = array<i32>} : memref<128x128xf32, #tpu.memory_space<vmem>>, vector<1x16xf32>,
        %swap3A_108 = vector.shape_cast %swap3A_107 : vector<1x16xf32> to vector<16xf32>
        %swap3A_109 = vector.shape_cast %mul3A_104 : vector<16xf32> to vector<1x16xf32>
        tpu.vector_store %arg12[%swap3A_105, %swap3A_106], %swap3A_109 {strides = array<i32>} : memref<128x128xf32, #tpu.memory_space<vmem>>, vector<1x16xf32>,
        %get3A_110 = arith.index_cast %add3A_79 : i32 to index
        %get3A_111 = arith.constant 32 : index
        %get3A_112 = tpu.vector_load %arg12[%get3A_110, %get3A_111] {strides = array<i32>} : memref<128x128xf32, #tpu.memory_space<vmem>>, vector<1x16xf32>,
        %get3A_113 = vector.shape_cast %get3A_112 : vector<1x16xf32> to vector<16xf32>
        %mul3A_114 = vector.broadcast %squeeze3A : f32 to vector<16xf32>
        %mul3A_115 = arith.mulf %get3A_113, %mul3A_114 : vector<16xf32>
        %swap3A_116 = arith.index_cast %add3A_79 : i32 to index
        %swap3A_117 = arith.constant 32 : index
        %swap3A_118 = tpu.vector_load %arg12[%swap3A_116, %swap3A_117] {strides = array<i32>} : memref<128x128xf32, #tpu.memory_space<vmem>>, vector<1x16xf32>,
        %swap3A_119 = vector.shape_cast %swap3A_118 : vector<1x16xf32> to vector<16xf32>
        %swap3A_120 = vector.shape_cast %mul3A_115 : vector<16xf32> to vector<1x16xf32>
        tpu.vector_store %arg12[%swap3A_116, %swap3A_117], %swap3A_120 {strides = array<i32>} : memref<128x128xf32, #tpu.memory_space<vmem>>, vector<1x16xf32>,
        %get3A_121 = arith.index_cast %add3A_79 : i32 to index
        %get3A_122 = arith.constant 48 : index
        %get3A_123 = tpu.vector_load %arg12[%get3A_121, %get3A_122] {strides = array<i32>} : memref<128x128xf32, #tpu.memory_space<vmem>>, vector<1x16xf32>,
        %get3A_124 = vector.shape_cast %get3A_123 : vector<1x16xf32> to vector<16xf32>
        %mul3A_125 = vector.broadcast %squeeze3A : f32 to vector<16xf32>
        %mul3A_126 = arith.mulf %get3A_124, %mul3A_125 : vector<16xf32>
        %swap3A_127 = arith.index_cast %add3A_79 : i32 to index
        %swap3A_128 = arith.constant 48 : index
        %swap3A_129 = tpu.vector_load %arg12[%swap3A_127, %swap3A_128] {strides = array<i32>} : memref<128x128xf32, #tpu.memory_space<vmem>>, vector<1x16xf32>,
        %swap3A_130 = vector.shape_cast %swap3A_129 : vector<1x16xf32> to vector<16xf32>
        %swap3A_131 = vector.shape_cast %mul3A_126 : vector<16xf32> to vector<1x16xf32>
        tpu.vector_store %arg12[%swap3A_127, %swap3A_128], %swap3A_131 {strides = array<i32>} : memref<128x128xf32, #tpu.memory_space<vmem>>, vector<1x16xf32>,
        %get3A_132 = arith.index_cast %add3A_79 : i32 to index
        %get3A_133 = arith.constant 64 : index
        %get3A_134 = tpu.vector_load %arg12[%get3A_132, %get3A_133] {strides = array<i32>} : memref<128x128xf32, #tpu.memory_space<vmem>>, vector<1x16xf32>,
        %get3A_135 = vector.shape_cast %get3A_134 : vector<1x16xf32> to vector<16xf32>
        %mul3A_136 = vector.broadcast %squeeze3A : f32 to vector<16xf32>
        %mul3A_137 = arith.mulf %get3A_135, %mul3A_136 : vector<16xf32>
        %swap3A_138 = arith.index_cast %add3A_79 : i32 to index
        %swap3A_139 = arith.constant 64 : index
        %swap3A_140 = tpu.vector_load %arg12[%swap3A_138, %swap3A_139] {strides = array<i32>} : memref<128x128xf32, #tpu.memory_space<vmem>>, vector<1x16xf32>,
        %swap3A_141 = vector.shape_cast %swap3A_140 : vector<1x16xf32> to vector<16xf32>
        %swap3A_142 = vector.shape_cast %mul3A_137 : vector<16xf32> to vector<1x16xf32>
        tpu.vector_store %arg12[%swap3A_138, %swap3A_139], %swap3A_142 {strides = array<i32>} : memref<128x128xf32, #tpu.memory_space<vmem>>, vector<1x16xf32>,
        %get3A_143 = arith.index_cast %add3A_79 : i32 to index
        %get3A_144 = arith.constant 80 : index
        %get3A_145 = tpu.vector_load %arg12[%get3A_143, %get3A_144] {strides = array<i32>} : memref<128x128xf32, #tpu.memory_space<vmem>>, vector<1x16xf32>,
        %get3A_146 = vector.shape_cast %get3A_145 : vector<1x16xf32> to vector<16xf32>
        %mul3A_147 = vector.broadcast %squeeze3A : f32 to vector<16xf32>
        %mul3A_148 = arith.mulf %get3A_146, %mul3A_147 : vector<16xf32>
        %swap3A_149 = arith.index_cast %add3A_79 : i32 to index
        %swap3A_150 = arith.constant 80 : index
        %swap3A_151 = tpu.vector_load %arg12[%swap3A_149, %swap3A_150] {strides = array<i32>} : memref<128x128xf32, #tpu.memory_space<vmem>>, vector<1x16xf32>,
        %swap3A_152 = vector.shape_cast %swap3A_151 : vector<1x16xf32> to vector<16xf32>
        %swap3A_153 = vector.shape_cast %mul3A_148 : vector<16xf32> to vector<1x16xf32>
        tpu.vector_store %arg12[%swap3A_149, %swap3A_150], %swap3A_153 {strides = array<i32>} : memref<128x128xf32, #tpu.memory_space<vmem>>, vector<1x16xf32>,
        %get3A_154 = arith.index_cast %add3A_79 : i32 to index
        %get3A_155 = arith.constant 96 : index
        %get3A_156 = tpu.vector_load %arg12[%get3A_154, %get3A_155] {strides = array<i32>} : memref<128x128xf32, #tpu.memory_space<vmem>>, vector<1x16xf32>,
        %get3A_157 = vector.shape_cast %get3A_156 : vector<1x16xf32> to vector<16xf32>
        %mul3A_158 = vector.broadcast %squeeze3A : f32 to vector<16xf32>
        %mul3A_159 = arith.mulf %get3A_157, %mul3A_158 : vector<16xf32>
        %swap3A_160 = arith.index_cast %add3A_79 : i32 to index
        %swap3A_161 = arith.constant 96 : index
        %swap3A_162 = tpu.vector_load %arg12[%swap3A_160, %swap3A_161] {strides = array<i32>} : memref<128x128xf32, #tpu.memory_space<vmem>>, vector<1x16xf32>,
        %swap3A_163 = vector.shape_cast %swap3A_162 : vector<1x16xf32> to vector<16xf32>
        %swap3A_164 = vector.shape_cast %mul3A_159 : vector<16xf32> to vector<1x16xf32>
        tpu.vector_store %arg12[%swap3A_160, %swap3A_161], %swap3A_164 {strides = array<i32>} : memref<128x128xf32, #tpu.memory_space<vmem>>, vector<1x16xf32>,
        %get3A_165 = arith.index_cast %add3A_79 : i32 to index
        %get3A_166 = arith.constant 112 : index
        %get3A_167 = tpu.vector_load %arg12[%get3A_165, %get3A_166] {strides = array<i32>} : memref<128x128xf32, #tpu.memory_space<vmem>>, vector<1x16xf32>,
        %get3A_168 = vector.shape_cast %get3A_167 : vector<1x16xf32> to vector<16xf32>
        %mul3A_169 = vector.broadcast %squeeze3A : f32 to vector<16xf32>
        %mul3A_170 = arith.mulf %get3A_168, %mul3A_169 : vector<16xf32>
        %swap3A_171 = arith.index_cast %add3A_79 : i32 to index
        %swap3A_172 = arith.constant 112 : index
        %swap3A_173 = tpu.vector_load %arg12[%swap3A_171, %swap3A_172] {strides = array<i32>} : memref<128x128xf32, #tpu.memory_space<vmem>>, vector<1x16xf32>,
        %swap3A_174 = vector.shape_cast %swap3A_173 : vector<1x16xf32> to vector<16xf32>
        %swap3A_175 = vector.shape_cast %mul3A_170 : vector<16xf32> to vector<1x16xf32>
        tpu.vector_store %arg12[%swap3A_171, %swap3A_172], %swap3A_175 {strides = array<i32>} : memref<128x128xf32, #tpu.memory_space<vmem>>, vector<1x16xf32>,
        %mul3A_176 = arith.constant 16 : i32
        %mul3A_177 = arith.muli %scan3A_54, %mul3A_176 : i32
        %add3A_178 = arith.constant 1 : i32
        %add3A_179 = arith.addi %mul3A_177, %add3A_178 : i32
        %slice3A_180 = vector.extract_strided_slice %mul3A_75 {offsets = [1], sizes = [1], strides = [1]} : vector<16xf32> to vector<1xf32>
        %squeeze3A_181 = vector.extract %slice3A_180[0] : f32 from vector<1xf32>
        %slice3A_182 = vector.extract_strided_slice %select_n3A_73 {offsets = [1], sizes = [1], strides = [1]} : vector<16xf32> to vector<1xf32>
        %squeeze3A_183 = vector.extract %slice3A_182[0] : f32 from vector<1xf32>
        %mul3A_184 = vector.broadcast %squeeze3A_183 : f32 to vector<16xf32>
        %mul3A_185 = arith.mulf %select_n3A, %mul3A_184 : vector<16xf32>
        %swap3A_186 = arith.index_cast %add3A_179 : i32 to index
        %swap3A_187 = arith.constant 0 : index
        %swap3A_188 = tpu.vector_load %arg13[%swap3A_186, %swap3A_187] {strides = array<i32>} : memref<128x16xf32, #tpu.memory_space<vmem>>, vector<1x16xf32>,
        %swap3A_189 = vector.shape_cast %swap3A_188 : vector<1x16xf32> to vector<16xf32>
        %swap3A_190 = vector.shape_cast %mul3A_185 : vector<16xf32> to vector<1x16xf32>
        tpu.vector_store %arg13[%swap3A_186, %swap3A_187], %swap3A_190 {strides = array<i32>} : memref<128x16xf32, #tpu.memory_space<vmem>>, vector<1x16xf32>,
        %get3A_191 = arith.index_cast %add3A_179 : i32 to index
        %get3A_192 = arith.constant 0 : index
        %get3A_193 = tpu.vector_load %arg12[%get3A_191, %get3A_192] {strides = array<i32>} : memref<128x128xf32, #tpu.memory_space<vmem>>, vector<1x16xf32>,
        %get3A_194 = vector.shape_cast %get3A_193 : vector<1x16xf32> to vector<16xf32>
        %mul3A_195 = vector.broadcast %squeeze3A_181 : f32 to vector<16xf32>
        %mul3A_196 = arith.mulf %get3A_194, %mul3A_195 : vector<16xf32>
        %swap3A_197 = arith.index_cast %add3A_179 : i32 to index
        %swap3A_198 = arith.constant 0 : index
        %swap3A_199 = tpu.vector_load %arg12[%swap3A_197, %swap3A_198] {strides = array<i32>} : memref<128x128xf32, #tpu.memory_space<vmem>>, vector<1x16xf32>,
        %swap3A_200 = vector.shape_cast %swap3A_199 : vector<1x16xf32> to vector<16xf32>
        %swap3A_201 = vector.shape_cast %mul3A_196 : vector<16xf32> to vector<1x16xf32>
        tpu.vector_store %arg12[%swap3A_197, %swap3A_198], %swap3A_201 {strides = array<i32>} : memref<128x128xf32, #tpu.memory_space<vmem>>, vector<1x16xf32>,
        %get3A_202 = arith.index_cast %add3A_179 : i32 to index
        %get3A_203 = arith.constant 16 : index
        %get3A_204 = tpu.vector_load %arg12[%get3A_202, %get3A_203] {strides = array<i32>} : memref<128x128xf32, #tpu.memory_space<vmem>>, vector<1x16xf32>,
        %get3A_205 = vector.shape_cast %get3A_204 : vector<1x16xf32> to vector<16xf32>
        %mul3A_206 = vector.broadcast %squeeze3A_181 : f32 to vector<16xf32>
        %mul3A_207 = arith.mulf %get3A_205, %mul3A_206 : vector<16xf32>
        %swap3A_208 = arith.index_cast %add3A_179 : i32 to index
        %swap3A_209 = arith.constant 16 : index
        %swap3A_210 = tpu.vector_load %arg12[%swap3A_208, %swap3A_209] {strides = array<i32>} : memref<128x128xf32, #tpu.memory_space<vmem>>, vector<1x16xf32>,
        %swap3A_211 = vector.shape_cast %swap3A_210 : vector<1x16xf32> to vector<16xf32>
        %swap3A_212 = vector.shape_cast %mul3A_207 : vector<16xf32> to vector<1x16xf32>
        tpu.vector_store %arg12[%swap3A_208, %swap3A_209], %swap3A_212 {strides = array<i32>} : memref<128x128xf32, #tpu.memory_space<vmem>>, vector<1x16xf32>,
        %get3A_213 = arith.index_cast %add3A_179 : i32 to index
        %get3A_214 = arith.constant 32 : index
        %get3A_215 = tpu.vector_load %arg12[%get3A_213, %get3A_214] {strides = array<i32>} : memref<128x128xf32, #tpu.memory_space<vmem>>, vector<1x16xf32>,
        %get3A_216 = vector.shape_cast %get3A_215 : vector<1x16xf32> to vector<16xf32>
        %mul3A_217 = vector.broadcast %squeeze3A_181 : f32 to vector<16xf32>
        %mul3A_218 = arith.mulf %get3A_216, %mul3A_217 : vector<16xf32>
        %swap3A_219 = arith.index_cast %add3A_179 : i32 to index
        %swap3A_220 = arith.constant 32 : index
        %swap3A_221 = tpu.vector_load %arg12[%swap3A_219, %swap3A_220] {strides = array<i32>} : memref<128x128xf32, #tpu.memory_space<vmem>>, vector<1x16xf32>,
        %swap3A_222 = vector.shape_cast %swap3A_221 : vector<1x16xf32> to vector<16xf32>
        %swap3A_223 = vector.shape_cast %mul3A_218 : vector<16xf32> to vector<1x16xf32>
        tpu.vector_store %arg12[%swap3A_219, %swap3A_220], %swap3A_223 {strides = array<i32>} : memref<128x128xf32, #tpu.memory_space<vmem>>, vector<1x16xf32>,
        %get3A_224 = arith.index_cast %add3A_179 : i32 to index
        %get3A_225 = arith.constant 48 : index
        %get3A_226 = tpu.vector_load %arg12[%get3A_224, %get3A_225] {strides = array<i32>} : memref<128x128xf32, #tpu.memory_space<vmem>>, vector<1x16xf32>,
        %get3A_227 = vector.shape_cast %get3A_226 : vector<1x16xf32> to vector<16xf32>
        %mul3A_228 = vector.broadcast %squeeze3A_181 : f32 to vector<16xf32>
        %mul3A_229 = arith.mulf %get3A_227, %mul3A_228 : vector<16xf32>
        %swap3A_230 = arith.index_cast %add3A_179 : i32 to index
        %swap3A_231 = arith.constant 48 : index
        %swap3A_232 = tpu.vector_load %arg12[%swap3A_230, %swap3A_231] {strides = array<i32>} : memref<128x128xf32, #tpu.memory_space<vmem>>, vector<1x16xf32>,
        %swap3A_233 = vector.shape_cast %swap3A_232 : vector<1x16xf32> to vector<16xf32>
        %swap3A_234 = vector.shape_cast %mul3A_229 : vector<16xf32> to vector<1x16xf32>
        tpu.vector_store %arg12[%swap3A_230, %swap3A_231], %swap3A_234 {strides = array<i32>} : memref<128x128xf32, #tpu.memory_space<vmem>>, vector<1x16xf32>,
        %get3A_235 = arith.index_cast %add3A_179 : i32 to index
        %get3A_236 = arith.constant 64 : index
        %get3A_237 = tpu.vector_load %arg12[%get3A_235, %get3A_236] {strides = array<i32>} : memref<128x128xf32, #tpu.memory_space<vmem>>, vector<1x16xf32>,
        %get3A_238 = vector.shape_cast %get3A_237 : vector<1x16xf32> to vector<16xf32>
        %mul3A_239 = vector.broadcast %squeeze3A_181 : f32 to vector<16xf32>
        %mul3A_240 = arith.mulf %get3A_238, %mul3A_239 : vector<16xf32>
        %swap3A_241 = arith.index_cast %add3A_179 : i32 to index
        %swap3A_242 = arith.constant 64 : index
        %swap3A_243 = tpu.vector_load %arg12[%swap3A_241, %swap3A_242] {strides = array<i32>} : memref<128x128xf32, #tpu.memory_space<vmem>>, vector<1x16xf32>,
        %swap3A_244 = vector.shape_cast %swap3A_243 : vector<1x16xf32> to vector<16xf32>
        %swap3A_245 = vector.shape_cast %mul3A_240 : vector<16xf32> to vector<1x16xf32>
        tpu.vector_store %arg12[%swap3A_241, %swap3A_242], %swap3A_245 {strides = array<i32>} : memref<128x128xf32, #tpu.memory_space<vmem>>, vector<1x16xf32>,
        %get3A_246 = arith.index_cast %add3A_179 : i32 to index
        %get3A_247 = arith.constant 80 : index
        %get3A_248 = tpu.vector_load %arg12[%get3A_246, %get3A_247] {strides = array<i32>} : memref<128x128xf32, #tpu.memory_space<vmem>>, vector<1x16xf32>,
        %get3A_249 = vector.shape_cast %get3A_248 : vector<1x16xf32> to vector<16xf32>
        %mul3A_250 = vector.broadcast %squeeze3A_181 : f32 to vector<16xf32>
        %mul3A_251 = arith.mulf %get3A_249, %mul3A_250 : vector<16xf32>
        %swap3A_252 = arith.index_cast %add3A_179 : i32 to index
        %swap3A_253 = arith.constant 80 : index
        %swap3A_254 = tpu.vector_load %arg12[%swap3A_252, %swap3A_253] {strides = array<i32>} : memref<128x128xf32, #tpu.memory_space<vmem>>, vector<1x16xf32>,
        %swap3A_255 = vector.shape_cast %swap3A_254 : vector<1x16xf32> to vector<16xf32>
        %swap3A_256 = vector.shape_cast %mul3A_251 : vector<16xf32> to vector<1x16xf32>
        tpu.vector_store %arg12[%swap3A_252, %swap3A_253], %swap3A_256 {strides = array<i32>} : memref<128x128xf32, #tpu.memory_space<vmem>>, vector<1x16xf32>,
        %get3A_257 = arith.index_cast %add3A_179 : i32 to index
        %get3A_258 = arith.constant 96 : index
        %get3A_259 = tpu.vector_load %arg12[%get3A_257, %get3A_258] {strides = array<i32>} : memref<128x128xf32, #tpu.memory_space<vmem>>, vector<1x16xf32>,
        %get3A_260 = vector.shape_cast %get3A_259 : vector<1x16xf32> to vector<16xf32>
        %mul3A_261 = vector.broadcast %squeeze3A_181 : f32 to vector<16xf32>
        %mul3A_262 = arith.mulf %get3A_260, %mul3A_261 : vector<16xf32>
        %swap3A_263 = arith.index_cast %add3A_179 : i32 to index
        %swap3A_264 = arith.constant 96 : index
        %swap3A_265 = tpu.vector_load %arg12[%swap3A_263, %swap3A_264] {strides = array<i32>} : memref<128x128xf32, #tpu.memory_space<vmem>>, vector<1x16xf32>,
        %swap3A_266 = vector.shape_cast %swap3A_265 : vector<1x16xf32> to vector<16xf32>
        %swap3A_267 = vector.shape_cast %mul3A_262 : vector<16xf32> to vector<1x16xf32>
        tpu.vector_store %arg12[%swap3A_263, %swap3A_264], %swap3A_267 {strides = array<i32>} : memref<128x128xf32, #tpu.memory_space<vmem>>, vector<1x16xf32>,
        %get3A_268 = arith.index_cast %add3A_179 : i32 to index
        %get3A_269 = arith.constant 112 : index
        %get3A_270 = tpu.vector_load %arg12[%get3A_268, %get3A_269] {strides = array<i32>} : memref<128x128xf32, #tpu.memory_space<vmem>>, vector<1x16xf32>,
        %get3A_271 = vector.shape_cast %get3A_270 : vector<1x16xf32> to vector<16xf32>
        %mul3A_272 = vector.broadcast %squeeze3A_181 : f32 to vector<16xf32>
        %mul3A_273 = arith.mulf %get3A_271, %mul3A_272 : vector<16xf32>
        %swap3A_274 = arith.index_cast %add3A_179 : i32 to index
        %swap3A_275 = arith.constant 112 : index
        %swap3A_276 = tpu.vector_load %arg12[%swap3A_274, %swap3A_275] {strides = array<i32>} : memref<128x128xf32, #tpu.memory_space<vmem>>, vector<1x16xf32>,
        %swap3A_277 = vector.shape_cast %swap3A_276 : vector<1x16xf32> to vector<16xf32>
        %swap3A_278 = vector.shape_cast %mul3A_273 : vector<16xf32> to vector<1x16xf32>
        tpu.vector_store %arg12[%swap3A_274, %swap3A_275], %swap3A_278 {strides = array<i32>} : memref<128x128xf32, #tpu.memory_space<vmem>>, vector<1x16xf32>,
        %mul3A_279 = arith.constant 16 : i32
        %mul3A_280 = arith.muli %scan3A_54, %mul3A_279 : i32
        %add3A_281 = arith.constant 2 : i32
        %add3A_282 = arith.addi %mul3A_280, %add3A_281 : i32
        %slice3A_283 = vector.extract_strided_slice %mul3A_75 {offsets = [2], sizes = [1], strides = [1]} : vector<16xf32> to vector<1xf32>
        %squeeze3A_284 = vector.extract %slice3A_283[0] : f32 from vector<1xf32>
        %slice3A_285 = vector.extract_strided_slice %select_n3A_73 {offsets = [2], sizes = [1], strides = [1]} : vector<16xf32> to vector<1xf32>
        %squeeze3A_286 = vector.extract %slice3A_285[0] : f32 from vector<1xf32>
        %mul3A_287 = vector.broadcast %squeeze3A_286 : f32 to vector<16xf32>
        %mul3A_288 = arith.mulf %select_n3A, %mul3A_287 : vector<16xf32>
        %swap3A_289 = arith.index_cast %add3A_282 : i32 to index
        %swap3A_290 = arith.constant 0 : index
        %swap3A_291 = tpu.vector_load %arg13[%swap3A_289, %swap3A_290] {strides = array<i32>} : memref<128x16xf32, #tpu.memory_space<vmem>>, vector<1x16xf32>,
        %swap3A_292 = vector.shape_cast %swap3A_291 : vector<1x16xf32> to vector<16xf32>
        %swap3A_293 = vector.shape_cast %mul3A_288 : vector<16xf32> to vector<1x16xf32>
        tpu.vector_store %arg13[%swap3A_289, %swap3A_290], %swap3A_293 {strides = array<i32>} : memref<128x16xf32, #tpu.memory_space<vmem>>, vector<1x16xf32>,
        %get3A_294 = arith.index_cast %add3A_282 : i32 to index
        %get3A_295 = arith.constant 0 : index
        %get3A_296 = tpu.vector_load %arg12[%get3A_294, %get3A_295] {strides = array<i32>} : memref<128x128xf32, #tpu.memory_space<vmem>>, vector<1x16xf32>,
        %get3A_297 = vector.shape_cast %get3A_296 : vector<1x16xf32> to vector<16xf32>
        %mul3A_298 = vector.broadcast %squeeze3A_284 : f32 to vector<16xf32>
        %mul3A_299 = arith.mulf %get3A_297, %mul3A_298 : vector<16xf32>
        %swap3A_300 = arith.index_cast %add3A_282 : i32 to index
        %swap3A_301 = arith.constant 0 : index
        %swap3A_302 = tpu.vector_load %arg12[%swap3A_300, %swap3A_301] {strides = array<i32>} : memref<128x128xf32, #tpu.memory_space<vmem>>, vector<1x16xf32>,
        %swap3A_303 = vector.shape_cast %swap3A_302 : vector<1x16xf32> to vector<16xf32>
        %swap3A_304 = vector.shape_cast %mul3A_299 : vector<16xf32> to vector<1x16xf32>
        tpu.vector_store %arg12[%swap3A_300, %swap3A_301], %swap3A_304 {strides = array<i32>} : memref<128x128xf32, #tpu.memory_space<vmem>>, vector<1x16xf32>,
        %get3A_305 = arith.index_cast %add3A_282 : i32 to index
        %get3A_306 = arith.constant 16 : index
        %get3A_307 = tpu.vector_load %arg12[%get3A_305, %get3A_306] {strides = array<i32>} : memref<128x128xf32, #tpu.memory_space<vmem>>, vector<1x16xf32>,
        %get3A_308 = vector.shape_cast %get3A_307 : vector<1x16xf32> to vector<16xf32>
        %mul3A_309 = vector.broadcast %squeeze3A_284 : f32 to vector<16xf32>
        %mul3A_310 = arith.mulf %get3A_308, %mul3A_309 : vector<16xf32>
        %swap3A_311 = arith.index_cast %add3A_282 : i32 to index
        %swap3A_312 = arith.constant 16 : index
        %swap3A_313 = tpu.vector_load %arg12[%swap3A_311, %swap3A_312] {strides = array<i32>} : memref<128x128xf32, #tpu.memory_space<vmem>>, vector<1x16xf32>,
        %swap3A_314 = vector.shape_cast %swap3A_313 : vector<1x16xf32> to vector<16xf32>
        %swap3A_315 = vector.shape_cast %mul3A_310 : vector<16xf32> to vector<1x16xf32>
        tpu.vector_store %arg12[%swap3A_311, %swap3A_312], %swap3A_315 {strides = array<i32>} : memref<128x128xf32, #tpu.memory_space<vmem>>, vector<1x16xf32>,
        %get3A_316 = arith.index_cast %add3A_282 : i32 to index
        %get3A_317 = arith.constant 32 : index
        %get3A_318 = tpu.vector_load %arg12[%get3A_316, %get3A_317] {strides = array<i32>} : memref<128x128xf32, #tpu.memory_space<vmem>>, vector<1x16xf32>,
        %get3A_319 = vector.shape_cast %get3A_318 : vector<1x16xf32> to vector<16xf32>
        %mul3A_320 = vector.broadcast %squeeze3A_284 : f32 to vector<16xf32>
        %mul3A_321 = arith.mulf %get3A_319, %mul3A_320 : vector<16xf32>
        %swap3A_322 = arith.index_cast %add3A_282 : i32 to index
        %swap3A_323 = arith.constant 32 : index
        %swap3A_324 = tpu.vector_load %arg12[%swap3A_322, %swap3A_323] {strides = array<i32>} : memref<128x128xf32, #tpu.memory_space<vmem>>, vector<1x16xf32>,
        %swap3A_325 = vector.shape_cast %swap3A_324 : vector<1x16xf32> to vector<16xf32>
        %swap3A_326 = vector.shape_cast %mul3A_321 : vector<16xf32> to vector<1x16xf32>
        tpu.vector_store %arg12[%swap3A_322, %swap3A_323], %swap3A_326 {strides = array<i32>} : memref<128x128xf32, #tpu.memory_space<vmem>>, vector<1x16xf32>,
        %get3A_327 = arith.index_cast %add3A_282 : i32 to index
        %get3A_328 = arith.constant 48 : index
        %get3A_329 = tpu.vector_load %arg12[%get3A_327, %get3A_328] {strides = array<i32>} : memref<128x128xf32, #tpu.memory_space<vmem>>, vector<1x16xf32>,
        %get3A_330 = vector.shape_cast %get3A_329 : vector<1x16xf32> to vector<16xf32>
        %mul3A_331 = vector.broadcast %squeeze3A_284 : f32 to vector<16xf32>
        %mul3A_332 = arith.mulf %get3A_330, %mul3A_331 : vector<16xf32>
        %swap3A_333 = arith.index_cast %add3A_282 : i32 to index
        %swap3A_334 = arith.constant 48 : index
        %swap3A_335 = tpu.vector_load %arg12[%swap3A_333, %swap3A_334] {strides = array<i32>} : memref<128x128xf32, #tpu.memory_space<vmem>>, vector<1x16xf32>,
        %swap3A_336 = vector.shape_cast %swap3A_335 : vector<1x16xf32> to vector<16xf32>
        %swap3A_337 = vector.shape_cast %mul3A_332 : vector<16xf32> to vector<1x16xf32>
        tpu.vector_store %arg12[%swap3A_333, %swap3A_334], %swap3A_337 {strides = array<i32>} : memref<128x128xf32, #tpu.memory_space<vmem>>, vector<1x16xf32>,
        %get3A_338 = arith.index_cast %add3A_282 : i32 to index
        %get3A_339 = arith.constant 64 : index
        %get3A_340 = tpu.vector_load %arg12[%get3A_338, %get3A_339] {strides = array<i32>} : memref<128x128xf32, #tpu.memory_space<vmem>>, vector<1x16xf32>,
        %get3A_341 = vector.shape_cast %get3A_340 : vector<1x16xf32> to vector<16xf32>
        %mul3A_342 = vector.broadcast %squeeze3A_284 : f32 to vector<16xf32>
        %mul3A_343 = arith.mulf %get3A_341, %mul3A_342 : vector<16xf32>
        %swap3A_344 = arith.index_cast %add3A_282 : i32 to index
        %swap3A_345 = arith.constant 64 : index
        %swap3A_346 = tpu.vector_load %arg12[%swap3A_344, %swap3A_345] {strides = array<i32>} : memref<128x128xf32, #tpu.memory_space<vmem>>, vector<1x16xf32>,
        %swap3A_347 = vector.shape_cast %swap3A_346 : vector<1x16xf32> to vector<16xf32>
        %swap3A_348 = vector.shape_cast %mul3A_343 : vector<16xf32> to vector<1x16xf32>
        tpu.vector_store %arg12[%swap3A_344, %swap3A_345], %swap3A_348 {strides = array<i32>} : memref<128x128xf32, #tpu.memory_space<vmem>>, vector<1x16xf32>,
        %get3A_349 = arith.index_cast %add3A_282 : i32 to index
        %get3A_350 = arith.constant 80 : index
        %get3A_351 = tpu.vector_load %arg12[%get3A_349, %get3A_350] {strides = array<i32>} : memref<128x128xf32, #tpu.memory_space<vmem>>, vector<1x16xf32>,
        %get3A_352 = vector.shape_cast %get3A_351 : vector<1x16xf32> to vector<16xf32>
        %mul3A_353 = vector.broadcast %squeeze3A_284 : f32 to vector<16xf32>
        %mul3A_354 = arith.mulf %get3A_352, %mul3A_353 : vector<16xf32>
        %swap3A_355 = arith.index_cast %add3A_282 : i32 to index
        %swap3A_356 = arith.constant 80 : index
        %swap3A_357 = tpu.vector_load %arg12[%swap3A_355, %swap3A_356] {strides = array<i32>} : memref<128x128xf32, #tpu.memory_space<vmem>>, vector<1x16xf32>,
        %swap3A_358 = vector.shape_cast %swap3A_357 : vector<1x16xf32> to vector<16xf32>
        %swap3A_359 = vector.shape_cast %mul3A_354 : vector<16xf32> to vector<1x16xf32>
        tpu.vector_store %arg12[%swap3A_355, %swap3A_356], %swap3A_359 {strides = array<i32>} : memref<128x128xf32, #tpu.memory_space<vmem>>, vector<1x16xf32>,
        %get3A_360 = arith.index_cast %add3A_282 : i32 to index
        %get3A_361 = arith.constant 96 : index
        %get3A_362 = tpu.vector_load %arg12[%get3A_360, %get3A_361] {strides = array<i32>} : memref<128x128xf32, #tpu.memory_space<vmem>>, vector<1x16xf32>,
        %get3A_363 = vector.shape_cast %get3A_362 : vector<1x16xf32> to vector<16xf32>
        %mul3A_364 = vector.broadcast %squeeze3A_284 : f32 to vector<16xf32>
        %mul3A_365 = arith.mulf %get3A_363, %mul3A_364 : vector<16xf32>
        %swap3A_366 = arith.index_cast %add3A_282 : i32 to index
        %swap3A_367 = arith.constant 96 : index
        %swap3A_368 = tpu.vector_load %arg12[%swap3A_366, %swap3A_367] {strides = array<i32>} : memref<128x128xf32, #tpu.memory_space<vmem>>, vector<1x16xf32>,
        %swap3A_369 = vector.shape_cast %swap3A_368 : vector<1x16xf32> to vector<16xf32>
        %swap3A_370 = vector.shape_cast %mul3A_365 : vector<16xf32> to vector<1x16xf32>
        tpu.vector_store %arg12[%swap3A_366, %swap3A_367], %swap3A_370 {strides = array<i32>} : memref<128x128xf32, #tpu.memory_space<vmem>>, vector<1x16xf32>,
        %get3A_371 = arith.index_cast %add3A_282 : i32 to index
        %get3A_372 = arith.constant 112 : index
        %get3A_373 = tpu.vector_load %arg12[%get3A_371, %get3A_372] {strides = array<i32>} : memref<128x128xf32, #tpu.memory_space<vmem>>, vector<1x16xf32>,
        %get3A_374 = vector.shape_cast %get3A_373 : vector<1x16xf32> to vector<16xf32>
        %mul3A_375 = vector.broadcast %squeeze3A_284 : f32 to vector<16xf32>
        %mul3A_376 = arith.mulf %get3A_374, %mul3A_375 : vector<16xf32>
        %swap3A_377 = arith.index_cast %add3A_282 : i32 to index
        %swap3A_378 = arith.constant 112 : index
        %swap3A_379 = tpu.vector_load %arg12[%swap3A_377, %swap3A_378] {strides = array<i32>} : memref<128x128xf32, #tpu.memory_space<vmem>>, vector<1x16xf32>,
        %swap3A_380 = vector.shape_cast %swap3A_379 : vector<1x16xf32> to vector<16xf32>
        %swap3A_381 = vector.shape_cast %mul3A_376 : vector<16xf32> to vector<1x16xf32>
        tpu.vector_store %arg12[%swap3A_377, %swap3A_378], %swap3A_381 {strides = array<i32>} : memref<128x128xf32, #tpu.memory_space<vmem>>, vector<1x16xf32>,
        %mul3A_382 = arith.constant 16 : i32
        %mul3A_383 = arith.muli %scan3A_54, %mul3A_382 : i32
        %add3A_384 = arith.constant 3 : i32
        %add3A_385 = arith.addi %mul3A_383, %add3A_384 : i32
        %slice3A_386 = vector.extract_strided_slice %mul3A_75 {offsets = [3], sizes = [1], strides = [1]} : vector<16xf32> to vector<1xf32>
        %squeeze3A_387 = vector.extract %slice3A_386[0] : f32 from vector<1xf32>
        %slice3A_388 = vector.extract_strided_slice %select_n3A_73 {offsets = [3], sizes = [1], strides = [1]} : vector<16xf32> to vector<1xf32>
        %squeeze3A_389 = vector.extract %slice3A_388[0] : f32 from vector<1xf32>
        %mul3A_390 = vector.broadcast %squeeze3A_389 : f32 to vector<16xf32>
        %mul3A_391 = arith.mulf %select_n3A, %mul3A_390 : vector<16xf32>
        %swap3A_392 = arith.index_cast %add3A_385 : i32 to index
        %swap3A_393 = arith.constant 0 : index
        %swap3A_394 = tpu.vector_load %arg13[%swap3A_392, %swap3A_393] {strides = array<i32>} : memref<128x16xf32, #tpu.memory_space<vmem>>, vector<1x16xf32>,
        %swap3A_395 = vector.shape_cast %swap3A_394 : vector<1x16xf32> to vector<16xf32>
        %swap3A_396 = vector.shape_cast %mul3A_391 : vector<16xf32> to vector<1x16xf32>
        tpu.vector_store %arg13[%swap3A_392, %swap3A_393], %swap3A_396 {strides = array<i32>} : memref<128x16xf32, #tpu.memory_space<vmem>>, vector<1x16xf32>,
        %get3A_397 = arith.index_cast %add3A_385 : i32 to index
        %get3A_398 = arith.constant 0 : index
        %get3A_399 = tpu.vector_load %arg12[%get3A_397, %get3A_398] {strides = array<i32>} : memref<128x128xf32, #tpu.memory_space<vmem>>, vector<1x16xf32>,
        %get3A_400 = vector.shape_cast %get3A_399 : vector<1x16xf32> to vector<16xf32>
        %mul3A_401 = vector.broadcast %squeeze3A_387 : f32 to vector<16xf32>
        %mul3A_402 = arith.mulf %get3A_400, %mul3A_401 : vector<16xf32>
        %swap3A_403 = arith.index_cast %add3A_385 : i32 to index
        %swap3A_404 = arith.constant 0 : index
        %swap3A_405 = tpu.vector_load %arg12[%swap3A_403, %swap3A_404] {strides = array<i32>} : memref<128x128xf32, #tpu.memory_space<vmem>>, vector<1x16xf32>,
        %swap3A_406 = vector.shape_cast %swap3A_405 : vector<1x16xf32> to vector<16xf32>
        %swap3A_407 = vector.shape_cast %mul3A_402 : vector<16xf32> to vector<1x16xf32>
        tpu.vector_store %arg12[%swap3A_403, %swap3A_404], %swap3A_407 {strides = array<i32>} : memref<128x128xf32, #tpu.memory_space<vmem>>, vector<1x16xf32>,
        %get3A_408 = arith.index_cast %add3A_385 : i32 to index
        %get3A_409 = arith.constant 16 : index
        %get3A_410 = tpu.vector_load %arg12[%get3A_408, %get3A_409] {strides = array<i32>} : memref<128x128xf32, #tpu.memory_space<vmem>>, vector<1x16xf32>,
        %get3A_411 = vector.shape_cast %get3A_410 : vector<1x16xf32> to vector<16xf32>
        %mul3A_412 = vector.broadcast %squeeze3A_387 : f32 to vector<16xf32>
        %mul3A_413 = arith.mulf %get3A_411, %mul3A_412 : vector<16xf32>
        %swap3A_414 = arith.index_cast %add3A_385 : i32 to index
        %swap3A_415 = arith.constant 16 : index
        %swap3A_416 = tpu.vector_load %arg12[%swap3A_414, %swap3A_415] {strides = array<i32>} : memref<128x128xf32, #tpu.memory_space<vmem>>, vector<1x16xf32>,
        %swap3A_417 = vector.shape_cast %swap3A_416 : vector<1x16xf32> to vector<16xf32>
        %swap3A_418 = vector.shape_cast %mul3A_413 : vector<16xf32> to vector<1x16xf32>
        tpu.vector_store %arg12[%swap3A_414, %swap3A_415], %swap3A_418 {strides = array<i32>} : memref<128x128xf32, #tpu.memory_space<vmem>>, vector<1x16xf32>,
        %get3A_419 = arith.index_cast %add3A_385 : i32 to index
        %get3A_420 = arith.constant 32 : index
        %get3A_421 = tpu.vector_load %arg12[%get3A_419, %get3A_420] {strides = array<i32>} : memref<128x128xf32, #tpu.memory_space<vmem>>, vector<1x16xf32>,
        %get3A_422 = vector.shape_cast %get3A_421 : vector<1x16xf32> to vector<16xf32>
        %mul3A_423 = vector.broadcast %squeeze3A_387 : f32 to vector<16xf32>
        %mul3A_424 = arith.mulf %get3A_422, %mul3A_423 : vector<16xf32>
        %swap3A_425 = arith.index_cast %add3A_385 : i32 to index
        %swap3A_426 = arith.constant 32 : index
        %swap3A_427 = tpu.vector_load %arg12[%swap3A_425, %swap3A_426] {strides = array<i32>} : memref<128x128xf32, #tpu.memory_space<vmem>>, vector<1x16xf32>,
        %swap3A_428 = vector.shape_cast %swap3A_427 : vector<1x16xf32> to vector<16xf32>
        %swap3A_429 = vector.shape_cast %mul3A_424 : vector<16xf32> to vector<1x16xf32>
        tpu.vector_store %arg12[%swap3A_425, %swap3A_426], %swap3A_429 {strides = array<i32>} : memref<128x128xf32, #tpu.memory_space<vmem>>, vector<1x16xf32>,
        %get3A_430 = arith.index_cast %add3A_385 : i32 to index
        %get3A_431 = arith.constant 48 : index
        %get3A_432 = tpu.vector_load %arg12[%get3A_430, %get3A_431] {strides = array<i32>} : memref<128x128xf32, #tpu.memory_space<vmem>>, vector<1x16xf32>,
        %get3A_433 = vector.shape_cast %get3A_432 : vector<1x16xf32> to vector<16xf32>
        %mul3A_434 = vector.broadcast %squeeze3A_387 : f32 to vector<16xf32>
        %mul3A_435 = arith.mulf %get3A_433, %mul3A_434 : vector<16xf32>
        %swap3A_436 = arith.index_cast %add3A_385 : i32 to index
        %swap3A_437 = arith.constant 48 : index
        %swap3A_438 = tpu.vector_load %arg12[%swap3A_436, %swap3A_437] {strides = array<i32>} : memref<128x128xf32, #tpu.memory_space<vmem>>, vector<1x16xf32>,
        %swap3A_439 = vector.shape_cast %swap3A_438 : vector<1x16xf32> to vector<16xf32>
        %swap3A_440 = vector.shape_cast %mul3A_435 : vector<16xf32> to vector<1x16xf32>
        tpu.vector_store %arg12[%swap3A_436, %swap3A_437], %swap3A_440 {strides = array<i32>} : memref<128x128xf32, #tpu.memory_space<vmem>>, vector<1x16xf32>,
        %get3A_441 = arith.index_cast %add3A_385 : i32 to index
        %get3A_442 = arith.constant 64 : index
        %get3A_443 = tpu.vector_load %arg12[%get3A_441, %get3A_442] {strides = array<i32>} : memref<128x128xf32, #tpu.memory_space<vmem>>, vector<1x16xf32>,
        %get3A_444 = vector.shape_cast %get3A_443 : vector<1x16xf32> to vector<16xf32>
        %mul3A_445 = vector.broadcast %squeeze3A_387 : f32 to vector<16xf32>
        %mul3A_446 = arith.mulf %get3A_444, %mul3A_445 : vector<16xf32>
        %swap3A_447 = arith.index_cast %add3A_385 : i32 to index
        %swap3A_448 = arith.constant 64 : index
        %swap3A_449 = tpu.vector_load %arg12[%swap3A_447, %swap3A_448] {strides = array<i32>} : memref<128x128xf32, #tpu.memory_space<vmem>>, vector<1x16xf32>,
        %swap3A_450 = vector.shape_cast %swap3A_449 : vector<1x16xf32> to vector<16xf32>
        %swap3A_451 = vector.shape_cast %mul3A_446 : vector<16xf32> to vector<1x16xf32>
        tpu.vector_store %arg12[%swap3A_447, %swap3A_448], %swap3A_451 {strides = array<i32>} : memref<128x128xf32, #tpu.memory_space<vmem>>, vector<1x16xf32>,
        %get3A_452 = arith.index_cast %add3A_385 : i32 to index
        %get3A_453 = arith.constant 80 : index
        %get3A_454 = tpu.vector_load %arg12[%get3A_452, %get3A_453] {strides = array<i32>} : memref<128x128xf32, #tpu.memory_space<vmem>>, vector<1x16xf32>,
        %get3A_455 = vector.shape_cast %get3A_454 : vector<1x16xf32> to vector<16xf32>
        %mul3A_456 = vector.broadcast %squeeze3A_387 : f32 to vector<16xf32>
        %mul3A_457 = arith.mulf %get3A_455, %mul3A_456 : vector<16xf32>
        %swap3A_458 = arith.index_cast %add3A_385 : i32 to index
        %swap3A_459 = arith.constant 80 : index
        %swap3A_460 = tpu.vector_load %arg12[%swap3A_458, %swap3A_459] {strides = array<i32>} : memref<128x128xf32, #tpu.memory_space<vmem>>, vector<1x16xf32>,
        %swap3A_461 = vector.shape_cast %swap3A_460 : vector<1x16xf32> to vector<16xf32>
        %swap3A_462 = vector.shape_cast %mul3A_457 : vector<16xf32> to vector<1x16xf32>
        tpu.vector_store %arg12[%swap3A_458, %swap3A_459], %swap3A_462 {strides = array<i32>} : memref<128x128xf32, #tpu.memory_space<vmem>>, vector<1x16xf32>,
        %get3A_463 = arith.index_cast %add3A_385 : i32 to index
        %get3A_464 = arith.constant 96 : index
        %get3A_465 = tpu.vector_load %arg12[%get3A_463, %get3A_464] {strides = array<i32>} : memref<128x128xf32, #tpu.memory_space<vmem>>, vector<1x16xf32>,
        %get3A_466 = vector.shape_cast %get3A_465 : vector<1x16xf32> to vector<16xf32>
        %mul3A_467 = vector.broadcast %squeeze3A_387 : f32 to vector<16xf32>
        %mul3A_468 = arith.mulf %get3A_466, %mul3A_467 : vector<16xf32>
        %swap3A_469 = arith.index_cast %add3A_385 : i32 to index
        %swap3A_470 = arith.constant 96 : index
        %swap3A_471 = tpu.vector_load %arg12[%swap3A_469, %swap3A_470] {strides = array<i32>} : memref<128x128xf32, #tpu.memory_space<vmem>>, vector<1x16xf32>,
        %swap3A_472 = vector.shape_cast %swap3A_471 : vector<1x16xf32> to vector<16xf32>
        %swap3A_473 = vector.shape_cast %mul3A_468 : vector<16xf32> to vector<1x16xf32>
        tpu.vector_store %arg12[%swap3A_469, %swap3A_470], %swap3A_473 {strides = array<i32>} : memref<128x128xf32, #tpu.memory_space<vmem>>, vector<1x16xf32>,
        %get3A_474 = arith.index_cast %add3A_385 : i32 to index
        %get3A_475 = arith.constant 112 : index
        %get3A_476 = tpu.vector_load %arg12[%get3A_474, %get3A_475] {strides = array<i32>} : memref<128x128xf32, #tpu.memory_space<vmem>>, vector<1x16xf32>,
        %get3A_477 = vector.shape_cast %get3A_476 : vector<1x16xf32> to vector<16xf32>
        %mul3A_478 = vector.broadcast %squeeze3A_387 : f32 to vector<16xf32>
        %mul3A_479 = arith.mulf %get3A_477, %mul3A_478 : vector<16xf32>
        %swap3A_480 = arith.index_cast %add3A_385 : i32 to index
        %swap3A_481 = arith.constant 112 : index
        %swap3A_482 = tpu.vector_load %arg12[%swap3A_480, %swap3A_481] {strides = array<i32>} : memref<128x128xf32, #tpu.memory_space<vmem>>, vector<1x16xf32>,
        %swap3A_483 = vector.shape_cast %swap3A_482 : vector<1x16xf32> to vector<16xf32>
        %swap3A_484 = vector.shape_cast %mul3A_479 : vector<16xf32> to vector<1x16xf32>
        tpu.vector_store %arg12[%swap3A_480, %swap3A_481], %swap3A_484 {strides = array<i32>} : memref<128x128xf32, #tpu.memory_space<vmem>>, vector<1x16xf32>,
        %mul3A_485 = arith.constant 16 : i32
        %mul3A_486 = arith.muli %scan3A_54, %mul3A_485 : i32
        %add3A_487 = arith.constant 4 : i32
        %add3A_488 = arith.addi %mul3A_486, %add3A_487 : i32
        %slice3A_489 = vector.extract_strided_slice %mul3A_75 {offsets = [4], sizes = [1], strides = [1]} : vector<16xf32> to vector<1xf32>
        %squeeze3A_490 = vector.extract %slice3A_489[0] : f32 from vector<1xf32>
        %slice3A_491 = vector.extract_strided_slice %select_n3A_73 {offsets = [4], sizes = [1], strides = [1]} : vector<16xf32> to vector<1xf32>
        %squeeze3A_492 = vector.extract %slice3A_491[0] : f32 from vector<1xf32>
        %mul3A_493 = vector.broadcast %squeeze3A_492 : f32 to vector<16xf32>
        %mul3A_494 = arith.mulf %select_n3A, %mul3A_493 : vector<16xf32>
        %swap3A_495 = arith.index_cast %add3A_488 : i32 to index
        %swap3A_496 = arith.constant 0 : index
        %swap3A_497 = tpu.vector_load %arg13[%swap3A_495, %swap3A_496] {strides = array<i32>} : memref<128x16xf32, #tpu.memory_space<vmem>>, vector<1x16xf32>,
        %swap3A_498 = vector.shape_cast %swap3A_497 : vector<1x16xf32> to vector<16xf32>
        %swap3A_499 = vector.shape_cast %mul3A_494 : vector<16xf32> to vector<1x16xf32>
        tpu.vector_store %arg13[%swap3A_495, %swap3A_496], %swap3A_499 {strides = array<i32>} : memref<128x16xf32, #tpu.memory_space<vmem>>, vector<1x16xf32>,
        %get3A_500 = arith.index_cast %add3A_488 : i32 to index
        %get3A_501 = arith.constant 0 : index
        %get3A_502 = tpu.vector_load %arg12[%get3A_500, %get3A_501] {strides = array<i32>} : memref<128x128xf32, #tpu.memory_space<vmem>>, vector<1x16xf32>,
        %get3A_503 = vector.shape_cast %get3A_502 : vector<1x16xf32> to vector<16xf32>
        %mul3A_504 = vector.broadcast %squeeze3A_490 : f32 to vector<16xf32>
        %mul3A_505 = arith.mulf %get3A_503, %mul3A_504 : vector<16xf32>
        %swap3A_506 = arith.index_cast %add3A_488 : i32 to index
        %swap3A_507 = arith.constant 0 : index
        %swap3A_508 = tpu.vector_load %arg12[%swap3A_506, %swap3A_507] {strides = array<i32>} : memref<128x128xf32, #tpu.memory_space<vmem>>, vector<1x16xf32>,
        %swap3A_509 = vector.shape_cast %swap3A_508 : vector<1x16xf32> to vector<16xf32>
        %swap3A_510 = vector.shape_cast %mul3A_505 : vector<16xf32> to vector<1x16xf32>
        tpu.vector_store %arg12[%swap3A_506, %swap3A_507], %swap3A_510 {strides = array<i32>} : memref<128x128xf32, #tpu.memory_space<vmem>>, vector<1x16xf32>,
        %get3A_511 = arith.index_cast %add3A_488 : i32 to index
        %get3A_512 = arith.constant 16 : index
        %get3A_513 = tpu.vector_load %arg12[%get3A_511, %get3A_512] {strides = array<i32>} : memref<128x128xf32, #tpu.memory_space<vmem>>, vector<1x16xf32>,
        %get3A_514 = vector.shape_cast %get3A_513 : vector<1x16xf32> to vector<16xf32>
        %mul3A_515 = vector.broadcast %squeeze3A_490 : f32 to vector<16xf32>
        %mul3A_516 = arith.mulf %get3A_514, %mul3A_515 : vector<16xf32>
        %swap3A_517 = arith.index_cast %add3A_488 : i32 to index
        %swap3A_518 = arith.constant 16 : index
        %swap3A_519 = tpu.vector_load %arg12[%swap3A_517, %swap3A_518] {strides = array<i32>} : memref<128x128xf32, #tpu.memory_space<vmem>>, vector<1x16xf32>,
        %swap3A_520 = vector.shape_cast %swap3A_519 : vector<1x16xf32> to vector<16xf32>
        %swap3A_521 = vector.shape_cast %mul3A_516 : vector<16xf32> to vector<1x16xf32>
        tpu.vector_store %arg12[%swap3A_517, %swap3A_518], %swap3A_521 {strides = array<i32>} : memref<128x128xf32, #tpu.memory_space<vmem>>, vector<1x16xf32>,
        %get3A_522 = arith.index_cast %add3A_488 : i32 to index
        %get3A_523 = arith.constant 32 : index
        %get3A_524 = tpu.vector_load %arg12[%get3A_522, %get3A_523] {strides = array<i32>} : memref<128x128xf32, #tpu.memory_space<vmem>>, vector<1x16xf32>,
        %get3A_525 = vector.shape_cast %get3A_524 : vector<1x16xf32> to vector<16xf32>
        %mul3A_526 = vector.broadcast %squeeze3A_490 : f32 to vector<16xf32>
        %mul3A_527 = arith.mulf %get3A_525, %mul3A_526 : vector<16xf32>
        %swap3A_528 = arith.index_cast %add3A_488 : i32 to index
        %swap3A_529 = arith.constant 32 : index
        %swap3A_530 = tpu.vector_load %arg12[%swap3A_528, %swap3A_529] {strides = array<i32>} : memref<128x128xf32, #tpu.memory_space<vmem>>, vector<1x16xf32>,
        %swap3A_531 = vector.shape_cast %swap3A_530 : vector<1x16xf32> to vector<16xf32>
        %swap3A_532 = vector.shape_cast %mul3A_527 : vector<16xf32> to vector<1x16xf32>
        tpu.vector_store %arg12[%swap3A_528, %swap3A_529], %swap3A_532 {strides = array<i32>} : memref<128x128xf32, #tpu.memory_space<vmem>>, vector<1x16xf32>,
        %get3A_533 = arith.index_cast %add3A_488 : i32 to index
        %get3A_534 = arith.constant 48 : index
        %get3A_535 = tpu.vector_load %arg12[%get3A_533, %get3A_534] {strides = array<i32>} : memref<128x128xf32, #tpu.memory_space<vmem>>, vector<1x16xf32>,
        %get3A_536 = vector.shape_cast %get3A_535 : vector<1x16xf32> to vector<16xf32>
        %mul3A_537 = vector.broadcast %squeeze3A_490 : f32 to vector<16xf32>
        %mul3A_538 = arith.mulf %get3A_536, %mul3A_537 : vector<16xf32>
        %swap3A_539 = arith.index_cast %add3A_488 : i32 to index
        %swap3A_540 = arith.constant 48 : index
        %swap3A_541 = tpu.vector_load %arg12[%swap3A_539, %swap3A_540] {strides = array<i32>} : memref<128x128xf32, #tpu.memory_space<vmem>>, vector<1x16xf32>,
        %swap3A_542 = vector.shape_cast %swap3A_541 : vector<1x16xf32> to vector<16xf32>
        %swap3A_543 = vector.shape_cast %mul3A_538 : vector<16xf32> to vector<1x16xf32>
        tpu.vector_store %arg12[%swap3A_539, %swap3A_540], %swap3A_543 {strides = array<i32>} : memref<128x128xf32, #tpu.memory_space<vmem>>, vector<1x16xf32>,
        %get3A_544 = arith.index_cast %add3A_488 : i32 to index
        %get3A_545 = arith.constant 64 : index
        %get3A_546 = tpu.vector_load %arg12[%get3A_544, %get3A_545] {strides = array<i32>} : memref<128x128xf32, #tpu.memory_space<vmem>>, vector<1x16xf32>,
        %get3A_547 = vector.shape_cast %get3A_546 : vector<1x16xf32> to vector<16xf32>
        %mul3A_548 = vector.broadcast %squeeze3A_490 : f32 to vector<16xf32>
        %mul3A_549 = arith.mulf %get3A_547, %mul3A_548 : vector<16xf32>
        %swap3A_550 = arith.index_cast %add3A_488 : i32 to index
        %swap3A_551 = arith.constant 64 : index
        %swap3A_552 = tpu.vector_load %arg12[%swap3A_550, %swap3A_551] {strides = array<i32>} : memref<128x128xf32, #tpu.memory_space<vmem>>, vector<1x16xf32>,
        %swap3A_553 = vector.shape_cast %swap3A_552 : vector<1x16xf32> to vector<16xf32>
        %swap3A_554 = vector.shape_cast %mul3A_549 : vector<16xf32> to vector<1x16xf32>
        tpu.vector_store %arg12[%swap3A_550, %swap3A_551], %swap3A_554 {strides = array<i32>} : memref<128x128xf32, #tpu.memory_space<vmem>>, vector<1x16xf32>,
        %get3A_555 = arith.index_cast %add3A_488 : i32 to index
        %get3A_556 = arith.constant 80 : index
        %get3A_557 = tpu.vector_load %arg12[%get3A_555, %get3A_556] {strides = array<i32>} : memref<128x128xf32, #tpu.memory_space<vmem>>, vector<1x16xf32>,
        %get3A_558 = vector.shape_cast %get3A_557 : vector<1x16xf32> to vector<16xf32>
        %mul3A_559 = vector.broadcast %squeeze3A_490 : f32 to vector<16xf32>
        %mul3A_560 = arith.mulf %get3A_558, %mul3A_559 : vector<16xf32>
        %swap3A_561 = arith.index_cast %add3A_488 : i32 to index
        %swap3A_562 = arith.constant 80 : index
        %swap3A_563 = tpu.vector_load %arg12[%swap3A_561, %swap3A_562] {strides = array<i32>} : memref<128x128xf32, #tpu.memory_space<vmem>>, vector<1x16xf32>,
        %swap3A_564 = vector.shape_cast %swap3A_563 : vector<1x16xf32> to vector<16xf32>
        %swap3A_565 = vector.shape_cast %mul3A_560 : vector<16xf32> to vector<1x16xf32>
        tpu.vector_store %arg12[%swap3A_561, %swap3A_562], %swap3A_565 {strides = array<i32>} : memref<128x128xf32, #tpu.memory_space<vmem>>, vector<1x16xf32>,
        %get3A_566 = arith.index_cast %add3A_488 : i32 to index
        %get3A_567 = arith.constant 96 : index
        %get3A_568 = tpu.vector_load %arg12[%get3A_566, %get3A_567] {strides = array<i32>} : memref<128x128xf32, #tpu.memory_space<vmem>>, vector<1x16xf32>,
        %get3A_569 = vector.shape_cast %get3A_568 : vector<1x16xf32> to vector<16xf32>
        %mul3A_570 = vector.broadcast %squeeze3A_490 : f32 to vector<16xf32>
        %mul3A_571 = arith.mulf %get3A_569, %mul3A_570 : vector<16xf32>
        %swap3A_572 = arith.index_cast %add3A_488 : i32 to index
        %swap3A_573 = arith.constant 96 : index
        %swap3A_574 = tpu.vector_load %arg12[%swap3A_572, %swap3A_573] {strides = array<i32>} : memref<128x128xf32, #tpu.memory_space<vmem>>, vector<1x16xf32>,
        %swap3A_575 = vector.shape_cast %swap3A_574 : vector<1x16xf32> to vector<16xf32>
        %swap3A_576 = vector.shape_cast %mul3A_571 : vector<16xf32> to vector<1x16xf32>
        tpu.vector_store %arg12[%swap3A_572, %swap3A_573], %swap3A_576 {strides = array<i32>} : memref<128x128xf32, #tpu.memory_space<vmem>>, vector<1x16xf32>,
        %get3A_577 = arith.index_cast %add3A_488 : i32 to index
        %get3A_578 = arith.constant 112 : index
        %get3A_579 = tpu.vector_load %arg12[%get3A_577, %get3A_578] {strides = array<i32>} : memref<128x128xf32, #tpu.memory_space<vmem>>, vector<1x16xf32>,
        %get3A_580 = vector.shape_cast %get3A_579 : vector<1x16xf32> to vector<16xf32>
        %mul3A_581 = vector.broadcast %squeeze3A_490 : f32 to vector<16xf32>
        %mul3A_582 = arith.mulf %get3A_580, %mul3A_581 : vector<16xf32>
        %swap3A_583 = arith.index_cast %add3A_488 : i32 to index
        %swap3A_584 = arith.constant 112 : index
        %swap3A_585 = tpu.vector_load %arg12[%swap3A_583, %swap3A_584] {strides = array<i32>} : memref<128x128xf32, #tpu.memory_space<vmem>>, vector<1x16xf32>,
        %swap3A_586 = vector.shape_cast %swap3A_585 : vector<1x16xf32> to vector<16xf32>
        %swap3A_587 = vector.shape_cast %mul3A_582 : vector<16xf32> to vector<1x16xf32>
        tpu.vector_store %arg12[%swap3A_583, %swap3A_584], %swap3A_587 {strides = array<i32>} : memref<128x128xf32, #tpu.memory_space<vmem>>, vector<1x16xf32>,
        %mul3A_588 = arith.constant 16 : i32
        %mul3A_589 = arith.muli %scan3A_54, %mul3A_588 : i32
        %add3A_590 = arith.constant 5 : i32
        %add3A_591 = arith.addi %mul3A_589, %add3A_590 : i32
        %slice3A_592 = vector.extract_strided_slice %mul3A_75 {offsets = [5], sizes = [1], strides = [1]} : vector<16xf32> to vector<1xf32>
        %squeeze3A_593 = vector.extract %slice3A_592[0] : f32 from vector<1xf32>
        %slice3A_594 = vector.extract_strided_slice %select_n3A_73 {offsets = [5], sizes = [1], strides = [1]} : vector<16xf32> to vector<1xf32>
        %squeeze3A_595 = vector.extract %slice3A_594[0] : f32 from vector<1xf32>
        %mul3A_596 = vector.broadcast %squeeze3A_595 : f32 to vector<16xf32>
        %mul3A_597 = arith.mulf %select_n3A, %mul3A_596 : vector<16xf32>
        %swap3A_598 = arith.index_cast %add3A_591 : i32 to index
        %swap3A_599 = arith.constant 0 : index
        %swap3A_600 = tpu.vector_load %arg13[%swap3A_598, %swap3A_599] {strides = array<i32>} : memref<128x16xf32, #tpu.memory_space<vmem>>, vector<1x16xf32>,
        %swap3A_601 = vector.shape_cast %swap3A_600 : vector<1x16xf32> to vector<16xf32>
        %swap3A_602 = vector.shape_cast %mul3A_597 : vector<16xf32> to vector<1x16xf32>
        tpu.vector_store %arg13[%swap3A_598, %swap3A_599], %swap3A_602 {strides = array<i32>} : memref<128x16xf32, #tpu.memory_space<vmem>>, vector<1x16xf32>,
        %get3A_603 = arith.index_cast %add3A_591 : i32 to index
        %get3A_604 = arith.constant 0 : index
        %get3A_605 = tpu.vector_load %arg12[%get3A_603, %get3A_604] {strides = array<i32>} : memref<128x128xf32, #tpu.memory_space<vmem>>, vector<1x16xf32>,
        %get3A_606 = vector.shape_cast %get3A_605 : vector<1x16xf32> to vector<16xf32>
        %mul3A_607 = vector.broadcast %squeeze3A_593 : f32 to vector<16xf32>
        %mul3A_608 = arith.mulf %get3A_606, %mul3A_607 : vector<16xf32>
        %swap3A_609 = arith.index_cast %add3A_591 : i32 to index
        %swap3A_610 = arith.constant 0 : index
        %swap3A_611 = tpu.vector_load %arg12[%swap3A_609, %swap3A_610] {strides = array<i32>} : memref<128x128xf32, #tpu.memory_space<vmem>>, vector<1x16xf32>,
        %swap3A_612 = vector.shape_cast %swap3A_611 : vector<1x16xf32> to vector<16xf32>
        %swap3A_613 = vector.shape_cast %mul3A_608 : vector<16xf32> to vector<1x16xf32>
        tpu.vector_store %arg12[%swap3A_609, %swap3A_610], %swap3A_613 {strides = array<i32>} : memref<128x128xf32, #tpu.memory_space<vmem>>, vector<1x16xf32>,
        %get3A_614 = arith.index_cast %add3A_591 : i32 to index
        %get3A_615 = arith.constant 16 : index
        %get3A_616 = tpu.vector_load %arg12[%get3A_614, %get3A_615] {strides = array<i32>} : memref<128x128xf32, #tpu.memory_space<vmem>>, vector<1x16xf32>,
        %get3A_617 = vector.shape_cast %get3A_616 : vector<1x16xf32> to vector<16xf32>
        %mul3A_618 = vector.broadcast %squeeze3A_593 : f32 to vector<16xf32>
        %mul3A_619 = arith.mulf %get3A_617, %mul3A_618 : vector<16xf32>
        %swap3A_620 = arith.index_cast %add3A_591 : i32 to index
        %swap3A_621 = arith.constant 16 : index
        %swap3A_622 = tpu.vector_load %arg12[%swap3A_620, %swap3A_621] {strides = array<i32>} : memref<128x128xf32, #tpu.memory_space<vmem>>, vector<1x16xf32>,
        %swap3A_623 = vector.shape_cast %swap3A_622 : vector<1x16xf32> to vector<16xf32>
        %swap3A_624 = vector.shape_cast %mul3A_619 : vector<16xf32> to vector<1x16xf32>
        tpu.vector_store %arg12[%swap3A_620, %swap3A_621], %swap3A_624 {strides = array<i32>} : memref<128x128xf32, #tpu.memory_space<vmem>>, vector<1x16xf32>,
        %get3A_625 = arith.index_cast %add3A_591 : i32 to index
        %get3A_626 = arith.constant 32 : index
        %get3A_627 = tpu.vector_load %arg12[%get3A_625, %get3A_626] {strides = array<i32>} : memref<128x128xf32, #tpu.memory_space<vmem>>, vector<1x16xf32>,
        %get3A_628 = vector.shape_cast %get3A_627 : vector<1x16xf32> to vector<16xf32>
        %mul3A_629 = vector.broadcast %squeeze3A_593 : f32 to vector<16xf32>
        %mul3A_630 = arith.mulf %get3A_628, %mul3A_629 : vector<16xf32>
        %swap3A_631 = arith.index_cast %add3A_591 : i32 to index
        %swap3A_632 = arith.constant 32 : index
        %swap3A_633 = tpu.vector_load %arg12[%swap3A_631, %swap3A_632] {strides = array<i32>} : memref<128x128xf32, #tpu.memory_space<vmem>>, vector<1x16xf32>,
        %swap3A_634 = vector.shape_cast %swap3A_633 : vector<1x16xf32> to vector<16xf32>
        %swap3A_635 = vector.shape_cast %mul3A_630 : vector<16xf32> to vector<1x16xf32>
        tpu.vector_store %arg12[%swap3A_631, %swap3A_632], %swap3A_635 {strides = array<i32>} : memref<128x128xf32, #tpu.memory_space<vmem>>, vector<1x16xf32>,
        %get3A_636 = arith.index_cast %add3A_591 : i32 to index
        %get3A_637 = arith.constant 48 : index
        %get3A_638 = tpu.vector_load %arg12[%get3A_636, %get3A_637] {strides = array<i32>} : memref<128x128xf32, #tpu.memory_space<vmem>>, vector<1x16xf32>,
        %get3A_639 = vector.shape_cast %get3A_638 : vector<1x16xf32> to vector<16xf32>
        %mul3A_640 = vector.broadcast %squeeze3A_593 : f32 to vector<16xf32>
        %mul3A_641 = arith.mulf %get3A_639, %mul3A_640 : vector<16xf32>
        %swap3A_642 = arith.index_cast %add3A_591 : i32 to index
        %swap3A_643 = arith.constant 48 : index
        %swap3A_644 = tpu.vector_load %arg12[%swap3A_642, %swap3A_643] {strides = array<i32>} : memref<128x128xf32, #tpu.memory_space<vmem>>, vector<1x16xf32>,
        %swap3A_645 = vector.shape_cast %swap3A_644 : vector<1x16xf32> to vector<16xf32>
        %swap3A_646 = vector.shape_cast %mul3A_641 : vector<16xf32> to vector<1x16xf32>
        tpu.vector_store %arg12[%swap3A_642, %swap3A_643], %swap3A_646 {strides = array<i32>} : memref<128x128xf32, #tpu.memory_space<vmem>>, vector<1x16xf32>,
        %get3A_647 = arith.index_cast %add3A_591 : i32 to index
        %get3A_648 = arith.constant 64 : index
        %get3A_649 = tpu.vector_load %arg12[%get3A_647, %get3A_648] {strides = array<i32>} : memref<128x128xf32, #tpu.memory_space<vmem>>, vector<1x16xf32>,
        %get3A_650 = vector.shape_cast %get3A_649 : vector<1x16xf32> to vector<16xf32>
        %mul3A_651 = vector.broadcast %squeeze3A_593 : f32 to vector<16xf32>
        %mul3A_652 = arith.mulf %get3A_650, %mul3A_651 : vector<16xf32>
        %swap3A_653 = arith.index_cast %add3A_591 : i32 to index
        %swap3A_654 = arith.constant 64 : index
        %swap3A_655 = tpu.vector_load %arg12[%swap3A_653, %swap3A_654] {strides = array<i32>} : memref<128x128xf32, #tpu.memory_space<vmem>>, vector<1x16xf32>,
        %swap3A_656 = vector.shape_cast %swap3A_655 : vector<1x16xf32> to vector<16xf32>
        %swap3A_657 = vector.shape_cast %mul3A_652 : vector<16xf32> to vector<1x16xf32>
        tpu.vector_store %arg12[%swap3A_653, %swap3A_654], %swap3A_657 {strides = array<i32>} : memref<128x128xf32, #tpu.memory_space<vmem>>, vector<1x16xf32>,
        %get3A_658 = arith.index_cast %add3A_591 : i32 to index
        %get3A_659 = arith.constant 80 : index
        %get3A_660 = tpu.vector_load %arg12[%get3A_658, %get3A_659] {strides = array<i32>} : memref<128x128xf32, #tpu.memory_space<vmem>>, vector<1x16xf32>,
        %get3A_661 = vector.shape_cast %get3A_660 : vector<1x16xf32> to vector<16xf32>
        %mul3A_662 = vector.broadcast %squeeze3A_593 : f32 to vector<16xf32>
        %mul3A_663 = arith.mulf %get3A_661, %mul3A_662 : vector<16xf32>
        %swap3A_664 = arith.index_cast %add3A_591 : i32 to index
        %swap3A_665 = arith.constant 80 : index
        %swap3A_666 = tpu.vector_load %arg12[%swap3A_664, %swap3A_665] {strides = array<i32>} : memref<128x128xf32, #tpu.memory_space<vmem>>, vector<1x16xf32>,
        %swap3A_667 = vector.shape_cast %swap3A_666 : vector<1x16xf32> to vector<16xf32>
        %swap3A_668 = vector.shape_cast %mul3A_663 : vector<16xf32> to vector<1x16xf32>
        tpu.vector_store %arg12[%swap3A_664, %swap3A_665], %swap3A_668 {strides = array<i32>} : memref<128x128xf32, #tpu.memory_space<vmem>>, vector<1x16xf32>,
        %get3A_669 = arith.index_cast %add3A_591 : i32 to index
        %get3A_670 = arith.constant 96 : index
        %get3A_671 = tpu.vector_load %arg12[%get3A_669, %get3A_670] {strides = array<i32>} : memref<128x128xf32, #tpu.memory_space<vmem>>, vector<1x16xf32>,
        %get3A_672 = vector.shape_cast %get3A_671 : vector<1x16xf32> to vector<16xf32>
        %mul3A_673 = vector.broadcast %squeeze3A_593 : f32 to vector<16xf32>
        %mul3A_674 = arith.mulf %get3A_672, %mul3A_673 : vector<16xf32>
        %swap3A_675 = arith.index_cast %add3A_591 : i32 to index
        %swap3A_676 = arith.constant 96 : index
        %swap3A_677 = tpu.vector_load %arg12[%swap3A_675, %swap3A_676] {strides = array<i32>} : memref<128x128xf32, #tpu.memory_space<vmem>>, vector<1x16xf32>,
        %swap3A_678 = vector.shape_cast %swap3A_677 : vector<1x16xf32> to vector<16xf32>
        %swap3A_679 = vector.shape_cast %mul3A_674 : vector<16xf32> to vector<1x16xf32>
        tpu.vector_store %arg12[%swap3A_675, %swap3A_676], %swap3A_679 {strides = array<i32>} : memref<128x128xf32, #tpu.memory_space<vmem>>, vector<1x16xf32>,
        %get3A_680 = arith.index_cast %add3A_591 : i32 to index
        %get3A_681 = arith.constant 112 : index
        %get3A_682 = tpu.vector_load %arg12[%get3A_680, %get3A_681] {strides = array<i32>} : memref<128x128xf32, #tpu.memory_space<vmem>>, vector<1x16xf32>,
        %get3A_683 = vector.shape_cast %get3A_682 : vector<1x16xf32> to vector<16xf32>
        %mul3A_684 = vector.broadcast %squeeze3A_593 : f32 to vector<16xf32>
        %mul3A_685 = arith.mulf %get3A_683, %mul3A_684 : vector<16xf32>
        %swap3A_686 = arith.index_cast %add3A_591 : i32 to index
        %swap3A_687 = arith.constant 112 : index
        %swap3A_688 = tpu.vector_load %arg12[%swap3A_686, %swap3A_687] {strides = array<i32>} : memref<128x128xf32, #tpu.memory_space<vmem>>, vector<1x16xf32>,
        %swap3A_689 = vector.shape_cast %swap3A_688 : vector<1x16xf32> to vector<16xf32>
        %swap3A_690 = vector.shape_cast %mul3A_685 : vector<16xf32> to vector<1x16xf32>
        tpu.vector_store %arg12[%swap3A_686, %swap3A_687], %swap3A_690 {strides = array<i32>} : memref<128x128xf32, #tpu.memory_space<vmem>>, vector<1x16xf32>,
        %mul3A_691 = arith.constant 16 : i32
        %mul3A_692 = arith.muli %scan3A_54, %mul3A_691 : i32
        %add3A_693 = arith.constant 6 : i32
        %add3A_694 = arith.addi %mul3A_692, %add3A_693 : i32
        %slice3A_695 = vector.extract_strided_slice %mul3A_75 {offsets = [6], sizes = [1], strides = [1]} : vector<16xf32> to vector<1xf32>
        %squeeze3A_696 = vector.extract %slice3A_695[0] : f32 from vector<1xf32>
        %slice3A_697 = vector.extract_strided_slice %select_n3A_73 {offsets = [6], sizes = [1], strides = [1]} : vector<16xf32> to vector<1xf32>
        %squeeze3A_698 = vector.extract %slice3A_697[0] : f32 from vector<1xf32>
        %mul3A_699 = vector.broadcast %squeeze3A_698 : f32 to vector<16xf32>
        %mul3A_700 = arith.mulf %select_n3A, %mul3A_699 : vector<16xf32>
        %swap3A_701 = arith.index_cast %add3A_694 : i32 to index
        %swap3A_702 = arith.constant 0 : index
        %swap3A_703 = tpu.vector_load %arg13[%swap3A_701, %swap3A_702] {strides = array<i32>} : memref<128x16xf32, #tpu.memory_space<vmem>>, vector<1x16xf32>,
        %swap3A_704 = vector.shape_cast %swap3A_703 : vector<1x16xf32> to vector<16xf32>
        %swap3A_705 = vector.shape_cast %mul3A_700 : vector<16xf32> to vector<1x16xf32>
        tpu.vector_store %arg13[%swap3A_701, %swap3A_702], %swap3A_705 {strides = array<i32>} : memref<128x16xf32, #tpu.memory_space<vmem>>, vector<1x16xf32>,
        %get3A_706 = arith.index_cast %add3A_694 : i32 to index
        %get3A_707 = arith.constant 0 : index
        %get3A_708 = tpu.vector_load %arg12[%get3A_706, %get3A_707] {strides = array<i32>} : memref<128x128xf32, #tpu.memory_space<vmem>>, vector<1x16xf32>,
        %get3A_709 = vector.shape_cast %get3A_708 : vector<1x16xf32> to vector<16xf32>
        %mul3A_710 = vector.broadcast %squeeze3A_696 : f32 to vector<16xf32>
        %mul3A_711 = arith.mulf %get3A_709, %mul3A_710 : vector<16xf32>
        %swap3A_712 = arith.index_cast %add3A_694 : i32 to index
        %swap3A_713 = arith.constant 0 : index
        %swap3A_714 = tpu.vector_load %arg12[%swap3A_712, %swap3A_713] {strides = array<i32>} : memref<128x128xf32, #tpu.memory_space<vmem>>, vector<1x16xf32>,
        %swap3A_715 = vector.shape_cast %swap3A_714 : vector<1x16xf32> to vector<16xf32>
        %swap3A_716 = vector.shape_cast %mul3A_711 : vector<16xf32> to vector<1x16xf32>
        tpu.vector_store %arg12[%swap3A_712, %swap3A_713], %swap3A_716 {strides = array<i32>} : memref<128x128xf32, #tpu.memory_space<vmem>>, vector<1x16xf32>,
        %get3A_717 = arith.index_cast %add3A_694 : i32 to index
        %get3A_718 = arith.constant 16 : index
        %get3A_719 = tpu.vector_load %arg12[%get3A_717, %get3A_718] {strides = array<i32>} : memref<128x128xf32, #tpu.memory_space<vmem>>, vector<1x16xf32>,
        %get3A_720 = vector.shape_cast %get3A_719 : vector<1x16xf32> to vector<16xf32>
        %mul3A_721 = vector.broadcast %squeeze3A_696 : f32 to vector<16xf32>
        %mul3A_722 = arith.mulf %get3A_720, %mul3A_721 : vector<16xf32>
        %swap3A_723 = arith.index_cast %add3A_694 : i32 to index
        %swap3A_724 = arith.constant 16 : index
        %swap3A_725 = tpu.vector_load %arg12[%swap3A_723, %swap3A_724] {strides = array<i32>} : memref<128x128xf32, #tpu.memory_space<vmem>>, vector<1x16xf32>,
        %swap3A_726 = vector.shape_cast %swap3A_725 : vector<1x16xf32> to vector<16xf32>
        %swap3A_727 = vector.shape_cast %mul3A_722 : vector<16xf32> to vector<1x16xf32>
        tpu.vector_store %arg12[%swap3A_723, %swap3A_724], %swap3A_727 {strides = array<i32>} : memref<128x128xf32, #tpu.memory_space<vmem>>, vector<1x16xf32>,
        %get3A_728 = arith.index_cast %add3A_694 : i32 to index
        %get3A_729 = arith.constant 32 : index
        %get3A_730 = tpu.vector_load %arg12[%get3A_728, %get3A_729] {strides = array<i32>} : memref<128x128xf32, #tpu.memory_space<vmem>>, vector<1x16xf32>,
        %get3A_731 = vector.shape_cast %get3A_730 : vector<1x16xf32> to vector<16xf32>
        %mul3A_732 = vector.broadcast %squeeze3A_696 : f32 to vector<16xf32>
        %mul3A_733 = arith.mulf %get3A_731, %mul3A_732 : vector<16xf32>
        %swap3A_734 = arith.index_cast %add3A_694 : i32 to index
        %swap3A_735 = arith.constant 32 : index
        %swap3A_736 = tpu.vector_load %arg12[%swap3A_734, %swap3A_735] {strides = array<i32>} : memref<128x128xf32, #tpu.memory_space<vmem>>, vector<1x16xf32>,
        %swap3A_737 = vector.shape_cast %swap3A_736 : vector<1x16xf32> to vector<16xf32>
        %swap3A_738 = vector.shape_cast %mul3A_733 : vector<16xf32> to vector<1x16xf32>
        tpu.vector_store %arg12[%swap3A_734, %swap3A_735], %swap3A_738 {strides = array<i32>} : memref<128x128xf32, #tpu.memory_space<vmem>>, vector<1x16xf32>,
        %get3A_739 = arith.index_cast %add3A_694 : i32 to index
        %get3A_740 = arith.constant 48 : index
        %get3A_741 = tpu.vector_load %arg12[%get3A_739, %get3A_740] {strides = array<i32>} : memref<128x128xf32, #tpu.memory_space<vmem>>, vector<1x16xf32>,
        %get3A_742 = vector.shape_cast %get3A_741 : vector<1x16xf32> to vector<16xf32>
        %mul3A_743 = vector.broadcast %squeeze3A_696 : f32 to vector<16xf32>
        %mul3A_744 = arith.mulf %get3A_742, %mul3A_743 : vector<16xf32>
        %swap3A_745 = arith.index_cast %add3A_694 : i32 to index
        %swap3A_746 = arith.constant 48 : index
        %swap3A_747 = tpu.vector_load %arg12[%swap3A_745, %swap3A_746] {strides = array<i32>} : memref<128x128xf32, #tpu.memory_space<vmem>>, vector<1x16xf32>,
        %swap3A_748 = vector.shape_cast %swap3A_747 : vector<1x16xf32> to vector<16xf32>
        %swap3A_749 = vector.shape_cast %mul3A_744 : vector<16xf32> to vector<1x16xf32>
        tpu.vector_store %arg12[%swap3A_745, %swap3A_746], %swap3A_749 {strides = array<i32>} : memref<128x128xf32, #tpu.memory_space<vmem>>, vector<1x16xf32>,
        %get3A_750 = arith.index_cast %add3A_694 : i32 to index
        %get3A_751 = arith.constant 64 : index
        %get3A_752 = tpu.vector_load %arg12[%get3A_750, %get3A_751] {strides = array<i32>} : memref<128x128xf32, #tpu.memory_space<vmem>>, vector<1x16xf32>,
        %get3A_753 = vector.shape_cast %get3A_752 : vector<1x16xf32> to vector<16xf32>
        %mul3A_754 = vector.broadcast %squeeze3A_696 : f32 to vector<16xf32>
        %mul3A_755 = arith.mulf %get3A_753, %mul3A_754 : vector<16xf32>
        %swap3A_756 = arith.index_cast %add3A_694 : i32 to index
        %swap3A_757 = arith.constant 64 : index
        %swap3A_758 = tpu.vector_load %arg12[%swap3A_756, %swap3A_757] {strides = array<i32>} : memref<128x128xf32, #tpu.memory_space<vmem>>, vector<1x16xf32>,
        %swap3A_759 = vector.shape_cast %swap3A_758 : vector<1x16xf32> to vector<16xf32>
        %swap3A_760 = vector.shape_cast %mul3A_755 : vector<16xf32> to vector<1x16xf32>
        tpu.vector_store %arg12[%swap3A_756, %swap3A_757], %swap3A_760 {strides = array<i32>} : memref<128x128xf32, #tpu.memory_space<vmem>>, vector<1x16xf32>,
        %get3A_761 = arith.index_cast %add3A_694 : i32 to index
        %get3A_762 = arith.constant 80 : index
        %get3A_763 = tpu.vector_load %arg12[%get3A_761, %get3A_762] {strides = array<i32>} : memref<128x128xf32, #tpu.memory_space<vmem>>, vector<1x16xf32>,
        %get3A_764 = vector.shape_cast %get3A_763 : vector<1x16xf32> to vector<16xf32>
        %mul3A_765 = vector.broadcast %squeeze3A_696 : f32 to vector<16xf32>
        %mul3A_766 = arith.mulf %get3A_764, %mul3A_765 : vector<16xf32>
        %swap3A_767 = arith.index_cast %add3A_694 : i32 to index
        %swap3A_768 = arith.constant 80 : index
        %swap3A_769 = tpu.vector_load %arg12[%swap3A_767, %swap3A_768] {strides = array<i32>} : memref<128x128xf32, #tpu.memory_space<vmem>>, vector<1x16xf32>,
        %swap3A_770 = vector.shape_cast %swap3A_769 : vector<1x16xf32> to vector<16xf32>
        %swap3A_771 = vector.shape_cast %mul3A_766 : vector<16xf32> to vector<1x16xf32>
        tpu.vector_store %arg12[%swap3A_767, %swap3A_768], %swap3A_771 {strides = array<i32>} : memref<128x128xf32, #tpu.memory_space<vmem>>, vector<1x16xf32>,
        %get3A_772 = arith.index_cast %add3A_694 : i32 to index
        %get3A_773 = arith.constant 96 : index
        %get3A_774 = tpu.vector_load %arg12[%get3A_772, %get3A_773] {strides = array<i32>} : memref<128x128xf32, #tpu.memory_space<vmem>>, vector<1x16xf32>,
        %get3A_775 = vector.shape_cast %get3A_774 : vector<1x16xf32> to vector<16xf32>
        %mul3A_776 = vector.broadcast %squeeze3A_696 : f32 to vector<16xf32>
        %mul3A_777 = arith.mulf %get3A_775, %mul3A_776 : vector<16xf32>
        %swap3A_778 = arith.index_cast %add3A_694 : i32 to index
        %swap3A_779 = arith.constant 96 : index
        %swap3A_780 = tpu.vector_load %arg12[%swap3A_778, %swap3A_779] {strides = array<i32>} : memref<128x128xf32, #tpu.memory_space<vmem>>, vector<1x16xf32>,
        %swap3A_781 = vector.shape_cast %swap3A_780 : vector<1x16xf32> to vector<16xf32>
        %swap3A_782 = vector.shape_cast %mul3A_777 : vector<16xf32> to vector<1x16xf32>
        tpu.vector_store %arg12[%swap3A_778, %swap3A_779], %swap3A_782 {strides = array<i32>} : memref<128x128xf32, #tpu.memory_space<vmem>>, vector<1x16xf32>,
        %get3A_783 = arith.index_cast %add3A_694 : i32 to index
        %get3A_784 = arith.constant 112 : index
        %get3A_785 = tpu.vector_load %arg12[%get3A_783, %get3A_784] {strides = array<i32>} : memref<128x128xf32, #tpu.memory_space<vmem>>, vector<1x16xf32>,
        %get3A_786 = vector.shape_cast %get3A_785 : vector<1x16xf32> to vector<16xf32>
        %mul3A_787 = vector.broadcast %squeeze3A_696 : f32 to vector<16xf32>
        %mul3A_788 = arith.mulf %get3A_786, %mul3A_787 : vector<16xf32>
        %swap3A_789 = arith.index_cast %add3A_694 : i32 to index
        %swap3A_790 = arith.constant 112 : index
        %swap3A_791 = tpu.vector_load %arg12[%swap3A_789, %swap3A_790] {strides = array<i32>} : memref<128x128xf32, #tpu.memory_space<vmem>>, vector<1x16xf32>,
        %swap3A_792 = vector.shape_cast %swap3A_791 : vector<1x16xf32> to vector<16xf32>
        %swap3A_793 = vector.shape_cast %mul3A_788 : vector<16xf32> to vector<1x16xf32>
        tpu.vector_store %arg12[%swap3A_789, %swap3A_790], %swap3A_793 {strides = array<i32>} : memref<128x128xf32, #tpu.memory_space<vmem>>, vector<1x16xf32>,
        %mul3A_794 = arith.constant 16 : i32
        %mul3A_795 = arith.muli %scan3A_54, %mul3A_794 : i32
        %add3A_796 = arith.constant 7 : i32
        %add3A_797 = arith.addi %mul3A_795, %add3A_796 : i32
        %slice3A_798 = vector.extract_strided_slice %mul3A_75 {offsets = [7], sizes = [1], strides = [1]} : vector<16xf32> to vector<1xf32>
        %squeeze3A_799 = vector.extract %slice3A_798[0] : f32 from vector<1xf32>
        %slice3A_800 = vector.extract_strided_slice %select_n3A_73 {offsets = [7], sizes = [1], strides = [1]} : vector<16xf32> to vector<1xf32>
        %squeeze3A_801 = vector.extract %slice3A_800[0] : f32 from vector<1xf32>
        %mul3A_802 = vector.broadcast %squeeze3A_801 : f32 to vector<16xf32>
        %mul3A_803 = arith.mulf %select_n3A, %mul3A_802 : vector<16xf32>
        %swap3A_804 = arith.index_cast %add3A_797 : i32 to index
        %swap3A_805 = arith.constant 0 : index
        %swap3A_806 = tpu.vector_load %arg13[%swap3A_804, %swap3A_805] {strides = array<i32>} : memref<128x16xf32, #tpu.memory_space<vmem>>, vector<1x16xf32>,
        %swap3A_807 = vector.shape_cast %swap3A_806 : vector<1x16xf32> to vector<16xf32>
        %swap3A_808 = vector.shape_cast %mul3A_803 : vector<16xf32> to vector<1x16xf32>
        tpu.vector_store %arg13[%swap3A_804, %swap3A_805], %swap3A_808 {strides = array<i32>} : memref<128x16xf32, #tpu.memory_space<vmem>>, vector<1x16xf32>,
        %get3A_809 = arith.index_cast %add3A_797 : i32 to index
        %get3A_810 = arith.constant 0 : index
        %get3A_811 = tpu.vector_load %arg12[%get3A_809, %get3A_810] {strides = array<i32>} : memref<128x128xf32, #tpu.memory_space<vmem>>, vector<1x16xf32>,
        %get3A_812 = vector.shape_cast %get3A_811 : vector<1x16xf32> to vector<16xf32>
        %mul3A_813 = vector.broadcast %squeeze3A_799 : f32 to vector<16xf32>
        %mul3A_814 = arith.mulf %get3A_812, %mul3A_813 : vector<16xf32>
        %swap3A_815 = arith.index_cast %add3A_797 : i32 to index
        %swap3A_816 = arith.constant 0 : index
        %swap3A_817 = tpu.vector_load %arg12[%swap3A_815, %swap3A_816] {strides = array<i32>} : memref<128x128xf32, #tpu.memory_space<vmem>>, vector<1x16xf32>,
        %swap3A_818 = vector.shape_cast %swap3A_817 : vector<1x16xf32> to vector<16xf32>
        %swap3A_819 = vector.shape_cast %mul3A_814 : vector<16xf32> to vector<1x16xf32>
        tpu.vector_store %arg12[%swap3A_815, %swap3A_816], %swap3A_819 {strides = array<i32>} : memref<128x128xf32, #tpu.memory_space<vmem>>, vector<1x16xf32>,
        %get3A_820 = arith.index_cast %add3A_797 : i32 to index
        %get3A_821 = arith.constant 16 : index
        %get3A_822 = tpu.vector_load %arg12[%get3A_820, %get3A_821] {strides = array<i32>} : memref<128x128xf32, #tpu.memory_space<vmem>>, vector<1x16xf32>,
        %get3A_823 = vector.shape_cast %get3A_822 : vector<1x16xf32> to vector<16xf32>
        %mul3A_824 = vector.broadcast %squeeze3A_799 : f32 to vector<16xf32>
        %mul3A_825 = arith.mulf %get3A_823, %mul3A_824 : vector<16xf32>
        %swap3A_826 = arith.index_cast %add3A_797 : i32 to index
        %swap3A_827 = arith.constant 16 : index
        %swap3A_828 = tpu.vector_load %arg12[%swap3A_826, %swap3A_827] {strides = array<i32>} : memref<128x128xf32, #tpu.memory_space<vmem>>, vector<1x16xf32>,
        %swap3A_829 = vector.shape_cast %swap3A_828 : vector<1x16xf32> to vector<16xf32>
        %swap3A_830 = vector.shape_cast %mul3A_825 : vector<16xf32> to vector<1x16xf32>
        tpu.vector_store %arg12[%swap3A_826, %swap3A_827], %swap3A_830 {strides = array<i32>} : memref<128x128xf32, #tpu.memory_space<vmem>>, vector<1x16xf32>,
        %get3A_831 = arith.index_cast %add3A_797 : i32 to index
        %get3A_832 = arith.constant 32 : index
        %get3A_833 = tpu.vector_load %arg12[%get3A_831, %get3A_832] {strides = array<i32>} : memref<128x128xf32, #tpu.memory_space<vmem>>, vector<1x16xf32>,
        %get3A_834 = vector.shape_cast %get3A_833 : vector<1x16xf32> to vector<16xf32>
        %mul3A_835 = vector.broadcast %squeeze3A_799 : f32 to vector<16xf32>
        %mul3A_836 = arith.mulf %get3A_834, %mul3A_835 : vector<16xf32>
        %swap3A_837 = arith.index_cast %add3A_797 : i32 to index
        %swap3A_838 = arith.constant 32 : index
        %swap3A_839 = tpu.vector_load %arg12[%swap3A_837, %swap3A_838] {strides = array<i32>} : memref<128x128xf32, #tpu.memory_space<vmem>>, vector<1x16xf32>,
        %swap3A_840 = vector.shape_cast %swap3A_839 : vector<1x16xf32> to vector<16xf32>
        %swap3A_841 = vector.shape_cast %mul3A_836 : vector<16xf32> to vector<1x16xf32>
        tpu.vector_store %arg12[%swap3A_837, %swap3A_838], %swap3A_841 {strides = array<i32>} : memref<128x128xf32, #tpu.memory_space<vmem>>, vector<1x16xf32>,
        %get3A_842 = arith.index_cast %add3A_797 : i32 to index
        %get3A_843 = arith.constant 48 : index
        %get3A_844 = tpu.vector_load %arg12[%get3A_842, %get3A_843] {strides = array<i32>} : memref<128x128xf32, #tpu.memory_space<vmem>>, vector<1x16xf32>,
        %get3A_845 = vector.shape_cast %get3A_844 : vector<1x16xf32> to vector<16xf32>
        %mul3A_846 = vector.broadcast %squeeze3A_799 : f32 to vector<16xf32>
        %mul3A_847 = arith.mulf %get3A_845, %mul3A_846 : vector<16xf32>
        %swap3A_848 = arith.index_cast %add3A_797 : i32 to index
        %swap3A_849 = arith.constant 48 : index
        %swap3A_850 = tpu.vector_load %arg12[%swap3A_848, %swap3A_849] {strides = array<i32>} : memref<128x128xf32, #tpu.memory_space<vmem>>, vector<1x16xf32>,
        %swap3A_851 = vector.shape_cast %swap3A_850 : vector<1x16xf32> to vector<16xf32>
        %swap3A_852 = vector.shape_cast %mul3A_847 : vector<16xf32> to vector<1x16xf32>
        tpu.vector_store %arg12[%swap3A_848, %swap3A_849], %swap3A_852 {strides = array<i32>} : memref<128x128xf32, #tpu.memory_space<vmem>>, vector<1x16xf32>,
        %get3A_853 = arith.index_cast %add3A_797 : i32 to index
        %get3A_854 = arith.constant 64 : index
        %get3A_855 = tpu.vector_load %arg12[%get3A_853, %get3A_854] {strides = array<i32>} : memref<128x128xf32, #tpu.memory_space<vmem>>, vector<1x16xf32>,
        %get3A_856 = vector.shape_cast %get3A_855 : vector<1x16xf32> to vector<16xf32>
        %mul3A_857 = vector.broadcast %squeeze3A_799 : f32 to vector<16xf32>
        %mul3A_858 = arith.mulf %get3A_856, %mul3A_857 : vector<16xf32>
        %swap3A_859 = arith.index_cast %add3A_797 : i32 to index
        %swap3A_860 = arith.constant 64 : index
        %swap3A_861 = tpu.vector_load %arg12[%swap3A_859, %swap3A_860] {strides = array<i32>} : memref<128x128xf32, #tpu.memory_space<vmem>>, vector<1x16xf32>,
        %swap3A_862 = vector.shape_cast %swap3A_861 : vector<1x16xf32> to vector<16xf32>
        %swap3A_863 = vector.shape_cast %mul3A_858 : vector<16xf32> to vector<1x16xf32>
        tpu.vector_store %arg12[%swap3A_859, %swap3A_860], %swap3A_863 {strides = array<i32>} : memref<128x128xf32, #tpu.memory_space<vmem>>, vector<1x16xf32>,
        %get3A_864 = arith.index_cast %add3A_797 : i32 to index
        %get3A_865 = arith.constant 80 : index
        %get3A_866 = tpu.vector_load %arg12[%get3A_864, %get3A_865] {strides = array<i32>} : memref<128x128xf32, #tpu.memory_space<vmem>>, vector<1x16xf32>,
        %get3A_867 = vector.shape_cast %get3A_866 : vector<1x16xf32> to vector<16xf32>
        %mul3A_868 = vector.broadcast %squeeze3A_799 : f32 to vector<16xf32>
        %mul3A_869 = arith.mulf %get3A_867, %mul3A_868 : vector<16xf32>
        %swap3A_870 = arith.index_cast %add3A_797 : i32 to index
        %swap3A_871 = arith.constant 80 : index
        %swap3A_872 = tpu.vector_load %arg12[%swap3A_870, %swap3A_871] {strides = array<i32>} : memref<128x128xf32, #tpu.memory_space<vmem>>, vector<1x16xf32>,
        %swap3A_873 = vector.shape_cast %swap3A_872 : vector<1x16xf32> to vector<16xf32>
        %swap3A_874 = vector.shape_cast %mul3A_869 : vector<16xf32> to vector<1x16xf32>
        tpu.vector_store %arg12[%swap3A_870, %swap3A_871], %swap3A_874 {strides = array<i32>} : memref<128x128xf32, #tpu.memory_space<vmem>>, vector<1x16xf32>,
        %get3A_875 = arith.index_cast %add3A_797 : i32 to index
        %get3A_876 = arith.constant 96 : index
        %get3A_877 = tpu.vector_load %arg12[%get3A_875, %get3A_876] {strides = array<i32>} : memref<128x128xf32, #tpu.memory_space<vmem>>, vector<1x16xf32>,
        %get3A_878 = vector.shape_cast %get3A_877 : vector<1x16xf32> to vector<16xf32>
        %mul3A_879 = vector.broadcast %squeeze3A_799 : f32 to vector<16xf32>
        %mul3A_880 = arith.mulf %get3A_878, %mul3A_879 : vector<16xf32>
        %swap3A_881 = arith.index_cast %add3A_797 : i32 to index
        %swap3A_882 = arith.constant 96 : index
        %swap3A_883 = tpu.vector_load %arg12[%swap3A_881, %swap3A_882] {strides = array<i32>} : memref<128x128xf32, #tpu.memory_space<vmem>>, vector<1x16xf32>,
        %swap3A_884 = vector.shape_cast %swap3A_883 : vector<1x16xf32> to vector<16xf32>
        %swap3A_885 = vector.shape_cast %mul3A_880 : vector<16xf32> to vector<1x16xf32>
        tpu.vector_store %arg12[%swap3A_881, %swap3A_882], %swap3A_885 {strides = array<i32>} : memref<128x128xf32, #tpu.memory_space<vmem>>, vector<1x16xf32>,
        %get3A_886 = arith.index_cast %add3A_797 : i32 to index
        %get3A_887 = arith.constant 112 : index
        %get3A_888 = tpu.vector_load %arg12[%get3A_886, %get3A_887] {strides = array<i32>} : memref<128x128xf32, #tpu.memory_space<vmem>>, vector<1x16xf32>,
        %get3A_889 = vector.shape_cast %get3A_888 : vector<1x16xf32> to vector<16xf32>
        %mul3A_890 = vector.broadcast %squeeze3A_799 : f32 to vector<16xf32>
        %mul3A_891 = arith.mulf %get3A_889, %mul3A_890 : vector<16xf32>
        %swap3A_892 = arith.index_cast %add3A_797 : i32 to index
        %swap3A_893 = arith.constant 112 : index
        %swap3A_894 = tpu.vector_load %arg12[%swap3A_892, %swap3A_893] {strides = array<i32>} : memref<128x128xf32, #tpu.memory_space<vmem>>, vector<1x16xf32>,
        %swap3A_895 = vector.shape_cast %swap3A_894 : vector<1x16xf32> to vector<16xf32>
        %swap3A_896 = vector.shape_cast %mul3A_891 : vector<16xf32> to vector<1x16xf32>
        tpu.vector_store %arg12[%swap3A_892, %swap3A_893], %swap3A_896 {strides = array<i32>} : memref<128x128xf32, #tpu.memory_space<vmem>>, vector<1x16xf32>,
        %mul3A_897 = arith.constant 16 : i32
        %mul3A_898 = arith.muli %scan3A_54, %mul3A_897 : i32
        %add3A_899 = arith.constant 8 : i32
        %add3A_900 = arith.addi %mul3A_898, %add3A_899 : i32
        %slice3A_901 = vector.extract_strided_slice %mul3A_75 {offsets = [8], sizes = [1], strides = [1]} : vector<16xf32> to vector<1xf32>
        %squeeze3A_902 = vector.extract %slice3A_901[0] : f32 from vector<1xf32>
        %slice3A_903 = vector.extract_strided_slice %select_n3A_73 {offsets = [8], sizes = [1], strides = [1]} : vector<16xf32> to vector<1xf32>
        %squeeze3A_904 = vector.extract %slice3A_903[0] : f32 from vector<1xf32>
        %mul3A_905 = vector.broadcast %squeeze3A_904 : f32 to vector<16xf32>
        %mul3A_906 = arith.mulf %select_n3A, %mul3A_905 : vector<16xf32>
        %swap3A_907 = arith.index_cast %add3A_900 : i32 to index
        %swap3A_908 = arith.constant 0 : index
        %swap3A_909 = tpu.vector_load %arg13[%swap3A_907, %swap3A_908] {strides = array<i32>} : memref<128x16xf32, #tpu.memory_space<vmem>>, vector<1x16xf32>,
        %swap3A_910 = vector.shape_cast %swap3A_909 : vector<1x16xf32> to vector<16xf32>
        %swap3A_911 = vector.shape_cast %mul3A_906 : vector<16xf32> to vector<1x16xf32>
        tpu.vector_store %arg13[%swap3A_907, %swap3A_908], %swap3A_911 {strides = array<i32>} : memref<128x16xf32, #tpu.memory_space<vmem>>, vector<1x16xf32>,
        %get3A_912 = arith.index_cast %add3A_900 : i32 to index
        %get3A_913 = arith.constant 0 : index
        %get3A_914 = tpu.vector_load %arg12[%get3A_912, %get3A_913] {strides = array<i32>} : memref<128x128xf32, #tpu.memory_space<vmem>>, vector<1x16xf32>,
        %get3A_915 = vector.shape_cast %get3A_914 : vector<1x16xf32> to vector<16xf32>
        %mul3A_916 = vector.broadcast %squeeze3A_902 : f32 to vector<16xf32>
        %mul3A_917 = arith.mulf %get3A_915, %mul3A_916 : vector<16xf32>
        %swap3A_918 = arith.index_cast %add3A_900 : i32 to index
        %swap3A_919 = arith.constant 0 : index
        %swap3A_920 = tpu.vector_load %arg12[%swap3A_918, %swap3A_919] {strides = array<i32>} : memref<128x128xf32, #tpu.memory_space<vmem>>, vector<1x16xf32>,
        %swap3A_921 = vector.shape_cast %swap3A_920 : vector<1x16xf32> to vector<16xf32>
        %swap3A_922 = vector.shape_cast %mul3A_917 : vector<16xf32> to vector<1x16xf32>
        tpu.vector_store %arg12[%swap3A_918, %swap3A_919], %swap3A_922 {strides = array<i32>} : memref<128x128xf32, #tpu.memory_space<vmem>>, vector<1x16xf32>,
        %get3A_923 = arith.index_cast %add3A_900 : i32 to index
        %get3A_924 = arith.constant 16 : index
        %get3A_925 = tpu.vector_load %arg12[%get3A_923, %get3A_924] {strides = array<i32>} : memref<128x128xf32, #tpu.memory_space<vmem>>, vector<1x16xf32>,
        %get3A_926 = vector.shape_cast %get3A_925 : vector<1x16xf32> to vector<16xf32>
        %mul3A_927 = vector.broadcast %squeeze3A_902 : f32 to vector<16xf32>
        %mul3A_928 = arith.mulf %get3A_926, %mul3A_927 : vector<16xf32>
        %swap3A_929 = arith.index_cast %add3A_900 : i32 to index
        %swap3A_930 = arith.constant 16 : index
        %swap3A_931 = tpu.vector_load %arg12[%swap3A_929, %swap3A_930] {strides = array<i32>} : memref<128x128xf32, #tpu.memory_space<vmem>>, vector<1x16xf32>,
        %swap3A_932 = vector.shape_cast %swap3A_931 : vector<1x16xf32> to vector<16xf32>
        %swap3A_933 = vector.shape_cast %mul3A_928 : vector<16xf32> to vector<1x16xf32>
        tpu.vector_store %arg12[%swap3A_929, %swap3A_930], %swap3A_933 {strides = array<i32>} : memref<128x128xf32, #tpu.memory_space<vmem>>, vector<1x16xf32>,
        %get3A_934 = arith.index_cast %add3A_900 : i32 to index
        %get3A_935 = arith.constant 32 : index
        %get3A_936 = tpu.vector_load %arg12[%get3A_934, %get3A_935] {strides = array<i32>} : memref<128x128xf32, #tpu.memory_space<vmem>>, vector<1x16xf32>,
        %get3A_937 = vector.shape_cast %get3A_936 : vector<1x16xf32> to vector<16xf32>
        %mul3A_938 = vector.broadcast %squeeze3A_902 : f32 to vector<16xf32>
        %mul3A_939 = arith.mulf %get3A_937, %mul3A_938 : vector<16xf32>
        %swap3A_940 = arith.index_cast %add3A_900 : i32 to index
        %swap3A_941 = arith.constant 32 : index
        %swap3A_942 = tpu.vector_load %arg12[%swap3A_940, %swap3A_941] {strides = array<i32>} : memref<128x128xf32, #tpu.memory_space<vmem>>, vector<1x16xf32>,
        %swap3A_943 = vector.shape_cast %swap3A_942 : vector<1x16xf32> to vector<16xf32>
        %swap3A_944 = vector.shape_cast %mul3A_939 : vector<16xf32> to vector<1x16xf32>
        tpu.vector_store %arg12[%swap3A_940, %swap3A_941], %swap3A_944 {strides = array<i32>} : memref<128x128xf32, #tpu.memory_space<vmem>>, vector<1x16xf32>,
        %get3A_945 = arith.index_cast %add3A_900 : i32 to index
        %get3A_946 = arith.constant 48 : index
        %get3A_947 = tpu.vector_load %arg12[%get3A_945, %get3A_946] {strides = array<i32>} : memref<128x128xf32, #tpu.memory_space<vmem>>, vector<1x16xf32>,
        %get3A_948 = vector.shape_cast %get3A_947 : vector<1x16xf32> to vector<16xf32>
        %mul3A_949 = vector.broadcast %squeeze3A_902 : f32 to vector<16xf32>
        %mul3A_950 = arith.mulf %get3A_948, %mul3A_949 : vector<16xf32>
        %swap3A_951 = arith.index_cast %add3A_900 : i32 to index
        %swap3A_952 = arith.constant 48 : index
        %swap3A_953 = tpu.vector_load %arg12[%swap3A_951, %swap3A_952] {strides = array<i32>} : memref<128x128xf32, #tpu.memory_space<vmem>>, vector<1x16xf32>,
        %swap3A_954 = vector.shape_cast %swap3A_953 : vector<1x16xf32> to vector<16xf32>
        %swap3A_955 = vector.shape_cast %mul3A_950 : vector<16xf32> to vector<1x16xf32>
        tpu.vector_store %arg12[%swap3A_951, %swap3A_952], %swap3A_955 {strides = array<i32>} : memref<128x128xf32, #tpu.memory_space<vmem>>, vector<1x16xf32>,
        %get3A_956 = arith.index_cast %add3A_900 : i32 to index
        %get3A_957 = arith.constant 64 : index
        %get3A_958 = tpu.vector_load %arg12[%get3A_956, %get3A_957] {strides = array<i32>} : memref<128x128xf32, #tpu.memory_space<vmem>>, vector<1x16xf32>,
        %get3A_959 = vector.shape_cast %get3A_958 : vector<1x16xf32> to vector<16xf32>
        %mul3A_960 = vector.broadcast %squeeze3A_902 : f32 to vector<16xf32>
        %mul3A_961 = arith.mulf %get3A_959, %mul3A_960 : vector<16xf32>
        %swap3A_962 = arith.index_cast %add3A_900 : i32 to index
        %swap3A_963 = arith.constant 64 : index
        %swap3A_964 = tpu.vector_load %arg12[%swap3A_962, %swap3A_963] {strides = array<i32>} : memref<128x128xf32, #tpu.memory_space<vmem>>, vector<1x16xf32>,
        %swap3A_965 = vector.shape_cast %swap3A_964 : vector<1x16xf32> to vector<16xf32>
        %swap3A_966 = vector.shape_cast %mul3A_961 : vector<16xf32> to vector<1x16xf32>
        tpu.vector_store %arg12[%swap3A_962, %swap3A_963], %swap3A_966 {strides = array<i32>} : memref<128x128xf32, #tpu.memory_space<vmem>>, vector<1x16xf32>,
        %get3A_967 = arith.index_cast %add3A_900 : i32 to index
        %get3A_968 = arith.constant 80 : index
        %get3A_969 = tpu.vector_load %arg12[%get3A_967, %get3A_968] {strides = array<i32>} : memref<128x128xf32, #tpu.memory_space<vmem>>, vector<1x16xf32>,
        %get3A_970 = vector.shape_cast %get3A_969 : vector<1x16xf32> to vector<16xf32>
        %mul3A_971 = vector.broadcast %squeeze3A_902 : f32 to vector<16xf32>
        %mul3A_972 = arith.mulf %get3A_970, %mul3A_971 : vector<16xf32>
        %swap3A_973 = arith.index_cast %add3A_900 : i32 to index
        %swap3A_974 = arith.constant 80 : index
        %swap3A_975 = tpu.vector_load %arg12[%swap3A_973, %swap3A_974] {strides = array<i32>} : memref<128x128xf32, #tpu.memory_space<vmem>>, vector<1x16xf32>,
        %swap3A_976 = vector.shape_cast %swap3A_975 : vector<1x16xf32> to vector<16xf32>
        %swap3A_977 = vector.shape_cast %mul3A_972 : vector<16xf32> to vector<1x16xf32>
        tpu.vector_store %arg12[%swap3A_973, %swap3A_974], %swap3A_977 {strides = array<i32>} : memref<128x128xf32, #tpu.memory_space<vmem>>, vector<1x16xf32>,
        %get3A_978 = arith.index_cast %add3A_900 : i32 to index
        %get3A_979 = arith.constant 96 : index
        %get3A_980 = tpu.vector_load %arg12[%get3A_978, %get3A_979] {strides = array<i32>} : memref<128x128xf32, #tpu.memory_space<vmem>>, vector<1x16xf32>,
        %get3A_981 = vector.shape_cast %get3A_980 : vector<1x16xf32> to vector<16xf32>
        %mul3A_982 = vector.broadcast %squeeze3A_902 : f32 to vector<16xf32>
        %mul3A_983 = arith.mulf %get3A_981, %mul3A_982 : vector<16xf32>
        %swap3A_984 = arith.index_cast %add3A_900 : i32 to index
        %swap3A_985 = arith.constant 96 : index
        %swap3A_986 = tpu.vector_load %arg12[%swap3A_984, %swap3A_985] {strides = array<i32>} : memref<128x128xf32, #tpu.memory_space<vmem>>, vector<1x16xf32>,
        %swap3A_987 = vector.shape_cast %swap3A_986 : vector<1x16xf32> to vector<16xf32>
        %swap3A_988 = vector.shape_cast %mul3A_983 : vector<16xf32> to vector<1x16xf32>
        tpu.vector_store %arg12[%swap3A_984, %swap3A_985], %swap3A_988 {strides = array<i32>} : memref<128x128xf32, #tpu.memory_space<vmem>>, vector<1x16xf32>,
        %get3A_989 = arith.index_cast %add3A_900 : i32 to index
        %get3A_990 = arith.constant 112 : index
        %get3A_991 = tpu.vector_load %arg12[%get3A_989, %get3A_990] {strides = array<i32>} : memref<128x128xf32, #tpu.memory_space<vmem>>, vector<1x16xf32>,
        %get3A_992 = vector.shape_cast %get3A_991 : vector<1x16xf32> to vector<16xf32>
        %mul3A_993 = vector.broadcast %squeeze3A_902 : f32 to vector<16xf32>
        %mul3A_994 = arith.mulf %get3A_992, %mul3A_993 : vector<16xf32>
        %swap3A_995 = arith.index_cast %add3A_900 : i32 to index
        %swap3A_996 = arith.constant 112 : index
        %swap3A_997 = tpu.vector_load %arg12[%swap3A_995, %swap3A_996] {strides = array<i32>} : memref<128x128xf32, #tpu.memory_space<vmem>>, vector<1x16xf32>,
        %swap3A_998 = vector.shape_cast %swap3A_997 : vector<1x16xf32> to vector<16xf32>
        %swap3A_999 = vector.shape_cast %mul3A_994 : vector<16xf32> to vector<1x16xf32>
        tpu.vector_store %arg12[%swap3A_995, %swap3A_996], %swap3A_999 {strides = array<i32>} : memref<128x128xf32, #tpu.memory_space<vmem>>, vector<1x16xf32>,
        %mul3A_1000 = arith.constant 16 : i32
        %mul3A_1001 = arith.muli %scan3A_54, %mul3A_1000 : i32
        %add3A_1002 = arith.constant 9 : i32
        %add3A_1003 = arith.addi %mul3A_1001, %add3A_1002 : i32
        %slice3A_1004 = vector.extract_strided_slice %mul3A_75 {offsets = [9], sizes = [1], strides = [1]} : vector<16xf32> to vector<1xf32>
        %squeeze3A_1005 = vector.extract %slice3A_1004[0] : f32 from vector<1xf32>
        %slice3A_1006 = vector.extract_strided_slice %select_n3A_73 {offsets = [9], sizes = [1], strides = [1]} : vector<16xf32> to vector<1xf32>
        %squeeze3A_1007 = vector.extract %slice3A_1006[0] : f32 from vector<1xf32>
        %mul3A_1008 = vector.broadcast %squeeze3A_1007 : f32 to vector<16xf32>
        %mul3A_1009 = arith.mulf %select_n3A, %mul3A_1008 : vector<16xf32>
        %swap3A_1010 = arith.index_cast %add3A_1003 : i32 to index
        %swap3A_1011 = arith.constant 0 : index
        %swap3A_1012 = tpu.vector_load %arg13[%swap3A_1010, %swap3A_1011] {strides = array<i32>} : memref<128x16xf32, #tpu.memory_space<vmem>>, vector<1x16xf32>,
        %swap3A_1013 = vector.shape_cast %swap3A_1012 : vector<1x16xf32> to vector<16xf32>
        %swap3A_1014 = vector.shape_cast %mul3A_1009 : vector<16xf32> to vector<1x16xf32>
        tpu.vector_store %arg13[%swap3A_1010, %swap3A_1011], %swap3A_1014 {strides = array<i32>} : memref<128x16xf32, #tpu.memory_space<vmem>>, vector<1x16xf32>,
        %get3A_1015 = arith.index_cast %add3A_1003 : i32 to index
        %get3A_1016 = arith.constant 0 : index
        %get3A_1017 = tpu.vector_load %arg12[%get3A_1015, %get3A_1016] {strides = array<i32>} : memref<128x128xf32, #tpu.memory_space<vmem>>, vector<1x16xf32>,
        %get3A_1018 = vector.shape_cast %get3A_1017 : vector<1x16xf32> to vector<16xf32>
        %mul3A_1019 = vector.broadcast %squeeze3A_1005 : f32 to vector<16xf32>
        %mul3A_1020 = arith.mulf %get3A_1018, %mul3A_1019 : vector<16xf32>
        %swap3A_1021 = arith.index_cast %add3A_1003 : i32 to index
        %swap3A_1022 = arith.constant 0 : index
        %swap3A_1023 = tpu.vector_load %arg12[%swap3A_1021, %swap3A_1022] {strides = array<i32>} : memref<128x128xf32, #tpu.memory_space<vmem>>, vector<1x16xf32>,
        %swap3A_1024 = vector.shape_cast %swap3A_1023 : vector<1x16xf32> to vector<16xf32>
        %swap3A_1025 = vector.shape_cast %mul3A_1020 : vector<16xf32> to vector<1x16xf32>
        tpu.vector_store %arg12[%swap3A_1021, %swap3A_1022], %swap3A_1025 {strides = array<i32>} : memref<128x128xf32, #tpu.memory_space<vmem>>, vector<1x16xf32>,
        %get3A_1026 = arith.index_cast %add3A_1003 : i32 to index
        %get3A_1027 = arith.constant 16 : index
        %get3A_1028 = tpu.vector_load %arg12[%get3A_1026, %get3A_1027] {strides = array<i32>} : memref<128x128xf32, #tpu.memory_space<vmem>>, vector<1x16xf32>,
        %get3A_1029 = vector.shape_cast %get3A_1028 : vector<1x16xf32> to vector<16xf32>
        %mul3A_1030 = vector.broadcast %squeeze3A_1005 : f32 to vector<16xf32>
        %mul3A_1031 = arith.mulf %get3A_1029, %mul3A_1030 : vector<16xf32>
        %swap3A_1032 = arith.index_cast %add3A_1003 : i32 to index
        %swap3A_1033 = arith.constant 16 : index
        %swap3A_1034 = tpu.vector_load %arg12[%swap3A_1032, %swap3A_1033] {strides = array<i32>} : memref<128x128xf32, #tpu.memory_space<vmem>>, vector<1x16xf32>,
        %swap3A_1035 = vector.shape_cast %swap3A_1034 : vector<1x16xf32> to vector<16xf32>
        %swap3A_1036 = vector.shape_cast %mul3A_1031 : vector<16xf32> to vector<1x16xf32>
        tpu.vector_store %arg12[%swap3A_1032, %swap3A_1033], %swap3A_1036 {strides = array<i32>} : memref<128x128xf32, #tpu.memory_space<vmem>>, vector<1x16xf32>,
        %get3A_1037 = arith.index_cast %add3A_1003 : i32 to index
        %get3A_1038 = arith.constant 32 : index
        %get3A_1039 = tpu.vector_load %arg12[%get3A_1037, %get3A_1038] {strides = array<i32>} : memref<128x128xf32, #tpu.memory_space<vmem>>, vector<1x16xf32>,
        %get3A_1040 = vector.shape_cast %get3A_1039 : vector<1x16xf32> to vector<16xf32>
        %mul3A_1041 = vector.broadcast %squeeze3A_1005 : f32 to vector<16xf32>
        %mul3A_1042 = arith.mulf %get3A_1040, %mul3A_1041 : vector<16xf32>
        %swap3A_1043 = arith.index_cast %add3A_1003 : i32 to index
        %swap3A_1044 = arith.constant 32 : index
        %swap3A_1045 = tpu.vector_load %arg12[%swap3A_1043, %swap3A_1044] {strides = array<i32>} : memref<128x128xf32, #tpu.memory_space<vmem>>, vector<1x16xf32>,
        %swap3A_1046 = vector.shape_cast %swap3A_1045 : vector<1x16xf32> to vector<16xf32>
        %swap3A_1047 = vector.shape_cast %mul3A_1042 : vector<16xf32> to vector<1x16xf32>
        tpu.vector_store %arg12[%swap3A_1043, %swap3A_1044], %swap3A_1047 {strides = array<i32>} : memref<128x128xf32, #tpu.memory_space<vmem>>, vector<1x16xf32>,
        %get3A_1048 = arith.index_cast %add3A_1003 : i32 to index
        %get3A_1049 = arith.constant 48 : index
        %get3A_1050 = tpu.vector_load %arg12[%get3A_1048, %get3A_1049] {strides = array<i32>} : memref<128x128xf32, #tpu.memory_space<vmem>>, vector<1x16xf32>,
        %get3A_1051 = vector.shape_cast %get3A_1050 : vector<1x16xf32> to vector<16xf32>
        %mul3A_1052 = vector.broadcast %squeeze3A_1005 : f32 to vector<16xf32>
        %mul3A_1053 = arith.mulf %get3A_1051, %mul3A_1052 : vector<16xf32>
        %swap3A_1054 = arith.index_cast %add3A_1003 : i32 to index
        %swap3A_1055 = arith.constant 48 : index
        %swap3A_1056 = tpu.vector_load %arg12[%swap3A_1054, %swap3A_1055] {strides = array<i32>} : memref<128x128xf32, #tpu.memory_space<vmem>>, vector<1x16xf32>,
        %swap3A_1057 = vector.shape_cast %swap3A_1056 : vector<1x16xf32> to vector<16xf32>
        %swap3A_1058 = vector.shape_cast %mul3A_1053 : vector<16xf32> to vector<1x16xf32>
        tpu.vector_store %arg12[%swap3A_1054, %swap3A_1055], %swap3A_1058 {strides = array<i32>} : memref<128x128xf32, #tpu.memory_space<vmem>>, vector<1x16xf32>,
        %get3A_1059 = arith.index_cast %add3A_1003 : i32 to index
        %get3A_1060 = arith.constant 64 : index
        %get3A_1061 = tpu.vector_load %arg12[%get3A_1059, %get3A_1060] {strides = array<i32>} : memref<128x128xf32, #tpu.memory_space<vmem>>, vector<1x16xf32>,
        %get3A_1062 = vector.shape_cast %get3A_1061 : vector<1x16xf32> to vector<16xf32>
        %mul3A_1063 = vector.broadcast %squeeze3A_1005 : f32 to vector<16xf32>
        %mul3A_1064 = arith.mulf %get3A_1062, %mul3A_1063 : vector<16xf32>
        %swap3A_1065 = arith.index_cast %add3A_1003 : i32 to index
        %swap3A_1066 = arith.constant 64 : index
        %swap3A_1067 = tpu.vector_load %arg12[%swap3A_1065, %swap3A_1066] {strides = array<i32>} : memref<128x128xf32, #tpu.memory_space<vmem>>, vector<1x16xf32>,
        %swap3A_1068 = vector.shape_cast %swap3A_1067 : vector<1x16xf32> to vector<16xf32>
        %swap3A_1069 = vector.shape_cast %mul3A_1064 : vector<16xf32> to vector<1x16xf32>
        tpu.vector_store %arg12[%swap3A_1065, %swap3A_1066], %swap3A_1069 {strides = array<i32>} : memref<128x128xf32, #tpu.memory_space<vmem>>, vector<1x16xf32>,
        %get3A_1070 = arith.index_cast %add3A_1003 : i32 to index
        %get3A_1071 = arith.constant 80 : index
        %get3A_1072 = tpu.vector_load %arg12[%get3A_1070, %get3A_1071] {strides = array<i32>} : memref<128x128xf32, #tpu.memory_space<vmem>>, vector<1x16xf32>,
        %get3A_1073 = vector.shape_cast %get3A_1072 : vector<1x16xf32> to vector<16xf32>
        %mul3A_1074 = vector.broadcast %squeeze3A_1005 : f32 to vector<16xf32>
        %mul3A_1075 = arith.mulf %get3A_1073, %mul3A_1074 : vector<16xf32>
        %swap3A_1076 = arith.index_cast %add3A_1003 : i32 to index
        %swap3A_1077 = arith.constant 80 : index
        %swap3A_1078 = tpu.vector_load %arg12[%swap3A_1076, %swap3A_1077] {strides = array<i32>} : memref<128x128xf32, #tpu.memory_space<vmem>>, vector<1x16xf32>,
        %swap3A_1079 = vector.shape_cast %swap3A_1078 : vector<1x16xf32> to vector<16xf32>
        %swap3A_1080 = vector.shape_cast %mul3A_1075 : vector<16xf32> to vector<1x16xf32>
        tpu.vector_store %arg12[%swap3A_1076, %swap3A_1077], %swap3A_1080 {strides = array<i32>} : memref<128x128xf32, #tpu.memory_space<vmem>>, vector<1x16xf32>,
        %get3A_1081 = arith.index_cast %add3A_1003 : i32 to index
        %get3A_1082 = arith.constant 96 : index
        %get3A_1083 = tpu.vector_load %arg12[%get3A_1081, %get3A_1082] {strides = array<i32>} : memref<128x128xf32, #tpu.memory_space<vmem>>, vector<1x16xf32>,
        %get3A_1084 = vector.shape_cast %get3A_1083 : vector<1x16xf32> to vector<16xf32>
        %mul3A_1085 = vector.broadcast %squeeze3A_1005 : f32 to vector<16xf32>
        %mul3A_1086 = arith.mulf %get3A_1084, %mul3A_1085 : vector<16xf32>
        %swap3A_1087 = arith.index_cast %add3A_1003 : i32 to index
        %swap3A_1088 = arith.constant 96 : index
        %swap3A_1089 = tpu.vector_load %arg12[%swap3A_1087, %swap3A_1088] {strides = array<i32>} : memref<128x128xf32, #tpu.memory_space<vmem>>, vector<1x16xf32>,
        %swap3A_1090 = vector.shape_cast %swap3A_1089 : vector<1x16xf32> to vector<16xf32>
        %swap3A_1091 = vector.shape_cast %mul3A_1086 : vector<16xf32> to vector<1x16xf32>
        tpu.vector_store %arg12[%swap3A_1087, %swap3A_1088], %swap3A_1091 {strides = array<i32>} : memref<128x128xf32, #tpu.memory_space<vmem>>, vector<1x16xf32>,
        %get3A_1092 = arith.index_cast %add3A_1003 : i32 to index
        %get3A_1093 = arith.constant 112 : index
        %get3A_1094 = tpu.vector_load %arg12[%get3A_1092, %get3A_1093] {strides = array<i32>} : memref<128x128xf32, #tpu.memory_space<vmem>>, vector<1x16xf32>,
        %get3A_1095 = vector.shape_cast %get3A_1094 : vector<1x16xf32> to vector<16xf32>
        %mul3A_1096 = vector.broadcast %squeeze3A_1005 : f32 to vector<16xf32>
        %mul3A_1097 = arith.mulf %get3A_1095, %mul3A_1096 : vector<16xf32>
        %swap3A_1098 = arith.index_cast %add3A_1003 : i32 to index
        %swap3A_1099 = arith.constant 112 : index
        %swap3A_1100 = tpu.vector_load %arg12[%swap3A_1098, %swap3A_1099] {strides = array<i32>} : memref<128x128xf32, #tpu.memory_space<vmem>>, vector<1x16xf32>,
        %swap3A_1101 = vector.shape_cast %swap3A_1100 : vector<1x16xf32> to vector<16xf32>
        %swap3A_1102 = vector.shape_cast %mul3A_1097 : vector<16xf32> to vector<1x16xf32>
        tpu.vector_store %arg12[%swap3A_1098, %swap3A_1099], %swap3A_1102 {strides = array<i32>} : memref<128x128xf32, #tpu.memory_space<vmem>>, vector<1x16xf32>,
        %mul3A_1103 = arith.constant 16 : i32
        %mul3A_1104 = arith.muli %scan3A_54, %mul3A_1103 : i32
        %add3A_1105 = arith.constant 10 : i32
        %add3A_1106 = arith.addi %mul3A_1104, %add3A_1105 : i32
        %slice3A_1107 = vector.extract_strided_slice %mul3A_75 {offsets = [10], sizes = [1], strides = [1]} : vector<16xf32> to vector<1xf32>
        %squeeze3A_1108 = vector.extract %slice3A_1107[0] : f32 from vector<1xf32>
        %slice3A_1109 = vector.extract_strided_slice %select_n3A_73 {offsets = [10], sizes = [1], strides = [1]} : vector<16xf32> to vector<1xf32>
        %squeeze3A_1110 = vector.extract %slice3A_1109[0] : f32 from vector<1xf32>
        %mul3A_1111 = vector.broadcast %squeeze3A_1110 : f32 to vector<16xf32>
        %mul3A_1112 = arith.mulf %select_n3A, %mul3A_1111 : vector<16xf32>
        %swap3A_1113 = arith.index_cast %add3A_1106 : i32 to index
        %swap3A_1114 = arith.constant 0 : index
        %swap3A_1115 = tpu.vector_load %arg13[%swap3A_1113, %swap3A_1114] {strides = array<i32>} : memref<128x16xf32, #tpu.memory_space<vmem>>, vector<1x16xf32>,
        %swap3A_1116 = vector.shape_cast %swap3A_1115 : vector<1x16xf32> to vector<16xf32>
        %swap3A_1117 = vector.shape_cast %mul3A_1112 : vector<16xf32> to vector<1x16xf32>
        tpu.vector_store %arg13[%swap3A_1113, %swap3A_1114], %swap3A_1117 {strides = array<i32>} : memref<128x16xf32, #tpu.memory_space<vmem>>, vector<1x16xf32>,
        %get3A_1118 = arith.index_cast %add3A_1106 : i32 to index
        %get3A_1119 = arith.constant 0 : index
        %get3A_1120 = tpu.vector_load %arg12[%get3A_1118, %get3A_1119] {strides = array<i32>} : memref<128x128xf32, #tpu.memory_space<vmem>>, vector<1x16xf32>,
        %get3A_1121 = vector.shape_cast %get3A_1120 : vector<1x16xf32> to vector<16xf32>
        %mul3A_1122 = vector.broadcast %squeeze3A_1108 : f32 to vector<16xf32>
        %mul3A_1123 = arith.mulf %get3A_1121, %mul3A_1122 : vector<16xf32>
        %swap3A_1124 = arith.index_cast %add3A_1106 : i32 to index
        %swap3A_1125 = arith.constant 0 : index
        %swap3A_1126 = tpu.vector_load %arg12[%swap3A_1124, %swap3A_1125] {strides = array<i32>} : memref<128x128xf32, #tpu.memory_space<vmem>>, vector<1x16xf32>,
        %swap3A_1127 = vector.shape_cast %swap3A_1126 : vector<1x16xf32> to vector<16xf32>
        %swap3A_1128 = vector.shape_cast %mul3A_1123 : vector<16xf32> to vector<1x16xf32>
        tpu.vector_store %arg12[%swap3A_1124, %swap3A_1125], %swap3A_1128 {strides = array<i32>} : memref<128x128xf32, #tpu.memory_space<vmem>>, vector<1x16xf32>,
        %get3A_1129 = arith.index_cast %add3A_1106 : i32 to index
        %get3A_1130 = arith.constant 16 : index
        %get3A_1131 = tpu.vector_load %arg12[%get3A_1129, %get3A_1130] {strides = array<i32>} : memref<128x128xf32, #tpu.memory_space<vmem>>, vector<1x16xf32>,
        %get3A_1132 = vector.shape_cast %get3A_1131 : vector<1x16xf32> to vector<16xf32>
        %mul3A_1133 = vector.broadcast %squeeze3A_1108 : f32 to vector<16xf32>
        %mul3A_1134 = arith.mulf %get3A_1132, %mul3A_1133 : vector<16xf32>
        %swap3A_1135 = arith.index_cast %add3A_1106 : i32 to index
        %swap3A_1136 = arith.constant 16 : index
        %swap3A_1137 = tpu.vector_load %arg12[%swap3A_1135, %swap3A_1136] {strides = array<i32>} : memref<128x128xf32, #tpu.memory_space<vmem>>, vector<1x16xf32>,
        %swap3A_1138 = vector.shape_cast %swap3A_1137 : vector<1x16xf32> to vector<16xf32>
        %swap3A_1139 = vector.shape_cast %mul3A_1134 : vector<16xf32> to vector<1x16xf32>
        tpu.vector_store %arg12[%swap3A_1135, %swap3A_1136], %swap3A_1139 {strides = array<i32>} : memref<128x128xf32, #tpu.memory_space<vmem>>, vector<1x16xf32>,
        %get3A_1140 = arith.index_cast %add3A_1106 : i32 to index
        %get3A_1141 = arith.constant 32 : index
        %get3A_1142 = tpu.vector_load %arg12[%get3A_1140, %get3A_1141] {strides = array<i32>} : memref<128x128xf32, #tpu.memory_space<vmem>>, vector<1x16xf32>,
        %get3A_1143 = vector.shape_cast %get3A_1142 : vector<1x16xf32> to vector<16xf32>
        %mul3A_1144 = vector.broadcast %squeeze3A_1108 : f32 to vector<16xf32>
        %mul3A_1145 = arith.mulf %get3A_1143, %mul3A_1144 : vector<16xf32>
        %swap3A_1146 = arith.index_cast %add3A_1106 : i32 to index
        %swap3A_1147 = arith.constant 32 : index
        %swap3A_1148 = tpu.vector_load %arg12[%swap3A_1146, %swap3A_1147] {strides = array<i32>} : memref<128x128xf32, #tpu.memory_space<vmem>>, vector<1x16xf32>,
        %swap3A_1149 = vector.shape_cast %swap3A_1148 : vector<1x16xf32> to vector<16xf32>
        %swap3A_1150 = vector.shape_cast %mul3A_1145 : vector<16xf32> to vector<1x16xf32>
        tpu.vector_store %arg12[%swap3A_1146, %swap3A_1147], %swap3A_1150 {strides = array<i32>} : memref<128x128xf32, #tpu.memory_space<vmem>>, vector<1x16xf32>,
        %get3A_1151 = arith.index_cast %add3A_1106 : i32 to index
        %get3A_1152 = arith.constant 48 : index
        %get3A_1153 = tpu.vector_load %arg12[%get3A_1151, %get3A_1152] {strides = array<i32>} : memref<128x128xf32, #tpu.memory_space<vmem>>, vector<1x16xf32>,
        %get3A_1154 = vector.shape_cast %get3A_1153 : vector<1x16xf32> to vector<16xf32>
        %mul3A_1155 = vector.broadcast %squeeze3A_1108 : f32 to vector<16xf32>
        %mul3A_1156 = arith.mulf %get3A_1154, %mul3A_1155 : vector<16xf32>
        %swap3A_1157 = arith.index_cast %add3A_1106 : i32 to index
        %swap3A_1158 = arith.constant 48 : index
        %swap3A_1159 = tpu.vector_load %arg12[%swap3A_1157, %swap3A_1158] {strides = array<i32>} : memref<128x128xf32, #tpu.memory_space<vmem>>, vector<1x16xf32>,
        %swap3A_1160 = vector.shape_cast %swap3A_1159 : vector<1x16xf32> to vector<16xf32>
        %swap3A_1161 = vector.shape_cast %mul3A_1156 : vector<16xf32> to vector<1x16xf32>
        tpu.vector_store %arg12[%swap3A_1157, %swap3A_1158], %swap3A_1161 {strides = array<i32>} : memref<128x128xf32, #tpu.memory_space<vmem>>, vector<1x16xf32>,
        %get3A_1162 = arith.index_cast %add3A_1106 : i32 to index
        %get3A_1163 = arith.constant 64 : index
        %get3A_1164 = tpu.vector_load %arg12[%get3A_1162, %get3A_1163] {strides = array<i32>} : memref<128x128xf32, #tpu.memory_space<vmem>>, vector<1x16xf32>,
        %get3A_1165 = vector.shape_cast %get3A_1164 : vector<1x16xf32> to vector<16xf32>
        %mul3A_1166 = vector.broadcast %squeeze3A_1108 : f32 to vector<16xf32>
        %mul3A_1167 = arith.mulf %get3A_1165, %mul3A_1166 : vector<16xf32>
        %swap3A_1168 = arith.index_cast %add3A_1106 : i32 to index
        %swap3A_1169 = arith.constant 64 : index
        %swap3A_1170 = tpu.vector_load %arg12[%swap3A_1168, %swap3A_1169] {strides = array<i32>} : memref<128x128xf32, #tpu.memory_space<vmem>>, vector<1x16xf32>,
        %swap3A_1171 = vector.shape_cast %swap3A_1170 : vector<1x16xf32> to vector<16xf32>
        %swap3A_1172 = vector.shape_cast %mul3A_1167 : vector<16xf32> to vector<1x16xf32>
        tpu.vector_store %arg12[%swap3A_1168, %swap3A_1169], %swap3A_1172 {strides = array<i32>} : memref<128x128xf32, #tpu.memory_space<vmem>>, vector<1x16xf32>,
        %get3A_1173 = arith.index_cast %add3A_1106 : i32 to index
        %get3A_1174 = arith.constant 80 : index
        %get3A_1175 = tpu.vector_load %arg12[%get3A_1173, %get3A_1174] {strides = array<i32>} : memref<128x128xf32, #tpu.memory_space<vmem>>, vector<1x16xf32>,
        %get3A_1176 = vector.shape_cast %get3A_1175 : vector<1x16xf32> to vector<16xf32>
        %mul3A_1177 = vector.broadcast %squeeze3A_1108 : f32 to vector<16xf32>
        %mul3A_1178 = arith.mulf %get3A_1176, %mul3A_1177 : vector<16xf32>
        %swap3A_1179 = arith.index_cast %add3A_1106 : i32 to index
        %swap3A_1180 = arith.constant 80 : index
        %swap3A_1181 = tpu.vector_load %arg12[%swap3A_1179, %swap3A_1180] {strides = array<i32>} : memref<128x128xf32, #tpu.memory_space<vmem>>, vector<1x16xf32>,
        %swap3A_1182 = vector.shape_cast %swap3A_1181 : vector<1x16xf32> to vector<16xf32>
        %swap3A_1183 = vector.shape_cast %mul3A_1178 : vector<16xf32> to vector<1x16xf32>
        tpu.vector_store %arg12[%swap3A_1179, %swap3A_1180], %swap3A_1183 {strides = array<i32>} : memref<128x128xf32, #tpu.memory_space<vmem>>, vector<1x16xf32>,
        %get3A_1184 = arith.index_cast %add3A_1106 : i32 to index
        %get3A_1185 = arith.constant 96 : index
        %get3A_1186 = tpu.vector_load %arg12[%get3A_1184, %get3A_1185] {strides = array<i32>} : memref<128x128xf32, #tpu.memory_space<vmem>>, vector<1x16xf32>,
        %get3A_1187 = vector.shape_cast %get3A_1186 : vector<1x16xf32> to vector<16xf32>
        %mul3A_1188 = vector.broadcast %squeeze3A_1108 : f32 to vector<16xf32>
        %mul3A_1189 = arith.mulf %get3A_1187, %mul3A_1188 : vector<16xf32>
        %swap3A_1190 = arith.index_cast %add3A_1106 : i32 to index
        %swap3A_1191 = arith.constant 96 : index
        %swap3A_1192 = tpu.vector_load %arg12[%swap3A_1190, %swap3A_1191] {strides = array<i32>} : memref<128x128xf32, #tpu.memory_space<vmem>>, vector<1x16xf32>,
        %swap3A_1193 = vector.shape_cast %swap3A_1192 : vector<1x16xf32> to vector<16xf32>
        %swap3A_1194 = vector.shape_cast %mul3A_1189 : vector<16xf32> to vector<1x16xf32>
        tpu.vector_store %arg12[%swap3A_1190, %swap3A_1191], %swap3A_1194 {strides = array<i32>} : memref<128x128xf32, #tpu.memory_space<vmem>>, vector<1x16xf32>,
        %get3A_1195 = arith.index_cast %add3A_1106 : i32 to index
        %get3A_1196 = arith.constant 112 : index
        %get3A_1197 = tpu.vector_load %arg12[%get3A_1195, %get3A_1196] {strides = array<i32>} : memref<128x128xf32, #tpu.memory_space<vmem>>, vector<1x16xf32>,
        %get3A_1198 = vector.shape_cast %get3A_1197 : vector<1x16xf32> to vector<16xf32>
        %mul3A_1199 = vector.broadcast %squeeze3A_1108 : f32 to vector<16xf32>
        %mul3A_1200 = arith.mulf %get3A_1198, %mul3A_1199 : vector<16xf32>
        %swap3A_1201 = arith.index_cast %add3A_1106 : i32 to index
        %swap3A_1202 = arith.constant 112 : index
        %swap3A_1203 = tpu.vector_load %arg12[%swap3A_1201, %swap3A_1202] {strides = array<i32>} : memref<128x128xf32, #tpu.memory_space<vmem>>, vector<1x16xf32>,
        %swap3A_1204 = vector.shape_cast %swap3A_1203 : vector<1x16xf32> to vector<16xf32>
        %swap3A_1205 = vector.shape_cast %mul3A_1200 : vector<16xf32> to vector<1x16xf32>
        tpu.vector_store %arg12[%swap3A_1201, %swap3A_1202], %swap3A_1205 {strides = array<i32>} : memref<128x128xf32, #tpu.memory_space<vmem>>, vector<1x16xf32>,
        %mul3A_1206 = arith.constant 16 : i32
        %mul3A_1207 = arith.muli %scan3A_54, %mul3A_1206 : i32
        %add3A_1208 = arith.constant 11 : i32
        %add3A_1209 = arith.addi %mul3A_1207, %add3A_1208 : i32
        %slice3A_1210 = vector.extract_strided_slice %mul3A_75 {offsets = [11], sizes = [1], strides = [1]} : vector<16xf32> to vector<1xf32>
        %squeeze3A_1211 = vector.extract %slice3A_1210[0] : f32 from vector<1xf32>
        %slice3A_1212 = vector.extract_strided_slice %select_n3A_73 {offsets = [11], sizes = [1], strides = [1]} : vector<16xf32> to vector<1xf32>
        %squeeze3A_1213 = vector.extract %slice3A_1212[0] : f32 from vector<1xf32>
        %mul3A_1214 = vector.broadcast %squeeze3A_1213 : f32 to vector<16xf32>
        %mul3A_1215 = arith.mulf %select_n3A, %mul3A_1214 : vector<16xf32>
        %swap3A_1216 = arith.index_cast %add3A_1209 : i32 to index
        %swap3A_1217 = arith.constant 0 : index
        %swap3A_1218 = tpu.vector_load %arg13[%swap3A_1216, %swap3A_1217] {strides = array<i32>} : memref<128x16xf32, #tpu.memory_space<vmem>>, vector<1x16xf32>,
        %swap3A_1219 = vector.shape_cast %swap3A_1218 : vector<1x16xf32> to vector<16xf32>
        %swap3A_1220 = vector.shape_cast %mul3A_1215 : vector<16xf32> to vector<1x16xf32>
        tpu.vector_store %arg13[%swap3A_1216, %swap3A_1217], %swap3A_1220 {strides = array<i32>} : memref<128x16xf32, #tpu.memory_space<vmem>>, vector<1x16xf32>,
        %get3A_1221 = arith.index_cast %add3A_1209 : i32 to index
        %get3A_1222 = arith.constant 0 : index
        %get3A_1223 = tpu.vector_load %arg12[%get3A_1221, %get3A_1222] {strides = array<i32>} : memref<128x128xf32, #tpu.memory_space<vmem>>, vector<1x16xf32>,
        %get3A_1224 = vector.shape_cast %get3A_1223 : vector<1x16xf32> to vector<16xf32>
        %mul3A_1225 = vector.broadcast %squeeze3A_1211 : f32 to vector<16xf32>
        %mul3A_1226 = arith.mulf %get3A_1224, %mul3A_1225 : vector<16xf32>
        %swap3A_1227 = arith.index_cast %add3A_1209 : i32 to index
        %swap3A_1228 = arith.constant 0 : index
        %swap3A_1229 = tpu.vector_load %arg12[%swap3A_1227, %swap3A_1228] {strides = array<i32>} : memref<128x128xf32, #tpu.memory_space<vmem>>, vector<1x16xf32>,
        %swap3A_1230 = vector.shape_cast %swap3A_1229 : vector<1x16xf32> to vector<16xf32>
        %swap3A_1231 = vector.shape_cast %mul3A_1226 : vector<16xf32> to vector<1x16xf32>
        tpu.vector_store %arg12[%swap3A_1227, %swap3A_1228], %swap3A_1231 {strides = array<i32>} : memref<128x128xf32, #tpu.memory_space<vmem>>, vector<1x16xf32>,
        %get3A_1232 = arith.index_cast %add3A_1209 : i32 to index
        %get3A_1233 = arith.constant 16 : index
        %get3A_1234 = tpu.vector_load %arg12[%get3A_1232, %get3A_1233] {strides = array<i32>} : memref<128x128xf32, #tpu.memory_space<vmem>>, vector<1x16xf32>,
        %get3A_1235 = vector.shape_cast %get3A_1234 : vector<1x16xf32> to vector<16xf32>
        %mul3A_1236 = vector.broadcast %squeeze3A_1211 : f32 to vector<16xf32>
        %mul3A_1237 = arith.mulf %get3A_1235, %mul3A_1236 : vector<16xf32>
        %swap3A_1238 = arith.index_cast %add3A_1209 : i32 to index
        %swap3A_1239 = arith.constant 16 : index
        %swap3A_1240 = tpu.vector_load %arg12[%swap3A_1238, %swap3A_1239] {strides = array<i32>} : memref<128x128xf32, #tpu.memory_space<vmem>>, vector<1x16xf32>,
        %swap3A_1241 = vector.shape_cast %swap3A_1240 : vector<1x16xf32> to vector<16xf32>
        %swap3A_1242 = vector.shape_cast %mul3A_1237 : vector<16xf32> to vector<1x16xf32>
        tpu.vector_store %arg12[%swap3A_1238, %swap3A_1239], %swap3A_1242 {strides = array<i32>} : memref<128x128xf32, #tpu.memory_space<vmem>>, vector<1x16xf32>,
        %get3A_1243 = arith.index_cast %add3A_1209 : i32 to index
        %get3A_1244 = arith.constant 32 : index
        %get3A_1245 = tpu.vector_load %arg12[%get3A_1243, %get3A_1244] {strides = array<i32>} : memref<128x128xf32, #tpu.memory_space<vmem>>, vector<1x16xf32>,
        %get3A_1246 = vector.shape_cast %get3A_1245 : vector<1x16xf32> to vector<16xf32>
        %mul3A_1247 = vector.broadcast %squeeze3A_1211 : f32 to vector<16xf32>
        %mul3A_1248 = arith.mulf %get3A_1246, %mul3A_1247 : vector<16xf32>
        %swap3A_1249 = arith.index_cast %add3A_1209 : i32 to index
        %swap3A_1250 = arith.constant 32 : index
        %swap3A_1251 = tpu.vector_load %arg12[%swap3A_1249, %swap3A_1250] {strides = array<i32>} : memref<128x128xf32, #tpu.memory_space<vmem>>, vector<1x16xf32>,
        %swap3A_1252 = vector.shape_cast %swap3A_1251 : vector<1x16xf32> to vector<16xf32>
        %swap3A_1253 = vector.shape_cast %mul3A_1248 : vector<16xf32> to vector<1x16xf32>
        tpu.vector_store %arg12[%swap3A_1249, %swap3A_1250], %swap3A_1253 {strides = array<i32>} : memref<128x128xf32, #tpu.memory_space<vmem>>, vector<1x16xf32>,
        %get3A_1254 = arith.index_cast %add3A_1209 : i32 to index
        %get3A_1255 = arith.constant 48 : index
        %get3A_1256 = tpu.vector_load %arg12[%get3A_1254, %get3A_1255] {strides = array<i32>} : memref<128x128xf32, #tpu.memory_space<vmem>>, vector<1x16xf32>,
        %get3A_1257 = vector.shape_cast %get3A_1256 : vector<1x16xf32> to vector<16xf32>
        %mul3A_1258 = vector.broadcast %squeeze3A_1211 : f32 to vector<16xf32>
        %mul3A_1259 = arith.mulf %get3A_1257, %mul3A_1258 : vector<16xf32>
        %swap3A_1260 = arith.index_cast %add3A_1209 : i32 to index
        %swap3A_1261 = arith.constant 48 : index
        %swap3A_1262 = tpu.vector_load %arg12[%swap3A_1260, %swap3A_1261] {strides = array<i32>} : memref<128x128xf32, #tpu.memory_space<vmem>>, vector<1x16xf32>,
        %swap3A_1263 = vector.shape_cast %swap3A_1262 : vector<1x16xf32> to vector<16xf32>
        %swap3A_1264 = vector.shape_cast %mul3A_1259 : vector<16xf32> to vector<1x16xf32>
        tpu.vector_store %arg12[%swap3A_1260, %swap3A_1261], %swap3A_1264 {strides = array<i32>} : memref<128x128xf32, #tpu.memory_space<vmem>>, vector<1x16xf32>,
        %get3A_1265 = arith.index_cast %add3A_1209 : i32 to index
        %get3A_1266 = arith.constant 64 : index
        %get3A_1267 = tpu.vector_load %arg12[%get3A_1265, %get3A_1266] {strides = array<i32>} : memref<128x128xf32, #tpu.memory_space<vmem>>, vector<1x16xf32>,
        %get3A_1268 = vector.shape_cast %get3A_1267 : vector<1x16xf32> to vector<16xf32>
        %mul3A_1269 = vector.broadcast %squeeze3A_1211 : f32 to vector<16xf32>
        %mul3A_1270 = arith.mulf %get3A_1268, %mul3A_1269 : vector<16xf32>
        %swap3A_1271 = arith.index_cast %add3A_1209 : i32 to index
        %swap3A_1272 = arith.constant 64 : index
        %swap3A_1273 = tpu.vector_load %arg12[%swap3A_1271, %swap3A_1272] {strides = array<i32>} : memref<128x128xf32, #tpu.memory_space<vmem>>, vector<1x16xf32>,
        %swap3A_1274 = vector.shape_cast %swap3A_1273 : vector<1x16xf32> to vector<16xf32>
        %swap3A_1275 = vector.shape_cast %mul3A_1270 : vector<16xf32> to vector<1x16xf32>
        tpu.vector_store %arg12[%swap3A_1271, %swap3A_1272], %swap3A_1275 {strides = array<i32>} : memref<128x128xf32, #tpu.memory_space<vmem>>, vector<1x16xf32>,
        %get3A_1276 = arith.index_cast %add3A_1209 : i32 to index
        %get3A_1277 = arith.constant 80 : index
        %get3A_1278 = tpu.vector_load %arg12[%get3A_1276, %get3A_1277] {strides = array<i32>} : memref<128x128xf32, #tpu.memory_space<vmem>>, vector<1x16xf32>,
        %get3A_1279 = vector.shape_cast %get3A_1278 : vector<1x16xf32> to vector<16xf32>
        %mul3A_1280 = vector.broadcast %squeeze3A_1211 : f32 to vector<16xf32>
        %mul3A_1281 = arith.mulf %get3A_1279, %mul3A_1280 : vector<16xf32>
        %swap3A_1282 = arith.index_cast %add3A_1209 : i32 to index
        %swap3A_1283 = arith.constant 80 : index
        %swap3A_1284 = tpu.vector_load %arg12[%swap3A_1282, %swap3A_1283] {strides = array<i32>} : memref<128x128xf32, #tpu.memory_space<vmem>>, vector<1x16xf32>,
        %swap3A_1285 = vector.shape_cast %swap3A_1284 : vector<1x16xf32> to vector<16xf32>
        %swap3A_1286 = vector.shape_cast %mul3A_1281 : vector<16xf32> to vector<1x16xf32>
        tpu.vector_store %arg12[%swap3A_1282, %swap3A_1283], %swap3A_1286 {strides = array<i32>} : memref<128x128xf32, #tpu.memory_space<vmem>>, vector<1x16xf32>,
        %get3A_1287 = arith.index_cast %add3A_1209 : i32 to index
        %get3A_1288 = arith.constant 96 : index
        %get3A_1289 = tpu.vector_load %arg12[%get3A_1287, %get3A_1288] {strides = array<i32>} : memref<128x128xf32, #tpu.memory_space<vmem>>, vector<1x16xf32>,
        %get3A_1290 = vector.shape_cast %get3A_1289 : vector<1x16xf32> to vector<16xf32>
        %mul3A_1291 = vector.broadcast %squeeze3A_1211 : f32 to vector<16xf32>
        %mul3A_1292 = arith.mulf %get3A_1290, %mul3A_1291 : vector<16xf32>
        %swap3A_1293 = arith.index_cast %add3A_1209 : i32 to index
        %swap3A_1294 = arith.constant 96 : index
        %swap3A_1295 = tpu.vector_load %arg12[%swap3A_1293, %swap3A_1294] {strides = array<i32>} : memref<128x128xf32, #tpu.memory_space<vmem>>, vector<1x16xf32>,
        %swap3A_1296 = vector.shape_cast %swap3A_1295 : vector<1x16xf32> to vector<16xf32>
        %swap3A_1297 = vector.shape_cast %mul3A_1292 : vector<16xf32> to vector<1x16xf32>
        tpu.vector_store %arg12[%swap3A_1293, %swap3A_1294], %swap3A_1297 {strides = array<i32>} : memref<128x128xf32, #tpu.memory_space<vmem>>, vector<1x16xf32>,
        %get3A_1298 = arith.index_cast %add3A_1209 : i32 to index
        %get3A_1299 = arith.constant 112 : index
        %get3A_1300 = tpu.vector_load %arg12[%get3A_1298, %get3A_1299] {strides = array<i32>} : memref<128x128xf32, #tpu.memory_space<vmem>>, vector<1x16xf32>,
        %get3A_1301 = vector.shape_cast %get3A_1300 : vector<1x16xf32> to vector<16xf32>
        %mul3A_1302 = vector.broadcast %squeeze3A_1211 : f32 to vector<16xf32>
        %mul3A_1303 = arith.mulf %get3A_1301, %mul3A_1302 : vector<16xf32>
        %swap3A_1304 = arith.index_cast %add3A_1209 : i32 to index
        %swap3A_1305 = arith.constant 112 : index
        %swap3A_1306 = tpu.vector_load %arg12[%swap3A_1304, %swap3A_1305] {strides = array<i32>} : memref<128x128xf32, #tpu.memory_space<vmem>>, vector<1x16xf32>,
        %swap3A_1307 = vector.shape_cast %swap3A_1306 : vector<1x16xf32> to vector<16xf32>
        %swap3A_1308 = vector.shape_cast %mul3A_1303 : vector<16xf32> to vector<1x16xf32>
        tpu.vector_store %arg12[%swap3A_1304, %swap3A_1305], %swap3A_1308 {strides = array<i32>} : memref<128x128xf32, #tpu.memory_space<vmem>>, vector<1x16xf32>,
        %mul3A_1309 = arith.constant 16 : i32
        %mul3A_1310 = arith.muli %scan3A_54, %mul3A_1309 : i32
        %add3A_1311 = arith.constant 12 : i32
        %add3A_1312 = arith.addi %mul3A_1310, %add3A_1311 : i32
        %slice3A_1313 = vector.extract_strided_slice %mul3A_75 {offsets = [12], sizes = [1], strides = [1]} : vector<16xf32> to vector<1xf32>
        %squeeze3A_1314 = vector.extract %slice3A_1313[0] : f32 from vector<1xf32>
        %slice3A_1315 = vector.extract_strided_slice %select_n3A_73 {offsets = [12], sizes = [1], strides = [1]} : vector<16xf32> to vector<1xf32>
        %squeeze3A_1316 = vector.extract %slice3A_1315[0] : f32 from vector<1xf32>
        %mul3A_1317 = vector.broadcast %squeeze3A_1316 : f32 to vector<16xf32>
        %mul3A_1318 = arith.mulf %select_n3A, %mul3A_1317 : vector<16xf32>
        %swap3A_1319 = arith.index_cast %add3A_1312 : i32 to index
        %swap3A_1320 = arith.constant 0 : index
        %swap3A_1321 = tpu.vector_load %arg13[%swap3A_1319, %swap3A_1320] {strides = array<i32>} : memref<128x16xf32, #tpu.memory_space<vmem>>, vector<1x16xf32>,
        %swap3A_1322 = vector.shape_cast %swap3A_1321 : vector<1x16xf32> to vector<16xf32>
        %swap3A_1323 = vector.shape_cast %mul3A_1318 : vector<16xf32> to vector<1x16xf32>
        tpu.vector_store %arg13[%swap3A_1319, %swap3A_1320], %swap3A_1323 {strides = array<i32>} : memref<128x16xf32, #tpu.memory_space<vmem>>, vector<1x16xf32>,
        %get3A_1324 = arith.index_cast %add3A_1312 : i32 to index
        %get3A_1325 = arith.constant 0 : index
        %get3A_1326 = tpu.vector_load %arg12[%get3A_1324, %get3A_1325] {strides = array<i32>} : memref<128x128xf32, #tpu.memory_space<vmem>>, vector<1x16xf32>,
        %get3A_1327 = vector.shape_cast %get3A_1326 : vector<1x16xf32> to vector<16xf32>
        %mul3A_1328 = vector.broadcast %squeeze3A_1314 : f32 to vector<16xf32>
        %mul3A_1329 = arith.mulf %get3A_1327, %mul3A_1328 : vector<16xf32>
        %swap3A_1330 = arith.index_cast %add3A_1312 : i32 to index
        %swap3A_1331 = arith.constant 0 : index
        %swap3A_1332 = tpu.vector_load %arg12[%swap3A_1330, %swap3A_1331] {strides = array<i32>} : memref<128x128xf32, #tpu.memory_space<vmem>>, vector<1x16xf32>,
        %swap3A_1333 = vector.shape_cast %swap3A_1332 : vector<1x16xf32> to vector<16xf32>
        %swap3A_1334 = vector.shape_cast %mul3A_1329 : vector<16xf32> to vector<1x16xf32>
        tpu.vector_store %arg12[%swap3A_1330, %swap3A_1331], %swap3A_1334 {strides = array<i32>} : memref<128x128xf32, #tpu.memory_space<vmem>>, vector<1x16xf32>,
        %get3A_1335 = arith.index_cast %add3A_1312 : i32 to index
        %get3A_1336 = arith.constant 16 : index
        %get3A_1337 = tpu.vector_load %arg12[%get3A_1335, %get3A_1336] {strides = array<i32>} : memref<128x128xf32, #tpu.memory_space<vmem>>, vector<1x16xf32>,
        %get3A_1338 = vector.shape_cast %get3A_1337 : vector<1x16xf32> to vector<16xf32>
        %mul3A_1339 = vector.broadcast %squeeze3A_1314 : f32 to vector<16xf32>
        %mul3A_1340 = arith.mulf %get3A_1338, %mul3A_1339 : vector<16xf32>
        %swap3A_1341 = arith.index_cast %add3A_1312 : i32 to index
        %swap3A_1342 = arith.constant 16 : index
        %swap3A_1343 = tpu.vector_load %arg12[%swap3A_1341, %swap3A_1342] {strides = array<i32>} : memref<128x128xf32, #tpu.memory_space<vmem>>, vector<1x16xf32>,
        %swap3A_1344 = vector.shape_cast %swap3A_1343 : vector<1x16xf32> to vector<16xf32>
        %swap3A_1345 = vector.shape_cast %mul3A_1340 : vector<16xf32> to vector<1x16xf32>
        tpu.vector_store %arg12[%swap3A_1341, %swap3A_1342], %swap3A_1345 {strides = array<i32>} : memref<128x128xf32, #tpu.memory_space<vmem>>, vector<1x16xf32>,
        %get3A_1346 = arith.index_cast %add3A_1312 : i32 to index
        %get3A_1347 = arith.constant 32 : index
        %get3A_1348 = tpu.vector_load %arg12[%get3A_1346, %get3A_1347] {strides = array<i32>} : memref<128x128xf32, #tpu.memory_space<vmem>>, vector<1x16xf32>,
        %get3A_1349 = vector.shape_cast %get3A_1348 : vector<1x16xf32> to vector<16xf32>
        %mul3A_1350 = vector.broadcast %squeeze3A_1314 : f32 to vector<16xf32>
        %mul3A_1351 = arith.mulf %get3A_1349, %mul3A_1350 : vector<16xf32>
        %swap3A_1352 = arith.index_cast %add3A_1312 : i32 to index
        %swap3A_1353 = arith.constant 32 : index
        %swap3A_1354 = tpu.vector_load %arg12[%swap3A_1352, %swap3A_1353] {strides = array<i32>} : memref<128x128xf32, #tpu.memory_space<vmem>>, vector<1x16xf32>,
        %swap3A_1355 = vector.shape_cast %swap3A_1354 : vector<1x16xf32> to vector<16xf32>
        %swap3A_1356 = vector.shape_cast %mul3A_1351 : vector<16xf32> to vector<1x16xf32>
        tpu.vector_store %arg12[%swap3A_1352, %swap3A_1353], %swap3A_1356 {strides = array<i32>} : memref<128x128xf32, #tpu.memory_space<vmem>>, vector<1x16xf32>,
        %get3A_1357 = arith.index_cast %add3A_1312 : i32 to index
        %get3A_1358 = arith.constant 48 : index
        %get3A_1359 = tpu.vector_load %arg12[%get3A_1357, %get3A_1358] {strides = array<i32>} : memref<128x128xf32, #tpu.memory_space<vmem>>, vector<1x16xf32>,
        %get3A_1360 = vector.shape_cast %get3A_1359 : vector<1x16xf32> to vector<16xf32>
        %mul3A_1361 = vector.broadcast %squeeze3A_1314 : f32 to vector<16xf32>
        %mul3A_1362 = arith.mulf %get3A_1360, %mul3A_1361 : vector<16xf32>
        %swap3A_1363 = arith.index_cast %add3A_1312 : i32 to index
        %swap3A_1364 = arith.constant 48 : index
        %swap3A_1365 = tpu.vector_load %arg12[%swap3A_1363, %swap3A_1364] {strides = array<i32>} : memref<128x128xf32, #tpu.memory_space<vmem>>, vector<1x16xf32>,
        %swap3A_1366 = vector.shape_cast %swap3A_1365 : vector<1x16xf32> to vector<16xf32>
        %swap3A_1367 = vector.shape_cast %mul3A_1362 : vector<16xf32> to vector<1x16xf32>
        tpu.vector_store %arg12[%swap3A_1363, %swap3A_1364], %swap3A_1367 {strides = array<i32>} : memref<128x128xf32, #tpu.memory_space<vmem>>, vector<1x16xf32>,
        %get3A_1368 = arith.index_cast %add3A_1312 : i32 to index
        %get3A_1369 = arith.constant 64 : index
        %get3A_1370 = tpu.vector_load %arg12[%get3A_1368, %get3A_1369] {strides = array<i32>} : memref<128x128xf32, #tpu.memory_space<vmem>>, vector<1x16xf32>,
        %get3A_1371 = vector.shape_cast %get3A_1370 : vector<1x16xf32> to vector<16xf32>
        %mul3A_1372 = vector.broadcast %squeeze3A_1314 : f32 to vector<16xf32>
        %mul3A_1373 = arith.mulf %get3A_1371, %mul3A_1372 : vector<16xf32>
        %swap3A_1374 = arith.index_cast %add3A_1312 : i32 to index
        %swap3A_1375 = arith.constant 64 : index
        %swap3A_1376 = tpu.vector_load %arg12[%swap3A_1374, %swap3A_1375] {strides = array<i32>} : memref<128x128xf32, #tpu.memory_space<vmem>>, vector<1x16xf32>,
        %swap3A_1377 = vector.shape_cast %swap3A_1376 : vector<1x16xf32> to vector<16xf32>
        %swap3A_1378 = vector.shape_cast %mul3A_1373 : vector<16xf32> to vector<1x16xf32>
        tpu.vector_store %arg12[%swap3A_1374, %swap3A_1375], %swap3A_1378 {strides = array<i32>} : memref<128x128xf32, #tpu.memory_space<vmem>>, vector<1x16xf32>,
        %get3A_1379 = arith.index_cast %add3A_1312 : i32 to index
        %get3A_1380 = arith.constant 80 : index
        %get3A_1381 = tpu.vector_load %arg12[%get3A_1379, %get3A_1380] {strides = array<i32>} : memref<128x128xf32, #tpu.memory_space<vmem>>, vector<1x16xf32>,
        %get3A_1382 = vector.shape_cast %get3A_1381 : vector<1x16xf32> to vector<16xf32>
        %mul3A_1383 = vector.broadcast %squeeze3A_1314 : f32 to vector<16xf32>
        %mul3A_1384 = arith.mulf %get3A_1382, %mul3A_1383 : vector<16xf32>
        %swap3A_1385 = arith.index_cast %add3A_1312 : i32 to index
        %swap3A_1386 = arith.constant 80 : index
        %swap3A_1387 = tpu.vector_load %arg12[%swap3A_1385, %swap3A_1386] {strides = array<i32>} : memref<128x128xf32, #tpu.memory_space<vmem>>, vector<1x16xf32>,
        %swap3A_1388 = vector.shape_cast %swap3A_1387 : vector<1x16xf32> to vector<16xf32>
        %swap3A_1389 = vector.shape_cast %mul3A_1384 : vector<16xf32> to vector<1x16xf32>
        tpu.vector_store %arg12[%swap3A_1385, %swap3A_1386], %swap3A_1389 {strides = array<i32>} : memref<128x128xf32, #tpu.memory_space<vmem>>, vector<1x16xf32>,
        %get3A_1390 = arith.index_cast %add3A_1312 : i32 to index
        %get3A_1391 = arith.constant 96 : index
        %get3A_1392 = tpu.vector_load %arg12[%get3A_1390, %get3A_1391] {strides = array<i32>} : memref<128x128xf32, #tpu.memory_space<vmem>>, vector<1x16xf32>,
        %get3A_1393 = vector.shape_cast %get3A_1392 : vector<1x16xf32> to vector<16xf32>
        %mul3A_1394 = vector.broadcast %squeeze3A_1314 : f32 to vector<16xf32>
        %mul3A_1395 = arith.mulf %get3A_1393, %mul3A_1394 : vector<16xf32>
        %swap3A_1396 = arith.index_cast %add3A_1312 : i32 to index
        %swap3A_1397 = arith.constant 96 : index
        %swap3A_1398 = tpu.vector_load %arg12[%swap3A_1396, %swap3A_1397] {strides = array<i32>} : memref<128x128xf32, #tpu.memory_space<vmem>>, vector<1x16xf32>,
        %swap3A_1399 = vector.shape_cast %swap3A_1398 : vector<1x16xf32> to vector<16xf32>
        %swap3A_1400 = vector.shape_cast %mul3A_1395 : vector<16xf32> to vector<1x16xf32>
        tpu.vector_store %arg12[%swap3A_1396, %swap3A_1397], %swap3A_1400 {strides = array<i32>} : memref<128x128xf32, #tpu.memory_space<vmem>>, vector<1x16xf32>,
        %get3A_1401 = arith.index_cast %add3A_1312 : i32 to index
        %get3A_1402 = arith.constant 112 : index
        %get3A_1403 = tpu.vector_load %arg12[%get3A_1401, %get3A_1402] {strides = array<i32>} : memref<128x128xf32, #tpu.memory_space<vmem>>, vector<1x16xf32>,
        %get3A_1404 = vector.shape_cast %get3A_1403 : vector<1x16xf32> to vector<16xf32>
        %mul3A_1405 = vector.broadcast %squeeze3A_1314 : f32 to vector<16xf32>
        %mul3A_1406 = arith.mulf %get3A_1404, %mul3A_1405 : vector<16xf32>
        %swap3A_1407 = arith.index_cast %add3A_1312 : i32 to index
        %swap3A_1408 = arith.constant 112 : index
        %swap3A_1409 = tpu.vector_load %arg12[%swap3A_1407, %swap3A_1408] {strides = array<i32>} : memref<128x128xf32, #tpu.memory_space<vmem>>, vector<1x16xf32>,
        %swap3A_1410 = vector.shape_cast %swap3A_1409 : vector<1x16xf32> to vector<16xf32>
        %swap3A_1411 = vector.shape_cast %mul3A_1406 : vector<16xf32> to vector<1x16xf32>
        tpu.vector_store %arg12[%swap3A_1407, %swap3A_1408], %swap3A_1411 {strides = array<i32>} : memref<128x128xf32, #tpu.memory_space<vmem>>, vector<1x16xf32>,
        %mul3A_1412 = arith.constant 16 : i32
        %mul3A_1413 = arith.muli %scan3A_54, %mul3A_1412 : i32
        %add3A_1414 = arith.constant 13 : i32
        %add3A_1415 = arith.addi %mul3A_1413, %add3A_1414 : i32
        %slice3A_1416 = vector.extract_strided_slice %mul3A_75 {offsets = [13], sizes = [1], strides = [1]} : vector<16xf32> to vector<1xf32>
        %squeeze3A_1417 = vector.extract %slice3A_1416[0] : f32 from vector<1xf32>
        %slice3A_1418 = vector.extract_strided_slice %select_n3A_73 {offsets = [13], sizes = [1], strides = [1]} : vector<16xf32> to vector<1xf32>
        %squeeze3A_1419 = vector.extract %slice3A_1418[0] : f32 from vector<1xf32>
        %mul3A_1420 = vector.broadcast %squeeze3A_1419 : f32 to vector<16xf32>
        %mul3A_1421 = arith.mulf %select_n3A, %mul3A_1420 : vector<16xf32>
        %swap3A_1422 = arith.index_cast %add3A_1415 : i32 to index
        %swap3A_1423 = arith.constant 0 : index
        %swap3A_1424 = tpu.vector_load %arg13[%swap3A_1422, %swap3A_1423] {strides = array<i32>} : memref<128x16xf32, #tpu.memory_space<vmem>>, vector<1x16xf32>,
        %swap3A_1425 = vector.shape_cast %swap3A_1424 : vector<1x16xf32> to vector<16xf32>
        %swap3A_1426 = vector.shape_cast %mul3A_1421 : vector<16xf32> to vector<1x16xf32>
        tpu.vector_store %arg13[%swap3A_1422, %swap3A_1423], %swap3A_1426 {strides = array<i32>} : memref<128x16xf32, #tpu.memory_space<vmem>>, vector<1x16xf32>,
        %get3A_1427 = arith.index_cast %add3A_1415 : i32 to index
        %get3A_1428 = arith.constant 0 : index
        %get3A_1429 = tpu.vector_load %arg12[%get3A_1427, %get3A_1428] {strides = array<i32>} : memref<128x128xf32, #tpu.memory_space<vmem>>, vector<1x16xf32>,
        %get3A_1430 = vector.shape_cast %get3A_1429 : vector<1x16xf32> to vector<16xf32>
        %mul3A_1431 = vector.broadcast %squeeze3A_1417 : f32 to vector<16xf32>
        %mul3A_1432 = arith.mulf %get3A_1430, %mul3A_1431 : vector<16xf32>
        %swap3A_1433 = arith.index_cast %add3A_1415 : i32 to index
        %swap3A_1434 = arith.constant 0 : index
        %swap3A_1435 = tpu.vector_load %arg12[%swap3A_1433, %swap3A_1434] {strides = array<i32>} : memref<128x128xf32, #tpu.memory_space<vmem>>, vector<1x16xf32>,
        %swap3A_1436 = vector.shape_cast %swap3A_1435 : vector<1x16xf32> to vector<16xf32>
        %swap3A_1437 = vector.shape_cast %mul3A_1432 : vector<16xf32> to vector<1x16xf32>
        tpu.vector_store %arg12[%swap3A_1433, %swap3A_1434], %swap3A_1437 {strides = array<i32>} : memref<128x128xf32, #tpu.memory_space<vmem>>, vector<1x16xf32>,
        %get3A_1438 = arith.index_cast %add3A_1415 : i32 to index
        %get3A_1439 = arith.constant 16 : index
        %get3A_1440 = tpu.vector_load %arg12[%get3A_1438, %get3A_1439] {strides = array<i32>} : memref<128x128xf32, #tpu.memory_space<vmem>>, vector<1x16xf32>,
        %get3A_1441 = vector.shape_cast %get3A_1440 : vector<1x16xf32> to vector<16xf32>
        %mul3A_1442 = vector.broadcast %squeeze3A_1417 : f32 to vector<16xf32>
        %mul3A_1443 = arith.mulf %get3A_1441, %mul3A_1442 : vector<16xf32>
        %swap3A_1444 = arith.index_cast %add3A_1415 : i32 to index
        %swap3A_1445 = arith.constant 16 : index
        %swap3A_1446 = tpu.vector_load %arg12[%swap3A_1444, %swap3A_1445] {strides = array<i32>} : memref<128x128xf32, #tpu.memory_space<vmem>>, vector<1x16xf32>,
        %swap3A_1447 = vector.shape_cast %swap3A_1446 : vector<1x16xf32> to vector<16xf32>
        %swap3A_1448 = vector.shape_cast %mul3A_1443 : vector<16xf32> to vector<1x16xf32>
        tpu.vector_store %arg12[%swap3A_1444, %swap3A_1445], %swap3A_1448 {strides = array<i32>} : memref<128x128xf32, #tpu.memory_space<vmem>>, vector<1x16xf32>,
        %get3A_1449 = arith.index_cast %add3A_1415 : i32 to index
        %get3A_1450 = arith.constant 32 : index
        %get3A_1451 = tpu.vector_load %arg12[%get3A_1449, %get3A_1450] {strides = array<i32>} : memref<128x128xf32, #tpu.memory_space<vmem>>, vector<1x16xf32>,
        %get3A_1452 = vector.shape_cast %get3A_1451 : vector<1x16xf32> to vector<16xf32>
        %mul3A_1453 = vector.broadcast %squeeze3A_1417 : f32 to vector<16xf32>
        %mul3A_1454 = arith.mulf %get3A_1452, %mul3A_1453 : vector<16xf32>
        %swap3A_1455 = arith.index_cast %add3A_1415 : i32 to index
        %swap3A_1456 = arith.constant 32 : index
        %swap3A_1457 = tpu.vector_load %arg12[%swap3A_1455, %swap3A_1456] {strides = array<i32>} : memref<128x128xf32, #tpu.memory_space<vmem>>, vector<1x16xf32>,
        %swap3A_1458 = vector.shape_cast %swap3A_1457 : vector<1x16xf32> to vector<16xf32>
        %swap3A_1459 = vector.shape_cast %mul3A_1454 : vector<16xf32> to vector<1x16xf32>
        tpu.vector_store %arg12[%swap3A_1455, %swap3A_1456], %swap3A_1459 {strides = array<i32>} : memref<128x128xf32, #tpu.memory_space<vmem>>, vector<1x16xf32>,
        %get3A_1460 = arith.index_cast %add3A_1415 : i32 to index
        %get3A_1461 = arith.constant 48 : index
        %get3A_1462 = tpu.vector_load %arg12[%get3A_1460, %get3A_1461] {strides = array<i32>} : memref<128x128xf32, #tpu.memory_space<vmem>>, vector<1x16xf32>,
        %get3A_1463 = vector.shape_cast %get3A_1462 : vector<1x16xf32> to vector<16xf32>
        %mul3A_1464 = vector.broadcast %squeeze3A_1417 : f32 to vector<16xf32>
        %mul3A_1465 = arith.mulf %get3A_1463, %mul3A_1464 : vector<16xf32>
        %swap3A_1466 = arith.index_cast %add3A_1415 : i32 to index
        %swap3A_1467 = arith.constant 48 : index
        %swap3A_1468 = tpu.vector_load %arg12[%swap3A_1466, %swap3A_1467] {strides = array<i32>} : memref<128x128xf32, #tpu.memory_space<vmem>>, vector<1x16xf32>,
        %swap3A_1469 = vector.shape_cast %swap3A_1468 : vector<1x16xf32> to vector<16xf32>
        %swap3A_1470 = vector.shape_cast %mul3A_1465 : vector<16xf32> to vector<1x16xf32>
        tpu.vector_store %arg12[%swap3A_1466, %swap3A_1467], %swap3A_1470 {strides = array<i32>} : memref<128x128xf32, #tpu.memory_space<vmem>>, vector<1x16xf32>,
        %get3A_1471 = arith.index_cast %add3A_1415 : i32 to index
        %get3A_1472 = arith.constant 64 : index
        %get3A_1473 = tpu.vector_load %arg12[%get3A_1471, %get3A_1472] {strides = array<i32>} : memref<128x128xf32, #tpu.memory_space<vmem>>, vector<1x16xf32>,
        %get3A_1474 = vector.shape_cast %get3A_1473 : vector<1x16xf32> to vector<16xf32>
        %mul3A_1475 = vector.broadcast %squeeze3A_1417 : f32 to vector<16xf32>
        %mul3A_1476 = arith.mulf %get3A_1474, %mul3A_1475 : vector<16xf32>
        %swap3A_1477 = arith.index_cast %add3A_1415 : i32 to index
        %swap3A_1478 = arith.constant 64 : index
        %swap3A_1479 = tpu.vector_load %arg12[%swap3A_1477, %swap3A_1478] {strides = array<i32>} : memref<128x128xf32, #tpu.memory_space<vmem>>, vector<1x16xf32>,
        %swap3A_1480 = vector.shape_cast %swap3A_1479 : vector<1x16xf32> to vector<16xf32>
        %swap3A_1481 = vector.shape_cast %mul3A_1476 : vector<16xf32> to vector<1x16xf32>
        tpu.vector_store %arg12[%swap3A_1477, %swap3A_1478], %swap3A_1481 {strides = array<i32>} : memref<128x128xf32, #tpu.memory_space<vmem>>, vector<1x16xf32>,
        %get3A_1482 = arith.index_cast %add3A_1415 : i32 to index
        %get3A_1483 = arith.constant 80 : index
        %get3A_1484 = tpu.vector_load %arg12[%get3A_1482, %get3A_1483] {strides = array<i32>} : memref<128x128xf32, #tpu.memory_space<vmem>>, vector<1x16xf32>,
        %get3A_1485 = vector.shape_cast %get3A_1484 : vector<1x16xf32> to vector<16xf32>
        %mul3A_1486 = vector.broadcast %squeeze3A_1417 : f32 to vector<16xf32>
        %mul3A_1487 = arith.mulf %get3A_1485, %mul3A_1486 : vector<16xf32>
        %swap3A_1488 = arith.index_cast %add3A_1415 : i32 to index
        %swap3A_1489 = arith.constant 80 : index
        %swap3A_1490 = tpu.vector_load %arg12[%swap3A_1488, %swap3A_1489] {strides = array<i32>} : memref<128x128xf32, #tpu.memory_space<vmem>>, vector<1x16xf32>,
        %swap3A_1491 = vector.shape_cast %swap3A_1490 : vector<1x16xf32> to vector<16xf32>
        %swap3A_1492 = vector.shape_cast %mul3A_1487 : vector<16xf32> to vector<1x16xf32>
        tpu.vector_store %arg12[%swap3A_1488, %swap3A_1489], %swap3A_1492 {strides = array<i32>} : memref<128x128xf32, #tpu.memory_space<vmem>>, vector<1x16xf32>,
        %get3A_1493 = arith.index_cast %add3A_1415 : i32 to index
        %get3A_1494 = arith.constant 96 : index
        %get3A_1495 = tpu.vector_load %arg12[%get3A_1493, %get3A_1494] {strides = array<i32>} : memref<128x128xf32, #tpu.memory_space<vmem>>, vector<1x16xf32>,
        %get3A_1496 = vector.shape_cast %get3A_1495 : vector<1x16xf32> to vector<16xf32>
        %mul3A_1497 = vector.broadcast %squeeze3A_1417 : f32 to vector<16xf32>
        %mul3A_1498 = arith.mulf %get3A_1496, %mul3A_1497 : vector<16xf32>
        %swap3A_1499 = arith.index_cast %add3A_1415 : i32 to index
        %swap3A_1500 = arith.constant 96 : index
        %swap3A_1501 = tpu.vector_load %arg12[%swap3A_1499, %swap3A_1500] {strides = array<i32>} : memref<128x128xf32, #tpu.memory_space<vmem>>, vector<1x16xf32>,
        %swap3A_1502 = vector.shape_cast %swap3A_1501 : vector<1x16xf32> to vector<16xf32>
        %swap3A_1503 = vector.shape_cast %mul3A_1498 : vector<16xf32> to vector<1x16xf32>
        tpu.vector_store %arg12[%swap3A_1499, %swap3A_1500], %swap3A_1503 {strides = array<i32>} : memref<128x128xf32, #tpu.memory_space<vmem>>, vector<1x16xf32>,
        %get3A_1504 = arith.index_cast %add3A_1415 : i32 to index
        %get3A_1505 = arith.constant 112 : index
        %get3A_1506 = tpu.vector_load %arg12[%get3A_1504, %get3A_1505] {strides = array<i32>} : memref<128x128xf32, #tpu.memory_space<vmem>>, vector<1x16xf32>,
        %get3A_1507 = vector.shape_cast %get3A_1506 : vector<1x16xf32> to vector<16xf32>
        %mul3A_1508 = vector.broadcast %squeeze3A_1417 : f32 to vector<16xf32>
        %mul3A_1509 = arith.mulf %get3A_1507, %mul3A_1508 : vector<16xf32>
        %swap3A_1510 = arith.index_cast %add3A_1415 : i32 to index
        %swap3A_1511 = arith.constant 112 : index
        %swap3A_1512 = tpu.vector_load %arg12[%swap3A_1510, %swap3A_1511] {strides = array<i32>} : memref<128x128xf32, #tpu.memory_space<vmem>>, vector<1x16xf32>,
        %swap3A_1513 = vector.shape_cast %swap3A_1512 : vector<1x16xf32> to vector<16xf32>
        %swap3A_1514 = vector.shape_cast %mul3A_1509 : vector<16xf32> to vector<1x16xf32>
        tpu.vector_store %arg12[%swap3A_1510, %swap3A_1511], %swap3A_1514 {strides = array<i32>} : memref<128x128xf32, #tpu.memory_space<vmem>>, vector<1x16xf32>,
        %mul3A_1515 = arith.constant 16 : i32
        %mul3A_1516 = arith.muli %scan3A_54, %mul3A_1515 : i32
        %add3A_1517 = arith.constant 14 : i32
        %add3A_1518 = arith.addi %mul3A_1516, %add3A_1517 : i32
        %slice3A_1519 = vector.extract_strided_slice %mul3A_75 {offsets = [14], sizes = [1], strides = [1]} : vector<16xf32> to vector<1xf32>
        %squeeze3A_1520 = vector.extract %slice3A_1519[0] : f32 from vector<1xf32>
        %slice3A_1521 = vector.extract_strided_slice %select_n3A_73 {offsets = [14], sizes = [1], strides = [1]} : vector<16xf32> to vector<1xf32>
        %squeeze3A_1522 = vector.extract %slice3A_1521[0] : f32 from vector<1xf32>
        %mul3A_1523 = vector.broadcast %squeeze3A_1522 : f32 to vector<16xf32>
        %mul3A_1524 = arith.mulf %select_n3A, %mul3A_1523 : vector<16xf32>
        %swap3A_1525 = arith.index_cast %add3A_1518 : i32 to index
        %swap3A_1526 = arith.constant 0 : index
        %swap3A_1527 = tpu.vector_load %arg13[%swap3A_1525, %swap3A_1526] {strides = array<i32>} : memref<128x16xf32, #tpu.memory_space<vmem>>, vector<1x16xf32>,
        %swap3A_1528 = vector.shape_cast %swap3A_1527 : vector<1x16xf32> to vector<16xf32>
        %swap3A_1529 = vector.shape_cast %mul3A_1524 : vector<16xf32> to vector<1x16xf32>
        tpu.vector_store %arg13[%swap3A_1525, %swap3A_1526], %swap3A_1529 {strides = array<i32>} : memref<128x16xf32, #tpu.memory_space<vmem>>, vector<1x16xf32>,
        %get3A_1530 = arith.index_cast %add3A_1518 : i32 to index
        %get3A_1531 = arith.constant 0 : index
        %get3A_1532 = tpu.vector_load %arg12[%get3A_1530, %get3A_1531] {strides = array<i32>} : memref<128x128xf32, #tpu.memory_space<vmem>>, vector<1x16xf32>,
        %get3A_1533 = vector.shape_cast %get3A_1532 : vector<1x16xf32> to vector<16xf32>
        %mul3A_1534 = vector.broadcast %squeeze3A_1520 : f32 to vector<16xf32>
        %mul3A_1535 = arith.mulf %get3A_1533, %mul3A_1534 : vector<16xf32>
        %swap3A_1536 = arith.index_cast %add3A_1518 : i32 to index
        %swap3A_1537 = arith.constant 0 : index
        %swap3A_1538 = tpu.vector_load %arg12[%swap3A_1536, %swap3A_1537] {strides = array<i32>} : memref<128x128xf32, #tpu.memory_space<vmem>>, vector<1x16xf32>,
        %swap3A_1539 = vector.shape_cast %swap3A_1538 : vector<1x16xf32> to vector<16xf32>
        %swap3A_1540 = vector.shape_cast %mul3A_1535 : vector<16xf32> to vector<1x16xf32>
        tpu.vector_store %arg12[%swap3A_1536, %swap3A_1537], %swap3A_1540 {strides = array<i32>} : memref<128x128xf32, #tpu.memory_space<vmem>>, vector<1x16xf32>,
        %get3A_1541 = arith.index_cast %add3A_1518 : i32 to index
        %get3A_1542 = arith.constant 16 : index
        %get3A_1543 = tpu.vector_load %arg12[%get3A_1541, %get3A_1542] {strides = array<i32>} : memref<128x128xf32, #tpu.memory_space<vmem>>, vector<1x16xf32>,
        %get3A_1544 = vector.shape_cast %get3A_1543 : vector<1x16xf32> to vector<16xf32>
        %mul3A_1545 = vector.broadcast %squeeze3A_1520 : f32 to vector<16xf32>
        %mul3A_1546 = arith.mulf %get3A_1544, %mul3A_1545 : vector<16xf32>
        %swap3A_1547 = arith.index_cast %add3A_1518 : i32 to index
        %swap3A_1548 = arith.constant 16 : index
        %swap3A_1549 = tpu.vector_load %arg12[%swap3A_1547, %swap3A_1548] {strides = array<i32>} : memref<128x128xf32, #tpu.memory_space<vmem>>, vector<1x16xf32>,
        %swap3A_1550 = vector.shape_cast %swap3A_1549 : vector<1x16xf32> to vector<16xf32>
        %swap3A_1551 = vector.shape_cast %mul3A_1546 : vector<16xf32> to vector<1x16xf32>
        tpu.vector_store %arg12[%swap3A_1547, %swap3A_1548], %swap3A_1551 {strides = array<i32>} : memref<128x128xf32, #tpu.memory_space<vmem>>, vector<1x16xf32>,
        %get3A_1552 = arith.index_cast %add3A_1518 : i32 to index
        %get3A_1553 = arith.constant 32 : index
        %get3A_1554 = tpu.vector_load %arg12[%get3A_1552, %get3A_1553] {strides = array<i32>} : memref<128x128xf32, #tpu.memory_space<vmem>>, vector<1x16xf32>,
        %get3A_1555 = vector.shape_cast %get3A_1554 : vector<1x16xf32> to vector<16xf32>
        %mul3A_1556 = vector.broadcast %squeeze3A_1520 : f32 to vector<16xf32>
        %mul3A_1557 = arith.mulf %get3A_1555, %mul3A_1556 : vector<16xf32>
        %swap3A_1558 = arith.index_cast %add3A_1518 : i32 to index
        %swap3A_1559 = arith.constant 32 : index
        %swap3A_1560 = tpu.vector_load %arg12[%swap3A_1558, %swap3A_1559] {strides = array<i32>} : memref<128x128xf32, #tpu.memory_space<vmem>>, vector<1x16xf32>,
        %swap3A_1561 = vector.shape_cast %swap3A_1560 : vector<1x16xf32> to vector<16xf32>
        %swap3A_1562 = vector.shape_cast %mul3A_1557 : vector<16xf32> to vector<1x16xf32>
        tpu.vector_store %arg12[%swap3A_1558, %swap3A_1559], %swap3A_1562 {strides = array<i32>} : memref<128x128xf32, #tpu.memory_space<vmem>>, vector<1x16xf32>,
        %get3A_1563 = arith.index_cast %add3A_1518 : i32 to index
        %get3A_1564 = arith.constant 48 : index
        %get3A_1565 = tpu.vector_load %arg12[%get3A_1563, %get3A_1564] {strides = array<i32>} : memref<128x128xf32, #tpu.memory_space<vmem>>, vector<1x16xf32>,
        %get3A_1566 = vector.shape_cast %get3A_1565 : vector<1x16xf32> to vector<16xf32>
        %mul3A_1567 = vector.broadcast %squeeze3A_1520 : f32 to vector<16xf32>
        %mul3A_1568 = arith.mulf %get3A_1566, %mul3A_1567 : vector<16xf32>
        %swap3A_1569 = arith.index_cast %add3A_1518 : i32 to index
        %swap3A_1570 = arith.constant 48 : index
        %swap3A_1571 = tpu.vector_load %arg12[%swap3A_1569, %swap3A_1570] {strides = array<i32>} : memref<128x128xf32, #tpu.memory_space<vmem>>, vector<1x16xf32>,
        %swap3A_1572 = vector.shape_cast %swap3A_1571 : vector<1x16xf32> to vector<16xf32>
        %swap3A_1573 = vector.shape_cast %mul3A_1568 : vector<16xf32> to vector<1x16xf32>
        tpu.vector_store %arg12[%swap3A_1569, %swap3A_1570], %swap3A_1573 {strides = array<i32>} : memref<128x128xf32, #tpu.memory_space<vmem>>, vector<1x16xf32>,
        %get3A_1574 = arith.index_cast %add3A_1518 : i32 to index
        %get3A_1575 = arith.constant 64 : index
        %get3A_1576 = tpu.vector_load %arg12[%get3A_1574, %get3A_1575] {strides = array<i32>} : memref<128x128xf32, #tpu.memory_space<vmem>>, vector<1x16xf32>,
        %get3A_1577 = vector.shape_cast %get3A_1576 : vector<1x16xf32> to vector<16xf32>
        %mul3A_1578 = vector.broadcast %squeeze3A_1520 : f32 to vector<16xf32>
        %mul3A_1579 = arith.mulf %get3A_1577, %mul3A_1578 : vector<16xf32>
        %swap3A_1580 = arith.index_cast %add3A_1518 : i32 to index
        %swap3A_1581 = arith.constant 64 : index
        %swap3A_1582 = tpu.vector_load %arg12[%swap3A_1580, %swap3A_1581] {strides = array<i32>} : memref<128x128xf32, #tpu.memory_space<vmem>>, vector<1x16xf32>,
        %swap3A_1583 = vector.shape_cast %swap3A_1582 : vector<1x16xf32> to vector<16xf32>
        %swap3A_1584 = vector.shape_cast %mul3A_1579 : vector<16xf32> to vector<1x16xf32>
        tpu.vector_store %arg12[%swap3A_1580, %swap3A_1581], %swap3A_1584 {strides = array<i32>} : memref<128x128xf32, #tpu.memory_space<vmem>>, vector<1x16xf32>,
        %get3A_1585 = arith.index_cast %add3A_1518 : i32 to index
        %get3A_1586 = arith.constant 80 : index
        %get3A_1587 = tpu.vector_load %arg12[%get3A_1585, %get3A_1586] {strides = array<i32>} : memref<128x128xf32, #tpu.memory_space<vmem>>, vector<1x16xf32>,
        %get3A_1588 = vector.shape_cast %get3A_1587 : vector<1x16xf32> to vector<16xf32>
        %mul3A_1589 = vector.broadcast %squeeze3A_1520 : f32 to vector<16xf32>
        %mul3A_1590 = arith.mulf %get3A_1588, %mul3A_1589 : vector<16xf32>
        %swap3A_1591 = arith.index_cast %add3A_1518 : i32 to index
        %swap3A_1592 = arith.constant 80 : index
        %swap3A_1593 = tpu.vector_load %arg12[%swap3A_1591, %swap3A_1592] {strides = array<i32>} : memref<128x128xf32, #tpu.memory_space<vmem>>, vector<1x16xf32>,
        %swap3A_1594 = vector.shape_cast %swap3A_1593 : vector<1x16xf32> to vector<16xf32>
        %swap3A_1595 = vector.shape_cast %mul3A_1590 : vector<16xf32> to vector<1x16xf32>
        tpu.vector_store %arg12[%swap3A_1591, %swap3A_1592], %swap3A_1595 {strides = array<i32>} : memref<128x128xf32, #tpu.memory_space<vmem>>, vector<1x16xf32>,
        %get3A_1596 = arith.index_cast %add3A_1518 : i32 to index
        %get3A_1597 = arith.constant 96 : index
        %get3A_1598 = tpu.vector_load %arg12[%get3A_1596, %get3A_1597] {strides = array<i32>} : memref<128x128xf32, #tpu.memory_space<vmem>>, vector<1x16xf32>,
        %get3A_1599 = vector.shape_cast %get3A_1598 : vector<1x16xf32> to vector<16xf32>
        %mul3A_1600 = vector.broadcast %squeeze3A_1520 : f32 to vector<16xf32>
        %mul3A_1601 = arith.mulf %get3A_1599, %mul3A_1600 : vector<16xf32>
        %swap3A_1602 = arith.index_cast %add3A_1518 : i32 to index
        %swap3A_1603 = arith.constant 96 : index
        %swap3A_1604 = tpu.vector_load %arg12[%swap3A_1602, %swap3A_1603] {strides = array<i32>} : memref<128x128xf32, #tpu.memory_space<vmem>>, vector<1x16xf32>,
        %swap3A_1605 = vector.shape_cast %swap3A_1604 : vector<1x16xf32> to vector<16xf32>
        %swap3A_1606 = vector.shape_cast %mul3A_1601 : vector<16xf32> to vector<1x16xf32>
        tpu.vector_store %arg12[%swap3A_1602, %swap3A_1603], %swap3A_1606 {strides = array<i32>} : memref<128x128xf32, #tpu.memory_space<vmem>>, vector<1x16xf32>,
        %get3A_1607 = arith.index_cast %add3A_1518 : i32 to index
        %get3A_1608 = arith.constant 112 : index
        %get3A_1609 = tpu.vector_load %arg12[%get3A_1607, %get3A_1608] {strides = array<i32>} : memref<128x128xf32, #tpu.memory_space<vmem>>, vector<1x16xf32>,
        %get3A_1610 = vector.shape_cast %get3A_1609 : vector<1x16xf32> to vector<16xf32>
        %mul3A_1611 = vector.broadcast %squeeze3A_1520 : f32 to vector<16xf32>
        %mul3A_1612 = arith.mulf %get3A_1610, %mul3A_1611 : vector<16xf32>
        %swap3A_1613 = arith.index_cast %add3A_1518 : i32 to index
        %swap3A_1614 = arith.constant 112 : index
        %swap3A_1615 = tpu.vector_load %arg12[%swap3A_1613, %swap3A_1614] {strides = array<i32>} : memref<128x128xf32, #tpu.memory_space<vmem>>, vector<1x16xf32>,
        %swap3A_1616 = vector.shape_cast %swap3A_1615 : vector<1x16xf32> to vector<16xf32>
        %swap3A_1617 = vector.shape_cast %mul3A_1612 : vector<16xf32> to vector<1x16xf32>
        tpu.vector_store %arg12[%swap3A_1613, %swap3A_1614], %swap3A_1617 {strides = array<i32>} : memref<128x128xf32, #tpu.memory_space<vmem>>, vector<1x16xf32>,
        %mul3A_1618 = arith.constant 16 : i32
        %mul3A_1619 = arith.muli %scan3A_54, %mul3A_1618 : i32
        %add3A_1620 = arith.constant 15 : i32
        %add3A_1621 = arith.addi %mul3A_1619, %add3A_1620 : i32
        %slice3A_1622 = vector.extract_strided_slice %mul3A_75 {offsets = [15], sizes = [1], strides = [1]} : vector<16xf32> to vector<1xf32>
        %squeeze3A_1623 = vector.extract %slice3A_1622[0] : f32 from vector<1xf32>
        %slice3A_1624 = vector.extract_strided_slice %select_n3A_73 {offsets = [15], sizes = [1], strides = [1]} : vector<16xf32> to vector<1xf32>
        %squeeze3A_1625 = vector.extract %slice3A_1624[0] : f32 from vector<1xf32>
        %mul3A_1626 = vector.broadcast %squeeze3A_1625 : f32 to vector<16xf32>
        %mul3A_1627 = arith.mulf %select_n3A, %mul3A_1626 : vector<16xf32>
        %swap3A_1628 = arith.index_cast %add3A_1621 : i32 to index
        %swap3A_1629 = arith.constant 0 : index
        %swap3A_1630 = tpu.vector_load %arg13[%swap3A_1628, %swap3A_1629] {strides = array<i32>} : memref<128x16xf32, #tpu.memory_space<vmem>>, vector<1x16xf32>,
        %swap3A_1631 = vector.shape_cast %swap3A_1630 : vector<1x16xf32> to vector<16xf32>
        %swap3A_1632 = vector.shape_cast %mul3A_1627 : vector<16xf32> to vector<1x16xf32>
        tpu.vector_store %arg13[%swap3A_1628, %swap3A_1629], %swap3A_1632 {strides = array<i32>} : memref<128x16xf32, #tpu.memory_space<vmem>>, vector<1x16xf32>,
        %get3A_1633 = arith.index_cast %add3A_1621 : i32 to index
        %get3A_1634 = arith.constant 0 : index
        %get3A_1635 = tpu.vector_load %arg12[%get3A_1633, %get3A_1634] {strides = array<i32>} : memref<128x128xf32, #tpu.memory_space<vmem>>, vector<1x16xf32>,
        %get3A_1636 = vector.shape_cast %get3A_1635 : vector<1x16xf32> to vector<16xf32>
        %mul3A_1637 = vector.broadcast %squeeze3A_1623 : f32 to vector<16xf32>
        %mul3A_1638 = arith.mulf %get3A_1636, %mul3A_1637 : vector<16xf32>
        %swap3A_1639 = arith.index_cast %add3A_1621 : i32 to index
        %swap3A_1640 = arith.constant 0 : index
        %swap3A_1641 = tpu.vector_load %arg12[%swap3A_1639, %swap3A_1640] {strides = array<i32>} : memref<128x128xf32, #tpu.memory_space<vmem>>, vector<1x16xf32>,
        %swap3A_1642 = vector.shape_cast %swap3A_1641 : vector<1x16xf32> to vector<16xf32>
        %swap3A_1643 = vector.shape_cast %mul3A_1638 : vector<16xf32> to vector<1x16xf32>
        tpu.vector_store %arg12[%swap3A_1639, %swap3A_1640], %swap3A_1643 {strides = array<i32>} : memref<128x128xf32, #tpu.memory_space<vmem>>, vector<1x16xf32>,
        %get3A_1644 = arith.index_cast %add3A_1621 : i32 to index
        %get3A_1645 = arith.constant 16 : index
        %get3A_1646 = tpu.vector_load %arg12[%get3A_1644, %get3A_1645] {strides = array<i32>} : memref<128x128xf32, #tpu.memory_space<vmem>>, vector<1x16xf32>,
        %get3A_1647 = vector.shape_cast %get3A_1646 : vector<1x16xf32> to vector<16xf32>
        %mul3A_1648 = vector.broadcast %squeeze3A_1623 : f32 to vector<16xf32>
        %mul3A_1649 = arith.mulf %get3A_1647, %mul3A_1648 : vector<16xf32>
        %swap3A_1650 = arith.index_cast %add3A_1621 : i32 to index
        %swap3A_1651 = arith.constant 16 : index
        %swap3A_1652 = tpu.vector_load %arg12[%swap3A_1650, %swap3A_1651] {strides = array<i32>} : memref<128x128xf32, #tpu.memory_space<vmem>>, vector<1x16xf32>,
        %swap3A_1653 = vector.shape_cast %swap3A_1652 : vector<1x16xf32> to vector<16xf32>
        %swap3A_1654 = vector.shape_cast %mul3A_1649 : vector<16xf32> to vector<1x16xf32>
        tpu.vector_store %arg12[%swap3A_1650, %swap3A_1651], %swap3A_1654 {strides = array<i32>} : memref<128x128xf32, #tpu.memory_space<vmem>>, vector<1x16xf32>,
        %get3A_1655 = arith.index_cast %add3A_1621 : i32 to index
        %get3A_1656 = arith.constant 32 : index
        %get3A_1657 = tpu.vector_load %arg12[%get3A_1655, %get3A_1656] {strides = array<i32>} : memref<128x128xf32, #tpu.memory_space<vmem>>, vector<1x16xf32>,
        %get3A_1658 = vector.shape_cast %get3A_1657 : vector<1x16xf32> to vector<16xf32>
        %mul3A_1659 = vector.broadcast %squeeze3A_1623 : f32 to vector<16xf32>
        %mul3A_1660 = arith.mulf %get3A_1658, %mul3A_1659 : vector<16xf32>
        %swap3A_1661 = arith.index_cast %add3A_1621 : i32 to index
        %swap3A_1662 = arith.constant 32 : index
        %swap3A_1663 = tpu.vector_load %arg12[%swap3A_1661, %swap3A_1662] {strides = array<i32>} : memref<128x128xf32, #tpu.memory_space<vmem>>, vector<1x16xf32>,
        %swap3A_1664 = vector.shape_cast %swap3A_1663 : vector<1x16xf32> to vector<16xf32>
        %swap3A_1665 = vector.shape_cast %mul3A_1660 : vector<16xf32> to vector<1x16xf32>
        tpu.vector_store %arg12[%swap3A_1661, %swap3A_1662], %swap3A_1665 {strides = array<i32>} : memref<128x128xf32, #tpu.memory_space<vmem>>, vector<1x16xf32>,
        %get3A_1666 = arith.index_cast %add3A_1621 : i32 to index
        %get3A_1667 = arith.constant 48 : index
        %get3A_1668 = tpu.vector_load %arg12[%get3A_1666, %get3A_1667] {strides = array<i32>} : memref<128x128xf32, #tpu.memory_space<vmem>>, vector<1x16xf32>,
        %get3A_1669 = vector.shape_cast %get3A_1668 : vector<1x16xf32> to vector<16xf32>
        %mul3A_1670 = vector.broadcast %squeeze3A_1623 : f32 to vector<16xf32>
        %mul3A_1671 = arith.mulf %get3A_1669, %mul3A_1670 : vector<16xf32>
        %swap3A_1672 = arith.index_cast %add3A_1621 : i32 to index
        %swap3A_1673 = arith.constant 48 : index
        %swap3A_1674 = tpu.vector_load %arg12[%swap3A_1672, %swap3A_1673] {strides = array<i32>} : memref<128x128xf32, #tpu.memory_space<vmem>>, vector<1x16xf32>,
        %swap3A_1675 = vector.shape_cast %swap3A_1674 : vector<1x16xf32> to vector<16xf32>
        %swap3A_1676 = vector.shape_cast %mul3A_1671 : vector<16xf32> to vector<1x16xf32>
        tpu.vector_store %arg12[%swap3A_1672, %swap3A_1673], %swap3A_1676 {strides = array<i32>} : memref<128x128xf32, #tpu.memory_space<vmem>>, vector<1x16xf32>,
        %get3A_1677 = arith.index_cast %add3A_1621 : i32 to index
        %get3A_1678 = arith.constant 64 : index
        %get3A_1679 = tpu.vector_load %arg12[%get3A_1677, %get3A_1678] {strides = array<i32>} : memref<128x128xf32, #tpu.memory_space<vmem>>, vector<1x16xf32>,
        %get3A_1680 = vector.shape_cast %get3A_1679 : vector<1x16xf32> to vector<16xf32>
        %mul3A_1681 = vector.broadcast %squeeze3A_1623 : f32 to vector<16xf32>
        %mul3A_1682 = arith.mulf %get3A_1680, %mul3A_1681 : vector<16xf32>
        %swap3A_1683 = arith.index_cast %add3A_1621 : i32 to index
        %swap3A_1684 = arith.constant 64 : index
        %swap3A_1685 = tpu.vector_load %arg12[%swap3A_1683, %swap3A_1684] {strides = array<i32>} : memref<128x128xf32, #tpu.memory_space<vmem>>, vector<1x16xf32>,
        %swap3A_1686 = vector.shape_cast %swap3A_1685 : vector<1x16xf32> to vector<16xf32>
        %swap3A_1687 = vector.shape_cast %mul3A_1682 : vector<16xf32> to vector<1x16xf32>
        tpu.vector_store %arg12[%swap3A_1683, %swap3A_1684], %swap3A_1687 {strides = array<i32>} : memref<128x128xf32, #tpu.memory_space<vmem>>, vector<1x16xf32>,
        %get3A_1688 = arith.index_cast %add3A_1621 : i32 to index
        %get3A_1689 = arith.constant 80 : index
        %get3A_1690 = tpu.vector_load %arg12[%get3A_1688, %get3A_1689] {strides = array<i32>} : memref<128x128xf32, #tpu.memory_space<vmem>>, vector<1x16xf32>,
        %get3A_1691 = vector.shape_cast %get3A_1690 : vector<1x16xf32> to vector<16xf32>
        %mul3A_1692 = vector.broadcast %squeeze3A_1623 : f32 to vector<16xf32>
        %mul3A_1693 = arith.mulf %get3A_1691, %mul3A_1692 : vector<16xf32>
        %swap3A_1694 = arith.index_cast %add3A_1621 : i32 to index
        %swap3A_1695 = arith.constant 80 : index
        %swap3A_1696 = tpu.vector_load %arg12[%swap3A_1694, %swap3A_1695] {strides = array<i32>} : memref<128x128xf32, #tpu.memory_space<vmem>>, vector<1x16xf32>,
        %swap3A_1697 = vector.shape_cast %swap3A_1696 : vector<1x16xf32> to vector<16xf32>
        %swap3A_1698 = vector.shape_cast %mul3A_1693 : vector<16xf32> to vector<1x16xf32>
        tpu.vector_store %arg12[%swap3A_1694, %swap3A_1695], %swap3A_1698 {strides = array<i32>} : memref<128x128xf32, #tpu.memory_space<vmem>>, vector<1x16xf32>,
        %get3A_1699 = arith.index_cast %add3A_1621 : i32 to index
        %get3A_1700 = arith.constant 96 : index
        %get3A_1701 = tpu.vector_load %arg12[%get3A_1699, %get3A_1700] {strides = array<i32>} : memref<128x128xf32, #tpu.memory_space<vmem>>, vector<1x16xf32>,
        %get3A_1702 = vector.shape_cast %get3A_1701 : vector<1x16xf32> to vector<16xf32>
        %mul3A_1703 = vector.broadcast %squeeze3A_1623 : f32 to vector<16xf32>
        %mul3A_1704 = arith.mulf %get3A_1702, %mul3A_1703 : vector<16xf32>
        %swap3A_1705 = arith.index_cast %add3A_1621 : i32 to index
        %swap3A_1706 = arith.constant 96 : index
        %swap3A_1707 = tpu.vector_load %arg12[%swap3A_1705, %swap3A_1706] {strides = array<i32>} : memref<128x128xf32, #tpu.memory_space<vmem>>, vector<1x16xf32>,
        %swap3A_1708 = vector.shape_cast %swap3A_1707 : vector<1x16xf32> to vector<16xf32>
        %swap3A_1709 = vector.shape_cast %mul3A_1704 : vector<16xf32> to vector<1x16xf32>
        tpu.vector_store %arg12[%swap3A_1705, %swap3A_1706], %swap3A_1709 {strides = array<i32>} : memref<128x128xf32, #tpu.memory_space<vmem>>, vector<1x16xf32>,
        %get3A_1710 = arith.index_cast %add3A_1621 : i32 to index
        %get3A_1711 = arith.constant 112 : index
        %get3A_1712 = tpu.vector_load %arg12[%get3A_1710, %get3A_1711] {strides = array<i32>} : memref<128x128xf32, #tpu.memory_space<vmem>>, vector<1x16xf32>,
        %get3A_1713 = vector.shape_cast %get3A_1712 : vector<1x16xf32> to vector<16xf32>
        %mul3A_1714 = vector.broadcast %squeeze3A_1623 : f32 to vector<16xf32>
        %mul3A_1715 = arith.mulf %get3A_1713, %mul3A_1714 : vector<16xf32>
        %swap3A_1716 = arith.index_cast %add3A_1621 : i32 to index
        %swap3A_1717 = arith.constant 112 : index
        %swap3A_1718 = tpu.vector_load %arg12[%swap3A_1716, %swap3A_1717] {strides = array<i32>} : memref<128x128xf32, #tpu.memory_space<vmem>>, vector<1x16xf32>,
        %swap3A_1719 = vector.shape_cast %swap3A_1718 : vector<1x16xf32> to vector<16xf32>
        %swap3A_1720 = vector.shape_cast %mul3A_1715 : vector<16xf32> to vector<1x16xf32>
        tpu.vector_store %arg12[%swap3A_1716, %swap3A_1717], %swap3A_1720 {strides = array<i32>} : memref<128x128xf32, #tpu.memory_space<vmem>>, vector<1x16xf32>,
      }
      %scan3A_53 = arith.constant 8 : i32
      "tpu.region"() ({
        %run_scoped3A = tpu.sem_alloc : memref<!tpu.dma_semaphore, #tpu.memory_space<semaphore_mem>>
        %dma_start3A_54 = arith.constant 0 : i32
        %dma_start3A_55 = arith.constant 0 : i32
        %dma_start3A_56 = tpu.memref_slice %arg14[%dma_start3A_54, %dma_start3A_55] : memref<10240x128xf32, #tpu.memory_space<vmem_shared>> -> memref<10240x128xf32, #tpu.memory_space<vmem_shared>>
        tpu.enqueue_indirect_dma source(%arg12 : memref<128x128xf32, #tpu.memory_space<vmem>>) target(%dma_start3A_56 : memref<10240x128xf32, #tpu.memory_space<vmem_shared>>) offsets(%arg9 : memref<128xi32, #tpu.memory_space<vmem>>) semaphore(%run_scoped3A : memref<!tpu.dma_semaphore, #tpu.memory_space<semaphore_mem>>) {add = true}
        %dma_wait3A_57 = arith.constant 0 : i32
        %dma_wait3A_58 = arith.constant 0 : i32
        %dma_wait3A_59 = tpu.memref_slice %arg14[%dma_wait3A_57, %dma_wait3A_58] : memref<10240x128xf32, #tpu.memory_space<vmem_shared>> -> memref<10240x128xf32, #tpu.memory_space<vmem_shared>>
        tpu.wait_indirect_dma semaphore(%run_scoped3A : memref<!tpu.dma_semaphore, #tpu.memory_space<semaphore_mem>>) src(%arg12 : memref<128x128xf32, #tpu.memory_space<vmem>>) dst(%dma_wait3A_59 : memref<10240x128xf32, #tpu.memory_space<vmem_shared>>)
        tpu.yield
      }) : () -> ()
      "tpu.region"() ({
        %run_scoped3A = tpu.sem_alloc : memref<!tpu.dma_semaphore, #tpu.memory_space<semaphore_mem>>
        %dma_start3A_54 = arith.constant 0 : i32
        %dma_start3A_55 = arith.constant 0 : i32
        %dma_start3A_56 = tpu.memref_slice %arg15[%dma_start3A_54, %dma_start3A_55] : memref<10240x16xf32, #tpu.memory_space<vmem_shared>> -> memref<10240x16xf32, #tpu.memory_space<vmem_shared>>
        tpu.enqueue_indirect_dma source(%arg13 : memref<128x16xf32, #tpu.memory_space<vmem>>) target(%dma_start3A_56 : memref<10240x16xf32, #tpu.memory_space<vmem_shared>>) offsets(%arg9 : memref<128xi32, #tpu.memory_space<vmem>>) semaphore(%run_scoped3A : memref<!tpu.dma_semaphore, #tpu.memory_space<semaphore_mem>>) {add = true}
        %dma_wait3A_57 = arith.constant 0 : i32
        %dma_wait3A_58 = arith.constant 0 : i32
        %dma_wait3A_59 = tpu.memref_slice %arg15[%dma_wait3A_57, %dma_wait3A_58] : memref<10240x16xf32, #tpu.memory_space<vmem_shared>> -> memref<10240x16xf32, #tpu.memory_space<vmem_shared>>
        tpu.wait_indirect_dma semaphore(%run_scoped3A : memref<!tpu.dma_semaphore, #tpu.memory_space<semaphore_mem>>) src(%arg13 : memref<128x16xf32, #tpu.memory_space<vmem>>) dst(%dma_wait3A_59 : memref<10240x16xf32, #tpu.memory_space<vmem_shared>>)
        tpu.yield
      }) : () -> ()
    }
    %barrier3A_31 = arith.constant 0 : index
    tpu.barrier barrier_id(%barrier3A_31)
    %scan3A_32 = arith.constant 0 : i32
    %scan3A_33 = arith.constant 0 : i32
    %scan3A_34 = arith.constant 5 : i32
    %scan3A_35 = arith.addi %scan3A_33, %scan3A_34 : i32
    %scan3A_36 = arith.constant 1 : i32
    scf.for %scan3A_38 = %scan3A_33 to %scan3A_35 step %scan3A_36  : i32 {
      %mul3A_39 = arith.constant 640 : i32
      %mul3A_40 = arith.muli %arg1, %mul3A_39 : i32
      %mul3A_41 = arith.constant 128 : i32
      %mul3A_42 = arith.muli %scan3A_38, %mul3A_41 : i32
      %add3A_43 = arith.addi %mul3A_40, %mul3A_42 : i32
      %add3A_44 = arith.constant 0 : i32
      %add3A_45 = arith.addi %add3A_43, %add3A_44 : i32
      %add3A_46 = vector.broadcast %add3A_45 : i32 to vector<16xi32>
      %add3A_47 = arith.addi %add3A_46, %iota3A : vector<16xi32>
      %swap3A = arith.constant 0 : index
      %swap3A_48 = tpu.vector_load %arg11[%swap3A] {strides = array<i32>} : memref<128xi32, #tpu.memory_space<vmem>>, vector<16xi32>,
      %swap3A_49 = vector.shape_cast %swap3A_48 : vector<16xi32> to vector<16xi32>
      %swap3A_50 = vector.shape_cast %add3A_47 : vector<16xi32> to vector<16xi32>
      tpu.vector_store %arg11[%swap3A], %swap3A_50 {strides = array<i32>} : memref<128xi32, #tpu.memory_space<vmem>>, vector<16xi32>,
      %add3A_51 = arith.constant 16 : i32
      %add3A_52 = arith.addi %add3A_43, %add3A_51 : i32
      %add3A_53 = vector.broadcast %add3A_52 : i32 to vector<16xi32>
      %add3A_54 = arith.addi %add3A_53, %iota3A : vector<16xi32>
      %swap3A_55 = arith.constant 16 : index
      %swap3A_56 = tpu.vector_load %arg11[%swap3A_55] {strides = array<i32>} : memref<128xi32, #tpu.memory_space<vmem>>, vector<16xi32>,
      %swap3A_57 = vector.shape_cast %swap3A_56 : vector<16xi32> to vector<16xi32>
      %swap3A_58 = vector.shape_cast %add3A_54 : vector<16xi32> to vector<16xi32>
      tpu.vector_store %arg11[%swap3A_55], %swap3A_58 {strides = array<i32>} : memref<128xi32, #tpu.memory_space<vmem>>, vector<16xi32>,
      %add3A_59 = arith.constant 32 : i32
      %add3A_60 = arith.addi %add3A_43, %add3A_59 : i32
      %add3A_61 = vector.broadcast %add3A_60 : i32 to vector<16xi32>
      %add3A_62 = arith.addi %add3A_61, %iota3A : vector<16xi32>
      %swap3A_63 = arith.constant 32 : index
      %swap3A_64 = tpu.vector_load %arg11[%swap3A_63] {strides = array<i32>} : memref<128xi32, #tpu.memory_space<vmem>>, vector<16xi32>,
      %swap3A_65 = vector.shape_cast %swap3A_64 : vector<16xi32> to vector<16xi32>
      %swap3A_66 = vector.shape_cast %add3A_62 : vector<16xi32> to vector<16xi32>
      tpu.vector_store %arg11[%swap3A_63], %swap3A_66 {strides = array<i32>} : memref<128xi32, #tpu.memory_space<vmem>>, vector<16xi32>,
      %add3A_67 = arith.constant 48 : i32
      %add3A_68 = arith.addi %add3A_43, %add3A_67 : i32
      %add3A_69 = vector.broadcast %add3A_68 : i32 to vector<16xi32>
      %add3A_70 = arith.addi %add3A_69, %iota3A : vector<16xi32>
      %swap3A_71 = arith.constant 48 : index
      %swap3A_72 = tpu.vector_load %arg11[%swap3A_71] {strides = array<i32>} : memref<128xi32, #tpu.memory_space<vmem>>, vector<16xi32>,
      %swap3A_73 = vector.shape_cast %swap3A_72 : vector<16xi32> to vector<16xi32>
      %swap3A_74 = vector.shape_cast %add3A_70 : vector<16xi32> to vector<16xi32>
      tpu.vector_store %arg11[%swap3A_71], %swap3A_74 {strides = array<i32>} : memref<128xi32, #tpu.memory_space<vmem>>, vector<16xi32>,
      %add3A_75 = arith.constant 64 : i32
      %add3A_76 = arith.addi %add3A_43, %add3A_75 : i32
      %add3A_77 = vector.broadcast %add3A_76 : i32 to vector<16xi32>
      %add3A_78 = arith.addi %add3A_77, %iota3A : vector<16xi32>
      %swap3A_79 = arith.constant 64 : index
      %swap3A_80 = tpu.vector_load %arg11[%swap3A_79] {strides = array<i32>} : memref<128xi32, #tpu.memory_space<vmem>>, vector<16xi32>,
      %swap3A_81 = vector.shape_cast %swap3A_80 : vector<16xi32> to vector<16xi32>
      %swap3A_82 = vector.shape_cast %add3A_78 : vector<16xi32> to vector<16xi32>
      tpu.vector_store %arg11[%swap3A_79], %swap3A_82 {strides = array<i32>} : memref<128xi32, #tpu.memory_space<vmem>>, vector<16xi32>,
      %add3A_83 = arith.constant 80 : i32
      %add3A_84 = arith.addi %add3A_43, %add3A_83 : i32
      %add3A_85 = vector.broadcast %add3A_84 : i32 to vector<16xi32>
      %add3A_86 = arith.addi %add3A_85, %iota3A : vector<16xi32>
      %swap3A_87 = arith.constant 80 : index
      %swap3A_88 = tpu.vector_load %arg11[%swap3A_87] {strides = array<i32>} : memref<128xi32, #tpu.memory_space<vmem>>, vector<16xi32>,
      %swap3A_89 = vector.shape_cast %swap3A_88 : vector<16xi32> to vector<16xi32>
      %swap3A_90 = vector.shape_cast %add3A_86 : vector<16xi32> to vector<16xi32>
      tpu.vector_store %arg11[%swap3A_87], %swap3A_90 {strides = array<i32>} : memref<128xi32, #tpu.memory_space<vmem>>, vector<16xi32>,
      %add3A_91 = arith.constant 96 : i32
      %add3A_92 = arith.addi %add3A_43, %add3A_91 : i32
      %add3A_93 = vector.broadcast %add3A_92 : i32 to vector<16xi32>
      %add3A_94 = arith.addi %add3A_93, %iota3A : vector<16xi32>
      %swap3A_95 = arith.constant 96 : index
      %swap3A_96 = tpu.vector_load %arg11[%swap3A_95] {strides = array<i32>} : memref<128xi32, #tpu.memory_space<vmem>>, vector<16xi32>,
      %swap3A_97 = vector.shape_cast %swap3A_96 : vector<16xi32> to vector<16xi32>
      %swap3A_98 = vector.shape_cast %add3A_94 : vector<16xi32> to vector<16xi32>
      tpu.vector_store %arg11[%swap3A_95], %swap3A_98 {strides = array<i32>} : memref<128xi32, #tpu.memory_space<vmem>>, vector<16xi32>,
      %add3A_99 = arith.constant 112 : i32
      %add3A_100 = arith.addi %add3A_43, %add3A_99 : i32
      %add3A_101 = vector.broadcast %add3A_100 : i32 to vector<16xi32>
      %add3A_102 = arith.addi %add3A_101, %iota3A : vector<16xi32>
      %swap3A_103 = arith.constant 112 : index
      %swap3A_104 = tpu.vector_load %arg11[%swap3A_103] {strides = array<i32>} : memref<128xi32, #tpu.memory_space<vmem>>, vector<16xi32>,
      %swap3A_105 = vector.shape_cast %swap3A_104 : vector<16xi32> to vector<16xi32>
      %swap3A_106 = vector.shape_cast %add3A_102 : vector<16xi32> to vector<16xi32>
      tpu.vector_store %arg11[%swap3A_103], %swap3A_106 {strides = array<i32>} : memref<128xi32, #tpu.memory_space<vmem>>, vector<16xi32>,
      "tpu.region"() ({
        %run_scoped3A = tpu.sem_alloc : memref<!tpu.dma_semaphore, #tpu.memory_space<semaphore_mem>>
        %dma_start3A = arith.constant 0 : i32
        %dma_start3A_107 = arith.constant 0 : i32
        %dma_start3A_108 = tpu.memref_slice %arg14[%dma_start3A, %dma_start3A_107] : memref<10240x128xf32, #tpu.memory_space<vmem_shared>> -> memref<10240x128xf32, #tpu.memory_space<vmem_shared>>
        tpu.enqueue_indirect_dma source(%dma_start3A_108 : memref<10240x128xf32, #tpu.memory_space<vmem_shared>>) target(%arg12 : memref<128x128xf32, #tpu.memory_space<vmem>>) offsets(%arg11 : memref<128xi32, #tpu.memory_space<vmem>>) semaphore(%run_scoped3A : memref<!tpu.dma_semaphore, #tpu.memory_space<semaphore_mem>>)
        %dma_wait3A = arith.constant 0 : i32
        %dma_wait3A_109 = arith.constant 0 : i32
        %dma_wait3A_110 = tpu.memref_slice %arg14[%dma_wait3A, %dma_wait3A_109] : memref<10240x128xf32, #tpu.memory_space<vmem_shared>> -> memref<10240x128xf32, #tpu.memory_space<vmem_shared>>
        tpu.wait_indirect_dma semaphore(%run_scoped3A : memref<!tpu.dma_semaphore, #tpu.memory_space<semaphore_mem>>) src(%dma_wait3A_110 : memref<10240x128xf32, #tpu.memory_space<vmem_shared>>) dst(%arg12 : memref<128x128xf32, #tpu.memory_space<vmem>>)
        tpu.yield
      }) : () -> ()
      "tpu.region"() ({
        %run_scoped3A = tpu.sem_alloc : memref<!tpu.dma_semaphore, #tpu.memory_space<semaphore_mem>>
        %dma_start3A = arith.constant 0 : i32
        %dma_start3A_107 = arith.constant 0 : i32
        %dma_start3A_108 = tpu.memref_slice %arg15[%dma_start3A, %dma_start3A_107] : memref<10240x16xf32, #tpu.memory_space<vmem_shared>> -> memref<10240x16xf32, #tpu.memory_space<vmem_shared>>
        tpu.enqueue_indirect_dma source(%dma_start3A_108 : memref<10240x16xf32, #tpu.memory_space<vmem_shared>>) target(%arg13 : memref<128x16xf32, #tpu.memory_space<vmem>>) offsets(%arg11 : memref<128xi32, #tpu.memory_space<vmem>>) semaphore(%run_scoped3A : memref<!tpu.dma_semaphore, #tpu.memory_space<semaphore_mem>>)
        %dma_wait3A = arith.constant 0 : i32
        %dma_wait3A_109 = arith.constant 0 : i32
        %dma_wait3A_110 = tpu.memref_slice %arg15[%dma_wait3A, %dma_wait3A_109] : memref<10240x16xf32, #tpu.memory_space<vmem_shared>> -> memref<10240x16xf32, #tpu.memory_space<vmem_shared>>
        tpu.wait_indirect_dma semaphore(%run_scoped3A : memref<!tpu.dma_semaphore, #tpu.memory_space<semaphore_mem>>) src(%dma_wait3A_110 : memref<10240x16xf32, #tpu.memory_space<vmem_shared>>) dst(%arg13 : memref<128x16xf32, #tpu.memory_space<vmem>>)
        tpu.yield
      }) : () -> ()
      "tpu.region"() ({
        %run_scoped3A = tpu.sem_alloc : memref<!tpu.dma_semaphore, #tpu.memory_space<semaphore_mem>>
        %dma_start3A = arith.constant 0 : i32
        %dma_start3A_107 = tpu.memref_slice %arg6[%arg0, %add3A_43, %dma_start3A] : memref<2x10240x128xf32, #tpu.memory_space<hbm>> -> memref<1x128x128xf32, #tpu.memory_space<hbm>>
        %dma_start3A_108 = tpu.memref_squeeze %dma_start3A_107 : memref<1x128x128xf32, #tpu.memory_space<hbm>> -> memref<128x128xf32, #tpu.memory_space<hbm>>
        %dma_start3A_109 = arith.constant 0 : i32
        %dma_start3A_110 = tpu.memref_slice %arg6[%arg0, %add3A_43, %dma_start3A_109] : memref<2x10240x128xf32, #tpu.memory_space<hbm>> -> memref<1x128x128xf32, #tpu.memory_space<hbm>>
        %dma_start3A_111 = tpu.memref_squeeze %dma_start3A_110 : memref<1x128x128xf32, #tpu.memory_space<hbm>> -> memref<128x128xf32, #tpu.memory_space<hbm>>
        tpu.enqueue_dma source(%arg12 : memref<128x128xf32, #tpu.memory_space<vmem>>) target(%dma_start3A_111 : memref<128x128xf32, #tpu.memory_space<hbm>>) target_semaphore(%run_scoped3A : memref<!tpu.dma_semaphore, #tpu.memory_space<semaphore_mem>>)
        %dma_wait3A = arith.constant 0 : i32
        %dma_wait3A_112 = tpu.memref_slice %arg6[%arg0, %add3A_43, %dma_wait3A] : memref<2x10240x128xf32, #tpu.memory_space<hbm>> -> memref<1x128x128xf32, #tpu.memory_space<hbm>>
        %dma_wait3A_113 = tpu.memref_squeeze %dma_wait3A_112 : memref<1x128x128xf32, #tpu.memory_space<hbm>> -> memref<128x128xf32, #tpu.memory_space<hbm>>
        %dma_wait3A_114 = arith.constant 0 : i32
        %dma_wait3A_115 = tpu.memref_slice %arg6[%arg0, %add3A_43, %dma_wait3A_114] : memref<2x10240x128xf32, #tpu.memory_space<hbm>> -> memref<1x128x128xf32, #tpu.memory_space<hbm>>
        %dma_wait3A_116 = tpu.memref_squeeze %dma_wait3A_115 : memref<1x128x128xf32, #tpu.memory_space<hbm>> -> memref<128x128xf32, #tpu.memory_space<hbm>>
        tpu.wait_dma2 semaphore(%run_scoped3A : memref<!tpu.dma_semaphore, #tpu.memory_space<semaphore_mem>>) src(%arg12 : memref<128x128xf32, #tpu.memory_space<vmem>>) dst(%dma_wait3A_116 : memref<128x128xf32, #tpu.memory_space<hbm>>)
        tpu.yield
      }) : () -> ()
      "tpu.region"() ({
        %run_scoped3A = tpu.sem_alloc : memref<!tpu.dma_semaphore, #tpu.memory_space<semaphore_mem>>
        %dma_start3A = arith.constant 0 : i32
        %dma_start3A_107 = tpu.memref_slice %arg7[%arg0, %add3A_43, %dma_start3A] : memref<2x10240x16xf32, #tpu.memory_space<hbm>> -> memref<1x128x16xf32, #tpu.memory_space<hbm>>
        %dma_start3A_108 = tpu.memref_squeeze %dma_start3A_107 : memref<1x128x16xf32, #tpu.memory_space<hbm>> -> memref<128x16xf32, #tpu.memory_space<hbm>>
        %dma_start3A_109 = arith.constant 0 : i32
        %dma_start3A_110 = tpu.memref_slice %arg7[%arg0, %add3A_43, %dma_start3A_109] : memref<2x10240x16xf32, #tpu.memory_space<hbm>> -> memref<1x128x16xf32, #tpu.memory_space<hbm>>
        %dma_start3A_111 = tpu.memref_squeeze %dma_start3A_110 : memref<1x128x16xf32, #tpu.memory_space<hbm>> -> memref<128x16xf32, #tpu.memory_space<hbm>>
        tpu.enqueue_dma source(%arg13 : memref<128x16xf32, #tpu.memory_space<vmem>>) target(%dma_start3A_111 : memref<128x16xf32, #tpu.memory_space<hbm>>) target_semaphore(%run_scoped3A : memref<!tpu.dma_semaphore, #tpu.memory_space<semaphore_mem>>)
        %dma_wait3A = arith.constant 0 : i32
        %dma_wait3A_112 = tpu.memref_slice %arg7[%arg0, %add3A_43, %dma_wait3A] : memref<2x10240x16xf32, #tpu.memory_space<hbm>> -> memref<1x128x16xf32, #tpu.memory_space<hbm>>
        %dma_wait3A_113 = tpu.memref_squeeze %dma_wait3A_112 : memref<1x128x16xf32, #tpu.memory_space<hbm>> -> memref<128x16xf32, #tpu.memory_space<hbm>>
        %dma_wait3A_114 = arith.constant 0 : i32
        %dma_wait3A_115 = tpu.memref_slice %arg7[%arg0, %add3A_43, %dma_wait3A_114] : memref<2x10240x16xf32, #tpu.memory_space<hbm>> -> memref<1x128x16xf32, #tpu.memory_space<hbm>>
        %dma_wait3A_116 = tpu.memref_squeeze %dma_wait3A_115 : memref<1x128x16xf32, #tpu.memory_space<hbm>> -> memref<128x16xf32, #tpu.memory_space<hbm>>
        tpu.wait_dma2 semaphore(%run_scoped3A : memref<!tpu.dma_semaphore, #tpu.memory_space<semaphore_mem>>) src(%arg13 : memref<128x16xf32, #tpu.memory_space<vmem>>) dst(%dma_wait3A_116 : memref<128x16xf32, #tpu.memory_space<hbm>>)
        tpu.yield
      }) : () -> ()
    }
    %scan3A_37 = arith.constant 5 : i32
    return
  }
}

module attributes {stable_mosaic.version = 14 : i64} {
  func.func @body(%arg0: i32, %arg1: memref<2x1000x128xf32, #tpu.memory_space<vmem>>, %arg2: memref<2x1000x16xf32, #tpu.memory_space<vmem>>, %arg3: memref<1000x128xf32, #tpu.memory_space<vmem>>, %arg4: memref<1000x1xf32, #tpu.memory_space<vmem>>, %arg5: memref<1x1xf32, #tpu.memory_space<vmem>>) attributes {dimension_semantics = [#tpu.dimension_semantics<arbitrary>], iteration_bounds = array<i64: 10>, scalar_prefetch = 0 : i64, scratch_operands = 0 : i64, tpu.core_type = #tpu.core_type<tc>, window_params = [{transform_indices = @transform_0, window_bounds = array<i64: 2, 1000, 128>}, {transform_indices = @transform_1, window_bounds = array<i64: 2, 1000, 16>}, {transform_indices = @transform_2, window_bounds = array<i64: 1000, 128>}, {transform_indices = @transform_3, window_bounds = array<i64: 1000, 1>}, {pipeline_mode = #tpu.pipeline_mode<synchronous>, transform_indices = @transform_4, window_bounds = array<i64: 1, 1>}]} {
    %get3A = arith.constant 0 : index
    %get3A_0 = arith.constant 0 : index
    %get3A_1 = arith.constant 0 : index
    %get3A_2 = vector.load %arg1[%get3A, %get3A_0, %get3A_1] : memref<2x1000x128xf32, #tpu.memory_space<vmem>>, vector<1x1000x128xf32>
    %get3A_3 = vector.shape_cast %get3A_2 : vector<1x1000x128xf32> to vector<1000x128xf32>
    %get3A_4 = arith.constant 1 : index
    %get3A_5 = arith.constant 0 : index
    %get3A_6 = arith.constant 0 : index
    %get3A_7 = vector.load %arg1[%get3A_4, %get3A_5, %get3A_6] : memref<2x1000x128xf32, #tpu.memory_space<vmem>>, vector<1x1000x128xf32>
    %get3A_8 = vector.shape_cast %get3A_7 : vector<1x1000x128xf32> to vector<1000x128xf32>
    %add3A = arith.addf %get3A_3, %get3A_8 : vector<1000x128xf32>
    %add3A_9 = arith.constant 0.00999999977 : f32
    %add3A_10 = vector.broadcast %add3A_9 : f32 to vector<1000x128xf32>
    %add3A_11 = arith.addf %add3A, %add3A_10 : vector<1000x128xf32>
    %get3A_12 = arith.constant 0 : index
    %get3A_13 = arith.constant 0 : index
    %get3A_14 = arith.constant 0 : index
    %get3A_15 = vector.load %arg2[%get3A_12, %get3A_13, %get3A_14] : memref<2x1000x16xf32, #tpu.memory_space<vmem>>, vector<1x1000x1xf32>
    %get3A_16 = vector.shape_cast %get3A_15 : vector<1x1000x1xf32> to vector<1000x1xf32>
    %get3A_17 = arith.constant 1 : index
    %get3A_18 = arith.constant 0 : index
    %get3A_19 = arith.constant 0 : index
    %get3A_20 = vector.load %arg2[%get3A_17, %get3A_18, %get3A_19] : memref<2x1000x16xf32, #tpu.memory_space<vmem>>, vector<1x1000x1xf32>
    %get3A_21 = vector.shape_cast %get3A_20 : vector<1x1000x1xf32> to vector<1000x1xf32>
    %add3A_22 = arith.addf %get3A_16, %get3A_21 : vector<1000x1xf32>
    %get3A_23 = arith.constant 0 : index
    %get3A_24 = arith.constant 0 : index
    %get3A_25 = vector.load %arg4[%get3A_23, %get3A_24] : memref<1000x1xf32, #tpu.memory_space<vmem>>, vector<1000x1xf32>
    %get3A_26 = arith.constant 0 : index
    %get3A_27 = arith.constant 0 : index
    %get3A_28 = vector.load %arg4[%get3A_26, %get3A_27] : memref<1000x1xf32, #tpu.memory_space<vmem>>, vector<1000x1xf32>
    %mul3A = arith.mulf %get3A_25, %get3A_28 : vector<1000x1xf32>
    %get3A_29 = arith.constant 0 : index
    %get3A_30 = arith.constant 0 : index
    %get3A_31 = vector.load %arg3[%get3A_29, %get3A_30] : memref<1000x128xf32, #tpu.memory_space<vmem>>, vector<1000x128xf32>
    %mul3A_32 = vector.broadcast %mul3A : vector<1000x1xf32> to vector<1000x128xf32>
    %mul3A_33 = arith.mulf %mul3A_32, %get3A_31 : vector<1000x128xf32>
    %div3A = arith.divf %mul3A_33, %add3A_11 : vector<1000x128xf32>
    %add3A_34 = arith.constant 1.000000e+00 : f32
    %add3A_35 = vector.broadcast %add3A_34 : f32 to vector<1000x128xf32>
    %add3A_36 = arith.addf %add3A_35, %div3A : vector<1000x128xf32>
    %log3A = math.log %add3A_36 : vector<1000x128xf32>
    %log3A_37 = arith.constant 2.000000e+00 : f32
    %log3A_38 = math.log %log3A_37 : f32
    %div3A_39 = vector.broadcast %log3A_38 : f32 to vector<1000x128xf32>
    %div3A_40 = arith.divf %log3A, %div3A_39 : vector<1000x128xf32>
    %gt3A = arith.constant 0.000000e+00 : f32
    %gt3A_41 = vector.broadcast %gt3A : f32 to vector<1000x1xf32>
    %gt3A_42 = arith.cmpf ogt, %add3A_22, %gt3A_41 : vector<1000x1xf32>
    %jit3A = arith.constant 0.000000e+00 : f32
    %broadcast_in_dim3A = vector.shape_cast %gt3A_42 : vector<1000x1xi1> to vector<1000x1xi1>
    %broadcast_in_dim3A_43 = vector.broadcast %broadcast_in_dim3A : vector<1000x1xi1> to vector<1000x128xi1>
    %broadcast_in_dim3A_44 = vector.broadcast %jit3A : f32 to vector<1000x128xf32>
    %select_n3A = arith.select %broadcast_in_dim3A_43, %div3A_40, %broadcast_in_dim3A_44 : vector<1000x128xi1>, vector<1000x128xf32>
    %eq3A = arith.constant 0 : i32
    %eq3A_45 = arith.cmpi eq, %arg0, %eq3A : i32
    %convert_element_type3A = arith.extui %eq3A_45 : i1 to i32
    %cond3A = arith.constant 0 : i32
    %cond3A_46 = arith.cmpi ne, %convert_element_type3A, %cond3A : i32
    scf.if %cond3A_46 {
      %broadcast_in_dim3A_57 = arith.constant 0.000000e+00 : f32
      %broadcast_in_dim3A_58 = vector.broadcast %broadcast_in_dim3A_57 : f32 to vector<1x1xf32>
      %swap3A_59 = arith.constant 0 : index
      %swap3A_60 = arith.constant 0 : index
      %swap3A_61 = vector.load %arg5[%swap3A_59, %swap3A_60] : memref<1x1xf32, #tpu.memory_space<vmem>>, vector<1x1xf32>
      tpu.vector_store %arg5[%swap3A_59, %swap3A_60], %broadcast_in_dim3A_58 {strides = array<i32>} : memref<1x1xf32, #tpu.memory_space<vmem>>, vector<1x1xf32>,
    } else {
    }
    %get3A_47 = arith.constant 0 : index
    %get3A_48 = arith.constant 0 : index
    %get3A_49 = vector.load %arg5[%get3A_47, %get3A_48] : memref<1x1xf32, #tpu.memory_space<vmem>>, vector<1x1xf32>
    %reduce_sum3A = vector.shape_cast %select_n3A : vector<1000x128xf32> to vector<1x1000x128xf32>
    %reduce_sum3A_50 = arith.constant dense<0.000000e+00> : vector<1xf32>
    %reduce_sum3A_51 = vector.multi_reduction <add>, %reduce_sum3A, %reduce_sum3A_50 [1, 2] : vector<1x1000x128xf32> to vector<1xf32>
    %reduce_sum3A_52 = vector.shape_cast %reduce_sum3A_51 : vector<1xf32> to vector<1x1x1xf32>
    %reduce_sum3A_53 = vector.extract %reduce_sum3A_52[0, 0, 0] : f32 from vector<1x1x1xf32>
    %reshape3A = vector.broadcast %reduce_sum3A_53 : f32 to vector<1x1xf32>
    %add3A_54 = arith.addf %get3A_49, %reshape3A : vector<1x1xf32>
    %swap3A = arith.constant 0 : index
    %swap3A_55 = arith.constant 0 : index
    %swap3A_56 = vector.load %arg5[%swap3A, %swap3A_55] : memref<1x1xf32, #tpu.memory_space<vmem>>, vector<1x1xf32>
    tpu.vector_store %arg5[%swap3A, %swap3A_55], %add3A_54 {strides = array<i32>} : memref<1x1xf32, #tpu.memory_space<vmem>>, vector<1x1xf32>,
    return
  }
  func.func @transform_0(%arg0: i32) -> (i32, i32, i32) {
    %c0_i32 = arith.constant 0 : i32
    %c0_i32_0 = arith.constant 0 : i32
    %c0_i32_1 = arith.constant 0 : i32
    return %c0_i32, %arg0, %c0_i32_0 : i32, i32, i32
  }
  func.func @transform_1(%arg0: i32) -> (i32, i32, i32) {
    %c0_i32 = arith.constant 0 : i32
    %c0_i32_0 = arith.constant 0 : i32
    %c0_i32_1 = arith.constant 0 : i32
    return %c0_i32, %arg0, %c0_i32_0 : i32, i32, i32
  }
  func.func @transform_2(%arg0: i32) -> (i32, i32) {
    %c0_i32 = arith.constant 0 : i32
    %c0_i32_0 = arith.constant 0 : i32
    return %arg0, %c0_i32 : i32, i32
  }
  func.func @transform_3(%arg0: i32) -> (i32, i32) {
    %c0_i32 = arith.constant 0 : i32
    %c0_i32_0 = arith.constant 0 : i32
    return %arg0, %c0_i32 : i32, i32
  }
  func.func @transform_4(%arg0: i32) -> (i32, i32) {
    %c0_i32 = arith.constant 0 : i32
    %c0_i32_0 = arith.constant 0 : i32
    %c0_i32_1 = arith.constant 0 : i32
    return %c0_i32, %c0_i32_0 : i32, i32
  }
}

</mosaic_0001>

<sc_bundles>
// kernel: kernel.4.cloned.1.call-start
scs
__scs_entry_jumppad:
0x0: {  	(pc) =	sbr.rel $0x88, $3  }
0x1: {  	(tag) =	ssettag $0x0;
	lr =	simm.s32 $0x1  }
0x2: {  	[smem:$0x3F9D] =	sst lr;
	_ =	strace $0xD0000000  }
0x3: {  	_ = 	snop  }
0x4: {  	_ = 	snop  }
0x5: {  	_ = 	snop  }
0x6: {  	_ = 	snop  }
0x7: {  	_ = 	snop  }
__scs_overlays_trampoline_lowered:
0x8: {  	[smem:$0x3FAC] =	sst s0  }
0x9: {  	[smem:$0x3FAD] =	sst s1  }
0xa: {  	[smem:$0x3FAE] =	sst s2  }
0xb: {  	[smem:$0x3FAF] =	sst s3  }
0xc: {  	[smem:$0x3FB0] =	sst s4  }
0xd: {  	[smem:$0x3FB1] =	sst s5  }
0xe: {  	[smem:$0x3FB2] =	sst s6  }
0xf: {  	[smem:$0x3FB3] =	sst s7  }
0x10: {  	[smem:$0x3FB4] =	sst s8  }
0x11: {  	[smem:$0x3FB5] =	sst s9;
	s0 =	simm.s32 @!p0 $0x0  }
0x12: {  	s1 =	sld [smem:$0x3F9B];
	s0 =	simm.s32 @p0 $0x1  }
0x13: {  	[smem:$0x3FB6] =	sst s0;
	s0 =	simm.s32 @!p1 $0x0  }
0x14: {  	s2 =	sld [smem:$0x3F9A];
	s0 =	simm.s32 @p1 $0x1  }
0x15: {  	[smem:$0x3FB7] =	sst s0;
	s0 =	simm.s32 @!p2 $0x0  }
0x16: {  	s3 =	sld [smem:$0x3FDB];
	s0 =	simm.s32 @p2 $0x1  }
0x17: {  	s4 =	simm.s32 $0x1BF5;
	[smem:$0x3FB9] =	sst s0  }
0x18: {  	s0 =	sld [smem:$0x3F9C];
	_ =	swait.ge [sflag:s4], $0x0  }
0x19: {  	s7 =	sld [smem:$0x3F9D]  }
0x1a: {  	s8 =	sadd.s32 $0xFFFFE003, lr  }
0x1b: {  	s9 =	sadd.s32 $0xFFFFFEF7, lr;
	s5 =	simm.s32 $0xFFFFFFFF;
	p2 =	slt.u32 s8, $0xFFFFF086  }
0x1c: {  	p1 =	slt.u32 s9, $0xF7A;
	s5 =	simm.s32 @!p2 $0x0  }
0x1d: {  	s5 =	simm.s32 @p1 $0x1;
	p0 =	seq.s32 s7, s2  }
0x1e: {  	s7 =	smul.u32 @!p0 $0xF7A, s2;
	p2 =	seq.s32 @!p0 s5, $0x0  }
0x1f: {  	s9 =	smul.u32 $0xF7A, s1;
	s8 =	simm.s32 @!p0 $0x1BF5;
	p2 =	por !p2, p0  }
0x20: {  	[sflag:s8] =	ssyncset.s32 @!p0 $0xFFFFF086;
	s6 =	sadd.s32 @!p0 s3, s7;
	s7 =	simm.s32 @!p0 $0x108  }
0x21: {  	s3 =	sadd.s32 s3, s9;
	s6 =	sadd.s32 @!p0 $0x88, s6;
	s7 =	simm.s32 @p2 $0x1082  }
0x22: {  	[simem:s7], [sflag:s8] =	dma.local @!p0 [hbm:s6], $0xF7A  }
0x23: {  	s9 =	sor.u32 $0xD0000000, s2;
	s6 =	simm.s32 $0x108;
	_ =	swait.ge @!p0 [sflag:s8], $0x0  }
0x24: {  	s3 =	sadd.s32 $0x88, s3;
	s6 =	simm.s32 @!p1 $0x1082;
	[sflag:s4] =	ssyncset.s32 $0xFFFFF086  }
0x25: {  	[simem:s6], [sflag:s4] =	dma.local [hbm:s3], $0xF7A  }
0x26: {  	[smem:$0x3F9D] =	sst s1;
	(tag) =	ssettag s2;
	_ =	strace s9  }
0x27: {  	s1 =	sld [smem:$0x3FAD]  }
0x28: {  	s2 =	sld [smem:$0x3FAE]  }
0x29: {  	s4 =	sld [smem:$0x3FB0]  }
0x2a: {  	p0 =	seq.s32 s5, $0x0;
	s5 =	sld [smem:$0x3FB1]  }
0x2b: {  	s6 =	sld [smem:$0x3FB2]  }
0x2c: {  	s7 =	sld [smem:$0x3FB3]  }
0x2d: {  	s3 =	simm.s32 $0x108;
	s8 =	sld [smem:$0x3FB4]  }
0x2e: {  	s3 =	simm.s32 @!p0 $0x1082;
	s9 =	sld [smem:$0x3FB5]  }
0x2f: {  	lr =	sadd.s32 s0, s3;
	s0 =	sld [smem:$0x3FAC]  }
0x30: {  	s3 =	sld [smem:$0x3FAF]  }
0x31: {  	[smem:$0x3FB8] =	sst s10  }
0x32: {  	s10 =	sld [smem:$0x3FB6];
	_ =	sdelay $0x3  }
0x33: {  	p0 =	seq.s32 s10, $0x1;
	s10 =	sld [smem:$0x3FB8];
	_ =	sdelay $0x3  }
0x34: {  	[smem:$0x3FB8] =	sst s10  }
0x35: {  	s10 =	sld [smem:$0x3FB7];
	_ =	sdelay $0x3  }
0x36: {  	p1 =	seq.s32 s10, $0x1;
	s10 =	sld [smem:$0x3FB8];
	_ =	sdelay $0x3  }
0x37: {  	[smem:$0x3FB8] =	sst s10  }
0x38: {  	s10 =	sld [smem:$0x3FB9]  }
0x39: {  	_ = 	snop;
	(pc) =	sbr.ind lr, $3  }
0x3a: {  	_ = 	snop  }
0x3b: {  	_ = 	snop  }
0x3c: {  	p2 =	seq.s32 s10, $0x1;
	s10 =	sld [smem:$0x3FB8]  }
0x3d: {  	_ =	shalt  }
0x3e: {  	_ =	shalt  }
0x3f: {  	_ =	shalt  }
0x40: {  	_ =	shalt  }
0x41: {  	_ =	shalt  }
0x42: {  	_ =	shalt  }
0x43: {  	_ =	shalt  }
0x44: {  	_ =	shalt  }
0x45: {  	_ =	shalt  }
0x46: {  	_ =	shalt  }
0x47: {  	_ =	shalt  }
0x48: {  	_ =	shalt  }
0x49: {  	_ =	shalt  }
0x4a: {  	_ =	shalt  }
0x4b: {  	_ =	shalt  }
0x4c: {  	_ =	shalt  }
0x4d: {  	_ =	shalt  }
0x4e: {  	_ =	shalt  }
0x4f: {  	_ =	shalt  }
0x50: {  	_ =	shalt  }
0x51: {  	_ =	shalt  }
0x52: {  	_ =	shalt  }
0x53: {  	_ =	shalt  }
0x54: {  	_ =	shalt  }
0x55: {  	_ =	shalt  }
0x56: {  	_ =	shalt  }
0x57: {  	_ =	shalt  }
0x58: {  	_ =	shalt  }
0x59: {  	_ =	shalt  }
0x5a: {  	_ =	shalt  }
0x5b: {  	_ =	shalt  }
0x5c: {  	_ =	shalt  }
0x5d: {  	_ =	shalt  }
0x5e: {  	_ =	shalt  }
0x5f: {  	_ =	shalt  }
0x60: {  	_ =	shalt  }
0x61: {  	_ =	shalt  }
0x62: {  	_ =	shalt  }
0x63: {  	_ =	shalt  }
0x64: {  	_ =	shalt  }
0x65: {  	_ =	shalt  }
0x66: {  	_ =	shalt  }
0x67: {  	_ =	shalt  }
0x68: {  	_ =	shalt  }
0x69: {  	_ =	shalt  }
0x6a: {  	_ =	shalt  }
0x6b: {  	_ =	shalt  }
0x6c: {  	_ =	shalt  }
0x6d: {  	_ =	shalt  }
0x6e: {  	_ =	shalt  }
0x6f: {  	_ =	shalt  }
0x70: {  	_ =	shalt  }
0x71: {  	_ =	shalt  }
0x72: {  	_ =	shalt  }
0x73: {  	_ =	shalt  }
0x74: {  	_ =	shalt  }
0x75: {  	_ =	shalt  }
0x76: {  	_ =	shalt  }
0x77: {  	_ =	shalt  }
0x78: {  	_ =	shalt  }
0x79: {  	_ =	shalt  }
0x7a: {  	_ =	shalt  }
0x7b: {  	_ =	shalt  }
0x7c: {  	_ =	shalt  }
0x7d: {  	_ =	shalt  }
0x7e: {  	_ =	shalt  }
0x7f: {  	_ =	shalt  }
0x80: {  	_ =	shalt  }
0x81: {  	_ =	shalt  }
0x82: {  	_ =	shalt  }
0x83: {  	_ =	shalt  }
0x84: {  	_ =	shalt  }
0x85: {  	_ =	shalt  }
0x86: {  	_ =	shalt  }
0x87: {  	_ =	shalt  }
.Lfunc_end0:
.L_simem_size_0:
called_computation_lowered:
.L_overlay_start_0:
0x88: {  	s2 =	sld [smem:$0x3FD9]  }
0x89: {  	s3 =	sld [smem:$0x3FFE];
	_ =	sdelay $0x1  }
0x8a: {  	s1 =	srdreg.scid  }
0x8b: {  	s0 =	sand.u32 $0x1, s1  }
0x8c: {  	s17 =	sshll.u32 s0, $0xA;
	s2 =	sadd.s32 s3, s2  }
0x8d: {  	s2 =	sadd.s32 s2, s17  }
0x8e: {  	[smem:$0x3FC4] =	sst s2  }
0x8f: {  	_ = 	snop  }
0x90: {  	s2 =	sld [smem:$0x3FC9]  }
0x91: {  	s18 =	sld [smem:$0x3FC7];
	(tm) =	ssettm $0x1  }
0x92: {  	s4 =	sld [smem:$0x3FFB];
	_ =	sdelay $0x3  }
0x93: {  	_ =	strace s4  }
0x94: {  	s4 =	sld [smem:$0x3FFC];
	_ =	sdelay $0x3  }
0x95: {  	_ =	strace s4  }
0x96: {  	s4 =	sld [smem:$0x3FFD];
	_ =	sdelay $0x3  }
0x97: {  	_ =	strace s4  }
0x98: {  	_ =	strace $0x8FFFFFFF  }
0x99: {  	s19 =	sld [smem:$0x3FDB];
	_ =	sdelay $0x1  }
0x9a: {  	s5 =	simm.s32 $_scs_section_size  }
0x9b: {  	s6 =	simm.s32 $_size__tile_overlayer_lowered;
	s7 =	simm.s32 $_tile_overlayer_lowered  }
0x9c: {  	s22 =	simm.s32 $0x1BFF;
	s21 =	sshll.u32 s7, $0x1;
	s4 =	sadd.s32 s5, s19  }
0x9d: {  	s8 =	simm.s32 $0x0;
	s20 =	sshll.u32 s6, $0x1;
	s6 =	sadd.s32 s21, s4  }
0x9e: {  	[timem:s8], [sflag:s22] =	dma.local [hbm:s6], s20  }
0x9f: {  	_ =	swait.ge [sflag:s22], s20  }
0xa0: {  	s5 =	ssub.s32 $0x0, s20;
	[sflag:s22] =	ssyncset.done $0x0  }
0xa1: {  	[sflag:s22] =	ssyncadd.s32 s5;
	_ =	sdelay $0x1  }
0xa2: {  	s23 =	simm.s32 $0x1B8B  }
0xa3: {  	_ =	swait.ge [sflag:s23], $0x1  }
0xa4: {  	[sflag:s23] =	ssyncset.done $0x0  }
0xa5: {  	s25 =	simm.s32 $0x1B8E;
	s24 =	sld [smem:$0x3FFE];
	[sflag:s23] =	ssyncadd.s32 $0xFFFFFFFF  }
0xa6: {  	s26 =	simm.s32 $execute0_lowered;
	[smem:$0x3FD2] =	sst s25  }
0xa7: {  	s6 =	sshll.u32 s26, $0x1;
	_ =	strace $0x80000046;
	[dreg:$0x1] =	wrdreg $0xFFFFFFFF  }
0xa8: {  	s28 =	simm.s32 $_size_execute0_lowered;
	s4 =	sadd.s32 s4, s6;
	[dreg:$0x0] =	wrdreg $0x0  }
0xa9: {  	s6 =	sshll.u32 s28, $0x1;
	[dreg:$0x2] =	wrdreg s4  }
0xaa: {  	[dreg:$0x3] =	wrdreg s6  }
0xab: {  	[dreg:$0x4] =	wrdreg $0xC0  }
0xac: {  	_ =	task [dreg:s8], $0x5FFFF  }
0xad: {  	[dreg:$0x1] =	wrdreg $0xFFFFFFFF  }
0xae: {  	[dreg:$0x0] =	wrdreg $0x60  }
0xaf: {  	[dreg:$0x2] =	wrdreg s2  }
0xb0: {  	[dreg:$0x3] =	wrdreg s24  }
0xb1: {  	[dreg:$0x4] =	wrdreg s18  }
0xb2: {  	[dreg:$0x5] =	wrdreg $0x82000  }
0xb3: {  	[dreg:$0x6] =	wrdreg $0x1C2000  }
0xb4: {  	[dreg:$0x7] =	wrdreg $0x9  }
0xb5: {  	_ =	task.clear_ibuf [dreg:s8], $0x8FFFF;
	_ =	strace $0x90000046  }
0xb6: {  	s29 =	simm.s32 $0x9;
	_ =	strace $0x80000048  }
0xb7: {  	_ =	swait.ge [sflag:s29], $0x1  }
0xb8: {  	[sflag:s29] =	ssyncadd.s32 $0xFFFFFFFF  }
0xb9: {  	_ =	strace $0x90000048  }
0xba: {  	_ =	sfence  }
0xbb: {  	s30 =	sld [smem:$0x0];
	_ =	sdelay $0x2  }
0xbc: {  	s31 =	sshll.u32 s1, $0xD;
	s1 =	sshrl.u32 s1, $0x2  }
0xbd: {  	s3 =	sand.u32 $0x4000, s31;
	s1 =	sadd.s32 s1, s30  }
0xbe: {  	s0 =	sor.u32 s3, s0;
	s1 =	sshll.u32 s1, $0x11  }
0xbf: {  	s0 =	sor.u32 s1, s0  }
0xc0: {  	s0 =	sadd.s32 $0x8F2B, s0  }
0xc1: {  	[sflag:s0] =	ssyncadd.remote.s32 $0x1  }
0xc2: {  	_ =	sfence.sel $0xFFFF  }
0xc3: {  	[dreg:$0x0] =	wrdreg $0xFFFFFFFF;
	(pc) =	sbr.abs _section_cstart, $3  }
0xc4: {  	[dreg:$0x1] =	wrdreg $0xFFFFFFFF  }
0xc5: {  	_ =	task.clear_ibuf [dreg:s8], $0x2FFFF;
	_ =	strace $0x9FFFFFFF  }
0xc6: {  	(tm) =	ssettm $0x7FFFFFFF  }
0xc7: {  	_ =	shalt  }
tec
execute0_lowered:
.L_overlay_start_1:
0x0: {  	(tag) =	ssettag $0x1  }
0x1: {  	s0 =	rddreg [dreg:$0x0]  }
0x2: {  	s9 =	rddreg [dreg:$0x1]  }
0x3: {  	s1 =	rddreg [dreg:$0x2]  }
0x4: {  	s4 =	rddreg [dreg:$0x3]  }
0x5: {  	s2 =	srdreg.scid;
	s5 =	rddreg [dreg:$0x4]  }
0x6: {  	s3 =	stileid.u32;
	s6 =	simm.s32 $0x0;
	s15 =	simm.s32 $0x80  }
0x7: {  	s16 =	simm.s32 $0x180;
	s17 =	simm.s32 $0x200;
	s18 =	simm.s32 $0x2  }
0x8: {  	s19 =	simm.s32 $0x4200;
	s20 =	simm.s32 $0x100;
	s21 =	simm.s32 $0x1  }
0x9: {  	s22 =	simm.s32 $0x0;
	s11 =	sand.u32 $0x1, s2;
	s8 =	smul.u32 $0x14000, s3  }
0xa: {  	[smem:$0x7FF] =	sst s6;
	p0 =	slt.u32 s3, $0x2;
	s31 =	sshll.u32 s3, $0x8  }
0xb: {  	s7 =	smul.u32 $0x140000, s11;
	s10 =	ssub.s32 $0x2, s11;
	s11 =	sshll.u32 s11, $0x7  }
0xc: {  	_ =	strace $0x80000047;
	s13 =	sshrl.u32 s10, $0x1;
	s11 =	sor.u32 s11, s31  }
0xd: {  	s8 =	sadd.s32 s8, s7;
	s7 =	sadd.s32 $0xAA00, s9;
	s30 =	ssub.s32 s10, s13  }
0xe: {  	s10 =	simm.s32 $0x4F;
	s12 =	sshrl.u32 s8, $0x3;
	s8 =	sadd.s32 $0xC00, s9  }
0xf: {  	v0 =	vimm.f32 $0.0e+00;
	vm0 =	vcmask $0x300;
	s10 =	simm.s32 @!p0 $0x4E;
	s14 =	sadd.s32 s12, s9;
	s9 =	smul.u32 $0x280, s3  }
0x10: {  	v1 =	vlaneseq.u32;
	v2 =	vimm.f32 $1.000000000e+00;
	v3 =	vsel vm0, $0x3F800000, v0;
	s12 =	smax.u32 s30, $0x1;
	s13 =	sadd.s32 $0x64800, s14;
	s14 =	sadd.s32 $0x14800, s14  }
.LBB2_1:
0x11: {  	s23 =	simm.s32 $0x0;
	s24 =	simm.s32 $0x200  }
.LBB2_2:
0x12: {  	p0 =	sne.s32 s24, $0xFE00;
	[tilespmem:s23+$0x4200] =	vst v0  }
0x13: {  	[tilespmem:s23+$0x200] =	vst v0  }
0x14: {  	[tilespmem:s23+$0x210] =	vst v0  }
0x15: {  	[tilespmem:s23+$0x220] =	vst v0  }
.Ltmp0:
0x16: {  	[tilespmem:s23+$0x230] =	vst v0;
	(pc) =	sbr.rel @p0 .LBB2_2-.Ltmp0, $4  }
0x17: {  	[tilespmem:s23+$0x240] =	vst v0  }
0x18: {  	[tilespmem:s23+$0x250] =	vst v0  }
0x19: {  	[tilespmem:s23+$0x260] =	vst v0  }
0x1a: {  	[tilespmem:s23+$0x270] =	vst v0;
	s23 =	sshra.s32 s24, $0x2;
	s24 =	sadd.s32 $0x200, s24  }
0x1b: {  	[tilespmem:s23+$0x4200] =	vst v0  }
0x1c: {  	[tilespmem:s23+$0x200] =	vst v0  }
0x1d: {  	[tilespmem:s23+$0x210] =	vst v0  }
0x1e: {  	[tilespmem:s23+$0x220] =	vst v0  }
0x1f: {  	[tilespmem:s23+$0x230] =	vst v0  }
0x20: {  	[tilespmem:s23+$0x240] =	vst v0  }
0x21: {  	[tilespmem:s23+$0x250] =	vst v0  }
0x22: {  	[tilespmem:s23+$0x260] =	vst v0;
	s24 =	sadd.s32 $0x0, s9  }
0x23: {  	[tilespmem:s23+$0x270] =	vst v0;
	v4 =	vor.u32 s24, v1;
	s26 =	sadd.s32 $0x10, s24  }
0x24: {  	s25 =	sadd.s32 $0x20, s24;
	[tilespmem:$0x180] =	vst v4;
	v4 =	vor.u32 s26, v1  }
0x25: {  	s28 =	sadd.s32 $0x70, s24;
	v5 =	vor.u32 s25, v1;
	[tilespmem:$0x190] =	vst v4  }
0x26: {  	s30 =	sadd.s32 $0x40, s24;
	v4 =	vor.u32 s28, v1;
	[tilespmem:$0x1A0] =	vst v5  }
0x27: {  	s29 =	sadd.s32 $0x50, s24;
	v5 =	vor.u32 s30, v1;
	[tilespmem:$0x1F0] =	vst v4  }
0x28: {  	s31 =	sadd.s32 $0x30, s24;
	s24 =	sadd.s32 $0x60, s24;
	v4 =	vor.u32 s29, v1;
	[tilespmem:$0x1C0] =	vst v5  }
0x29: {  	v5 =	vor.u32 s24, v1;
	[tilespmem:$0x1D0] =	vst v4  }
0x2a: {  	v4 =	vor.u32 s31, v1;
	[tilespmem:$0x1E0] =	vst v5  }
0x2b: {  	s23 =	simm.s32 $0x80;
	[tilespmem:$0x1B0] =	vst v4  }
0x2c: {  	[spmem:s4] =	stream.indirect.scatter [tilespmem:s17], [sflag:$0x2], $0x80, s16, s15, $0xb8;
	[tilespmem:$0x1EA00] =	vst v63  }
.LBB2_4:
0x2d: {  	p0 =	sne.s32 s23, $0x200  }
0x2e: {  	_ =	swait.ge [sflag:s18], $0x4000;
	s24 =	smov.u32 s23;
	s23 =	sadd.s32 $0x80, s23  }
0x2f: {  	[sflag:s18] =	ssyncset.done $0x0  }
0x30: {  	[sflag:s18] =	ssyncadd.s32 $0xFFFFC000  }
0x31: {  	[spmem:s5] =	stream.indirect.scatter [tilespmem:s19], [sflag:$0x2], $0x10, s16, s15, $0xb8;
	[tilespmem:$0x1EA00] =	vst v63  }
0x32: {  	_ =	swait.ge [sflag:s18], $0x800  }
0x33: {  	s24 =	sadd.s32 s24, s9;
	[sflag:s18] =	ssyncset.done $0x0  }
0x34: {  	v4 =	vor.u32 s24, v1;
	s25 =	sadd.s32 $0x10, s24;
	s26 =	sadd.s32 $0x20, s24;
	[sflag:s18] =	ssyncadd.s32 $0xFFFFF800  }
0x35: {  	s28 =	sadd.s32 $0x70, s24;
	v5 =	vor.u32 s26, v1;
	s26 =	sadd.s32 $0x50, s24;
	[tilespmem:$0x180] =	vst v4;
	v4 =	vor.u32 s25, v1;
	s25 =	sadd.s32 $0x40, s24  }
0x36: {  	s29 =	sadd.s32 $0x30, s24;
	v7 =	vor.u32 s28, v1;
	v6 =	vor.u32 s26, v1;
	s24 =	sadd.s32 $0x60, s24;
	[tilespmem:$0x190] =	vst v4;
	v4 =	vor.u32 s25, v1  }
0x37: {  	v8 =	vor.u32 s29, v1;
	v9 =	vor.u32 s24, v1;
	[tilespmem:$0x1F0] =	vst v7  }
0x38: {  	[tilespmem:$0x1A0] =	vst v5  }
.Ltmp1:
0x39: {  	[tilespmem:$0x1D0] =	vst v6;
	(pc) =	sbr.rel @p0 .LBB2_4-.Ltmp1, $4  }
0x3a: {  	[tilespmem:$0x1C0] =	vst v4  }
0x3b: {  	[tilespmem:$0x1B0] =	vst v8  }
0x3c: {  	[tilespmem:$0x1E0] =	vst v9  }
0x3d: {  	[spmem:s4] =	stream.indirect.scatter [tilespmem:s17], [sflag:$0x2], $0x80, s16, s15, $0xb8;
	[tilespmem:$0x1EA00] =	vst v63  }
0x3e: {  	_ =	swait.ge [sflag:s18], $0x4000  }
0x3f: {  	[sflag:s18] =	ssyncset.done $0x0  }
0x40: {  	[sflag:s18] =	ssyncadd.s32 $0xFFFFC000  }
0x41: {  	[spmem:s5] =	stream.indirect.scatter [tilespmem:s19], [sflag:$0x2], $0x10, s16, s15, $0xb8;
	[tilespmem:$0x1EA00] =	vst v63  }
0x42: {  	_ =	swait.ge [sflag:s18], $0x800  }
0x43: {  	[sflag:s18] =	ssyncset.done $0x0  }
0x44: {  	[sflag:s18] =	ssyncadd.s32 $0xFFFFF800  }
0x45: {  	s23 =	simm.s32 $0x0;
	s24 =	simm.s32 $0x0;
	[bflag:$0x0] =	sbarrier.arrive $0xFFFF  }
.LBB2_6:
0x46: {  	s25 =	sshll.u32 s24, $0xC  }
0x47: {  	s25 =	sor.u32 s11, s25  }
0x48: {  	s25 =	sshrl.u32 s25, $0x3  }
0x49: {  	s26 =	sadd.s32 s7, s25  }
0x4a: {  	[tilespmem:s23], [sflag:$0x2] =	stream.linear.gather [hbm4b:s26+s23], $0x80, $0x38;
	[tilespmem:$0x1EA00] =	vst v63  }
0x4b: {  	_ =	swait.ge [sflag:s18], $0x80  }
0x4c: {  	[sflag:s18] =	ssyncset.done $0x0  }
0x4d: {  	s30 =	sadd.s32 s8, s25;
	[sflag:s18] =	ssyncadd.s32 $0xFFFFFF80  }
0x4e: {  	[tilespmem:s15], [sflag:$0x2] =	stream.linear.gather [hbm4b:s30+s23], $0x80, $0x38;
	[tilespmem:$0x1EA00] =	vst v63  }
0x4f: {  	_ =	swait.ge [sflag:s18], $0x80  }
0x50: {  	[sflag:s18] =	ssyncset.done $0x0  }
0x51: {  	s25 =	sadd.s32 s1, s25;
	[sflag:s18] =	ssyncadd.s32 $0xFFFFFF80  }
0x52: {  	[tilespmem:s20], [sflag:$0x2] =	stream.linear.gather [hbm4b:s25+s23], $0x80, $0x38;
	[tilespmem:$0x1EA00] =	vst v63  }
0x53: {  	_ =	swait.ge [sflag:s18], $0x80  }
0x54: {  	[sflag:s18] =	ssyncset.done $0x0  }
0x55: {  	[sflag:s18] =	ssyncadd.s32 $0xFFFFFF80  }
0x56: {  	[tilespmem:s17], [sflag:$0x1] =	stream.indirect.gather [hbm4b:s0+s15], $0x80, s23, s15, $0xb8;
	[tilespmem:$0x1EA00] =	vst v63  }
0x57: {  	_ =	swait.ge [sflag:s21], $0x4000  }
0x58: {  	[sflag:s21] =	ssyncset.done $0x0  }
0x59: {  	s31 =	simm.s32 $0x0;
	[sflag:s21] =	ssyncadd.s32 $0xFFFFC000  }
0x5a: {  	v4 =	vld [tilespmem:s31+$0x80]  }
0x5b: {  	v5 =	vld [tilespmem:s31+$0x0]  }
0x5c: {  	v6 =	vld [tilespmem:s31+$0x100];
	_ =	sdelay $0x4  }
0x5d: {  	s25 =	simm.s32 $0x0;
	vm0 =	veq.s32 v5, v4;
	v5 =	vmul.f32 v6, v6  }
0x5e: {  	v7 =	vld [tilespmem:s25+$0x200];
	v4 =	vsel vm0, $0x0, v2  }
0x5f: {  	v6 =	vld [tilespmem:s25+$0x210];
	v9 =	vbroadcast v4, $0x0;
	v5 =	vmul.f32 v4, v5  }
0x60: {  	v10 =	vld [tilespmem:s25+$0x240];
	v11 =	vbroadcast v4, $0x1  }
0x61: {  	v12 =	vld [tilespmem:s25+$0x250];
	v9 =	vmul.f32 v3, v9;
	v13 =	vbroadcast v5, $0x0  }
0x62: {  	v14 =	vld [tilespmem:s25+$0x260];
	v11 =	vmul.f32 v3, v11  }
0x63: {  	v46 =	vld [tilespmem:s25+$0x270];
	[tilespmem:s25+$0x4200] =	vst v9;
	v7 =	vmul.f32 v13, v7  }
0x64: {  	v47 =	vld [tilespmem:s25+$0x280];
	[tilespmem:s25+$0x4280] =	vst v11;
	v6 =	vmul.f32 v6, v13  }
0x65: {  	v50 =	vld [tilespmem:s25+$0x2D0];
	v10 =	vmul.f32 v10, v13;
	[tilespmem:s25+$0x200] =	vst v7  }
0x66: {  	v12 =	vmul.f32 v12, v13;
	v7 =	vld [tilespmem:s25+$0x290];
	[tilespmem:s25+$0x210] =	vst v6  }
0x67: {  	v15 =	vbroadcast v5, $0x1;
	v14 =	vmul.f32 v14, v13;
	v6 =	vld [tilespmem:s25+$0x2A0];
	[tilespmem:s25+$0x240] =	vst v10  }
0x68: {  	v48 =	vld [tilespmem:s25+$0x2B0];
	v9 =	vmul.f32 v46, v13;
	[tilespmem:s25+$0x250] =	vst v12  }
0x69: {  	v49 =	vld [tilespmem:s25+$0x2C0];
	v11 =	vmul.f32 v47, v15;
	[tilespmem:s25+$0x260] =	vst v14  }
0x6a: {  	v8 =	vld [tilespmem:s25+$0x220];
	v54 =	vmul.f32 v50, v15;
	[tilespmem:s25+$0x270] =	vst v9  }
0x6b: {  	v20 =	vld [tilespmem:s25+$0x3D0];
	[tilespmem:s25+$0x280] =	vst v11;
	v7 =	vmul.f32 v7, v15  }
0x6c: {  	v16 =	vld [tilespmem:s25+$0x230];
	[tilespmem:s25+$0x2D0] =	vst v54;
	v6 =	vmul.f32 v6, v15  }
0x6d: {  	v51 =	vld [tilespmem:s25+$0x2E0];
	[tilespmem:s25+$0x290] =	vst v7;
	v7 =	vmul.f32 v48, v15  }
0x6e: {  	v52 =	vld [tilespmem:s25+$0x2F0];
	v63 =	vbroadcast v5, $0x3;
	[tilespmem:s25+$0x2A0] =	vst v6;
	v6 =	vmul.f32 v49, v15  }
0x6f: {  	v8 =	vmul.f32 v8, v13;
	[tilespmem:s25+$0x2B0] =	vst v7;
	v7 =	vld [tilespmem:s25+$0x320]  }
0x70: {  	v24 =	vmul.f32 v20, v63;
	[tilespmem:s25+$0x2C0] =	vst v6;
	v6 =	vld [tilespmem:s25+$0x310]  }
0x71: {  	v53 =	vld [tilespmem:s25+$0x300];
	v13 =	vmul.f32 v16, v13;
	[tilespmem:s25+$0x220] =	vst v8  }
0x72: {  	v55 =	vld [tilespmem:s25+$0x330];
	v56 =	vbroadcast v5, $0x2;
	v9 =	vmul.f32 v51, v15;
	[tilespmem:s25+$0x3D0] =	vst v24  }
0x73: {  	v60 =	vld [tilespmem:s25+$0x380];
	v11 =	vmul.f32 v52, v15;
	[tilespmem:s25+$0x230] =	vst v13  }
0x74: {  	v31 =	vld [tilespmem:s25+$0x4B0];
	[tilespmem:s25+$0x2E0] =	vst v9;
	v7 =	vmul.f32 v7, v56  }
0x75: {  	v36 =	vld [tilespmem:s25+$0x340];
	[tilespmem:s25+$0x2F0] =	vst v11;
	v6 =	vmul.f32 v6, v56  }
0x76: {  	v10 =	vmul.f32 v53, v56;
	[tilespmem:s25+$0x320] =	vst v7;
	v7 =	vld [tilespmem:s25+$0x390]  }
0x77: {  	v33 =	vbroadcast v5, $0x5;
	v12 =	vmul.f32 v55, v56;
	[tilespmem:s25+$0x310] =	vst v6;
	v6 =	vld [tilespmem:s25+$0x3A0]  }
0x78: {  	v57 =	vld [tilespmem:s25+$0x350];
	v8 =	vmul.f32 v60, v63;
	[tilespmem:s25+$0x300] =	vst v10  }
0x79: {  	v58 =	vld [tilespmem:s25+$0x360];
	v13 =	vmul.f32 v31, v33;
	[tilespmem:s25+$0x330] =	vst v12  }
0x7a: {  	v59 =	vld [tilespmem:s25+$0x370];
	v14 =	vmul.f32 v36, v56;
	[tilespmem:s25+$0x380] =	vst v8  }
0x7b: {  	v61 =	vld [tilespmem:s25+$0x3B0];
	[tilespmem:s25+$0x4B0] =	vst v13;
	v7 =	vmul.f32 v7, v63  }
0x7c: {  	v22 =	vld [tilespmem:s25+$0x3F0];
	[tilespmem:s25+$0x340] =	vst v14;
	v6 =	vmul.f32 v6, v63  }
0x7d: {  	v9 =	vmul.f32 v57, v56;
	[tilespmem:s25+$0x390] =	vst v7;
	v7 =	vld [tilespmem:s25+$0x400]  }
0x7e: {  	v11 =	vmul.f32 v58, v56;
	[tilespmem:s25+$0x3A0] =	vst v6;
	v6 =	vld [tilespmem:s25+$0x410]  }
0x7f: {  	v62 =	vld [tilespmem:s25+$0x3C0];
	v10 =	vmul.f32 v59, v56;
	[tilespmem:s25+$0x350] =	vst v9  }
0x80: {  	v21 =	vld [tilespmem:s25+$0x3E0];
	v26 =	vbroadcast v5, $0x4;
	v12 =	vmul.f32 v61, v63;
	[tilespmem:s25+$0x360] =	vst v11  }
0x81: {  	v23 =	vld [tilespmem:s25+$0x420];
	v8 =	vmul.f32 v22, v63;
	[tilespmem:s25+$0x370] =	vst v10  }
0x82: {  	v25 =	vld [tilespmem:s25+$0x430];
	[tilespmem:s25+$0x3B0] =	vst v12;
	v7 =	vmul.f32 v7, v26  }
0x83: {  	v28 =	vld [tilespmem:s25+$0x460];
	[tilespmem:s25+$0x3F0] =	vst v8;
	v6 =	vmul.f32 v6, v26  }
0x84: {  	v9 =	vmul.f32 v62, v63;
	[tilespmem:s25+$0x400] =	vst v7;
	v7 =	vld [tilespmem:s25+$0x470]  }
0x85: {  	v10 =	vmul.f32 v21, v63;
	[tilespmem:s25+$0x410] =	vst v6;
	v6 =	vld [tilespmem:s25+$0x480]  }
0x86: {  	v27 =	vld [tilespmem:s25+$0x450];
	v12 =	vmul.f32 v23, v26;
	[tilespmem:s25+$0x3C0] =	vst v9  }
0x87: {  	v29 =	vld [tilespmem:s25+$0x490];
	v11 =	vmul.f32 v25, v26;
	[tilespmem:s25+$0x3E0] =	vst v10  }
0x88: {  	v30 =	vld [tilespmem:s25+$0x4A0];
	v8 =	vmul.f32 v28, v26;
	[tilespmem:s25+$0x420] =	vst v12  }
0x89: {  	v34 =	vld [tilespmem:s25+$0x4D0];
	[tilespmem:s25+$0x430] =	vst v11;
	v7 =	vmul.f32 v7, v26  }
0x8a: {  	v42 =	vld [tilespmem:s25+$0x440];
	[tilespmem:s25+$0x460] =	vst v8;
	v6 =	vmul.f32 v6, v33  }
0x8b: {  	v10 =	vmul.f32 v27, v26;
	[tilespmem:s25+$0x470] =	vst v7;
	v7 =	vld [tilespmem:s25+$0x4E0]  }
0x8c: {  	v12 =	vmul.f32 v29, v33;
	[tilespmem:s25+$0x480] =	vst v6;
	v6 =	vld [tilespmem:s25+$0x4F0]  }
0x8d: {  	v57 =	vld [tilespmem:s25+$0x510];
	v11 =	vmul.f32 v30, v33;
	[tilespmem:s25+$0x450] =	vst v10  }
0x8e: {  	v32 =	vld [tilespmem:s25+$0x4C0];
	v8 =	vmul.f32 v34, v33;
	[tilespmem:s25+$0x490] =	vst v12  }
0x8f: {  	v35 =	vld [tilespmem:s25+$0x500];
	v9 =	vmul.f32 v42, v26;
	[tilespmem:s25+$0x4A0] =	vst v11  }
0x90: {  	v37 =	vld [tilespmem:s25+$0x520];
	v40 =	vbroadcast v5, $0x6;
	[tilespmem:s25+$0x4D0] =	vst v8;
	v7 =	vmul.f32 v7, v33  }
0x91: {  	v39 =	vld [tilespmem:s25+$0x540];
	[tilespmem:s25+$0x440] =	vst v9;
	v6 =	vmul.f32 v6, v33  }
0x92: {  	v13 =	vmul.f32 v57, v40;
	[tilespmem:s25+$0x4E0] =	vst v7;
	v7 =	vld [tilespmem:s25+$0x550]  }
0x93: {  	v10 =	vmul.f32 v32, v33;
	[tilespmem:s25+$0x4F0] =	vst v6;
	v6 =	vld [tilespmem:s25+$0x560]  }
0x94: {  	v38 =	vld [tilespmem:s25+$0x530];
	v12 =	vmul.f32 v35, v40;
	[tilespmem:s25+$0x510] =	vst v13  }
0x95: {  	v41 =	vld [tilespmem:s25+$0x570];
	v11 =	vmul.f32 v37, v40;
	[tilespmem:s25+$0x4C0] =	vst v10  }
0x96: {  	v43 =	vld [tilespmem:s25+$0x590];
	v8 =	vmul.f32 v39, v40;
	[tilespmem:s25+$0x500] =	vst v12  }
0x97: {  	v45 =	vld [tilespmem:s25+$0x5B0];
	[tilespmem:s25+$0x520] =	vst v11;
	v7 =	vmul.f32 v7, v40  }
0x98: {  	v44 =	vld [tilespmem:s25+$0x5A0];
	[tilespmem:s25+$0x540] =	vst v8;
	v6 =	vmul.f32 v6, v40  }
0x99: {  	v46 =	vbroadcast v5, $0x7;
	v10 =	vmul.f32 v38, v40;
	[tilespmem:s25+$0x550] =	vst v7;
	v7 =	vld [tilespmem:s25+$0x5C0]  }
0x9a: {  	v12 =	vmul.f32 v41, v40;
	[tilespmem:s25+$0x560] =	vst v6;
	v6 =	vld [tilespmem:s25+$0x5D0]  }
0x9b: {  	v47 =	vld [tilespmem:s25+$0x5E0];
	v11 =	vmul.f32 v43, v46;
	[tilespmem:s25+$0x530] =	vst v10  }
0x9c: {  	v48 =	vld [tilespmem:s25+$0x5F0];
	v8 =	vmul.f32 v45, v46;
	[tilespmem:s25+$0x570] =	vst v12  }
0x9d: {  	v49 =	vld [tilespmem:s25+$0x600];
	v10 =	vmul.f32 v44, v46;
	[tilespmem:s25+$0x590] =	vst v11  }
0x9e: {  	v51 =	vld [tilespmem:s25+$0x620];
	[tilespmem:s25+$0x5B0] =	vst v8;
	v7 =	vmul.f32 v7, v46  }
0x9f: {  	v50 =	vld [tilespmem:s25+$0x610];
	[tilespmem:s25+$0x5A0] =	vst v10;
	v6 =	vmul.f32 v6, v46  }
0xa0: {  	v52 =	vbroadcast v5, $0x8;
	v12 =	vmul.f32 v47, v46;
	[tilespmem:s25+$0x5C0] =	vst v7;
	v7 =	vld [tilespmem:s25+$0x630]  }
0xa1: {  	v9 =	vmul.f32 v48, v46;
	[tilespmem:s25+$0x5D0] =	vst v6;
	v6 =	vld [tilespmem:s25+$0x640]  }
0xa2: {  	v53 =	vld [tilespmem:s25+$0x650];
	v11 =	vmul.f32 v49, v52;
	[tilespmem:s25+$0x5E0] =	vst v12  }
0xa3: {  	v54 =	vld [tilespmem:s25+$0x660];
	v8 =	vmul.f32 v51, v52;
	[tilespmem:s25+$0x5F0] =	vst v9  }
0xa4: {  	v55 =	vld [tilespmem:s25+$0x670];
	v10 =	vmul.f32 v50, v52;
	[tilespmem:s25+$0x600] =	vst v11  }
0xa5: {  	v58 =	vld [tilespmem:s25+$0x580];
	[tilespmem:s25+$0x620] =	vst v8;
	v7 =	vmul.f32 v7, v52  }
0xa6: {  	v21 =	vld [tilespmem:s25+$0x750];
	[tilespmem:s25+$0x610] =	vst v10;
	v6 =	vmul.f32 v6, v52  }
0xa7: {  	v60 =	vld [tilespmem:s25+$0x6B0];
	[tilespmem:s25+$0x630] =	vst v7;
	v7 =	vmul.f32 v53, v52  }
0xa8: {  	v9 =	vmul.f32 v54, v52;
	[tilespmem:s25+$0x640] =	vst v6;
	v6 =	vld [tilespmem:s25+$0x690]  }
0xa9: {  	v20 =	vbroadcast v5, $0xA;
	v11 =	vmul.f32 v55, v52;
	[tilespmem:s25+$0x650] =	vst v7;
	v7 =	vld [tilespmem:s25+$0x6A0]  }
0xaa: {  	v59 =	vbroadcast v5, $0x9;
	v61 =	vld [tilespmem:s25+$0x6C0];
	v8 =	vmul.f32 v58, v46;
	[tilespmem:s25+$0x660] =	vst v9  }
0xab: {  	v16 =	vld [tilespmem:s25+$0x6F0];
	v12 =	vmul.f32 v21, v20;
	[tilespmem:s25+$0x670] =	vst v11  }
0xac: {  	v17 =	vld [tilespmem:s25+$0x720];
	[tilespmem:s25+$0x580] =	vst v8;
	v9 =	vmul.f32 v60, v59  }
0xad: {  	v18 =	vld [tilespmem:s25+$0x730];
	[tilespmem:s25+$0x750] =	vst v12;
	v6 =	vmul.f32 v6, v59  }
0xae: {  	v22 =	vld [tilespmem:s25+$0x760];
	[tilespmem:s25+$0x6B0] =	vst v9;
	v7 =	vmul.f32 v7, v59  }
0xaf: {  	v11 =	vmul.f32 v61, v59;
	[tilespmem:s25+$0x690] =	vst v6;
	v6 =	vld [tilespmem:s25+$0x700]  }
0xb0: {  	v8 =	vmul.f32 v16, v59;
	[tilespmem:s25+$0x6A0] =	vst v7;
	v7 =	vld [tilespmem:s25+$0x710]  }
0xb1: {  	v56 =	vld [tilespmem:s25+$0x680];
	[tilespmem:s25+$0x6C0] =	vst v11;
	v9 =	vmul.f32 v17, v20  }
0xb2: {  	v23 =	vld [tilespmem:s25+$0x790];
	[tilespmem:s25+$0x6F0] =	vst v8;
	v11 =	vmul.f32 v18, v20  }
0xb3: {  	v24 =	vld [tilespmem:s25+$0x7A0];
	v8 =	vmul.f32 v22, v20;
	[tilespmem:s25+$0x720] =	vst v9  }
0xb4: {  	v28 =	vld [tilespmem:s25+$0x7D0];
	[tilespmem:s25+$0x730] =	vst v11;
	v6 =	vmul.f32 v6, v20  }
0xb5: {  	v62 =	vld [tilespmem:s25+$0x6D0];
	v27 =	vbroadcast v5, $0xB;
	[tilespmem:s25+$0x760] =	vst v8;
	v7 =	vmul.f32 v7, v20  }
0xb6: {  	v10 =	vmul.f32 v56, v59;
	[tilespmem:s25+$0x700] =	vst v6;
	v6 =	vld [tilespmem:s25+$0x770]  }
0xb7: {  	v9 =	vmul.f32 v23, v27;
	[tilespmem:s25+$0x710] =	vst v7;
	v7 =	vld [tilespmem:s25+$0x780]  }
0xb8: {  	v29 =	vld [tilespmem:s25+$0x800];
	v11 =	vmul.f32 v24, v27;
	[tilespmem:s25+$0x680] =	vst v10  }
0xb9: {  	v30 =	vld [tilespmem:s25+$0x810];
	v8 =	vmul.f32 v28, v27;
	[tilespmem:s25+$0x790] =	vst v9  }
0xba: {  	v19 =	vld [tilespmem:s25+$0x740];
	v10 =	vmul.f32 v62, v59;
	[tilespmem:s25+$0x7A0] =	vst v11  }
0xbb: {  	v34 =	vbroadcast v5, $0xC;
	v35 =	vld [tilespmem:s25+$0x870];
	[tilespmem:s25+$0x7D0] =	vst v8;
	v6 =	vmul.f32 v6, v20  }
0xbc: {  	v25 =	vld [tilespmem:s25+$0x7B0];
	[tilespmem:s25+$0x6D0] =	vst v10;
	v7 =	vmul.f32 v7, v27  }
0xbd: {  	v9 =	vmul.f32 v29, v34;
	[tilespmem:s25+$0x770] =	vst v6;
	v6 =	vld [tilespmem:s25+$0x7E0]  }
0xbe: {  	v11 =	vmul.f32 v30, v34;
	[tilespmem:s25+$0x780] =	vst v7;
	v7 =	vld [tilespmem:s25+$0x7F0]  }
0xbf: {  	v63 =	vld [tilespmem:s25+$0x6E0];
	v10 =	vmul.f32 v19, v20;
	[tilespmem:s25+$0x800] =	vst v9  }
0xc0: {  	[tilespmem:s25+$0x810] =	vst v11;
	v9 =	vmul.f32 v35, v34;
	v26 =	vld [tilespmem:s25+$0x7C0]  }
0xc1: {  	v31 =	vld [tilespmem:s25+$0x820];
	[tilespmem:s25+$0x740] =	vst v10;
	v10 =	vmul.f32 v25, v27  }
0xc2: {  	v32 =	vld [tilespmem:s25+$0x830];
	[tilespmem:s25+$0x870] =	vst v9;
	v6 =	vmul.f32 v6, v27  }
0xc3: {  	[tilespmem:s25+$0x7B0] =	vst v10;
	v33 =	vld [tilespmem:s25+$0x840];
	v7 =	vmul.f32 v7, v27  }
0xc4: {  	v13 =	vmul.f32 v63, v59;
	[tilespmem:s25+$0x7E0] =	vst v6;
	v6 =	vld [tilespmem:s25+$0x850]  }
0xc5: {  	v12 =	vmul.f32 v26, v27;
	[tilespmem:s25+$0x7F0] =	vst v7;
	v7 =	vld [tilespmem:s25+$0x860]  }
0xc6: {  	v36 =	vld [tilespmem:s25+$0x880];
	v10 =	vmul.f32 v31, v34;
	[tilespmem:s25+$0x6E0] =	vst v13  }
0xc7: {  	v37 =	vld [tilespmem:s25+$0x890];
	[tilespmem:s25+$0x7C0] =	vst v12;
	v12 =	vmul.f32 v32, v34  }
0xc8: {  	v38 =	vld [tilespmem:s25+$0x8A0];
	[tilespmem:s25+$0x820] =	vst v10;
	v8 =	vmul.f32 v33, v34  }
0xc9: {  	v39 =	vld [tilespmem:s25+$0x8B0];
	[tilespmem:s25+$0x830] =	vst v12;
	v40 =	vbroadcast v5, $0xD;
	v6 =	vmul.f32 v6, v34  }
0xca: {  	v41 =	vld [tilespmem:s25+$0x8E0];
	[tilespmem:s25+$0x840] =	vst v8;
	v7 =	vmul.f32 v7, v34  }
0xcb: {  	v11 =	vmul.f32 v36, v40;
	[tilespmem:s25+$0x850] =	vst v6;
	v6 =	vld [tilespmem:s25+$0x8C0]  }
0xcc: {  	v10 =	vmul.f32 v37, v40;
	[tilespmem:s25+$0x860] =	vst v7;
	v7 =	vld [tilespmem:s25+$0x8D0]  }
0xcd: {  	v42 =	vld [tilespmem:s25+$0x8F0];
	v12 =	vmul.f32 v38, v40;
	[tilespmem:s25+$0x880] =	vst v11  }
0xce: {  	v43 =	vld [tilespmem:s25+$0x900];
	v8 =	vmul.f32 v39, v40;
	[tilespmem:s25+$0x890] =	vst v10  }
0xcf: {  	v44 =	vld [tilespmem:s25+$0x910];
	v9 =	vmul.f32 v41, v40;
	[tilespmem:s25+$0x8A0] =	vst v12  }
0xd0: {  	v45 =	vld [tilespmem:s25+$0x920];
	[tilespmem:s25+$0x8B0] =	vst v8;
	v6 =	vmul.f32 v6, v40  }
0xd1: {  	v47 =	vld [tilespmem:s25+$0x950];
	[tilespmem:s25+$0x8E0] =	vst v9;
	v46 =	vbroadcast v5, $0xE;
	v7 =	vmul.f32 v7, v40  }
0xd2: {  	v11 =	vmul.f32 v42, v40;
	[tilespmem:s25+$0x8C0] =	vst v6;
	v6 =	vld [tilespmem:s25+$0x930]  }
0xd3: {  	v10 =	vmul.f32 v43, v46;
	[tilespmem:s25+$0x8D0] =	vst v7;
	v7 =	vld [tilespmem:s25+$0x940]  }
0xd4: {  	v48 =	vld [tilespmem:s25+$0x960];
	[tilespmem:s25+$0x8F0] =	vst v11;
	v12 =	vmul.f32 v44, v46  }
0xd5: {  	v49 =	vld [tilespmem:s25+$0x970];
	v8 =	vmul.f32 v45, v46;
	[tilespmem:s25+$0x900] =	vst v10  }
0xd6: {  	v50 =	vld [tilespmem:s25+$0x980];
	v9 =	vmul.f32 v47, v46;
	[tilespmem:s25+$0x910] =	vst v12  }
0xd7: {  	v51 =	vld [tilespmem:s25+$0x990];
	[tilespmem:s25+$0x920] =	vst v8;
	v6 =	vmul.f32 v6, v46  }
0xd8: {  	[tilespmem:s25+$0x950] =	vst v9;
	v7 =	vmul.f32 v7, v46  }
0xd9: {  	v5 =	vbroadcast v5, $0xF;
	v11 =	vmul.f32 v48, v46;
	[tilespmem:s25+$0x930] =	vst v6;
	v6 =	vld [tilespmem:s25+$0x9A0]  }
0xda: {  	v10 =	vmul.f32 v49, v46;
	[tilespmem:s25+$0x940] =	vst v7;
	v7 =	vld [tilespmem:s25+$0x9B0]  }
0xdb: {  	v57 =	vbroadcast v4, $0x3;
	[tilespmem:s25+$0x960] =	vst v11;
	v12 =	vmul.f32 v50, v5;
	v52 =	vld [tilespmem:s25+$0x9C0]  }
0xdc: {  	v8 =	vmul.f32 v51, v5;
	[tilespmem:s25+$0x970] =	vst v10;
	v53 =	vld [tilespmem:s25+$0x9D0]  }
0xdd: {  	v54 =	vld [tilespmem:s25+$0x9E0];
	v9 =	vmul.f32 v3, v57;
	[tilespmem:s25+$0x980] =	vst v12  }
0xde: {  	v55 =	vld [tilespmem:s25+$0x9F0];
	[tilespmem:s25+$0x990] =	vst v8;
	v6 =	vmul.f32 v6, v5  }
0xdf: {  	[tilespmem:s25+$0x4380] =	vst v9;
	v7 =	vmul.f32 v7, v5  }
0xe0: {  	[tilespmem:s25+$0x9A0] =	vst v6;
	v6 =	vmul.f32 v52, v5  }
0xe1: {  	[tilespmem:s25+$0x9B0] =	vst v7;
	v7 =	vmul.f32 v53, v5  }
0xe2: {  	v56 =	vbroadcast v4, $0x2;
	[tilespmem:s25+$0x9C0] =	vst v6;
	v6 =	vmul.f32 v54, v5  }
0xe3: {  	v5 =	vmul.f32 v55, v5;
	[tilespmem:s25+$0x9D0] =	vst v7;
	v7 =	vbroadcast v4, $0x4  }
0xe4: {  	v8 =	vmul.f32 v3, v56;
	[tilespmem:s25+$0x9E0] =	vst v6;
	v6 =	vbroadcast v4, $0x5  }
0xe5: {  	[tilespmem:s25+$0x9F0] =	vst v5;
	v5 =	vbroadcast v4, $0x6;
	v7 =	vmul.f32 v3, v7  }
0xe6: {  	v58 =	vbroadcast v4, $0x7;
	[tilespmem:s25+$0x4300] =	vst v8;
	v6 =	vmul.f32 v3, v6  }
0xe7: {  	v59 =	vbroadcast v4, $0x8;
	v5 =	vmul.f32 v3, v5;
	[tilespmem:s25+$0x4400] =	vst v7  }
0xe8: {  	v7 =	vbroadcast v4, $0x9;
	[tilespmem:s25+$0x4480] =	vst v6;
	v6 =	vmul.f32 v3, v58  }
0xe9: {  	v60 =	vbroadcast v4, $0xA;
	[tilespmem:s25+$0x4500] =	vst v5;
	v5 =	vmul.f32 v3, v59  }
0xea: {  	v61 =	vbroadcast v4, $0xB;
	[tilespmem:s25+$0x4580] =	vst v6;
	v6 =	vmul.f32 v3, v7  }
0xeb: {  	v7 =	vbroadcast v4, $0xC;
	[tilespmem:s25+$0x4600] =	vst v5;
	v5 =	vmul.f32 v3, v60  }
0xec: {  	v62 =	vbroadcast v4, $0xD;
	[tilespmem:s25+$0x4680] =	vst v6;
	v6 =	vmul.f32 v3, v61  }
0xed: {  	v63 =	vbroadcast v4, $0xE;
	[tilespmem:s25+$0x4700] =	vst v5;
	v5 =	vmul.f32 v3, v7  }
0xee: {  	[tilespmem:s25+$0x4780] =	vst v6;
	v6 =	vmul.f32 v3, v62  }
0xef: {  	v4 =	vbroadcast v4, $0xF;
	[tilespmem:s25+$0x4800] =	vst v5;
	v5 =	vmul.f32 v3, v63  }
0xf0: {  	[tilespmem:s25+$0x4880] =	vst v6  }
0xf1: {  	s26 =	simm.s32 $0x1;
	v4 =	vmul.f32 v3, v4;
	[tilespmem:s25+$0x4900] =	vst v5  }
.LBB2_7:
0xf2: {  	s28 =	sshll.u32 s26, $0x4  }
0xf3: {  	p0 =	sne.s32 s26, $0x7;
	[tilespmem:s25+$0x4980] =	vst v4;
	s25 =	smov.u32 s26;
	s26 =	sadd.s32 $0x1, s26  }
0xf4: {  	v4 =	vld [tilespmem:s28+$0x100]  }
0xf5: {  	v5 =	vld [tilespmem:s28+$0x80]  }
0xf6: {  	v6 =	vld [tilespmem:s28+$0x0];
	_ =	sdelay $0x2  }
0xf7: {  	s25 =	sshll.u32 s25, $0xB;
	v4 =	vmul.f32 v4, v4  }
0xf8: {  	v7 =	vld [tilespmem:s25+$0x200]  }
0xf9: {  	vm0 =	veq.s32 v6, v5;
	v5 =	vld [tilespmem:s25+$0x210]  }
0xfa: {  	v18 =	vsel vm0, $0x0, v2;
	v6 =	vld [tilespmem:s25+$0x220]  }
0xfb: {  	v24 =	vmul.f32 v18, v4;
	v8 =	vbroadcast v18, $0x0  }
0xfc: {  	v10 =	vbroadcast v18, $0x1;
	v4 =	vbroadcast v18, $0x2;
	v9 =	vld [tilespmem:s25+$0x240]  }
0xfd: {  	v8 =	vmul.f32 v3, v8;
	v25 =	vbroadcast v24, $0x0;
	v11 =	vld [tilespmem:s25+$0x250]  }
0xfe: {  	v10 =	vmul.f32 v3, v10;
	v23 =	vbroadcast v24, $0xA;
	v12 =	vld [tilespmem:s25+$0x260]  }
0xff: {  	[tilespmem:s25+$0x4200] =	vst v8;
	v7 =	vmul.f32 v25, v7;
	v5 =	vmul.f32 v5, v25;
	v8 =	vld [tilespmem:s25+$0x270]  }
0x100: {  	v22 =	vbroadcast v24, $0xB;
	v16 =	vmul.f32 v6, v25;
	[tilespmem:s25+$0x4280] =	vst v10;
	v6 =	vld [tilespmem:s25+$0x280]  }
0x101: {  	v21 =	vbroadcast v24, $0xC;
	[tilespmem:s25+$0x200] =	vst v7;
	v7 =	vmul.f32 v9, v25;
	v9 =	vld [tilespmem:s25+$0x290]  }
0x102: {  	v20 =	vbroadcast v24, $0xD;
	[tilespmem:s25+$0x210] =	vst v5;
	v5 =	vmul.f32 v11, v25;
	v10 =	vld [tilespmem:s25+$0x2A0]  }
0x103: {  	v11 =	vbroadcast v24, $0x1;
	[tilespmem:s25+$0x240] =	vst v7;
	v7 =	vmul.f32 v12, v25;
	v12 =	vld [tilespmem:s25+$0x2B0]  }
0x104: {  	v19 =	vbroadcast v24, $0xE;
	[tilespmem:s25+$0x250] =	vst v5;
	v5 =	vmul.f32 v8, v25;
	v13 =	vld [tilespmem:s25+$0x2C0]  }
0x105: {  	[tilespmem:s25+$0x260] =	vst v7;
	v7 =	vmul.f32 v6, v11;
	v14 =	vld [tilespmem:s25+$0x2D0];
	v6 =	vbroadcast v24, $0xF  }
0x106: {  	[tilespmem:s25+$0x270] =	vst v5;
	v8 =	vmul.f32 v9, v11;
	v15 =	vld [tilespmem:s25+$0x2E0];
	v5 =	vbroadcast v18, $0x3  }
0x107: {  	[tilespmem:s25+$0x280] =	vst v7;
	v9 =	vmul.f32 v10, v11;
	v17 =	vld [tilespmem:s25+$0x2F0];
	v7 =	vbroadcast v18, $0x4  }
0x108: {  	[tilespmem:s25+$0x290] =	vst v8;
	v10 =	vmul.f32 v12, v11;
	v12 =	vld [tilespmem:s25+$0x300];
	v8 =	vbroadcast v18, $0x5  }
0x109: {  	[tilespmem:s25+$0x2A0] =	vst v9;
	v13 =	vmul.f32 v13, v11;
	v9 =	vbroadcast v18, $0x6  }
0x10a: {  	[tilespmem:s25+$0x2B0] =	vst v10;
	v14 =	vmul.f32 v14, v11;
	v27 =	vld [tilespmem:s25+$0x320];
	v10 =	vbroadcast v18, $0x7  }
0x10b: {  	v26 =	vbroadcast v24, $0x2;
	[tilespmem:s25+$0x2C0] =	vst v13;
	v13 =	vmul.f32 v15, v11;
	v28 =	vld [tilespmem:s25+$0x310]  }
0x10c: {  	[tilespmem:s25+$0x2D0] =	vst v14;
	v14 =	vmul.f32 v17, v11;
	v17 =	vld [tilespmem:s25+$0x330];
	v11 =	vbroadcast v18, $0x8  }
0x10d: {  	[tilespmem:s25+$0x2E0] =	vst v13;
	v15 =	vmul.f32 v12, v26;
	v29 =	vld [tilespmem:s25+$0x350];
	v13 =	vbroadcast v18, $0x9  }
0x10e: {  	v12 =	vbroadcast v18, $0xB;
	[tilespmem:s25+$0x2F0] =	vst v14;
	v30 =	vld [tilespmem:s25+$0x360];
	v14 =	vbroadcast v18, $0xA  }
0x10f: {  	[tilespmem:s25+$0x300] =	vst v15;
	v27 =	vmul.f32 v27, v26;
	v31 =	vld [tilespmem:s25+$0x370];
	v15 =	vbroadcast v18, $0xC  }
0x110: {  	[tilespmem:s25+$0x220] =	vst v16;
	v28 =	vmul.f32 v28, v26;
	v32 =	vld [tilespmem:s25+$0x380];
	v16 =	vbroadcast v18, $0xD  }
0x111: {  	[tilespmem:s25+$0x320] =	vst v27;
	v27 =	vmul.f32 v17, v26;
	v33 =	vld [tilespmem:s25+$0x390];
	v17 =	vbroadcast v18, $0xE  }
0x112: {  	v18 =	vbroadcast v18, $0xF;
	[tilespmem:s25+$0x310] =	vst v28;
	v28 =	vmul.f32 v29, v26;
	v29 =	vld [tilespmem:s25+$0x3A0]  }
0x113: {  	[tilespmem:s25+$0x330] =	vst v27;
	v27 =	vmul.f32 v30, v26;
	v30 =	vbroadcast v24, $0x3;
	v34 =	vld [tilespmem:s25+$0x3B0]  }
0x114: {  	[tilespmem:s25+$0x350] =	vst v28;
	v28 =	vmul.f32 v31, v26;
	v31 =	vld [tilespmem:s25+$0x3C0]  }
0x115: {  	[tilespmem:s25+$0x360] =	vst v27;
	v27 =	vmul.f32 v32, v30;
	v32 =	vld [tilespmem:s25+$0x3D0]  }
0x116: {  	[tilespmem:s25+$0x370] =	vst v28;
	v28 =	vmul.f32 v33, v30;
	v33 =	vld [tilespmem:s25+$0x3E0]  }
0x117: {  	[tilespmem:s25+$0x380] =	vst v27;
	v27 =	vmul.f32 v29, v30;
	v29 =	vld [tilespmem:s25+$0x3F0]  }
0x118: {  	[tilespmem:s25+$0x390] =	vst v28;
	v28 =	vmul.f32 v34, v30;
	v34 =	vld [tilespmem:s25+$0x400]  }
0x119: {  	[tilespmem:s25+$0x3A0] =	vst v27;
	v27 =	vmul.f32 v31, v30;
	v31 =	vld [tilespmem:s25+$0x410]  }
0x11a: {  	[tilespmem:s25+$0x3B0] =	vst v28;
	v28 =	vmul.f32 v32, v30;
	v32 =	vld [tilespmem:s25+$0x420]  }
0x11b: {  	[tilespmem:s25+$0x3C0] =	vst v27;
	v27 =	vmul.f32 v33, v30;
	v33 =	vbroadcast v24, $0x4;
	v35 =	vld [tilespmem:s25+$0x430]  }
0x11c: {  	v36 =	vld [tilespmem:s25+$0x230];
	[tilespmem:s25+$0x3D0] =	vst v28;
	v28 =	vmul.f32 v29, v30  }
0x11d: {  	[tilespmem:s25+$0x3E0] =	vst v27;
	v27 =	vmul.f32 v34, v33;
	v29 =	vld [tilespmem:s25+$0x450]  }
0x11e: {  	[tilespmem:s25+$0x3F0] =	vst v28;
	v28 =	vmul.f32 v31, v33;
	v30 =	vld [tilespmem:s25+$0x460]  }
0x11f: {  	[tilespmem:s25+$0x400] =	vst v27;
	v27 =	vmul.f32 v32, v33;
	v31 =	vld [tilespmem:s25+$0x470]  }
0x120: {  	[tilespmem:s25+$0x410] =	vst v28;
	v28 =	vmul.f32 v35, v33;
	v32 =	vld [tilespmem:s25+$0x480]  }
0x121: {  	v25 =	vmul.f32 v36, v25;
	[tilespmem:s25+$0x420] =	vst v27;
	v27 =	vld [tilespmem:s25+$0x490]  }
0x122: {  	[tilespmem:s25+$0x430] =	vst v28;
	v28 =	vmul.f32 v29, v33;
	v29 =	vld [tilespmem:s25+$0x4A0]  }
0x123: {  	[tilespmem:s25+$0x230] =	vst v25;
	v25 =	vmul.f32 v30, v33;
	v30 =	vbroadcast v24, $0x5;
	v34 =	vld [tilespmem:s25+$0x4B0]  }
0x124: {  	[tilespmem:s25+$0x450] =	vst v28;
	v28 =	vmul.f32 v31, v33;
	v31 =	vld [tilespmem:s25+$0x4C0]  }
0x125: {  	[tilespmem:s25+$0x460] =	vst v25;
	v25 =	vmul.f32 v32, v30;
	v32 =	vld [tilespmem:s25+$0x4D0]  }
0x126: {  	[tilespmem:s25+$0x470] =	vst v28;
	v27 =	vmul.f32 v27, v30;
	v28 =	vld [tilespmem:s25+$0x4E0]  }
0x127: {  	[tilespmem:s25+$0x480] =	vst v25;
	v25 =	vmul.f32 v29, v30;
	v29 =	vld [tilespmem:s25+$0x4F0]  }
0x128: {  	[tilespmem:s25+$0x490] =	vst v27;
	v27 =	vmul.f32 v34, v30;
	v34 =	vld [tilespmem:s25+$0x500]  }
0x129: {  	v35 =	vld [tilespmem:s25+$0x340];
	[tilespmem:s25+$0x4A0] =	vst v25;
	v25 =	vmul.f32 v31, v30  }
0x12a: {  	[tilespmem:s25+$0x4B0] =	vst v27;
	v27 =	vmul.f32 v32, v30;
	v31 =	vld [tilespmem:s25+$0x520]  }
0x12b: {  	[tilespmem:s25+$0x4C0] =	vst v25;
	v25 =	vmul.f32 v28, v30;
	v28 =	vbroadcast v24, $0x6;
	v32 =	vld [tilespmem:s25+$0x530]  }
0x12c: {  	[tilespmem:s25+$0x4D0] =	vst v27;
	v27 =	vmul.f32 v29, v30;
	v29 =	vld [tilespmem:s25+$0x540]  }
0x12d: {  	[tilespmem:s25+$0x4E0] =	vst v25;
	v25 =	vmul.f32 v34, v28;
	v30 =	vld [tilespmem:s25+$0x550]  }
0x12e: {  	v26 =	vmul.f32 v35, v26;
	[tilespmem:s25+$0x4F0] =	vst v27;
	v27 =	vld [tilespmem:s25+$0x560]  }
0x12f: {  	[tilespmem:s25+$0x500] =	vst v25;
	v25 =	vmul.f32 v31, v28;
	v31 =	vld [tilespmem:s25+$0x570]  }
0x130: {  	[tilespmem:s25+$0x340] =	vst v26;
	v26 =	vld [tilespmem:s25+$0x440];
	v32 =	vmul.f32 v32, v28  }
0x131: {  	[tilespmem:s25+$0x520] =	vst v25;
	v25 =	vmul.f32 v29, v28;
	v29 =	vld [tilespmem:s25+$0x590]  }
0x132: {  	[tilespmem:s25+$0x530] =	vst v32;
	v30 =	vmul.f32 v30, v28;
	v32 =	vld [tilespmem:s25+$0x5A0]  }
0x133: {  	[tilespmem:s25+$0x540] =	vst v25;
	v25 =	vmul.f32 v27, v28;
	v27 =	vld [tilespmem:s25+$0x5B0]  }
0x134: {  	[tilespmem:s25+$0x550] =	vst v30;
	v30 =	vmul.f32 v31, v28;
	v31 =	vbroadcast v24, $0x7;
	v34 =	vld [tilespmem:s25+$0x5C0]  }
0x135: {  	v26 =	vmul.f32 v26, v33;
	[tilespmem:s25+$0x560] =	vst v25;
	v25 =	vld [tilespmem:s25+$0x5D0]  }
0x136: {  	[tilespmem:s25+$0x570] =	vst v30;
	v29 =	vmul.f32 v29, v31;
	v30 =	vld [tilespmem:s25+$0x5E0]  }
0x137: {  	[tilespmem:s25+$0x440] =	vst v26;
	v26 =	vmul.f32 v32, v31;
	v32 =	vld [tilespmem:s25+$0x5F0]  }
0x138: {  	[tilespmem:s25+$0x590] =	vst v29;
	v27 =	vmul.f32 v27, v31;
	v29 =	vld [tilespmem:s25+$0x600]  }
0x139: {  	[tilespmem:s25+$0x5A0] =	vst v26;
	v26 =	vmul.f32 v34, v31;
	v33 =	vld [tilespmem:s25+$0x610]  }
0x13a: {  	[tilespmem:s25+$0x5B0] =	vst v27;
	v25 =	vmul.f32 v25, v31;
	v27 =	vld [tilespmem:s25+$0x620]  }
0x13b: {  	[tilespmem:s25+$0x5C0] =	vst v26;
	v26 =	vmul.f32 v30, v31;
	v30 =	vbroadcast v24, $0x8;
	v34 =	vld [tilespmem:s25+$0x630]  }
0x13c: {  	[tilespmem:s25+$0x5D0] =	vst v25;
	v25 =	vmul.f32 v32, v31;
	v32 =	vld [tilespmem:s25+$0x640]  }
0x13d: {  	[tilespmem:s25+$0x5E0] =	vst v26;
	v26 =	vmul.f32 v29, v30;
	v29 =	vld [tilespmem:s25+$0x650]  }
0x13e: {  	[tilespmem:s25+$0x5F0] =	vst v25;
	v25 =	vmul.f32 v33, v30;
	v33 =	vld [tilespmem:s25+$0x660]  }
0x13f: {  	[tilespmem:s25+$0x600] =	vst v26;
	v26 =	vmul.f32 v27, v30;
	v27 =	vld [tilespmem:s25+$0x670]  }
0x140: {  	[tilespmem:s25+$0x610] =	vst v25;
	v25 =	vmul.f32 v34, v30;
	v34 =	vld [tilespmem:s25+$0x680]  }
0x141: {  	v35 =	vld [tilespmem:s25+$0x510];
	[tilespmem:s25+$0x620] =	vst v26;
	v26 =	vmul.f32 v32, v30  }
0x142: {  	v32 =	vld [tilespmem:s25+$0x580];
	[tilespmem:s25+$0x630] =	vst v25;
	v25 =	vmul.f32 v29, v30  }
0x143: {  	v24 =	vbroadcast v24, $0x9;
	[tilespmem:s25+$0x640] =	vst v26;
	v26 =	vmul.f32 v33, v30;
	v29 =	vld [tilespmem:s25+$0x690]  }
0x144: {  	[tilespmem:s25+$0x650] =	vst v25;
	v25 =	vmul.f32 v27, v30;
	v27 =	vld [tilespmem:s25+$0x6A0]  }
0x145: {  	[tilespmem:s25+$0x660] =	vst v26;
	v26 =	vmul.f32 v34, v24;
	v30 =	vld [tilespmem:s25+$0x6B0]  }
0x146: {  	v28 =	vmul.f32 v35, v28;
	[tilespmem:s25+$0x670] =	vst v25;
	v25 =	vld [tilespmem:s25+$0x6C0]  }
0x147: {  	v31 =	vmul.f32 v32, v31;
	[tilespmem:s25+$0x680] =	vst v26;
	v26 =	vld [tilespmem:s25+$0x6D0]  }
0x148: {  	[tilespmem:s25+$0x510] =	vst v28;
	v28 =	vmul.f32 v29, v24;
	v29 =	vld [tilespmem:s25+$0x6E0]  }
0x149: {  	[tilespmem:s25+$0x580] =	vst v31;
	v27 =	vmul.f32 v27, v24;
	v31 =	vld [tilespmem:s25+$0x6F0]  }
0x14a: {  	[tilespmem:s25+$0x690] =	vst v28;
	v28 =	vmul.f32 v30, v24;
	v30 =	vld [tilespmem:s25+$0x700]  }
0x14b: {  	[tilespmem:s25+$0x6A0] =	vst v27;
	v25 =	vmul.f32 v25, v24;
	v27 =	vld [tilespmem:s25+$0x710]  }
0x14c: {  	[tilespmem:s25+$0x6B0] =	vst v28;
	v26 =	vmul.f32 v26, v24;
	v28 =	vld [tilespmem:s25+$0x720]  }
0x14d: {  	[tilespmem:s25+$0x6C0] =	vst v25;
	v25 =	vmul.f32 v29, v24;
	v29 =	vld [tilespmem:s25+$0x730]  }
0x14e: {  	[tilespmem:s25+$0x6D0] =	vst v26;
	v24 =	vmul.f32 v31, v24;
	v26 =	vld [tilespmem:s25+$0x740]  }
0x14f: {  	[tilespmem:s25+$0x6E0] =	vst v25;
	v25 =	vmul.f32 v30, v23;
	v30 =	vld [tilespmem:s25+$0x750]  }
0x150: {  	[tilespmem:s25+$0x6F0] =	vst v24;
	v24 =	vmul.f32 v27, v23;
	v27 =	vld [tilespmem:s25+$0x760]  }
0x151: {  	[tilespmem:s25+$0x700] =	vst v25;
	v25 =	vmul.f32 v28, v23;
	v28 =	vld [tilespmem:s25+$0x770]  }
0x152: {  	[tilespmem:s25+$0x710] =	vst v24;
	v24 =	vmul.f32 v29, v23;
	v29 =	vld [tilespmem:s25+$0x780]  }
0x153: {  	[tilespmem:s25+$0x720] =	vst v25;
	v25 =	vmul.f32 v26, v23;
	v26 =	vld [tilespmem:s25+$0x790]  }
0x154: {  	[tilespmem:s25+$0x730] =	vst v24;
	v24 =	vmul.f32 v30, v23;
	v30 =	vld [tilespmem:s25+$0x7A0]  }
0x155: {  	[tilespmem:s25+$0x740] =	vst v25;
	v25 =	vmul.f32 v27, v23;
	v27 =	vld [tilespmem:s25+$0x7B0]  }
0x156: {  	[tilespmem:s25+$0x750] =	vst v24;
	v23 =	vmul.f32 v28, v23;
	v24 =	vld [tilespmem:s25+$0x7C0]  }
0x157: {  	[tilespmem:s25+$0x760] =	vst v25;
	v25 =	vmul.f32 v29, v22;
	v28 =	vld [tilespmem:s25+$0x7D0]  }
0x158: {  	[tilespmem:s25+$0x770] =	vst v23;
	v23 =	vmul.f32 v26, v22;
	v26 =	vld [tilespmem:s25+$0x7E0]  }
0x159: {  	[tilespmem:s25+$0x780] =	vst v25;
	v25 =	vmul.f32 v30, v22;
	v29 =	vld [tilespmem:s25+$0x7F0]  }
0x15a: {  	[tilespmem:s25+$0x790] =	vst v23;
	v23 =	vmul.f32 v27, v22;
	v27 =	vld [tilespmem:s25+$0x800]  }
0x15b: {  	[tilespmem:s25+$0x7A0] =	vst v25;
	v24 =	vmul.f32 v24, v22;
	v25 =	vld [tilespmem:s25+$0x810]  }
0x15c: {  	[tilespmem:s25+$0x7B0] =	vst v23;
	v23 =	vmul.f32 v28, v22;
	v28 =	vld [tilespmem:s25+$0x820]  }
0x15d: {  	[tilespmem:s25+$0x7C0] =	vst v24;
	v24 =	vmul.f32 v26, v22;
	v26 =	vld [tilespmem:s25+$0x830]  }
0x15e: {  	[tilespmem:s25+$0x7D0] =	vst v23;
	v22 =	vmul.f32 v29, v22;
	v23 =	vld [tilespmem:s25+$0x840]  }
0x15f: {  	[tilespmem:s25+$0x7E0] =	vst v24;
	v24 =	vmul.f32 v27, v21;
	v27 =	vld [tilespmem:s25+$0x850]  }
0x160: {  	[tilespmem:s25+$0x7F0] =	vst v22;
	v22 =	vmul.f32 v25, v21;
	v25 =	vld [tilespmem:s25+$0x860]  }
0x161: {  	[tilespmem:s25+$0x800] =	vst v24;
	v24 =	vmul.f32 v28, v21;
	v28 =	vld [tilespmem:s25+$0x870]  }
0x162: {  	[tilespmem:s25+$0x810] =	vst v22;
	v22 =	vmul.f32 v26, v21;
	v26 =	vld [tilespmem:s25+$0x880]  }
0x163: {  	[tilespmem:s25+$0x820] =	vst v24;
	v23 =	vmul.f32 v23, v21;
	v24 =	vld [tilespmem:s25+$0x890]  }
0x164: {  	[tilespmem:s25+$0x830] =	vst v22;
	v22 =	vmul.f32 v27, v21;
	v27 =	vld [tilespmem:s25+$0x8A0]  }
0x165: {  	[tilespmem:s25+$0x840] =	vst v23;
	v23 =	vmul.f32 v25, v21;
	v25 =	vld [tilespmem:s25+$0x8B0]  }
0x166: {  	[tilespmem:s25+$0x850] =	vst v22;
	v21 =	vmul.f32 v28, v21;
	v22 =	vld [tilespmem:s25+$0x8C0]  }
0x167: {  	[tilespmem:s25+$0x860] =	vst v23;
	v23 =	vmul.f32 v26, v20;
	v26 =	vld [tilespmem:s25+$0x8D0]  }
0x168: {  	[tilespmem:s25+$0x870] =	vst v21;
	v21 =	vmul.f32 v24, v20;
	v24 =	vld [tilespmem:s25+$0x8E0]  }
0x169: {  	[tilespmem:s25+$0x880] =	vst v23;
	v23 =	vmul.f32 v27, v20;
	v27 =	vld [tilespmem:s25+$0x8F0]  }
0x16a: {  	[tilespmem:s25+$0x890] =	vst v21;
	v21 =	vmul.f32 v25, v20;
	v25 =	vld [tilespmem:s25+$0x900]  }
0x16b: {  	[tilespmem:s25+$0x8A0] =	vst v23;
	v22 =	vmul.f32 v22, v20;
	v23 =	vld [tilespmem:s25+$0x910]  }
0x16c: {  	[tilespmem:s25+$0x8B0] =	vst v21;
	v21 =	vmul.f32 v26, v20;
	v26 =	vld [tilespmem:s25+$0x920]  }
0x16d: {  	[tilespmem:s25+$0x8C0] =	vst v22;
	v22 =	vmul.f32 v24, v20;
	v24 =	vld [tilespmem:s25+$0x930]  }
0x16e: {  	[tilespmem:s25+$0x8D0] =	vst v21;
	v20 =	vmul.f32 v27, v20;
	v21 =	vld [tilespmem:s25+$0x940]  }
0x16f: {  	[tilespmem:s25+$0x8E0] =	vst v22;
	v22 =	vmul.f32 v25, v19;
	v25 =	vld [tilespmem:s25+$0x950]  }
0x170: {  	[tilespmem:s25+$0x8F0] =	vst v20;
	v20 =	vmul.f32 v23, v19;
	v23 =	vld [tilespmem:s25+$0x960]  }
0x171: {  	[tilespmem:s25+$0x900] =	vst v22;
	v22 =	vmul.f32 v26, v19;
	v26 =	vld [tilespmem:s25+$0x970]  }
0x172: {  	[tilespmem:s25+$0x910] =	vst v20;
	v20 =	vmul.f32 v24, v19;
	v24 =	vld [tilespmem:s25+$0x980]  }
0x173: {  	[tilespmem:s25+$0x920] =	vst v22;
	v21 =	vmul.f32 v21, v19;
	v22 =	vld [tilespmem:s25+$0x990]  }
0x174: {  	[tilespmem:s25+$0x930] =	vst v20;
	v20 =	vmul.f32 v25, v19;
	v25 =	vld [tilespmem:s25+$0x9A0]  }
0x175: {  	[tilespmem:s25+$0x940] =	vst v21;
	v21 =	vmul.f32 v23, v19;
	v23 =	vld [tilespmem:s25+$0x9B0]  }
0x176: {  	[tilespmem:s25+$0x950] =	vst v20;
	v19 =	vmul.f32 v26, v19;
	v20 =	vld [tilespmem:s25+$0x9C0]  }
0x177: {  	[tilespmem:s25+$0x960] =	vst v21;
	v21 =	vmul.f32 v24, v6;
	v24 =	vld [tilespmem:s25+$0x9D0]  }
0x178: {  	[tilespmem:s25+$0x970] =	vst v19;
	v19 =	vmul.f32 v22, v6;
	v22 =	vld [tilespmem:s25+$0x9E0]  }
0x179: {  	[tilespmem:s25+$0x980] =	vst v21;
	v21 =	vmul.f32 v25, v6;
	v25 =	vld [tilespmem:s25+$0x9F0]  }
0x17a: {  	[tilespmem:s25+$0x990] =	vst v19;
	v19 =	vmul.f32 v23, v6  }
0x17b: {  	[tilespmem:s25+$0x9A0] =	vst v21;
	v20 =	vmul.f32 v20, v6  }
0x17c: {  	[tilespmem:s25+$0x9B0] =	vst v19;
	v19 =	vmul.f32 v24, v6  }
0x17d: {  	[tilespmem:s25+$0x9C0] =	vst v20;
	v20 =	vmul.f32 v22, v6  }
0x17e: {  	[tilespmem:s25+$0x9D0] =	vst v19;
	v6 =	vmul.f32 v25, v6  }
0x17f: {  	v4 =	vmul.f32 v3, v4;
	[tilespmem:s25+$0x9E0] =	vst v20  }
0x180: {  	v5 =	vmul.f32 v3, v5;
	[tilespmem:s25+$0x9F0] =	vst v6  }
0x181: {  	[tilespmem:s25+$0x4300] =	vst v4;
	v4 =	vmul.f32 v3, v7  }
0x182: {  	[tilespmem:s25+$0x4380] =	vst v5;
	v5 =	vmul.f32 v3, v8  }
0x183: {  	[tilespmem:s25+$0x4400] =	vst v4;
	v4 =	vmul.f32 v3, v9  }
0x184: {  	[tilespmem:s25+$0x4480] =	vst v5;
	v5 =	vmul.f32 v3, v10  }
0x185: {  	[tilespmem:s25+$0x4500] =	vst v4;
	v4 =	vmul.f32 v3, v11  }
0x186: {  	[tilespmem:s25+$0x4580] =	vst v5;
	v5 =	vmul.f32 v3, v13  }
0x187: {  	[tilespmem:s25+$0x4600] =	vst v4;
	v4 =	vmul.f32 v3, v14  }
0x188: {  	[tilespmem:s25+$0x4680] =	vst v5;
	v5 =	vmul.f32 v3, v12  }
.Ltmp2:
0x189: {  	[tilespmem:s25+$0x4700] =	vst v4;
	v4 =	vmul.f32 v3, v15;
	(pc) =	sbr.rel @p0 .LBB2_7-.Ltmp2, $4  }
0x18a: {  	[tilespmem:s25+$0x4780] =	vst v5;
	v5 =	vmul.f32 v3, v16  }
0x18b: {  	v6 =	vmul.f32 v3, v17;
	[tilespmem:s25+$0x4800] =	vst v4  }
0x18c: {  	v4 =	vmul.f32 v3, v18;
	[tilespmem:s25+$0x4880] =	vst v5  }
0x18d: {  	[tilespmem:s25+$0x4900] =	vst v6  }
0x18e: {  	[tilespmem:s25+$0x4980] =	vst v4  }
0x18f: {  	[spmem:s4] =	stream.indirect.scatter.add.f32 [tilespmem:s17], [sflag:$0x2], $0x80, s15, s15, $0xb8;
	[tilespmem:$0x1EA00] =	vst v63  }
0x190: {  	s24 =	sadd.s32 $0x1, s24;
	_ =	swait.ge [sflag:s18], $0x4000  }
0x191: {  	p0 =	sne.s32 s24, s10;
	[sflag:s18] =	ssyncset.done $0x0  }
.Ltmp3:
0x192: {  	[sflag:s18] =	ssyncadd.s32 $0xFFFFC000;
	(pc) =	sbr.rel @p0 .LBB2_6-.Ltmp3, $4  }
0x193: {  	[spmem:s5] =	stream.indirect.scatter.add.f32 [tilespmem:s19], [sflag:$0x2], $0x10, s15, s15, $0xb8;
	[tilespmem:$0x1EA00] =	vst v63  }
0x194: {  	_ =	swait.ge [sflag:s18], $0x800  }
0x195: {  	[sflag:s18] =	ssyncset.done $0x0  }
0x196: {  	[sflag:s18] =	ssyncadd.s32 $0xFFFFF800  }
0x197: {  	s23 =	sadd.s32 $0x0, s9  }
0x198: {  	[bflag:$0x0] =	sbarrier.arrive $0xFFFF;
	v4 =	vor.u32 s23, v1;
	s24 =	sadd.s32 $0x10, s23  }
0x199: {  	s25 =	sadd.s32 $0x20, s23;
	[tilespmem:$0x180] =	vst v4;
	v4 =	vor.u32 s24, v1  }
0x19a: {  	s28 =	sadd.s32 $0x70, s23;
	v5 =	vor.u32 s25, v1;
	[tilespmem:$0x190] =	vst v4  }
0x19b: {  	s30 =	sadd.s32 $0x40, s23;
	v4 =	vor.u32 s28, v1;
	[tilespmem:$0x1A0] =	vst v5  }
0x19c: {  	s29 =	sadd.s32 $0x50, s23;
	v5 =	vor.u32 s30, v1;
	[tilespmem:$0x1F0] =	vst v4  }
0x19d: {  	s31 =	sadd.s32 $0x30, s23;
	s23 =	sadd.s32 $0x60, s23;
	v4 =	vor.u32 s29, v1;
	[tilespmem:$0x1C0] =	vst v5  }
0x19e: {  	v5 =	vor.u32 s23, v1;
	[tilespmem:$0x1D0] =	vst v4  }
0x19f: {  	v4 =	vor.u32 s31, v1;
	[tilespmem:$0x1E0] =	vst v5  }
0x1a0: {  	[tilespmem:$0x1B0] =	vst v4  }
0x1a1: {  	[tilespmem:s17], [sflag:$0x2] =	stream.indirect.gather [spmem:s4], $0x80, s16, s15, $0xb8;
	[tilespmem:$0x1EA00] =	vst v63  }
0x1a2: {  	_ =	swait.ge [sflag:s18], $0x4000  }
0x1a3: {  	[sflag:s18] =	ssyncset.done $0x0  }
0x1a4: {  	[sflag:s18] =	ssyncadd.s32 $0xFFFFC000  }
0x1a5: {  	[tilespmem:s19], [sflag:$0x2] =	stream.indirect.gather [spmem:s5], $0x10, s16, s15, $0xb8;
	[tilespmem:$0x1EA00] =	vst v63  }
0x1a6: {  	_ =	swait.ge [sflag:s18], $0x800  }
0x1a7: {  	s26 =	smov.u32 s14;
	s24 =	smov.u32 s13;
	[sflag:s18] =	ssyncset.done $0x0  }
0x1a8: {  	s25 =	smov.u32 s13;
	s23 =	simm.s32 $0x80;
	[sflag:s18] =	ssyncadd.s32 $0xFFFFF800  }
0x1a9: {  	[hbm4b:s14+s6] =	stream.linear.scatter [tilespmem:s17], [sflag:$0x2], $0x4000, $0x38;
	[tilespmem:$0x1EA00] =	vst v63  }
.LBB2_10:
0x1aa: {  	_ =	swait.ge [sflag:s18], $0x4000  }
0x1ab: {  	s24 =	sadd.s32 $0x800, s24;
	s26 =	sadd.s32 $0x800, s26;
	s28 =	smov.u32 s23  }
0x1ac: {  	p0 =	sne.s32 s23, $0x200;
	s23 =	sadd.s32 $0x80, s23;
	[sflag:s18] =	ssyncset.done $0x0  }
0x1ad: {  	[sflag:s18] =	ssyncadd.s32 $0xFFFFC000  }
0x1ae: {  	[hbm4b:s25+s6] =	stream.linear.scatter [tilespmem:s19], [sflag:$0x2], $0x4000, $0x38;
	[tilespmem:$0x1EA00] =	vst v63  }
0x1af: {  	s25 =	smov.u32 s24;
	_ =	swait.ge [sflag:s18], $0x4000  }
0x1b0: {  	s28 =	sadd.s32 s28, s9;
	[sflag:s18] =	ssyncset.done $0x0  }
0x1b1: {  	v4 =	vor.u32 s28, v1;
	s29 =	sadd.s32 $0x10, s28;
	s30 =	sadd.s32 $0x20, s28;
	[sflag:s18] =	ssyncadd.s32 $0xFFFFC000  }
0x1b2: {  	s31 =	sadd.s32 $0x70, s28;
	v5 =	vor.u32 s30, v1;
	s30 =	sadd.s32 $0x50, s28;
	[tilespmem:$0x180] =	vst v4;
	v4 =	vor.u32 s29, v1;
	s29 =	sadd.s32 $0x40, s28  }
0x1b3: {  	s2 =	sadd.s32 $0x30, s28;
	v7 =	vor.u32 s31, v1;
	v6 =	vor.u32 s30, v1;
	s28 =	sadd.s32 $0x60, s28;
	[tilespmem:$0x190] =	vst v4;
	v4 =	vor.u32 s29, v1  }
0x1b4: {  	v8 =	vor.u32 s2, v1;
	v9 =	vor.u32 s28, v1;
	[tilespmem:$0x1F0] =	vst v7  }
0x1b5: {  	[tilespmem:$0x1A0] =	vst v5  }
0x1b6: {  	[tilespmem:$0x1D0] =	vst v6  }
0x1b7: {  	[tilespmem:$0x1C0] =	vst v4  }
0x1b8: {  	[tilespmem:$0x1B0] =	vst v8  }
0x1b9: {  	[tilespmem:$0x1E0] =	vst v9  }
0x1ba: {  	[tilespmem:s17], [sflag:$0x2] =	stream.indirect.gather [spmem:s4], $0x80, s16, s15, $0xb8;
	[tilespmem:$0x1EA00] =	vst v63  }
0x1bb: {  	_ =	swait.ge [sflag:s18], $0x4000  }
0x1bc: {  	[sflag:s18] =	ssyncset.done $0x0  }
0x1bd: {  	[sflag:s18] =	ssyncadd.s32 $0xFFFFC000  }
0x1be: {  	[tilespmem:s19], [sflag:$0x2] =	stream.indirect.gather [spmem:s5], $0x10, s16, s15, $0xb8;
	[tilespmem:$0x1EA00] =	vst v63  }
.Ltmp4:
0x1bf: {  	_ = 	snop;
	(pc) =	sbr.rel @p0 .LBB2_10-.Ltmp4, $4  }
0x1c0: {  	_ =	swait.ge [sflag:s18], $0x800  }
0x1c1: {  	[sflag:s18] =	ssyncset.done $0x0  }
0x1c2: {  	[sflag:s18] =	ssyncadd.s32 $0xFFFFF800  }
0x1c3: {  	[hbm4b:s26+s6] =	stream.linear.scatter [tilespmem:s17], [sflag:$0x2], $0x4000, $0x38;
	[tilespmem:$0x1EA00] =	vst v63  }
0x1c4: {  	_ =	swait.ge [sflag:s18], $0x4000;
	s22 =	sadd.s32 $0x1, s22  }
0x1c5: {  	[sflag:s18] =	ssyncset.done $0x0;
	p0 =	sne.s32 s22, s12  }
.Ltmp5:
0x1c6: {  	[sflag:s18] =	ssyncadd.s32 $0xFFFFC000;
	(pc) =	sbr.rel @p0 .LBB2_1-.Ltmp5, $4  }
0x1c7: {  	[hbm4b:s25+s6] =	stream.linear.scatter [tilespmem:s19], [sflag:$0x2], $0x4000, $0x38;
	[tilespmem:$0x1EA00] =	vst v63  }
0x1c8: {  	_ =	swait.ge [sflag:s18], $0x4000  }
0x1c9: {  	[sflag:s18] =	ssyncset.done $0x0  }
0x1ca: {  	[sflag:s18] =	ssyncadd.s32 $0xFFFFC000  }
0x1cb: {  	_ =	sfence.sel $0x180000  }
0x1cc: {  	[bflag:$0x0] =	sbarrier.arrive $0xFFFF  }
0x1cd: {  	_ =	strace $0x90000047  }
0x1ce: {  	[bflag:$0x2] =	sbarrier.arrive $0xFFFF  }
0x1cf: {  	p0 =	sne.s32 s3, $0x0;
	s0 =	rddreg [dreg:$0x5]  }
0x1d0: {  	s0 =	sadd.s32 @!p0 $0x100000, s0  }
0x1d1: {  	[sflag:s0] =	ssyncadd.tile.s32 @!p0 $0x1;
	_ =	shalt  }
.Lfunc_end2:
_tile_overlayer_lowered:
.L_overlay_start_2:
0x1d2: {  	(tag) =	ssettag $0x2  }
0x1d3: {  	s0 =	rddreg [dreg:$0x0];
	s2 =	stileid.u32  }
0x1d4: {  	s1 =	rddreg [dreg:$0x1];
	p0 =	sne.s32 s2, $0x0  }
0x1d5: {  	s3 =	rddreg [dreg:$0x2];
	[bflag:$0x3] =	sbarrier.arrive $0xFFFF;
	s2 =	simm.s32 @!p0 $0x1C02  }
0x1d6: {  	[timem:s3], [sflag:s2] =	dma.local @!p0 [hbm:s0], s1  }
0x1d7: {  	s0 =	simm.s32 @!p0 $0x2  }
0x1d8: {  	_ =	swait.ge @!p0 [sflag:s0], s1  }
0x1d9: {  	s1 =	ssub.s32 @!p0 $0x0, s1;
	[sflag:s0] =	ssyncset.done @!p0 $0x0  }
0x1da: {  	[sflag:s0] =	ssyncadd.s32 @!p0 s1  }
0x1db: {  	[bflag:$0x3] =	sbarrier.arrive $0xFFFF  }
0x1dc: {  	_ =	shalt  }

</sc_bundles>
